<compile_context>
chip_gen: v7x
topology: tpu7x:2x2x1
jax: 0.10.2.dev20260603
libtpu: 0.0.44.dev20260713+nightly
codegen_flags: <defaults>
</compile_context>

<pallas_src>
import functools

import jax
import jax.numpy as jnp
from jax import lax
from jax.experimental import pallas as pl
from jax.experimental.pallas import tpu as pltpu
from jax.experimental.pallas import tpu_sc as plsc

N = 10000
E = 320000
H = 128
L = 4
N_EDGE_TYPES = 16

NC = 2
NS = 16
NW = NC * NS
CHUNK = 128
G = 80
EPW = G * CHUNK
E_PAD = NW * EPW
RPT = 632
N_ACC = NS * RPT
DUMMY = N



def _mp_body(h_hbm, table_hbm, src_hbm, type_hbm, dst_hbm, out_hbm,
             hbuf, ebuf, zbuf, sbuf, tbuf, dbuf, agg_sh, sem_h, sem_e):
    cid = lax.axis_index("c")
    sid = lax.axis_index("s")
    wid = sid * NC + cid

    zero16 = jnp.zeros((16,), jnp.float32)

    @pl.loop(0, 128)
    def _zrow(i):
        for j in range(8):
            zbuf[i, pl.ds(j * 16, 16)] = zero16

    base = sid * RPT
    for k in range(4):
        pltpu.sync_copy(zbuf, agg_sh.at[pl.ds(base + k * 128, 128)])
    pltpu.sync_copy(zbuf.at[pl.ds(0, RPT - 512)],
                    agg_sh.at[pl.ds(base + 512, RPT - 512)])
    plsc.subcore_barrier()

    ebase = wid * EPW

    @pl.loop(0, G)
    def _chunk(g):
        off = ebase + g * CHUNK
        pltpu.sync_copy(src_hbm.at[pl.ds(off, CHUNK)], sbuf)
        pltpu.sync_copy(type_hbm.at[pl.ds(off, CHUNK)], tbuf)
        pltpu.sync_copy(dst_hbm.at[pl.ds(off, CHUNK)], dbuf)
        cp_e = pltpu.async_copy(table_hbm.at[tbuf], ebuf, sem_e)
        cp_h = pltpu.async_copy(h_hbm.at[sbuf], hbuf, sem_h)
        cp_e.wait()
        cp_h.wait()

        @pl.loop(0, CHUNK)
        def _row(i):
            for j in range(8):
                s = pl.ds(j * 16, 16)
                hbuf[i, s] = jnp.maximum(hbuf[i, s] + ebuf[i, s], 0.0)

        pltpu.sync_copy(hbuf, agg_sh.at[dbuf], add=True)

    plsc.subcore_barrier()

    for k in range(4):
        r = pl.ds(base + k * 128, 128)
        pltpu.sync_copy(agg_sh.at[r], hbuf)
        pltpu.sync_copy(hbuf, out_hbm.at[cid, r])
    rtail = pl.ds(base + 512, RPT - 512)
    pltpu.sync_copy(agg_sh.at[rtail], hbuf.at[pl.ds(0, RPT - 512)])
    pltpu.sync_copy(hbuf.at[pl.ds(0, RPT - 512)], out_hbm.at[cid, rtail])


_mp = functools.partial(
    pl.kernel,
    out_type=jax.ShapeDtypeStruct((NC, N_ACC, H), jnp.float32),
    mesh=plsc.VectorSubcoreMesh(core_axis_name="c", subcore_axis_name="s"),
    scratch_types=[
        pltpu.VMEM((CHUNK, H), jnp.float32),
        pltpu.VMEM((CHUNK, H), jnp.float32),
        pltpu.VMEM((128, H), jnp.float32),
        pltpu.VMEM((CHUNK,), jnp.int32),
        pltpu.VMEM((CHUNK,), jnp.int32),
        pltpu.VMEM((CHUNK,), jnp.int32),
        pltpu.VMEM_SHARED((N_ACC, H), jnp.float32),
        pltpu.SemaphoreType.DMA,
        pltpu.SemaphoreType.DMA,
    ],
)(_mp_body)



BR = 1000
NB = N // BR


def _embed_body(x_ref, w1_ref, b1_ref, w2_ref, b2_ref, o_ref):
    z = jnp.maximum(
        jnp.dot(x_ref[...], w1_ref[...], preferred_element_type=jnp.float32)
        + b1_ref[...], 0.0)
    o_ref[...] = (
        jnp.dot(z, w2_ref[...], preferred_element_type=jnp.float32)
        + b2_ref[...])


def _embed(feat, w1, b1, w2, b2):
    full = pl.BlockSpec((H, H), lambda i: (0, 0))
    vec = pl.BlockSpec((1, H), lambda i: (0, 0))
    return pl.pallas_call(
        _embed_body,
        grid=(NB,),
        in_specs=[pl.BlockSpec((BR, H), lambda i: (i, 0)), full, vec, full, vec],
        out_specs=pl.BlockSpec((BR, H), lambda i: (i, 0)),
        out_shape=jax.ShapeDtypeStruct((N, H), jnp.float32),
    )(feat, w1, b1.reshape(1, H), w2, b2.reshape(1, H))


def _layer_body(h_ref, agg_ref, w1_ref, b1_ref, w2_ref, b2_ref, eps_ref, o_ref):
    eps = eps_ref[0, 0]
    hv = h_ref[...]
    z = (1.0 + eps) * hv + agg_ref[0] + agg_ref[1]
    z = jnp.maximum(
        jnp.dot(z, w1_ref[...], preferred_element_type=jnp.float32)
        + b1_ref[...], 0.0)
    z = jnp.dot(z, w2_ref[...], preferred_element_type=jnp.float32) + b2_ref[...]
    o_ref[...] = jnp.maximum(z, 0.0) + hv


def _layer(h, agg2, w1, b1, w2, b2, eps_l):
    full = pl.BlockSpec((H, H), lambda i: (0, 0))
    vec = pl.BlockSpec((1, H), lambda i: (0, 0))
    scal = pl.BlockSpec(memory_space=pltpu.SMEM)
    return pl.pallas_call(
        _layer_body,
        grid=(NB,),
        in_specs=[
            pl.BlockSpec((BR, H), lambda i: (i, 0)),
            pl.BlockSpec((NC, BR, H), lambda i: (0, i, 0)),
            full, vec, full, vec, scal,
        ],
        out_specs=pl.BlockSpec((BR, H), lambda i: (i, 0)),
        out_shape=jax.ShapeDtypeStruct((N, H), jnp.float32),
    )(h, agg2, w1, b1.reshape(1, H), w2, b2.reshape(1, H),
      eps_l.reshape(1, 1))


NF = 6 * H


def _final_body(f0, f1, f2, f3, f4, f5, o_ref, macc):
    p = pl.program_id(0)
    b = pl.program_id(1)
    cat = jnp.concatenate(
        [f0[...], f1[...], f2[...], f3[...], f4[...], f5[...]], axis=1)

    @pl.when(p == 0)
    def _():
        m = jnp.max(cat, axis=0, keepdims=True)
        m8 = jnp.broadcast_to(m, (8, NF))

        @pl.when(b == 0)
        def _():
            macc[...] = m8

        @pl.when(b > 0)
        def _():
            macc[...] = jnp.maximum(macc[...], m8)

    @pl.when(p == 1)
    def _():
        o_ref[:, :NF] = cat
        o_ref[:, NF:] = jnp.broadcast_to(macc[0:1, :], (BR, NF))


def _final(feats):
    blk = pl.BlockSpec((BR, H), lambda p, b: (b, 0))
    return pl.pallas_call(
        _final_body,
        grid=(2, NB),
        in_specs=[blk] * 6,
        out_specs=pl.BlockSpec((BR, 2 * NF), lambda p, b: (b, 0)),
        out_shape=jax.ShapeDtypeStruct((N, 2 * NF), jnp.float32),
        scratch_shapes=[pltpu.VMEM((8, NF), jnp.float32)],
    )(*feats)




def kernel(feat, edge_index, edge_type, W_e1, b_e1, W_e2, b_e2,
           edge_table, Wl1, bl1, Wl2, bl2, eps):
    pad = E_PAD - E
    src = jnp.concatenate([edge_index[0], jnp.zeros((pad,), jnp.int32)])
    dst = jnp.concatenate([edge_index[1], jnp.full((pad,), DUMMY, jnp.int32)])
    ety = jnp.concatenate([edge_type, jnp.zeros((pad,), jnp.int32)])

    h = _embed(feat, W_e1, b_e1, W_e2, b_e2)
    feats = [feat, h]
    for l in range(L):
        agg2 = _mp(h, edge_table, src, ety, dst)
        h = _layer(h, agg2, Wl1[l], bl1[l], Wl2[l], bl2[l], eps[l])
        feats.append(h)
    return _final(feats)

# --- scband reference (transcript-rebuilt; emitter-appended) ---
"""Pipeline reference for scband-jsspgnn-dgl-85160611545764 (READ-ONLY COPY).

The authoritative reference and input builder live on the scoring server;
editing this copy changes nothing except your own understanding.
"""

import jax, jax.numpy as jnp
import numpy as np

N = 10000
E = 320000
D_IN = 128
H = 128
L = 4
N_EDGE_TYPES = 16  # 5 + max_n_machines(10) + 1 for conflicts='clique'


def setup_inputs(seed: int = 0) -> dict:
    key = jax.random.key(seed)
    ks = jax.random.split(key, 12)
    feat = jax.random.normal(ks[0], (N, D_IN), dtype=jnp.float32)
    edge_index = jax.random.randint(ks[1], (2, E), 0, N, dtype=jnp.int32)
    edge_type = jax.random.randint(ks[2], (E,), 0, N_EDGE_TYPES, dtype=jnp.int32)
    s = 1.0 / np.sqrt(H)
    # embedder MLP (n_mlp_layers=2): D_IN -> H -> H
    W_e1 = jax.random.normal(ks[3], (D_IN, H), dtype=jnp.float32) * s
    b_e1 = jnp.zeros((H,), dtype=jnp.float32)
    W_e2 = jax.random.normal(ks[4], (H, H), dtype=jnp.float32) * s
    b_e2 = jnp.zeros((H,), dtype=jnp.float32)
    # shared edge-type embedding table
    edge_table = jax.random.normal(ks[5], (N_EDGE_TYPES, H), dtype=jnp.float32)
    # per-layer GINEConv MLPs (2 layers each) + learnable eps
    Wl1 = jax.random.normal(ks[6], (L, H, H), dtype=jnp.float32) * s
    bl1 = jnp.zeros((L, H), dtype=jnp.float32)
    Wl2 = jax.random.normal(ks[7], (L, H, H), dtype=jnp.float32) * s
    bl2 = jnp.zeros((L, H), dtype=jnp.float32)
    eps = jnp.zeros((L,), dtype=jnp.float32)
    return {"feat": feat, "edge_index": edge_index, "edge_type": edge_type,
            "W_e1": W_e1, "b_e1": b_e1, "W_e2": W_e2, "b_e2": b_e2,
            "edge_table": edge_table, "Wl1": Wl1, "bl1": bl1,
            "Wl2": Wl2, "bl2": bl2, "eps": eps}


def reference(feat, edge_index, edge_type, W_e1, b_e1, W_e2, b_e2,
              edge_table, Wl1, bl1, Wl2, bl2, eps):
    src = edge_index[0]
    dst = edge_index[1]
    features_list = [feat]
    # embedder MLP
    h = jax.nn.relu(jnp.dot(feat, W_e1) + b_e1)
    h = jnp.dot(h, W_e2) + b_e2
    features_list.append(h)
    for l in range(L):
        # GINEConv with learnable eps: relu(x_src + e) aggregated by dst
        e = edge_table[edge_type]                      # gather over edge types
        msg = jax.nn.relu(h[src] + e)                  # gather over src nodes
        agg = jax.ops.segment_sum(msg, dst, num_segments=feat.shape[0])  # scatter-add
        z = (1.0 + eps[l]) * h + agg
        z = jax.nn.relu(jnp.dot(z, Wl1[l]) + bl1[l])
        z = jnp.dot(z, Wl2[l]) + bl2[l]
        z = jax.nn.relu(z)                             # graph_has_relu
        h = z + h                                      # residual
        features_list.append(h)
    node_feats = jnp.concatenate(features_list, axis=-1)  # [N, D_IN + H*(L+1)]
    # graph max pooling, broadcast and concat -> features_dim = 2*(D_IN + H*(L+1))
    graph_emb = jnp.max(node_feats, axis=0, keepdims=True)
    out = jnp.concatenate([node_feats, jnp.broadcast_to(graph_emb, node_feats.shape)], axis=-1)
    return out

if __name__ == "__main__":
    import jax
    _d = setup_inputs()
    print(jax.jit(kernel)(*tuple(_d.values())))

</pallas_src>

<mosaic_0001>
#map = affine_map<(d0, d1) -> (0, 0)>
#map1 = affine_map<(d0, d1) -> (0)>
#map2 = affine_map<(d0, d1) -> (0, 0, 0)>
module attributes {stable_mosaic.version = 14 : i64} {
  func.func @_mp_body(%arg0: i32, %arg1: i32, %arg2: memref<10000x128xf32, #tpu.memory_space<hbm>>, %arg3: memref<16x128xf32, #tpu.memory_space<hbm>>, %arg4: memref<327680xi32, #tpu.memory_space<hbm>>, %arg5: memref<327680xi32, #tpu.memory_space<hbm>>, %arg6: memref<327680xi32, #tpu.memory_space<hbm>>, %arg7: memref<2x10112x128xf32, #tpu.memory_space<hbm>>, %arg8: memref<128x128xf32, #tpu.memory_space<vmem>>, %arg9: memref<128x128xf32, #tpu.memory_space<vmem>>, %arg10: memref<128x128xf32, #tpu.memory_space<vmem>>, %arg11: memref<128xi32, #tpu.memory_space<vmem>>, %arg12: memref<128xi32, #tpu.memory_space<vmem>>, %arg13: memref<128xi32, #tpu.memory_space<vmem>>, %arg14: memref<10112x128xf32, #tpu.memory_space<vmem_shared>>, %arg15: memref<!tpu.dma_semaphore, #tpu.memory_space<semaphore_mem>>, %arg16: memref<!tpu.dma_semaphore, #tpu.memory_space<semaphore_mem>>) attributes {dimension_semantics = [#tpu.dimension_semantics<core_parallel>, #tpu.dimension_semantics<subcore_parallel>], iteration_bounds = array<i64: 2, 16>, scalar_prefetch = 0 : i64, scratch_operands = 9 : i64, tpu.core_type = #tpu.core_type<sc_vector_subcore>, window_params = [{transform_indices = #map}, {transform_indices = #map}, {transform_indices = #map1}, {transform_indices = #map1}, {transform_indices = #map1}, {transform_indices = #map2}]} {
    %mul3A = arith.constant 2 : i32
    %mul3A_0 = arith.muli %arg1, %mul3A : i32
    %add3A = arith.addi %mul3A_0, %arg0 : i32
    %broadcast_in_dim3A = arith.constant 0.000000e+00 : f32
    %broadcast_in_dim3A_1 = vector.broadcast %broadcast_in_dim3A : f32 to vector<16xf32>
    %scan3A = arith.constant 0 : i32
    %scan3A_2 = arith.constant 128 : i32
    %scan3A_3 = arith.addi %scan3A, %scan3A_2 : i32
    %scan3A_4 = arith.constant 1 : i32
    scf.for %scan3A_36 = %scan3A to %scan3A_3 step %scan3A_4  : i32 {
      %mul3A_37 = arith.constant 1 : i32
      %mul3A_38 = arith.muli %scan3A_36, %mul3A_37 : i32
      %add3A_39 = arith.constant 0 : i32
      %add3A_40 = arith.addi %add3A_39, %mul3A_38 : i32
      %swap3A = arith.index_cast %add3A_40 : i32 to index
      %swap3A_41 = arith.constant 0 : index
      %swap3A_42 = tpu.vector_load %arg10[%swap3A, %swap3A_41] {strides = array<i32>} : memref<128x128xf32, #tpu.memory_space<vmem>>, vector<1x16xf32>,
      %swap3A_43 = vector.shape_cast %swap3A_42 : vector<1x16xf32> to vector<16xf32>
      %swap3A_44 = vector.shape_cast %broadcast_in_dim3A_1 : vector<16xf32> to vector<1x16xf32>
      tpu.vector_store %arg10[%swap3A, %swap3A_41], %swap3A_44 {strides = array<i32>} : memref<128x128xf32, #tpu.memory_space<vmem>>, vector<1x16xf32>,
      %swap3A_45 = arith.index_cast %add3A_40 : i32 to index
      %swap3A_46 = arith.constant 16 : index
      %swap3A_47 = tpu.vector_load %arg10[%swap3A_45, %swap3A_46] {strides = array<i32>} : memref<128x128xf32, #tpu.memory_space<vmem>>, vector<1x16xf32>,
      %swap3A_48 = vector.shape_cast %swap3A_47 : vector<1x16xf32> to vector<16xf32>
      %swap3A_49 = vector.shape_cast %broadcast_in_dim3A_1 : vector<16xf32> to vector<1x16xf32>
      tpu.vector_store %arg10[%swap3A_45, %swap3A_46], %swap3A_49 {strides = array<i32>} : memref<128x128xf32, #tpu.memory_space<vmem>>, vector<1x16xf32>,
      %swap3A_50 = arith.index_cast %add3A_40 : i32 to index
      %swap3A_51 = arith.constant 32 : index
      %swap3A_52 = tpu.vector_load %arg10[%swap3A_50, %swap3A_51] {strides = array<i32>} : memref<128x128xf32, #tpu.memory_space<vmem>>, vector<1x16xf32>,
      %swap3A_53 = vector.shape_cast %swap3A_52 : vector<1x16xf32> to vector<16xf32>
      %swap3A_54 = vector.shape_cast %broadcast_in_dim3A_1 : vector<16xf32> to vector<1x16xf32>
      tpu.vector_store %arg10[%swap3A_50, %swap3A_51], %swap3A_54 {strides = array<i32>} : memref<128x128xf32, #tpu.memory_space<vmem>>, vector<1x16xf32>,
      %swap3A_55 = arith.index_cast %add3A_40 : i32 to index
      %swap3A_56 = arith.constant 48 : index
      %swap3A_57 = tpu.vector_load %arg10[%swap3A_55, %swap3A_56] {strides = array<i32>} : memref<128x128xf32, #tpu.memory_space<vmem>>, vector<1x16xf32>,
      %swap3A_58 = vector.shape_cast %swap3A_57 : vector<1x16xf32> to vector<16xf32>
      %swap3A_59 = vector.shape_cast %broadcast_in_dim3A_1 : vector<16xf32> to vector<1x16xf32>
      tpu.vector_store %arg10[%swap3A_55, %swap3A_56], %swap3A_59 {strides = array<i32>} : memref<128x128xf32, #tpu.memory_space<vmem>>, vector<1x16xf32>,
      %swap3A_60 = arith.index_cast %add3A_40 : i32 to index
      %swap3A_61 = arith.constant 64 : index
      %swap3A_62 = tpu.vector_load %arg10[%swap3A_60, %swap3A_61] {strides = array<i32>} : memref<128x128xf32, #tpu.memory_space<vmem>>, vector<1x16xf32>,
      %swap3A_63 = vector.shape_cast %swap3A_62 : vector<1x16xf32> to vector<16xf32>
      %swap3A_64 = vector.shape_cast %broadcast_in_dim3A_1 : vector<16xf32> to vector<1x16xf32>
      tpu.vector_store %arg10[%swap3A_60, %swap3A_61], %swap3A_64 {strides = array<i32>} : memref<128x128xf32, #tpu.memory_space<vmem>>, vector<1x16xf32>,
      %swap3A_65 = arith.index_cast %add3A_40 : i32 to index
      %swap3A_66 = arith.constant 80 : index
      %swap3A_67 = tpu.vector_load %arg10[%swap3A_65, %swap3A_66] {strides = array<i32>} : memref<128x128xf32, #tpu.memory_space<vmem>>, vector<1x16xf32>,
      %swap3A_68 = vector.shape_cast %swap3A_67 : vector<1x16xf32> to vector<16xf32>
      %swap3A_69 = vector.shape_cast %broadcast_in_dim3A_1 : vector<16xf32> to vector<1x16xf32>
      tpu.vector_store %arg10[%swap3A_65, %swap3A_66], %swap3A_69 {strides = array<i32>} : memref<128x128xf32, #tpu.memory_space<vmem>>, vector<1x16xf32>,
      %swap3A_70 = arith.index_cast %add3A_40 : i32 to index
      %swap3A_71 = arith.constant 96 : index
      %swap3A_72 = tpu.vector_load %arg10[%swap3A_70, %swap3A_71] {strides = array<i32>} : memref<128x128xf32, #tpu.memory_space<vmem>>, vector<1x16xf32>,
      %swap3A_73 = vector.shape_cast %swap3A_72 : vector<1x16xf32> to vector<16xf32>
      %swap3A_74 = vector.shape_cast %broadcast_in_dim3A_1 : vector<16xf32> to vector<1x16xf32>
      tpu.vector_store %arg10[%swap3A_70, %swap3A_71], %swap3A_74 {strides = array<i32>} : memref<128x128xf32, #tpu.memory_space<vmem>>, vector<1x16xf32>,
      %swap3A_75 = arith.index_cast %add3A_40 : i32 to index
      %swap3A_76 = arith.constant 112 : index
      %swap3A_77 = tpu.vector_load %arg10[%swap3A_75, %swap3A_76] {strides = array<i32>} : memref<128x128xf32, #tpu.memory_space<vmem>>, vector<1x16xf32>,
      %swap3A_78 = vector.shape_cast %swap3A_77 : vector<1x16xf32> to vector<16xf32>
      %swap3A_79 = vector.shape_cast %broadcast_in_dim3A_1 : vector<16xf32> to vector<1x16xf32>
      tpu.vector_store %arg10[%swap3A_75, %swap3A_76], %swap3A_79 {strides = array<i32>} : memref<128x128xf32, #tpu.memory_space<vmem>>, vector<1x16xf32>,
    }
    %scan3A_5 = arith.constant 128 : i32
    %mul3A_6 = arith.constant 632 : i32
    %mul3A_7 = arith.muli %arg1, %mul3A_6 : i32
    %add3A_8 = arith.constant 0 : i32
    %add3A_9 = arith.addi %mul3A_7, %add3A_8 : i32
    "tpu.region"() ({
      %run_scoped3A = tpu.sem_alloc : memref<!tpu.dma_semaphore, #tpu.memory_space<semaphore_mem>>
      %dma_start3A = arith.constant 0 : i32
      %dma_start3A_36 = tpu.memref_slice %arg14[%add3A_9, %dma_start3A] : memref<10112x128xf32, #tpu.memory_space<vmem_shared>> -> memref<128x128xf32, #tpu.memory_space<vmem_shared>>
      %dma_start3A_37 = arith.constant 0 : i32
      %dma_start3A_38 = tpu.memref_slice %arg14[%add3A_9, %dma_start3A_37] : memref<10112x128xf32, #tpu.memory_space<vmem_shared>> -> memref<128x128xf32, #tpu.memory_space<vmem_shared>>
      tpu.enqueue_dma source(%arg10 : memref<128x128xf32, #tpu.memory_space<vmem>>) target(%dma_start3A_38 : memref<128x128xf32, #tpu.memory_space<vmem_shared>>) target_semaphore(%run_scoped3A : memref<!tpu.dma_semaphore, #tpu.memory_space<semaphore_mem>>)
      %dma_wait3A = arith.constant 0 : i32
      %dma_wait3A_39 = tpu.memref_slice %arg14[%add3A_9, %dma_wait3A] : memref<10112x128xf32, #tpu.memory_space<vmem_shared>> -> memref<128x128xf32, #tpu.memory_space<vmem_shared>>
      %dma_wait3A_40 = arith.constant 0 : i32
      %dma_wait3A_41 = tpu.memref_slice %arg14[%add3A_9, %dma_wait3A_40] : memref<10112x128xf32, #tpu.memory_space<vmem_shared>> -> memref<128x128xf32, #tpu.memory_space<vmem_shared>>
      tpu.wait_dma2 semaphore(%run_scoped3A : memref<!tpu.dma_semaphore, #tpu.memory_space<semaphore_mem>>) src(%arg10 : memref<128x128xf32, #tpu.memory_space<vmem>>) dst(%dma_wait3A_41 : memref<128x128xf32, #tpu.memory_space<vmem_shared>>)
      tpu.yield
    }) : () -> ()
    %add3A_10 = arith.constant 128 : i32
    %add3A_11 = arith.addi %mul3A_7, %add3A_10 : i32
    "tpu.region"() ({
      %run_scoped3A = tpu.sem_alloc : memref<!tpu.dma_semaphore, #tpu.memory_space<semaphore_mem>>
      %dma_start3A = arith.constant 0 : i32
      %dma_start3A_36 = tpu.memref_slice %arg14[%add3A_11, %dma_start3A] : memref<10112x128xf32, #tpu.memory_space<vmem_shared>> -> memref<128x128xf32, #tpu.memory_space<vmem_shared>>
      %dma_start3A_37 = arith.constant 0 : i32
      %dma_start3A_38 = tpu.memref_slice %arg14[%add3A_11, %dma_start3A_37] : memref<10112x128xf32, #tpu.memory_space<vmem_shared>> -> memref<128x128xf32, #tpu.memory_space<vmem_shared>>
      tpu.enqueue_dma source(%arg10 : memref<128x128xf32, #tpu.memory_space<vmem>>) target(%dma_start3A_38 : memref<128x128xf32, #tpu.memory_space<vmem_shared>>) target_semaphore(%run_scoped3A : memref<!tpu.dma_semaphore, #tpu.memory_space<semaphore_mem>>)
      %dma_wait3A = arith.constant 0 : i32
      %dma_wait3A_39 = tpu.memref_slice %arg14[%add3A_11, %dma_wait3A] : memref<10112x128xf32, #tpu.memory_space<vmem_shared>> -> memref<128x128xf32, #tpu.memory_space<vmem_shared>>
      %dma_wait3A_40 = arith.constant 0 : i32
      %dma_wait3A_41 = tpu.memref_slice %arg14[%add3A_11, %dma_wait3A_40] : memref<10112x128xf32, #tpu.memory_space<vmem_shared>> -> memref<128x128xf32, #tpu.memory_space<vmem_shared>>
      tpu.wait_dma2 semaphore(%run_scoped3A : memref<!tpu.dma_semaphore, #tpu.memory_space<semaphore_mem>>) src(%arg10 : memref<128x128xf32, #tpu.memory_space<vmem>>) dst(%dma_wait3A_41 : memref<128x128xf32, #tpu.memory_space<vmem_shared>>)
      tpu.yield
    }) : () -> ()
    %add3A_12 = arith.constant 256 : i32
    %add3A_13 = arith.addi %mul3A_7, %add3A_12 : i32
    "tpu.region"() ({
      %run_scoped3A = tpu.sem_alloc : memref<!tpu.dma_semaphore, #tpu.memory_space<semaphore_mem>>
      %dma_start3A = arith.constant 0 : i32
      %dma_start3A_36 = tpu.memref_slice %arg14[%add3A_13, %dma_start3A] : memref<10112x128xf32, #tpu.memory_space<vmem_shared>> -> memref<128x128xf32, #tpu.memory_space<vmem_shared>>
      %dma_start3A_37 = arith.constant 0 : i32
      %dma_start3A_38 = tpu.memref_slice %arg14[%add3A_13, %dma_start3A_37] : memref<10112x128xf32, #tpu.memory_space<vmem_shared>> -> memref<128x128xf32, #tpu.memory_space<vmem_shared>>
      tpu.enqueue_dma source(%arg10 : memref<128x128xf32, #tpu.memory_space<vmem>>) target(%dma_start3A_38 : memref<128x128xf32, #tpu.memory_space<vmem_shared>>) target_semaphore(%run_scoped3A : memref<!tpu.dma_semaphore, #tpu.memory_space<semaphore_mem>>)
      %dma_wait3A = arith.constant 0 : i32
      %dma_wait3A_39 = tpu.memref_slice %arg14[%add3A_13, %dma_wait3A] : memref<10112x128xf32, #tpu.memory_space<vmem_shared>> -> memref<128x128xf32, #tpu.memory_space<vmem_shared>>
      %dma_wait3A_40 = arith.constant 0 : i32
      %dma_wait3A_41 = tpu.memref_slice %arg14[%add3A_13, %dma_wait3A_40] : memref<10112x128xf32, #tpu.memory_space<vmem_shared>> -> memref<128x128xf32, #tpu.memory_space<vmem_shared>>
      tpu.wait_dma2 semaphore(%run_scoped3A : memref<!tpu.dma_semaphore, #tpu.memory_space<semaphore_mem>>) src(%arg10 : memref<128x128xf32, #tpu.memory_space<vmem>>) dst(%dma_wait3A_41 : memref<128x128xf32, #tpu.memory_space<vmem_shared>>)
      tpu.yield
    }) : () -> ()
    %add3A_14 = arith.constant 384 : i32
    %add3A_15 = arith.addi %mul3A_7, %add3A_14 : i32
    "tpu.region"() ({
      %run_scoped3A = tpu.sem_alloc : memref<!tpu.dma_semaphore, #tpu.memory_space<semaphore_mem>>
      %dma_start3A = arith.constant 0 : i32
      %dma_start3A_36 = tpu.memref_slice %arg14[%add3A_15, %dma_start3A] : memref<10112x128xf32, #tpu.memory_space<vmem_shared>> -> memref<128x128xf32, #tpu.memory_space<vmem_shared>>
      %dma_start3A_37 = arith.constant 0 : i32
      %dma_start3A_38 = tpu.memref_slice %arg14[%add3A_15, %dma_start3A_37] : memref<10112x128xf32, #tpu.memory_space<vmem_shared>> -> memref<128x128xf32, #tpu.memory_space<vmem_shared>>
      tpu.enqueue_dma source(%arg10 : memref<128x128xf32, #tpu.memory_space<vmem>>) target(%dma_start3A_38 : memref<128x128xf32, #tpu.memory_space<vmem_shared>>) target_semaphore(%run_scoped3A : memref<!tpu.dma_semaphore, #tpu.memory_space<semaphore_mem>>)
      %dma_wait3A = arith.constant 0 : i32
      %dma_wait3A_39 = tpu.memref_slice %arg14[%add3A_15, %dma_wait3A] : memref<10112x128xf32, #tpu.memory_space<vmem_shared>> -> memref<128x128xf32, #tpu.memory_space<vmem_shared>>
      %dma_wait3A_40 = arith.constant 0 : i32
      %dma_wait3A_41 = tpu.memref_slice %arg14[%add3A_15, %dma_wait3A_40] : memref<10112x128xf32, #tpu.memory_space<vmem_shared>> -> memref<128x128xf32, #tpu.memory_space<vmem_shared>>
      tpu.wait_dma2 semaphore(%run_scoped3A : memref<!tpu.dma_semaphore, #tpu.memory_space<semaphore_mem>>) src(%arg10 : memref<128x128xf32, #tpu.memory_space<vmem>>) dst(%dma_wait3A_41 : memref<128x128xf32, #tpu.memory_space<vmem_shared>>)
      tpu.yield
    }) : () -> ()
    %add3A_16 = arith.constant 512 : i32
    %add3A_17 = arith.addi %mul3A_7, %add3A_16 : i32
    "tpu.region"() ({
      %run_scoped3A = tpu.sem_alloc : memref<!tpu.dma_semaphore, #tpu.memory_space<semaphore_mem>>
      %dma_start3A = arith.constant 0 : i32
      %dma_start3A_36 = arith.constant 0 : i32
      %dma_start3A_37 = tpu.memref_slice %arg10[%dma_start3A, %dma_start3A_36] : memref<128x128xf32, #tpu.memory_space<vmem>> -> memref<120x128xf32, #tpu.memory_space<vmem>>
      %dma_start3A_38 = arith.constant 0 : i32
      %dma_start3A_39 = tpu.memref_slice %arg14[%add3A_17, %dma_start3A_38] : memref<10112x128xf32, #tpu.memory_space<vmem_shared>> -> memref<120x128xf32, #tpu.memory_space<vmem_shared>>
      %dma_start3A_40 = arith.constant 0 : i32
      %dma_start3A_41 = tpu.memref_slice %arg14[%add3A_17, %dma_start3A_40] : memref<10112x128xf32, #tpu.memory_space<vmem_shared>> -> memref<120x128xf32, #tpu.memory_space<vmem_shared>>
      %dma_start3A_42 = arith.constant 0 : i32
      %dma_start3A_43 = arith.constant 0 : i32
      %dma_start3A_44 = tpu.memref_slice %arg10[%dma_start3A_42, %dma_start3A_43] : memref<128x128xf32, #tpu.memory_space<vmem>> -> memref<120x128xf32, #tpu.memory_space<vmem>>
      tpu.enqueue_dma source(%dma_start3A_44 : memref<120x128xf32, #tpu.memory_space<vmem>>) target(%dma_start3A_41 : memref<120x128xf32, #tpu.memory_space<vmem_shared>>) target_semaphore(%run_scoped3A : memref<!tpu.dma_semaphore, #tpu.memory_space<semaphore_mem>>)
      %dma_wait3A = arith.constant 0 : i32
      %dma_wait3A_45 = arith.constant 0 : i32
      %dma_wait3A_46 = tpu.memref_slice %arg10[%dma_wait3A, %dma_wait3A_45] : memref<128x128xf32, #tpu.memory_space<vmem>> -> memref<120x128xf32, #tpu.memory_space<vmem>>
      %dma_wait3A_47 = arith.constant 0 : i32
      %dma_wait3A_48 = tpu.memref_slice %arg14[%add3A_17, %dma_wait3A_47] : memref<10112x128xf32, #tpu.memory_space<vmem_shared>> -> memref<120x128xf32, #tpu.memory_space<vmem_shared>>
      %dma_wait3A_49 = arith.constant 0 : i32
      %dma_wait3A_50 = tpu.memref_slice %arg14[%add3A_17, %dma_wait3A_49] : memref<10112x128xf32, #tpu.memory_space<vmem_shared>> -> memref<120x128xf32, #tpu.memory_space<vmem_shared>>
      %dma_wait3A_51 = arith.constant 0 : i32
      %dma_wait3A_52 = arith.constant 0 : i32
      %dma_wait3A_53 = tpu.memref_slice %arg10[%dma_wait3A_51, %dma_wait3A_52] : memref<128x128xf32, #tpu.memory_space<vmem>> -> memref<120x128xf32, #tpu.memory_space<vmem>>
      tpu.wait_dma2 semaphore(%run_scoped3A : memref<!tpu.dma_semaphore, #tpu.memory_space<semaphore_mem>>) src(%dma_wait3A_53 : memref<120x128xf32, #tpu.memory_space<vmem>>) dst(%dma_wait3A_50 : memref<120x128xf32, #tpu.memory_space<vmem_shared>>)
      tpu.yield
    }) : () -> ()
    %barrier3A = arith.constant 0 : index
    tpu.barrier barrier_id(%barrier3A)
    %mul3A_18 = arith.constant 10240 : i32
    %mul3A_19 = arith.muli %add3A, %mul3A_18 : i32
    %scan3A_20 = arith.constant 0 : i32
    %scan3A_21 = arith.constant 80 : i32
    %scan3A_22 = arith.addi %scan3A_20, %scan3A_21 : i32
    %scan3A_23 = arith.constant 1 : i32
    scf.for %scan3A_36 = %scan3A_20 to %scan3A_22 step %scan3A_23  : i32 {
      %mul3A_37 = arith.constant 1 : i32
      %mul3A_38 = arith.muli %scan3A_36, %mul3A_37 : i32
      %add3A_39 = arith.constant 0 : i32
      %add3A_40 = arith.addi %add3A_39, %mul3A_38 : i32
      %mul3A_41 = arith.constant 128 : i32
      %mul3A_42 = arith.muli %add3A_40, %mul3A_41 : i32
      %add3A_43 = arith.addi %mul3A_19, %mul3A_42 : i32
      "tpu.region"() ({
        %run_scoped3A = tpu.sem_alloc : memref<!tpu.dma_semaphore, #tpu.memory_space<semaphore_mem>>
        %dma_start3A_59 = tpu.memref_slice %arg4[%add3A_43] : memref<327680xi32, #tpu.memory_space<hbm>> -> memref<128xi32, #tpu.memory_space<hbm>>
        %dma_start3A_60 = tpu.memref_slice %arg4[%add3A_43] : memref<327680xi32, #tpu.memory_space<hbm>> -> memref<128xi32, #tpu.memory_space<hbm>>
        tpu.enqueue_dma source(%dma_start3A_60 : memref<128xi32, #tpu.memory_space<hbm>>) target(%arg11 : memref<128xi32, #tpu.memory_space<vmem>>) target_semaphore(%run_scoped3A : memref<!tpu.dma_semaphore, #tpu.memory_space<semaphore_mem>>)
        %dma_wait3A_61 = tpu.memref_slice %arg4[%add3A_43] : memref<327680xi32, #tpu.memory_space<hbm>> -> memref<128xi32, #tpu.memory_space<hbm>>
        %dma_wait3A_62 = tpu.memref_slice %arg4[%add3A_43] : memref<327680xi32, #tpu.memory_space<hbm>> -> memref<128xi32, #tpu.memory_space<hbm>>
        tpu.wait_dma2 semaphore(%run_scoped3A : memref<!tpu.dma_semaphore, #tpu.memory_space<semaphore_mem>>) src(%dma_wait3A_62 : memref<128xi32, #tpu.memory_space<hbm>>) dst(%arg11 : memref<128xi32, #tpu.memory_space<vmem>>)
        tpu.yield
      }) : () -> ()
      "tpu.region"() ({
        %run_scoped3A = tpu.sem_alloc : memref<!tpu.dma_semaphore, #tpu.memory_space<semaphore_mem>>
        %dma_start3A_59 = tpu.memref_slice %arg5[%add3A_43] : memref<327680xi32, #tpu.memory_space<hbm>> -> memref<128xi32, #tpu.memory_space<hbm>>
        %dma_start3A_60 = tpu.memref_slice %arg5[%add3A_43] : memref<327680xi32, #tpu.memory_space<hbm>> -> memref<128xi32, #tpu.memory_space<hbm>>
        tpu.enqueue_dma source(%dma_start3A_60 : memref<128xi32, #tpu.memory_space<hbm>>) target(%arg12 : memref<128xi32, #tpu.memory_space<vmem>>) target_semaphore(%run_scoped3A : memref<!tpu.dma_semaphore, #tpu.memory_space<semaphore_mem>>)
        %dma_wait3A_61 = tpu.memref_slice %arg5[%add3A_43] : memref<327680xi32, #tpu.memory_space<hbm>> -> memref<128xi32, #tpu.memory_space<hbm>>
        %dma_wait3A_62 = tpu.memref_slice %arg5[%add3A_43] : memref<327680xi32, #tpu.memory_space<hbm>> -> memref<128xi32, #tpu.memory_space<hbm>>
        tpu.wait_dma2 semaphore(%run_scoped3A : memref<!tpu.dma_semaphore, #tpu.memory_space<semaphore_mem>>) src(%dma_wait3A_62 : memref<128xi32, #tpu.memory_space<hbm>>) dst(%arg12 : memref<128xi32, #tpu.memory_space<vmem>>)
        tpu.yield
      }) : () -> ()
      "tpu.region"() ({
        %run_scoped3A = tpu.sem_alloc : memref<!tpu.dma_semaphore, #tpu.memory_space<semaphore_mem>>
        %dma_start3A_59 = tpu.memref_slice %arg6[%add3A_43] : memref<327680xi32, #tpu.memory_space<hbm>> -> memref<128xi32, #tpu.memory_space<hbm>>
        %dma_start3A_60 = tpu.memref_slice %arg6[%add3A_43] : memref<327680xi32, #tpu.memory_space<hbm>> -> memref<128xi32, #tpu.memory_space<hbm>>
        tpu.enqueue_dma source(%dma_start3A_60 : memref<128xi32, #tpu.memory_space<hbm>>) target(%arg13 : memref<128xi32, #tpu.memory_space<vmem>>) target_semaphore(%run_scoped3A : memref<!tpu.dma_semaphore, #tpu.memory_space<semaphore_mem>>)
        %dma_wait3A_61 = tpu.memref_slice %arg6[%add3A_43] : memref<327680xi32, #tpu.memory_space<hbm>> -> memref<128xi32, #tpu.memory_space<hbm>>
        %dma_wait3A_62 = tpu.memref_slice %arg6[%add3A_43] : memref<327680xi32, #tpu.memory_space<hbm>> -> memref<128xi32, #tpu.memory_space<hbm>>
        tpu.wait_dma2 semaphore(%run_scoped3A : memref<!tpu.dma_semaphore, #tpu.memory_space<semaphore_mem>>) src(%dma_wait3A_62 : memref<128xi32, #tpu.memory_space<hbm>>) dst(%arg13 : memref<128xi32, #tpu.memory_space<vmem>>)
        tpu.yield
      }) : () -> ()
      %dma_start3A = arith.constant 0 : i32
      %dma_start3A_44 = arith.constant 0 : i32
      %dma_start3A_45 = tpu.memref_slice %arg3[%dma_start3A, %dma_start3A_44] : memref<16x128xf32, #tpu.memory_space<hbm>> -> memref<16x128xf32, #tpu.memory_space<hbm>>
      tpu.enqueue_indirect_dma source(%dma_start3A_45 : memref<16x128xf32, #tpu.memory_space<hbm>>) target(%arg9 : memref<128x128xf32, #tpu.memory_space<vmem>>) offsets(%arg12 : memref<128xi32, #tpu.memory_space<vmem>>) semaphore(%arg16 : memref<!tpu.dma_semaphore, #tpu.memory_space<semaphore_mem>>)
      %dma_start3A_46 = arith.constant 0 : i32
      %dma_start3A_47 = arith.constant 0 : i32
      %dma_start3A_48 = tpu.memref_slice %arg2[%dma_start3A_46, %dma_start3A_47] : memref<10000x128xf32, #tpu.memory_space<hbm>> -> memref<10000x128xf32, #tpu.memory_space<hbm>>
      tpu.enqueue_indirect_dma source(%dma_start3A_48 : memref<10000x128xf32, #tpu.memory_space<hbm>>) target(%arg8 : memref<128x128xf32, #tpu.memory_space<vmem>>) offsets(%arg11 : memref<128xi32, #tpu.memory_space<vmem>>) semaphore(%arg15 : memref<!tpu.dma_semaphore, #tpu.memory_space<semaphore_mem>>)
      %dma_wait3A = arith.constant 0 : i32
      %dma_wait3A_49 = arith.constant 0 : i32
      %dma_wait3A_50 = tpu.memref_slice %arg3[%dma_wait3A, %dma_wait3A_49] : memref<16x128xf32, #tpu.memory_space<hbm>> -> memref<16x128xf32, #tpu.memory_space<hbm>>
      tpu.wait_indirect_dma semaphore(%arg16 : memref<!tpu.dma_semaphore, #tpu.memory_space<semaphore_mem>>) src(%dma_wait3A_50 : memref<16x128xf32, #tpu.memory_space<hbm>>) dst(%arg9 : memref<128x128xf32, #tpu.memory_space<vmem>>)
      %dma_wait3A_51 = arith.constant 0 : i32
      %dma_wait3A_52 = arith.constant 0 : i32
      %dma_wait3A_53 = tpu.memref_slice %arg2[%dma_wait3A_51, %dma_wait3A_52] : memref<10000x128xf32, #tpu.memory_space<hbm>> -> memref<10000x128xf32, #tpu.memory_space<hbm>>
      tpu.wait_indirect_dma semaphore(%arg15 : memref<!tpu.dma_semaphore, #tpu.memory_space<semaphore_mem>>) src(%dma_wait3A_53 : memref<10000x128xf32, #tpu.memory_space<hbm>>) dst(%arg8 : memref<128x128xf32, #tpu.memory_space<vmem>>)
      %scan3A_54 = arith.constant 0 : i32
      %scan3A_55 = arith.constant 128 : i32
      %scan3A_56 = arith.addi %scan3A_54, %scan3A_55 : i32
      %scan3A_57 = arith.constant 1 : i32
      scf.for %scan3A_59 = %scan3A_54 to %scan3A_56 step %scan3A_57  : i32 {
        %mul3A_60 = arith.constant 1 : i32
        %mul3A_61 = arith.muli %scan3A_59, %mul3A_60 : i32
        %add3A_62 = arith.constant 0 : i32
        %add3A_63 = arith.addi %add3A_62, %mul3A_61 : i32
        %get3A = arith.index_cast %add3A_63 : i32 to index
        %get3A_64 = arith.constant 0 : index
        %get3A_65 = tpu.vector_load %arg8[%get3A, %get3A_64] {strides = array<i32>} : memref<128x128xf32, #tpu.memory_space<vmem>>, vector<1x16xf32>,
        %get3A_66 = vector.shape_cast %get3A_65 : vector<1x16xf32> to vector<16xf32>
        %get3A_67 = arith.index_cast %add3A_63 : i32 to index
        %get3A_68 = arith.constant 0 : index
        %get3A_69 = tpu.vector_load %arg9[%get3A_67, %get3A_68] {strides = array<i32>} : memref<128x128xf32, #tpu.memory_space<vmem>>, vector<1x16xf32>,
        %get3A_70 = vector.shape_cast %get3A_69 : vector<1x16xf32> to vector<16xf32>
        %add3A_71 = arith.addf %get3A_66, %get3A_70 : vector<16xf32>
        %max3A = arith.constant 0.000000e+00 : f32
        %max3A_72 = vector.broadcast %max3A : f32 to vector<16xf32>
        %max3A_73 = arith.maximumf %add3A_71, %max3A_72 : vector<16xf32>
        %swap3A = arith.index_cast %add3A_63 : i32 to index
        %swap3A_74 = arith.constant 0 : index
        %swap3A_75 = tpu.vector_load %arg8[%swap3A, %swap3A_74] {strides = array<i32>} : memref<128x128xf32, #tpu.memory_space<vmem>>, vector<1x16xf32>,
        %swap3A_76 = vector.shape_cast %swap3A_75 : vector<1x16xf32> to vector<16xf32>
        %swap3A_77 = vector.shape_cast %max3A_73 : vector<16xf32> to vector<1x16xf32>
        tpu.vector_store %arg8[%swap3A, %swap3A_74], %swap3A_77 {strides = array<i32>} : memref<128x128xf32, #tpu.memory_space<vmem>>, vector<1x16xf32>,
        %get3A_78 = arith.index_cast %add3A_63 : i32 to index
        %get3A_79 = arith.constant 16 : index
        %get3A_80 = tpu.vector_load %arg8[%get3A_78, %get3A_79] {strides = array<i32>} : memref<128x128xf32, #tpu.memory_space<vmem>>, vector<1x16xf32>,
        %get3A_81 = vector.shape_cast %get3A_80 : vector<1x16xf32> to vector<16xf32>
        %get3A_82 = arith.index_cast %add3A_63 : i32 to index
        %get3A_83 = arith.constant 16 : index
        %get3A_84 = tpu.vector_load %arg9[%get3A_82, %get3A_83] {strides = array<i32>} : memref<128x128xf32, #tpu.memory_space<vmem>>, vector<1x16xf32>,
        %get3A_85 = vector.shape_cast %get3A_84 : vector<1x16xf32> to vector<16xf32>
        %add3A_86 = arith.addf %get3A_81, %get3A_85 : vector<16xf32>
        %max3A_87 = arith.constant 0.000000e+00 : f32
        %max3A_88 = vector.broadcast %max3A_87 : f32 to vector<16xf32>
        %max3A_89 = arith.maximumf %add3A_86, %max3A_88 : vector<16xf32>
        %swap3A_90 = arith.index_cast %add3A_63 : i32 to index
        %swap3A_91 = arith.constant 16 : index
        %swap3A_92 = tpu.vector_load %arg8[%swap3A_90, %swap3A_91] {strides = array<i32>} : memref<128x128xf32, #tpu.memory_space<vmem>>, vector<1x16xf32>,
        %swap3A_93 = vector.shape_cast %swap3A_92 : vector<1x16xf32> to vector<16xf32>
        %swap3A_94 = vector.shape_cast %max3A_89 : vector<16xf32> to vector<1x16xf32>
        tpu.vector_store %arg8[%swap3A_90, %swap3A_91], %swap3A_94 {strides = array<i32>} : memref<128x128xf32, #tpu.memory_space<vmem>>, vector<1x16xf32>,
        %get3A_95 = arith.index_cast %add3A_63 : i32 to index
        %get3A_96 = arith.constant 32 : index
        %get3A_97 = tpu.vector_load %arg8[%get3A_95, %get3A_96] {strides = array<i32>} : memref<128x128xf32, #tpu.memory_space<vmem>>, vector<1x16xf32>,
        %get3A_98 = vector.shape_cast %get3A_97 : vector<1x16xf32> to vector<16xf32>
        %get3A_99 = arith.index_cast %add3A_63 : i32 to index
        %get3A_100 = arith.constant 32 : index
        %get3A_101 = tpu.vector_load %arg9[%get3A_99, %get3A_100] {strides = array<i32>} : memref<128x128xf32, #tpu.memory_space<vmem>>, vector<1x16xf32>,
        %get3A_102 = vector.shape_cast %get3A_101 : vector<1x16xf32> to vector<16xf32>
        %add3A_103 = arith.addf %get3A_98, %get3A_102 : vector<16xf32>
        %max3A_104 = arith.constant 0.000000e+00 : f32
        %max3A_105 = vector.broadcast %max3A_104 : f32 to vector<16xf32>
        %max3A_106 = arith.maximumf %add3A_103, %max3A_105 : vector<16xf32>
        %swap3A_107 = arith.index_cast %add3A_63 : i32 to index
        %swap3A_108 = arith.constant 32 : index
        %swap3A_109 = tpu.vector_load %arg8[%swap3A_107, %swap3A_108] {strides = array<i32>} : memref<128x128xf32, #tpu.memory_space<vmem>>, vector<1x16xf32>,
        %swap3A_110 = vector.shape_cast %swap3A_109 : vector<1x16xf32> to vector<16xf32>
        %swap3A_111 = vector.shape_cast %max3A_106 : vector<16xf32> to vector<1x16xf32>
        tpu.vector_store %arg8[%swap3A_107, %swap3A_108], %swap3A_111 {strides = array<i32>} : memref<128x128xf32, #tpu.memory_space<vmem>>, vector<1x16xf32>,
        %get3A_112 = arith.index_cast %add3A_63 : i32 to index
        %get3A_113 = arith.constant 48 : index
        %get3A_114 = tpu.vector_load %arg8[%get3A_112, %get3A_113] {strides = array<i32>} : memref<128x128xf32, #tpu.memory_space<vmem>>, vector<1x16xf32>,
        %get3A_115 = vector.shape_cast %get3A_114 : vector<1x16xf32> to vector<16xf32>
        %get3A_116 = arith.index_cast %add3A_63 : i32 to index
        %get3A_117 = arith.constant 48 : index
        %get3A_118 = tpu.vector_load %arg9[%get3A_116, %get3A_117] {strides = array<i32>} : memref<128x128xf32, #tpu.memory_space<vmem>>, vector<1x16xf32>,
        %get3A_119 = vector.shape_cast %get3A_118 : vector<1x16xf32> to vector<16xf32>
        %add3A_120 = arith.addf %get3A_115, %get3A_119 : vector<16xf32>
        %max3A_121 = arith.constant 0.000000e+00 : f32
        %max3A_122 = vector.broadcast %max3A_121 : f32 to vector<16xf32>
        %max3A_123 = arith.maximumf %add3A_120, %max3A_122 : vector<16xf32>
        %swap3A_124 = arith.index_cast %add3A_63 : i32 to index
        %swap3A_125 = arith.constant 48 : index
        %swap3A_126 = tpu.vector_load %arg8[%swap3A_124, %swap3A_125] {strides = array<i32>} : memref<128x128xf32, #tpu.memory_space<vmem>>, vector<1x16xf32>,
        %swap3A_127 = vector.shape_cast %swap3A_126 : vector<1x16xf32> to vector<16xf32>
        %swap3A_128 = vector.shape_cast %max3A_123 : vector<16xf32> to vector<1x16xf32>
        tpu.vector_store %arg8[%swap3A_124, %swap3A_125], %swap3A_128 {strides = array<i32>} : memref<128x128xf32, #tpu.memory_space<vmem>>, vector<1x16xf32>,
        %get3A_129 = arith.index_cast %add3A_63 : i32 to index
        %get3A_130 = arith.constant 64 : index
        %get3A_131 = tpu.vector_load %arg8[%get3A_129, %get3A_130] {strides = array<i32>} : memref<128x128xf32, #tpu.memory_space<vmem>>, vector<1x16xf32>,
        %get3A_132 = vector.shape_cast %get3A_131 : vector<1x16xf32> to vector<16xf32>
        %get3A_133 = arith.index_cast %add3A_63 : i32 to index
        %get3A_134 = arith.constant 64 : index
        %get3A_135 = tpu.vector_load %arg9[%get3A_133, %get3A_134] {strides = array<i32>} : memref<128x128xf32, #tpu.memory_space<vmem>>, vector<1x16xf32>,
        %get3A_136 = vector.shape_cast %get3A_135 : vector<1x16xf32> to vector<16xf32>
        %add3A_137 = arith.addf %get3A_132, %get3A_136 : vector<16xf32>
        %max3A_138 = arith.constant 0.000000e+00 : f32
        %max3A_139 = vector.broadcast %max3A_138 : f32 to vector<16xf32>
        %max3A_140 = arith.maximumf %add3A_137, %max3A_139 : vector<16xf32>
        %swap3A_141 = arith.index_cast %add3A_63 : i32 to index
        %swap3A_142 = arith.constant 64 : index
        %swap3A_143 = tpu.vector_load %arg8[%swap3A_141, %swap3A_142] {strides = array<i32>} : memref<128x128xf32, #tpu.memory_space<vmem>>, vector<1x16xf32>,
        %swap3A_144 = vector.shape_cast %swap3A_143 : vector<1x16xf32> to vector<16xf32>
        %swap3A_145 = vector.shape_cast %max3A_140 : vector<16xf32> to vector<1x16xf32>
        tpu.vector_store %arg8[%swap3A_141, %swap3A_142], %swap3A_145 {strides = array<i32>} : memref<128x128xf32, #tpu.memory_space<vmem>>, vector<1x16xf32>,
        %get3A_146 = arith.index_cast %add3A_63 : i32 to index
        %get3A_147 = arith.constant 80 : index
        %get3A_148 = tpu.vector_load %arg8[%get3A_146, %get3A_147] {strides = array<i32>} : memref<128x128xf32, #tpu.memory_space<vmem>>, vector<1x16xf32>,
        %get3A_149 = vector.shape_cast %get3A_148 : vector<1x16xf32> to vector<16xf32>
        %get3A_150 = arith.index_cast %add3A_63 : i32 to index
        %get3A_151 = arith.constant 80 : index
        %get3A_152 = tpu.vector_load %arg9[%get3A_150, %get3A_151] {strides = array<i32>} : memref<128x128xf32, #tpu.memory_space<vmem>>, vector<1x16xf32>,
        %get3A_153 = vector.shape_cast %get3A_152 : vector<1x16xf32> to vector<16xf32>
        %add3A_154 = arith.addf %get3A_149, %get3A_153 : vector<16xf32>
        %max3A_155 = arith.constant 0.000000e+00 : f32
        %max3A_156 = vector.broadcast %max3A_155 : f32 to vector<16xf32>
        %max3A_157 = arith.maximumf %add3A_154, %max3A_156 : vector<16xf32>
        %swap3A_158 = arith.index_cast %add3A_63 : i32 to index
        %swap3A_159 = arith.constant 80 : index
        %swap3A_160 = tpu.vector_load %arg8[%swap3A_158, %swap3A_159] {strides = array<i32>} : memref<128x128xf32, #tpu.memory_space<vmem>>, vector<1x16xf32>,
        %swap3A_161 = vector.shape_cast %swap3A_160 : vector<1x16xf32> to vector<16xf32>
        %swap3A_162 = vector.shape_cast %max3A_157 : vector<16xf32> to vector<1x16xf32>
        tpu.vector_store %arg8[%swap3A_158, %swap3A_159], %swap3A_162 {strides = array<i32>} : memref<128x128xf32, #tpu.memory_space<vmem>>, vector<1x16xf32>,
        %get3A_163 = arith.index_cast %add3A_63 : i32 to index
        %get3A_164 = arith.constant 96 : index
        %get3A_165 = tpu.vector_load %arg8[%get3A_163, %get3A_164] {strides = array<i32>} : memref<128x128xf32, #tpu.memory_space<vmem>>, vector<1x16xf32>,
        %get3A_166 = vector.shape_cast %get3A_165 : vector<1x16xf32> to vector<16xf32>
        %get3A_167 = arith.index_cast %add3A_63 : i32 to index
        %get3A_168 = arith.constant 96 : index
        %get3A_169 = tpu.vector_load %arg9[%get3A_167, %get3A_168] {strides = array<i32>} : memref<128x128xf32, #tpu.memory_space<vmem>>, vector<1x16xf32>,
        %get3A_170 = vector.shape_cast %get3A_169 : vector<1x16xf32> to vector<16xf32>
        %add3A_171 = arith.addf %get3A_166, %get3A_170 : vector<16xf32>
        %max3A_172 = arith.constant 0.000000e+00 : f32
        %max3A_173 = vector.broadcast %max3A_172 : f32 to vector<16xf32>
        %max3A_174 = arith.maximumf %add3A_171, %max3A_173 : vector<16xf32>
        %swap3A_175 = arith.index_cast %add3A_63 : i32 to index
        %swap3A_176 = arith.constant 96 : index
        %swap3A_177 = tpu.vector_load %arg8[%swap3A_175, %swap3A_176] {strides = array<i32>} : memref<128x128xf32, #tpu.memory_space<vmem>>, vector<1x16xf32>,
        %swap3A_178 = vector.shape_cast %swap3A_177 : vector<1x16xf32> to vector<16xf32>
        %swap3A_179 = vector.shape_cast %max3A_174 : vector<16xf32> to vector<1x16xf32>
        tpu.vector_store %arg8[%swap3A_175, %swap3A_176], %swap3A_179 {strides = array<i32>} : memref<128x128xf32, #tpu.memory_space<vmem>>, vector<1x16xf32>,
        %get3A_180 = arith.index_cast %add3A_63 : i32 to index
        %get3A_181 = arith.constant 112 : index
        %get3A_182 = tpu.vector_load %arg8[%get3A_180, %get3A_181] {strides = array<i32>} : memref<128x128xf32, #tpu.memory_space<vmem>>, vector<1x16xf32>,
        %get3A_183 = vector.shape_cast %get3A_182 : vector<1x16xf32> to vector<16xf32>
        %get3A_184 = arith.index_cast %add3A_63 : i32 to index
        %get3A_185 = arith.constant 112 : index
        %get3A_186 = tpu.vector_load %arg9[%get3A_184, %get3A_185] {strides = array<i32>} : memref<128x128xf32, #tpu.memory_space<vmem>>, vector<1x16xf32>,
        %get3A_187 = vector.shape_cast %get3A_186 : vector<1x16xf32> to vector<16xf32>
        %add3A_188 = arith.addf %get3A_183, %get3A_187 : vector<16xf32>
        %max3A_189 = arith.constant 0.000000e+00 : f32
        %max3A_190 = vector.broadcast %max3A_189 : f32 to vector<16xf32>
        %max3A_191 = arith.maximumf %add3A_188, %max3A_190 : vector<16xf32>
        %swap3A_192 = arith.index_cast %add3A_63 : i32 to index
        %swap3A_193 = arith.constant 112 : index
        %swap3A_194 = tpu.vector_load %arg8[%swap3A_192, %swap3A_193] {strides = array<i32>} : memref<128x128xf32, #tpu.memory_space<vmem>>, vector<1x16xf32>,
        %swap3A_195 = vector.shape_cast %swap3A_194 : vector<1x16xf32> to vector<16xf32>
        %swap3A_196 = vector.shape_cast %max3A_191 : vector<16xf32> to vector<1x16xf32>
        tpu.vector_store %arg8[%swap3A_192, %swap3A_193], %swap3A_196 {strides = array<i32>} : memref<128x128xf32, #tpu.memory_space<vmem>>, vector<1x16xf32>,
      }
      %scan3A_58 = arith.constant 128 : i32
      "tpu.region"() ({
        %run_scoped3A = tpu.sem_alloc : memref<!tpu.dma_semaphore, #tpu.memory_space<semaphore_mem>>
        %dma_start3A_59 = arith.constant 0 : i32
        %dma_start3A_60 = arith.constant 0 : i32
        %dma_start3A_61 = tpu.memref_slice %arg14[%dma_start3A_59, %dma_start3A_60] : memref<10112x128xf32, #tpu.memory_space<vmem_shared>> -> memref<10112x128xf32, #tpu.memory_space<vmem_shared>>
        tpu.enqueue_indirect_dma source(%arg8 : memref<128x128xf32, #tpu.memory_space<vmem>>) target(%dma_start3A_61 : memref<10112x128xf32, #tpu.memory_space<vmem_shared>>) offsets(%arg13 : memref<128xi32, #tpu.memory_space<vmem>>) semaphore(%run_scoped3A : memref<!tpu.dma_semaphore, #tpu.memory_space<semaphore_mem>>) {add = true}
        %dma_wait3A_62 = arith.constant 0 : i32
        %dma_wait3A_63 = arith.constant 0 : i32
        %dma_wait3A_64 = tpu.memref_slice %arg14[%dma_wait3A_62, %dma_wait3A_63] : memref<10112x128xf32, #tpu.memory_space<vmem_shared>> -> memref<10112x128xf32, #tpu.memory_space<vmem_shared>>
        tpu.wait_indirect_dma semaphore(%run_scoped3A : memref<!tpu.dma_semaphore, #tpu.memory_space<semaphore_mem>>) src(%arg8 : memref<128x128xf32, #tpu.memory_space<vmem>>) dst(%dma_wait3A_64 : memref<10112x128xf32, #tpu.memory_space<vmem_shared>>)
        tpu.yield
      }) : () -> ()
    }
    %scan3A_24 = arith.constant 80 : i32
    %barrier3A_25 = arith.constant 0 : index
    tpu.barrier barrier_id(%barrier3A_25)
    %add3A_26 = arith.constant 0 : i32
    %add3A_27 = arith.addi %mul3A_7, %add3A_26 : i32
    "tpu.region"() ({
      %run_scoped3A = tpu.sem_alloc : memref<!tpu.dma_semaphore, #tpu.memory_space<semaphore_mem>>
      %dma_start3A = arith.constant 0 : i32
      %dma_start3A_36 = tpu.memref_slice %arg14[%add3A_27, %dma_start3A] : memref<10112x128xf32, #tpu.memory_space<vmem_shared>> -> memref<128x128xf32, #tpu.memory_space<vmem_shared>>
      %dma_start3A_37 = arith.constant 0 : i32
      %dma_start3A_38 = tpu.memref_slice %arg14[%add3A_27, %dma_start3A_37] : memref<10112x128xf32, #tpu.memory_space<vmem_shared>> -> memref<128x128xf32, #tpu.memory_space<vmem_shared>>
      tpu.enqueue_dma source(%dma_start3A_38 : memref<128x128xf32, #tpu.memory_space<vmem_shared>>) target(%arg8 : memref<128x128xf32, #tpu.memory_space<vmem>>) target_semaphore(%run_scoped3A : memref<!tpu.dma_semaphore, #tpu.memory_space<semaphore_mem>>)
      %dma_wait3A = arith.constant 0 : i32
      %dma_wait3A_39 = tpu.memref_slice %arg14[%add3A_27, %dma_wait3A] : memref<10112x128xf32, #tpu.memory_space<vmem_shared>> -> memref<128x128xf32, #tpu.memory_space<vmem_shared>>
      %dma_wait3A_40 = arith.constant 0 : i32
      %dma_wait3A_41 = tpu.memref_slice %arg14[%add3A_27, %dma_wait3A_40] : memref<10112x128xf32, #tpu.memory_space<vmem_shared>> -> memref<128x128xf32, #tpu.memory_space<vmem_shared>>
      tpu.wait_dma2 semaphore(%run_scoped3A : memref<!tpu.dma_semaphore, #tpu.memory_space<semaphore_mem>>) src(%dma_wait3A_41 : memref<128x128xf32, #tpu.memory_space<vmem_shared>>) dst(%arg8 : memref<128x128xf32, #tpu.memory_space<vmem>>)
      tpu.yield
    }) : () -> ()
    "tpu.region"() ({
      %run_scoped3A = tpu.sem_alloc : memref<!tpu.dma_semaphore, #tpu.memory_space<semaphore_mem>>
      %dma_start3A = arith.constant 0 : i32
      %dma_start3A_36 = tpu.memref_slice %arg7[%arg0, %add3A_27, %dma_start3A] : memref<2x10112x128xf32, #tpu.memory_space<hbm>> -> memref<1x128x128xf32, #tpu.memory_space<hbm>>
      %dma_start3A_37 = tpu.memref_squeeze %dma_start3A_36 : memref<1x128x128xf32, #tpu.memory_space<hbm>> -> memref<128x128xf32, #tpu.memory_space<hbm>>
      %dma_start3A_38 = arith.constant 0 : i32
      %dma_start3A_39 = tpu.memref_slice %arg7[%arg0, %add3A_27, %dma_start3A_38] : memref<2x10112x128xf32, #tpu.memory_space<hbm>> -> memref<1x128x128xf32, #tpu.memory_space<hbm>>
      %dma_start3A_40 = tpu.memref_squeeze %dma_start3A_39 : memref<1x128x128xf32, #tpu.memory_space<hbm>> -> memref<128x128xf32, #tpu.memory_space<hbm>>
      tpu.enqueue_dma source(%arg8 : memref<128x128xf32, #tpu.memory_space<vmem>>) target(%dma_start3A_40 : memref<128x128xf32, #tpu.memory_space<hbm>>) target_semaphore(%run_scoped3A : memref<!tpu.dma_semaphore, #tpu.memory_space<semaphore_mem>>)
      %dma_wait3A = arith.constant 0 : i32
      %dma_wait3A_41 = tpu.memref_slice %arg7[%arg0, %add3A_27, %dma_wait3A] : memref<2x10112x128xf32, #tpu.memory_space<hbm>> -> memref<1x128x128xf32, #tpu.memory_space<hbm>>
      %dma_wait3A_42 = tpu.memref_squeeze %dma_wait3A_41 : memref<1x128x128xf32, #tpu.memory_space<hbm>> -> memref<128x128xf32, #tpu.memory_space<hbm>>
      %dma_wait3A_43 = arith.constant 0 : i32
      %dma_wait3A_44 = tpu.memref_slice %arg7[%arg0, %add3A_27, %dma_wait3A_43] : memref<2x10112x128xf32, #tpu.memory_space<hbm>> -> memref<1x128x128xf32, #tpu.memory_space<hbm>>
      %dma_wait3A_45 = tpu.memref_squeeze %dma_wait3A_44 : memref<1x128x128xf32, #tpu.memory_space<hbm>> -> memref<128x128xf32, #tpu.memory_space<hbm>>
      tpu.wait_dma2 semaphore(%run_scoped3A : memref<!tpu.dma_semaphore, #tpu.memory_space<semaphore_mem>>) src(%arg8 : memref<128x128xf32, #tpu.memory_space<vmem>>) dst(%dma_wait3A_45 : memref<128x128xf32, #tpu.memory_space<hbm>>)
      tpu.yield
    }) : () -> ()
    %add3A_28 = arith.constant 128 : i32
    %add3A_29 = arith.addi %mul3A_7, %add3A_28 : i32
    "tpu.region"() ({
      %run_scoped3A = tpu.sem_alloc : memref<!tpu.dma_semaphore, #tpu.memory_space<semaphore_mem>>
      %dma_start3A = arith.constant 0 : i32
      %dma_start3A_36 = tpu.memref_slice %arg14[%add3A_29, %dma_start3A] : memref<10112x128xf32, #tpu.memory_space<vmem_shared>> -> memref<128x128xf32, #tpu.memory_space<vmem_shared>>
      %dma_start3A_37 = arith.constant 0 : i32
      %dma_start3A_38 = tpu.memref_slice %arg14[%add3A_29, %dma_start3A_37] : memref<10112x128xf32, #tpu.memory_space<vmem_shared>> -> memref<128x128xf32, #tpu.memory_space<vmem_shared>>
      tpu.enqueue_dma source(%dma_start3A_38 : memref<128x128xf32, #tpu.memory_space<vmem_shared>>) target(%arg8 : memref<128x128xf32, #tpu.memory_space<vmem>>) target_semaphore(%run_scoped3A : memref<!tpu.dma_semaphore, #tpu.memory_space<semaphore_mem>>)
      %dma_wait3A = arith.constant 0 : i32
      %dma_wait3A_39 = tpu.memref_slice %arg14[%add3A_29, %dma_wait3A] : memref<10112x128xf32, #tpu.memory_space<vmem_shared>> -> memref<128x128xf32, #tpu.memory_space<vmem_shared>>
      %dma_wait3A_40 = arith.constant 0 : i32
      %dma_wait3A_41 = tpu.memref_slice %arg14[%add3A_29, %dma_wait3A_40] : memref<10112x128xf32, #tpu.memory_space<vmem_shared>> -> memref<128x128xf32, #tpu.memory_space<vmem_shared>>
      tpu.wait_dma2 semaphore(%run_scoped3A : memref<!tpu.dma_semaphore, #tpu.memory_space<semaphore_mem>>) src(%dma_wait3A_41 : memref<128x128xf32, #tpu.memory_space<vmem_shared>>) dst(%arg8 : memref<128x128xf32, #tpu.memory_space<vmem>>)
      tpu.yield
    }) : () -> ()
    "tpu.region"() ({
      %run_scoped3A = tpu.sem_alloc : memref<!tpu.dma_semaphore, #tpu.memory_space<semaphore_mem>>
      %dma_start3A = arith.constant 0 : i32
      %dma_start3A_36 = tpu.memref_slice %arg7[%arg0, %add3A_29, %dma_start3A] : memref<2x10112x128xf32, #tpu.memory_space<hbm>> -> memref<1x128x128xf32, #tpu.memory_space<hbm>>
      %dma_start3A_37 = tpu.memref_squeeze %dma_start3A_36 : memref<1x128x128xf32, #tpu.memory_space<hbm>> -> memref<128x128xf32, #tpu.memory_space<hbm>>
      %dma_start3A_38 = arith.constant 0 : i32
      %dma_start3A_39 = tpu.memref_slice %arg7[%arg0, %add3A_29, %dma_start3A_38] : memref<2x10112x128xf32, #tpu.memory_space<hbm>> -> memref<1x128x128xf32, #tpu.memory_space<hbm>>
      %dma_start3A_40 = tpu.memref_squeeze %dma_start3A_39 : memref<1x128x128xf32, #tpu.memory_space<hbm>> -> memref<128x128xf32, #tpu.memory_space<hbm>>
      tpu.enqueue_dma source(%arg8 : memref<128x128xf32, #tpu.memory_space<vmem>>) target(%dma_start3A_40 : memref<128x128xf32, #tpu.memory_space<hbm>>) target_semaphore(%run_scoped3A : memref<!tpu.dma_semaphore, #tpu.memory_space<semaphore_mem>>)
      %dma_wait3A = arith.constant 0 : i32
      %dma_wait3A_41 = tpu.memref_slice %arg7[%arg0, %add3A_29, %dma_wait3A] : memref<2x10112x128xf32, #tpu.memory_space<hbm>> -> memref<1x128x128xf32, #tpu.memory_space<hbm>>
      %dma_wait3A_42 = tpu.memref_squeeze %dma_wait3A_41 : memref<1x128x128xf32, #tpu.memory_space<hbm>> -> memref<128x128xf32, #tpu.memory_space<hbm>>
      %dma_wait3A_43 = arith.constant 0 : i32
      %dma_wait3A_44 = tpu.memref_slice %arg7[%arg0, %add3A_29, %dma_wait3A_43] : memref<2x10112x128xf32, #tpu.memory_space<hbm>> -> memref<1x128x128xf32, #tpu.memory_space<hbm>>
      %dma_wait3A_45 = tpu.memref_squeeze %dma_wait3A_44 : memref<1x128x128xf32, #tpu.memory_space<hbm>> -> memref<128x128xf32, #tpu.memory_space<hbm>>
      tpu.wait_dma2 semaphore(%run_scoped3A : memref<!tpu.dma_semaphore, #tpu.memory_space<semaphore_mem>>) src(%arg8 : memref<128x128xf32, #tpu.memory_space<vmem>>) dst(%dma_wait3A_45 : memref<128x128xf32, #tpu.memory_space<hbm>>)
      tpu.yield
    }) : () -> ()
    %add3A_30 = arith.constant 256 : i32
    %add3A_31 = arith.addi %mul3A_7, %add3A_30 : i32
    "tpu.region"() ({
      %run_scoped3A = tpu.sem_alloc : memref<!tpu.dma_semaphore, #tpu.memory_space<semaphore_mem>>
      %dma_start3A = arith.constant 0 : i32
      %dma_start3A_36 = tpu.memref_slice %arg14[%add3A_31, %dma_start3A] : memref<10112x128xf32, #tpu.memory_space<vmem_shared>> -> memref<128x128xf32, #tpu.memory_space<vmem_shared>>
      %dma_start3A_37 = arith.constant 0 : i32
      %dma_start3A_38 = tpu.memref_slice %arg14[%add3A_31, %dma_start3A_37] : memref<10112x128xf32, #tpu.memory_space<vmem_shared>> -> memref<128x128xf32, #tpu.memory_space<vmem_shared>>
      tpu.enqueue_dma source(%dma_start3A_38 : memref<128x128xf32, #tpu.memory_space<vmem_shared>>) target(%arg8 : memref<128x128xf32, #tpu.memory_space<vmem>>) target_semaphore(%run_scoped3A : memref<!tpu.dma_semaphore, #tpu.memory_space<semaphore_mem>>)
      %dma_wait3A = arith.constant 0 : i32
      %dma_wait3A_39 = tpu.memref_slice %arg14[%add3A_31, %dma_wait3A] : memref<10112x128xf32, #tpu.memory_space<vmem_shared>> -> memref<128x128xf32, #tpu.memory_space<vmem_shared>>
      %dma_wait3A_40 = arith.constant 0 : i32
      %dma_wait3A_41 = tpu.memref_slice %arg14[%add3A_31, %dma_wait3A_40] : memref<10112x128xf32, #tpu.memory_space<vmem_shared>> -> memref<128x128xf32, #tpu.memory_space<vmem_shared>>
      tpu.wait_dma2 semaphore(%run_scoped3A : memref<!tpu.dma_semaphore, #tpu.memory_space<semaphore_mem>>) src(%dma_wait3A_41 : memref<128x128xf32, #tpu.memory_space<vmem_shared>>) dst(%arg8 : memref<128x128xf32, #tpu.memory_space<vmem>>)
      tpu.yield
    }) : () -> ()
    "tpu.region"() ({
      %run_scoped3A = tpu.sem_alloc : memref<!tpu.dma_semaphore, #tpu.memory_space<semaphore_mem>>
      %dma_start3A = arith.constant 0 : i32
      %dma_start3A_36 = tpu.memref_slice %arg7[%arg0, %add3A_31, %dma_start3A] : memref<2x10112x128xf32, #tpu.memory_space<hbm>> -> memref<1x128x128xf32, #tpu.memory_space<hbm>>
      %dma_start3A_37 = tpu.memref_squeeze %dma_start3A_36 : memref<1x128x128xf32, #tpu.memory_space<hbm>> -> memref<128x128xf32, #tpu.memory_space<hbm>>
      %dma_start3A_38 = arith.constant 0 : i32
      %dma_start3A_39 = tpu.memref_slice %arg7[%arg0, %add3A_31, %dma_start3A_38] : memref<2x10112x128xf32, #tpu.memory_space<hbm>> -> memref<1x128x128xf32, #tpu.memory_space<hbm>>
      %dma_start3A_40 = tpu.memref_squeeze %dma_start3A_39 : memref<1x128x128xf32, #tpu.memory_space<hbm>> -> memref<128x128xf32, #tpu.memory_space<hbm>>
      tpu.enqueue_dma source(%arg8 : memref<128x128xf32, #tpu.memory_space<vmem>>) target(%dma_start3A_40 : memref<128x128xf32, #tpu.memory_space<hbm>>) target_semaphore(%run_scoped3A : memref<!tpu.dma_semaphore, #tpu.memory_space<semaphore_mem>>)
      %dma_wait3A = arith.constant 0 : i32
      %dma_wait3A_41 = tpu.memref_slice %arg7[%arg0, %add3A_31, %dma_wait3A] : memref<2x10112x128xf32, #tpu.memory_space<hbm>> -> memref<1x128x128xf32, #tpu.memory_space<hbm>>
      %dma_wait3A_42 = tpu.memref_squeeze %dma_wait3A_41 : memref<1x128x128xf32, #tpu.memory_space<hbm>> -> memref<128x128xf32, #tpu.memory_space<hbm>>
      %dma_wait3A_43 = arith.constant 0 : i32
      %dma_wait3A_44 = tpu.memref_slice %arg7[%arg0, %add3A_31, %dma_wait3A_43] : memref<2x10112x128xf32, #tpu.memory_space<hbm>> -> memref<1x128x128xf32, #tpu.memory_space<hbm>>
      %dma_wait3A_45 = tpu.memref_squeeze %dma_wait3A_44 : memref<1x128x128xf32, #tpu.memory_space<hbm>> -> memref<128x128xf32, #tpu.memory_space<hbm>>
      tpu.wait_dma2 semaphore(%run_scoped3A : memref<!tpu.dma_semaphore, #tpu.memory_space<semaphore_mem>>) src(%arg8 : memref<128x128xf32, #tpu.memory_space<vmem>>) dst(%dma_wait3A_45 : memref<128x128xf32, #tpu.memory_space<hbm>>)
      tpu.yield
    }) : () -> ()
    %add3A_32 = arith.constant 384 : i32
    %add3A_33 = arith.addi %mul3A_7, %add3A_32 : i32
    "tpu.region"() ({
      %run_scoped3A = tpu.sem_alloc : memref<!tpu.dma_semaphore, #tpu.memory_space<semaphore_mem>>
      %dma_start3A = arith.constant 0 : i32
      %dma_start3A_36 = tpu.memref_slice %arg14[%add3A_33, %dma_start3A] : memref<10112x128xf32, #tpu.memory_space<vmem_shared>> -> memref<128x128xf32, #tpu.memory_space<vmem_shared>>
      %dma_start3A_37 = arith.constant 0 : i32
      %dma_start3A_38 = tpu.memref_slice %arg14[%add3A_33, %dma_start3A_37] : memref<10112x128xf32, #tpu.memory_space<vmem_shared>> -> memref<128x128xf32, #tpu.memory_space<vmem_shared>>
      tpu.enqueue_dma source(%dma_start3A_38 : memref<128x128xf32, #tpu.memory_space<vmem_shared>>) target(%arg8 : memref<128x128xf32, #tpu.memory_space<vmem>>) target_semaphore(%run_scoped3A : memref<!tpu.dma_semaphore, #tpu.memory_space<semaphore_mem>>)
      %dma_wait3A = arith.constant 0 : i32
      %dma_wait3A_39 = tpu.memref_slice %arg14[%add3A_33, %dma_wait3A] : memref<10112x128xf32, #tpu.memory_space<vmem_shared>> -> memref<128x128xf32, #tpu.memory_space<vmem_shared>>
      %dma_wait3A_40 = arith.constant 0 : i32
      %dma_wait3A_41 = tpu.memref_slice %arg14[%add3A_33, %dma_wait3A_40] : memref<10112x128xf32, #tpu.memory_space<vmem_shared>> -> memref<128x128xf32, #tpu.memory_space<vmem_shared>>
      tpu.wait_dma2 semaphore(%run_scoped3A : memref<!tpu.dma_semaphore, #tpu.memory_space<semaphore_mem>>) src(%dma_wait3A_41 : memref<128x128xf32, #tpu.memory_space<vmem_shared>>) dst(%arg8 : memref<128x128xf32, #tpu.memory_space<vmem>>)
      tpu.yield
    }) : () -> ()
    "tpu.region"() ({
      %run_scoped3A = tpu.sem_alloc : memref<!tpu.dma_semaphore, #tpu.memory_space<semaphore_mem>>
      %dma_start3A = arith.constant 0 : i32
      %dma_start3A_36 = tpu.memref_slice %arg7[%arg0, %add3A_33, %dma_start3A] : memref<2x10112x128xf32, #tpu.memory_space<hbm>> -> memref<1x128x128xf32, #tpu.memory_space<hbm>>
      %dma_start3A_37 = tpu.memref_squeeze %dma_start3A_36 : memref<1x128x128xf32, #tpu.memory_space<hbm>> -> memref<128x128xf32, #tpu.memory_space<hbm>>
      %dma_start3A_38 = arith.constant 0 : i32
      %dma_start3A_39 = tpu.memref_slice %arg7[%arg0, %add3A_33, %dma_start3A_38] : memref<2x10112x128xf32, #tpu.memory_space<hbm>> -> memref<1x128x128xf32, #tpu.memory_space<hbm>>
      %dma_start3A_40 = tpu.memref_squeeze %dma_start3A_39 : memref<1x128x128xf32, #tpu.memory_space<hbm>> -> memref<128x128xf32, #tpu.memory_space<hbm>>
      tpu.enqueue_dma source(%arg8 : memref<128x128xf32, #tpu.memory_space<vmem>>) target(%dma_start3A_40 : memref<128x128xf32, #tpu.memory_space<hbm>>) target_semaphore(%run_scoped3A : memref<!tpu.dma_semaphore, #tpu.memory_space<semaphore_mem>>)
      %dma_wait3A = arith.constant 0 : i32
      %dma_wait3A_41 = tpu.memref_slice %arg7[%arg0, %add3A_33, %dma_wait3A] : memref<2x10112x128xf32, #tpu.memory_space<hbm>> -> memref<1x128x128xf32, #tpu.memory_space<hbm>>
      %dma_wait3A_42 = tpu.memref_squeeze %dma_wait3A_41 : memref<1x128x128xf32, #tpu.memory_space<hbm>> -> memref<128x128xf32, #tpu.memory_space<hbm>>
      %dma_wait3A_43 = arith.constant 0 : i32
      %dma_wait3A_44 = tpu.memref_slice %arg7[%arg0, %add3A_33, %dma_wait3A_43] : memref<2x10112x128xf32, #tpu.memory_space<hbm>> -> memref<1x128x128xf32, #tpu.memory_space<hbm>>
      %dma_wait3A_45 = tpu.memref_squeeze %dma_wait3A_44 : memref<1x128x128xf32, #tpu.memory_space<hbm>> -> memref<128x128xf32, #tpu.memory_space<hbm>>
      tpu.wait_dma2 semaphore(%run_scoped3A : memref<!tpu.dma_semaphore, #tpu.memory_space<semaphore_mem>>) src(%arg8 : memref<128x128xf32, #tpu.memory_space<vmem>>) dst(%dma_wait3A_45 : memref<128x128xf32, #tpu.memory_space<hbm>>)
      tpu.yield
    }) : () -> ()
    %add3A_34 = arith.constant 512 : i32
    %add3A_35 = arith.addi %mul3A_7, %add3A_34 : i32
    "tpu.region"() ({
      %run_scoped3A = tpu.sem_alloc : memref<!tpu.dma_semaphore, #tpu.memory_space<semaphore_mem>>
      %dma_start3A = arith.constant 0 : i32
      %dma_start3A_36 = arith.constant 0 : i32
      %dma_start3A_37 = tpu.memref_slice %arg8[%dma_start3A, %dma_start3A_36] : memref<128x128xf32, #tpu.memory_space<vmem>> -> memref<120x128xf32, #tpu.memory_space<vmem>>
      %dma_start3A_38 = arith.constant 0 : i32
      %dma_start3A_39 = tpu.memref_slice %arg14[%add3A_35, %dma_start3A_38] : memref<10112x128xf32, #tpu.memory_space<vmem_shared>> -> memref<120x128xf32, #tpu.memory_space<vmem_shared>>
      %dma_start3A_40 = arith.constant 0 : i32
      %dma_start3A_41 = arith.constant 0 : i32
      %dma_start3A_42 = tpu.memref_slice %arg8[%dma_start3A_40, %dma_start3A_41] : memref<128x128xf32, #tpu.memory_space<vmem>> -> memref<120x128xf32, #tpu.memory_space<vmem>>
      %dma_start3A_43 = arith.constant 0 : i32
      %dma_start3A_44 = tpu.memref_slice %arg14[%add3A_35, %dma_start3A_43] : memref<10112x128xf32, #tpu.memory_space<vmem_shared>> -> memref<120x128xf32, #tpu.memory_space<vmem_shared>>
      tpu.enqueue_dma source(%dma_start3A_44 : memref<120x128xf32, #tpu.memory_space<vmem_shared>>) target(%dma_start3A_42 : memref<120x128xf32, #tpu.memory_space<vmem>>) target_semaphore(%run_scoped3A : memref<!tpu.dma_semaphore, #tpu.memory_space<semaphore_mem>>)
      %dma_wait3A = arith.constant 0 : i32
      %dma_wait3A_45 = arith.constant 0 : i32
      %dma_wait3A_46 = tpu.memref_slice %arg8[%dma_wait3A, %dma_wait3A_45] : memref<128x128xf32, #tpu.memory_space<vmem>> -> memref<120x128xf32, #tpu.memory_space<vmem>>
      %dma_wait3A_47 = arith.constant 0 : i32
      %dma_wait3A_48 = tpu.memref_slice %arg14[%add3A_35, %dma_wait3A_47] : memref<10112x128xf32, #tpu.memory_space<vmem_shared>> -> memref<120x128xf32, #tpu.memory_space<vmem_shared>>
      %dma_wait3A_49 = arith.constant 0 : i32
      %dma_wait3A_50 = arith.constant 0 : i32
      %dma_wait3A_51 = tpu.memref_slice %arg8[%dma_wait3A_49, %dma_wait3A_50] : memref<128x128xf32, #tpu.memory_space<vmem>> -> memref<120x128xf32, #tpu.memory_space<vmem>>
      %dma_wait3A_52 = arith.constant 0 : i32
      %dma_wait3A_53 = tpu.memref_slice %arg14[%add3A_35, %dma_wait3A_52] : memref<10112x128xf32, #tpu.memory_space<vmem_shared>> -> memref<120x128xf32, #tpu.memory_space<vmem_shared>>
      tpu.wait_dma2 semaphore(%run_scoped3A : memref<!tpu.dma_semaphore, #tpu.memory_space<semaphore_mem>>) src(%dma_wait3A_53 : memref<120x128xf32, #tpu.memory_space<vmem_shared>>) dst(%dma_wait3A_51 : memref<120x128xf32, #tpu.memory_space<vmem>>)
      tpu.yield
    }) : () -> ()
    "tpu.region"() ({
      %run_scoped3A = tpu.sem_alloc : memref<!tpu.dma_semaphore, #tpu.memory_space<semaphore_mem>>
      %dma_start3A = arith.constant 0 : i32
      %dma_start3A_36 = arith.constant 0 : i32
      %dma_start3A_37 = tpu.memref_slice %arg8[%dma_start3A, %dma_start3A_36] : memref<128x128xf32, #tpu.memory_space<vmem>> -> memref<120x128xf32, #tpu.memory_space<vmem>>
      %dma_start3A_38 = arith.constant 0 : i32
      %dma_start3A_39 = tpu.memref_slice %arg7[%arg0, %add3A_35, %dma_start3A_38] : memref<2x10112x128xf32, #tpu.memory_space<hbm>> -> memref<1x120x128xf32, #tpu.memory_space<hbm>>
      %dma_start3A_40 = tpu.memref_squeeze %dma_start3A_39 : memref<1x120x128xf32, #tpu.memory_space<hbm>> -> memref<120x128xf32, #tpu.memory_space<hbm>>
      %dma_start3A_41 = arith.constant 0 : i32
      %dma_start3A_42 = tpu.memref_slice %arg7[%arg0, %add3A_35, %dma_start3A_41] : memref<2x10112x128xf32, #tpu.memory_space<hbm>> -> memref<1x120x128xf32, #tpu.memory_space<hbm>>
      %dma_start3A_43 = tpu.memref_squeeze %dma_start3A_42 : memref<1x120x128xf32, #tpu.memory_space<hbm>> -> memref<120x128xf32, #tpu.memory_space<hbm>>
      %dma_start3A_44 = arith.constant 0 : i32
      %dma_start3A_45 = arith.constant 0 : i32
      %dma_start3A_46 = tpu.memref_slice %arg8[%dma_start3A_44, %dma_start3A_45] : memref<128x128xf32, #tpu.memory_space<vmem>> -> memref<120x128xf32, #tpu.memory_space<vmem>>
      tpu.enqueue_dma source(%dma_start3A_46 : memref<120x128xf32, #tpu.memory_space<vmem>>) target(%dma_start3A_43 : memref<120x128xf32, #tpu.memory_space<hbm>>) target_semaphore(%run_scoped3A : memref<!tpu.dma_semaphore, #tpu.memory_space<semaphore_mem>>)
      %dma_wait3A = arith.constant 0 : i32
      %dma_wait3A_47 = arith.constant 0 : i32
      %dma_wait3A_48 = tpu.memref_slice %arg8[%dma_wait3A, %dma_wait3A_47] : memref<128x128xf32, #tpu.memory_space<vmem>> -> memref<120x128xf32, #tpu.memory_space<vmem>>
      %dma_wait3A_49 = arith.constant 0 : i32
      %dma_wait3A_50 = tpu.memref_slice %arg7[%arg0, %add3A_35, %dma_wait3A_49] : memref<2x10112x128xf32, #tpu.memory_space<hbm>> -> memref<1x120x128xf32, #tpu.memory_space<hbm>>
      %dma_wait3A_51 = tpu.memref_squeeze %dma_wait3A_50 : memref<1x120x128xf32, #tpu.memory_space<hbm>> -> memref<120x128xf32, #tpu.memory_space<hbm>>
      %dma_wait3A_52 = arith.constant 0 : i32
      %dma_wait3A_53 = tpu.memref_slice %arg7[%arg0, %add3A_35, %dma_wait3A_52] : memref<2x10112x128xf32, #tpu.memory_space<hbm>> -> memref<1x120x128xf32, #tpu.memory_space<hbm>>
      %dma_wait3A_54 = tpu.memref_squeeze %dma_wait3A_53 : memref<1x120x128xf32, #tpu.memory_space<hbm>> -> memref<120x128xf32, #tpu.memory_space<hbm>>
      %dma_wait3A_55 = arith.constant 0 : i32
      %dma_wait3A_56 = arith.constant 0 : i32
      %dma_wait3A_57 = tpu.memref_slice %arg8[%dma_wait3A_55, %dma_wait3A_56] : memref<128x128xf32, #tpu.memory_space<vmem>> -> memref<120x128xf32, #tpu.memory_space<vmem>>
      tpu.wait_dma2 semaphore(%run_scoped3A : memref<!tpu.dma_semaphore, #tpu.memory_space<semaphore_mem>>) src(%dma_wait3A_57 : memref<120x128xf32, #tpu.memory_space<vmem>>) dst(%dma_wait3A_54 : memref<120x128xf32, #tpu.memory_space<hbm>>)
      tpu.yield
    }) : () -> ()
    return
  }
}

#map = affine_map<(d0, d1) -> (0, 0)>
#map1 = affine_map<(d0, d1) -> (0)>
#map2 = affine_map<(d0, d1) -> (0, 0, 0)>
module attributes {stable_mosaic.version = 14 : i64} {
  func.func @_mp_body(%arg0: i32, %arg1: i32, %arg2: memref<10000x128xf32, #tpu.memory_space<hbm>>, %arg3: memref<16x128xf32, #tpu.memory_space<hbm>>, %arg4: memref<327680xi32, #tpu.memory_space<hbm>>, %arg5: memref<327680xi32, #tpu.memory_space<hbm>>, %arg6: memref<327680xi32, #tpu.memory_space<hbm>>, %arg7: memref<2x10112x128xf32, #tpu.memory_space<hbm>>, %arg8: memref<128x128xf32, #tpu.memory_space<vmem>>, %arg9: memref<128x128xf32, #tpu.memory_space<vmem>>, %arg10: memref<128x128xf32, #tpu.memory_space<vmem>>, %arg11: memref<128xi32, #tpu.memory_space<vmem>>, %arg12: memref<128xi32, #tpu.memory_space<vmem>>, %arg13: memref<128xi32, #tpu.memory_space<vmem>>, %arg14: memref<10112x128xf32, #tpu.memory_space<vmem_shared>>, %arg15: memref<!tpu.dma_semaphore, #tpu.memory_space<semaphore_mem>>, %arg16: memref<!tpu.dma_semaphore, #tpu.memory_space<semaphore_mem>>) attributes {dimension_semantics = [#tpu.dimension_semantics<core_parallel>, #tpu.dimension_semantics<subcore_parallel>], iteration_bounds = array<i64: 2, 16>, scalar_prefetch = 0 : i64, scratch_operands = 9 : i64, tpu.core_type = #tpu.core_type<sc_vector_subcore>, window_params = [{transform_indices = #map}, {transform_indices = #map}, {transform_indices = #map1}, {transform_indices = #map1}, {transform_indices = #map1}, {transform_indices = #map2}]} {
    %mul3A = arith.constant 2 : i32
    %mul3A_0 = arith.muli %arg1, %mul3A : i32
    %add3A = arith.addi %mul3A_0, %arg0 : i32
    %broadcast_in_dim3A = arith.constant 0.000000e+00 : f32
    %broadcast_in_dim3A_1 = vector.broadcast %broadcast_in_dim3A : f32 to vector<16xf32>
    %scan3A = arith.constant 0 : i32
    %scan3A_2 = arith.constant 128 : i32
    %scan3A_3 = arith.addi %scan3A, %scan3A_2 : i32
    %scan3A_4 = arith.constant 1 : i32
    scf.for %scan3A_36 = %scan3A to %scan3A_3 step %scan3A_4  : i32 {
      %mul3A_37 = arith.constant 1 : i32
      %mul3A_38 = arith.muli %scan3A_36, %mul3A_37 : i32
      %add3A_39 = arith.constant 0 : i32
      %add3A_40 = arith.addi %add3A_39, %mul3A_38 : i32
      %swap3A = arith.index_cast %add3A_40 : i32 to index
      %swap3A_41 = arith.constant 0 : index
      %swap3A_42 = tpu.vector_load %arg10[%swap3A, %swap3A_41] {strides = array<i32>} : memref<128x128xf32, #tpu.memory_space<vmem>>, vector<1x16xf32>,
      %swap3A_43 = vector.shape_cast %swap3A_42 : vector<1x16xf32> to vector<16xf32>
      %swap3A_44 = vector.shape_cast %broadcast_in_dim3A_1 : vector<16xf32> to vector<1x16xf32>
      tpu.vector_store %arg10[%swap3A, %swap3A_41], %swap3A_44 {strides = array<i32>} : memref<128x128xf32, #tpu.memory_space<vmem>>, vector<1x16xf32>,
      %swap3A_45 = arith.index_cast %add3A_40 : i32 to index
      %swap3A_46 = arith.constant 16 : index
      %swap3A_47 = tpu.vector_load %arg10[%swap3A_45, %swap3A_46] {strides = array<i32>} : memref<128x128xf32, #tpu.memory_space<vmem>>, vector<1x16xf32>,
      %swap3A_48 = vector.shape_cast %swap3A_47 : vector<1x16xf32> to vector<16xf32>
      %swap3A_49 = vector.shape_cast %broadcast_in_dim3A_1 : vector<16xf32> to vector<1x16xf32>
      tpu.vector_store %arg10[%swap3A_45, %swap3A_46], %swap3A_49 {strides = array<i32>} : memref<128x128xf32, #tpu.memory_space<vmem>>, vector<1x16xf32>,
      %swap3A_50 = arith.index_cast %add3A_40 : i32 to index
      %swap3A_51 = arith.constant 32 : index
      %swap3A_52 = tpu.vector_load %arg10[%swap3A_50, %swap3A_51] {strides = array<i32>} : memref<128x128xf32, #tpu.memory_space<vmem>>, vector<1x16xf32>,
      %swap3A_53 = vector.shape_cast %swap3A_52 : vector<1x16xf32> to vector<16xf32>
      %swap3A_54 = vector.shape_cast %broadcast_in_dim3A_1 : vector<16xf32> to vector<1x16xf32>
      tpu.vector_store %arg10[%swap3A_50, %swap3A_51], %swap3A_54 {strides = array<i32>} : memref<128x128xf32, #tpu.memory_space<vmem>>, vector<1x16xf32>,
      %swap3A_55 = arith.index_cast %add3A_40 : i32 to index
      %swap3A_56 = arith.constant 48 : index
      %swap3A_57 = tpu.vector_load %arg10[%swap3A_55, %swap3A_56] {strides = array<i32>} : memref<128x128xf32, #tpu.memory_space<vmem>>, vector<1x16xf32>,
      %swap3A_58 = vector.shape_cast %swap3A_57 : vector<1x16xf32> to vector<16xf32>
      %swap3A_59 = vector.shape_cast %broadcast_in_dim3A_1 : vector<16xf32> to vector<1x16xf32>
      tpu.vector_store %arg10[%swap3A_55, %swap3A_56], %swap3A_59 {strides = array<i32>} : memref<128x128xf32, #tpu.memory_space<vmem>>, vector<1x16xf32>,
      %swap3A_60 = arith.index_cast %add3A_40 : i32 to index
      %swap3A_61 = arith.constant 64 : index
      %swap3A_62 = tpu.vector_load %arg10[%swap3A_60, %swap3A_61] {strides = array<i32>} : memref<128x128xf32, #tpu.memory_space<vmem>>, vector<1x16xf32>,
      %swap3A_63 = vector.shape_cast %swap3A_62 : vector<1x16xf32> to vector<16xf32>
      %swap3A_64 = vector.shape_cast %broadcast_in_dim3A_1 : vector<16xf32> to vector<1x16xf32>
      tpu.vector_store %arg10[%swap3A_60, %swap3A_61], %swap3A_64 {strides = array<i32>} : memref<128x128xf32, #tpu.memory_space<vmem>>, vector<1x16xf32>,
      %swap3A_65 = arith.index_cast %add3A_40 : i32 to index
      %swap3A_66 = arith.constant 80 : index
      %swap3A_67 = tpu.vector_load %arg10[%swap3A_65, %swap3A_66] {strides = array<i32>} : memref<128x128xf32, #tpu.memory_space<vmem>>, vector<1x16xf32>,
      %swap3A_68 = vector.shape_cast %swap3A_67 : vector<1x16xf32> to vector<16xf32>
      %swap3A_69 = vector.shape_cast %broadcast_in_dim3A_1 : vector<16xf32> to vector<1x16xf32>
      tpu.vector_store %arg10[%swap3A_65, %swap3A_66], %swap3A_69 {strides = array<i32>} : memref<128x128xf32, #tpu.memory_space<vmem>>, vector<1x16xf32>,
      %swap3A_70 = arith.index_cast %add3A_40 : i32 to index
      %swap3A_71 = arith.constant 96 : index
      %swap3A_72 = tpu.vector_load %arg10[%swap3A_70, %swap3A_71] {strides = array<i32>} : memref<128x128xf32, #tpu.memory_space<vmem>>, vector<1x16xf32>,
      %swap3A_73 = vector.shape_cast %swap3A_72 : vector<1x16xf32> to vector<16xf32>
      %swap3A_74 = vector.shape_cast %broadcast_in_dim3A_1 : vector<16xf32> to vector<1x16xf32>
      tpu.vector_store %arg10[%swap3A_70, %swap3A_71], %swap3A_74 {strides = array<i32>} : memref<128x128xf32, #tpu.memory_space<vmem>>, vector<1x16xf32>,
      %swap3A_75 = arith.index_cast %add3A_40 : i32 to index
      %swap3A_76 = arith.constant 112 : index
      %swap3A_77 = tpu.vector_load %arg10[%swap3A_75, %swap3A_76] {strides = array<i32>} : memref<128x128xf32, #tpu.memory_space<vmem>>, vector<1x16xf32>,
      %swap3A_78 = vector.shape_cast %swap3A_77 : vector<1x16xf32> to vector<16xf32>
      %swap3A_79 = vector.shape_cast %broadcast_in_dim3A_1 : vector<16xf32> to vector<1x16xf32>
      tpu.vector_store %arg10[%swap3A_75, %swap3A_76], %swap3A_79 {strides = array<i32>} : memref<128x128xf32, #tpu.memory_space<vmem>>, vector<1x16xf32>,
    }
    %scan3A_5 = arith.constant 128 : i32
    %mul3A_6 = arith.constant 632 : i32
    %mul3A_7 = arith.muli %arg1, %mul3A_6 : i32
    %add3A_8 = arith.constant 0 : i32
    %add3A_9 = arith.addi %mul3A_7, %add3A_8 : i32
    "tpu.region"() ({
      %run_scoped3A = tpu.sem_alloc : memref<!tpu.dma_semaphore, #tpu.memory_space<semaphore_mem>>
      %dma_start3A = arith.constant 0 : i32
      %dma_start3A_36 = tpu.memref_slice %arg14[%add3A_9, %dma_start3A] : memref<10112x128xf32, #tpu.memory_space<vmem_shared>> -> memref<128x128xf32, #tpu.memory_space<vmem_shared>>
      %dma_start3A_37 = arith.constant 0 : i32
      %dma_start3A_38 = tpu.memref_slice %arg14[%add3A_9, %dma_start3A_37] : memref<10112x128xf32, #tpu.memory_space<vmem_shared>> -> memref<128x128xf32, #tpu.memory_space<vmem_shared>>
      tpu.enqueue_dma source(%arg10 : memref<128x128xf32, #tpu.memory_space<vmem>>) target(%dma_start3A_38 : memref<128x128xf32, #tpu.memory_space<vmem_shared>>) target_semaphore(%run_scoped3A : memref<!tpu.dma_semaphore, #tpu.memory_space<semaphore_mem>>)
      %dma_wait3A = arith.constant 0 : i32
      %dma_wait3A_39 = tpu.memref_slice %arg14[%add3A_9, %dma_wait3A] : memref<10112x128xf32, #tpu.memory_space<vmem_shared>> -> memref<128x128xf32, #tpu.memory_space<vmem_shared>>
      %dma_wait3A_40 = arith.constant 0 : i32
      %dma_wait3A_41 = tpu.memref_slice %arg14[%add3A_9, %dma_wait3A_40] : memref<10112x128xf32, #tpu.memory_space<vmem_shared>> -> memref<128x128xf32, #tpu.memory_space<vmem_shared>>
      tpu.wait_dma2 semaphore(%run_scoped3A : memref<!tpu.dma_semaphore, #tpu.memory_space<semaphore_mem>>) src(%arg10 : memref<128x128xf32, #tpu.memory_space<vmem>>) dst(%dma_wait3A_41 : memref<128x128xf32, #tpu.memory_space<vmem_shared>>)
      tpu.yield
    }) : () -> ()
    %add3A_10 = arith.constant 128 : i32
    %add3A_11 = arith.addi %mul3A_7, %add3A_10 : i32
    "tpu.region"() ({
      %run_scoped3A = tpu.sem_alloc : memref<!tpu.dma_semaphore, #tpu.memory_space<semaphore_mem>>
      %dma_start3A = arith.constant 0 : i32
      %dma_start3A_36 = tpu.memref_slice %arg14[%add3A_11, %dma_start3A] : memref<10112x128xf32, #tpu.memory_space<vmem_shared>> -> memref<128x128xf32, #tpu.memory_space<vmem_shared>>
      %dma_start3A_37 = arith.constant 0 : i32
      %dma_start3A_38 = tpu.memref_slice %arg14[%add3A_11, %dma_start3A_37] : memref<10112x128xf32, #tpu.memory_space<vmem_shared>> -> memref<128x128xf32, #tpu.memory_space<vmem_shared>>
      tpu.enqueue_dma source(%arg10 : memref<128x128xf32, #tpu.memory_space<vmem>>) target(%dma_start3A_38 : memref<128x128xf32, #tpu.memory_space<vmem_shared>>) target_semaphore(%run_scoped3A : memref<!tpu.dma_semaphore, #tpu.memory_space<semaphore_mem>>)
      %dma_wait3A = arith.constant 0 : i32
      %dma_wait3A_39 = tpu.memref_slice %arg14[%add3A_11, %dma_wait3A] : memref<10112x128xf32, #tpu.memory_space<vmem_shared>> -> memref<128x128xf32, #tpu.memory_space<vmem_shared>>
      %dma_wait3A_40 = arith.constant 0 : i32
      %dma_wait3A_41 = tpu.memref_slice %arg14[%add3A_11, %dma_wait3A_40] : memref<10112x128xf32, #tpu.memory_space<vmem_shared>> -> memref<128x128xf32, #tpu.memory_space<vmem_shared>>
      tpu.wait_dma2 semaphore(%run_scoped3A : memref<!tpu.dma_semaphore, #tpu.memory_space<semaphore_mem>>) src(%arg10 : memref<128x128xf32, #tpu.memory_space<vmem>>) dst(%dma_wait3A_41 : memref<128x128xf32, #tpu.memory_space<vmem_shared>>)
      tpu.yield
    }) : () -> ()
    %add3A_12 = arith.constant 256 : i32
    %add3A_13 = arith.addi %mul3A_7, %add3A_12 : i32
    "tpu.region"() ({
      %run_scoped3A = tpu.sem_alloc : memref<!tpu.dma_semaphore, #tpu.memory_space<semaphore_mem>>
      %dma_start3A = arith.constant 0 : i32
      %dma_start3A_36 = tpu.memref_slice %arg14[%add3A_13, %dma_start3A] : memref<10112x128xf32, #tpu.memory_space<vmem_shared>> -> memref<128x128xf32, #tpu.memory_space<vmem_shared>>
      %dma_start3A_37 = arith.constant 0 : i32
      %dma_start3A_38 = tpu.memref_slice %arg14[%add3A_13, %dma_start3A_37] : memref<10112x128xf32, #tpu.memory_space<vmem_shared>> -> memref<128x128xf32, #tpu.memory_space<vmem_shared>>
      tpu.enqueue_dma source(%arg10 : memref<128x128xf32, #tpu.memory_space<vmem>>) target(%dma_start3A_38 : memref<128x128xf32, #tpu.memory_space<vmem_shared>>) target_semaphore(%run_scoped3A : memref<!tpu.dma_semaphore, #tpu.memory_space<semaphore_mem>>)
      %dma_wait3A = arith.constant 0 : i32
      %dma_wait3A_39 = tpu.memref_slice %arg14[%add3A_13, %dma_wait3A] : memref<10112x128xf32, #tpu.memory_space<vmem_shared>> -> memref<128x128xf32, #tpu.memory_space<vmem_shared>>
      %dma_wait3A_40 = arith.constant 0 : i32
      %dma_wait3A_41 = tpu.memref_slice %arg14[%add3A_13, %dma_wait3A_40] : memref<10112x128xf32, #tpu.memory_space<vmem_shared>> -> memref<128x128xf32, #tpu.memory_space<vmem_shared>>
      tpu.wait_dma2 semaphore(%run_scoped3A : memref<!tpu.dma_semaphore, #tpu.memory_space<semaphore_mem>>) src(%arg10 : memref<128x128xf32, #tpu.memory_space<vmem>>) dst(%dma_wait3A_41 : memref<128x128xf32, #tpu.memory_space<vmem_shared>>)
      tpu.yield
    }) : () -> ()
    %add3A_14 = arith.constant 384 : i32
    %add3A_15 = arith.addi %mul3A_7, %add3A_14 : i32
    "tpu.region"() ({
      %run_scoped3A = tpu.sem_alloc : memref<!tpu.dma_semaphore, #tpu.memory_space<semaphore_mem>>
      %dma_start3A = arith.constant 0 : i32
      %dma_start3A_36 = tpu.memref_slice %arg14[%add3A_15, %dma_start3A] : memref<10112x128xf32, #tpu.memory_space<vmem_shared>> -> memref<128x128xf32, #tpu.memory_space<vmem_shared>>
      %dma_start3A_37 = arith.constant 0 : i32
      %dma_start3A_38 = tpu.memref_slice %arg14[%add3A_15, %dma_start3A_37] : memref<10112x128xf32, #tpu.memory_space<vmem_shared>> -> memref<128x128xf32, #tpu.memory_space<vmem_shared>>
      tpu.enqueue_dma source(%arg10 : memref<128x128xf32, #tpu.memory_space<vmem>>) target(%dma_start3A_38 : memref<128x128xf32, #tpu.memory_space<vmem_shared>>) target_semaphore(%run_scoped3A : memref<!tpu.dma_semaphore, #tpu.memory_space<semaphore_mem>>)
      %dma_wait3A = arith.constant 0 : i32
      %dma_wait3A_39 = tpu.memref_slice %arg14[%add3A_15, %dma_wait3A] : memref<10112x128xf32, #tpu.memory_space<vmem_shared>> -> memref<128x128xf32, #tpu.memory_space<vmem_shared>>
      %dma_wait3A_40 = arith.constant 0 : i32
      %dma_wait3A_41 = tpu.memref_slice %arg14[%add3A_15, %dma_wait3A_40] : memref<10112x128xf32, #tpu.memory_space<vmem_shared>> -> memref<128x128xf32, #tpu.memory_space<vmem_shared>>
      tpu.wait_dma2 semaphore(%run_scoped3A : memref<!tpu.dma_semaphore, #tpu.memory_space<semaphore_mem>>) src(%arg10 : memref<128x128xf32, #tpu.memory_space<vmem>>) dst(%dma_wait3A_41 : memref<128x128xf32, #tpu.memory_space<vmem_shared>>)
      tpu.yield
    }) : () -> ()
    %add3A_16 = arith.constant 512 : i32
    %add3A_17 = arith.addi %mul3A_7, %add3A_16 : i32
    "tpu.region"() ({
      %run_scoped3A = tpu.sem_alloc : memref<!tpu.dma_semaphore, #tpu.memory_space<semaphore_mem>>
      %dma_start3A = arith.constant 0 : i32
      %dma_start3A_36 = arith.constant 0 : i32
      %dma_start3A_37 = tpu.memref_slice %arg10[%dma_start3A, %dma_start3A_36] : memref<128x128xf32, #tpu.memory_space<vmem>> -> memref<120x128xf32, #tpu.memory_space<vmem>>
      %dma_start3A_38 = arith.constant 0 : i32
      %dma_start3A_39 = tpu.memref_slice %arg14[%add3A_17, %dma_start3A_38] : memref<10112x128xf32, #tpu.memory_space<vmem_shared>> -> memref<120x128xf32, #tpu.memory_space<vmem_shared>>
      %dma_start3A_40 = arith.constant 0 : i32
      %dma_start3A_41 = tpu.memref_slice %arg14[%add3A_17, %dma_start3A_40] : memref<10112x128xf32, #tpu.memory_space<vmem_shared>> -> memref<120x128xf32, #tpu.memory_space<vmem_shared>>
      %dma_start3A_42 = arith.constant 0 : i32
      %dma_start3A_43 = arith.constant 0 : i32
      %dma_start3A_44 = tpu.memref_slice %arg10[%dma_start3A_42, %dma_start3A_43] : memref<128x128xf32, #tpu.memory_space<vmem>> -> memref<120x128xf32, #tpu.memory_space<vmem>>
      tpu.enqueue_dma source(%dma_start3A_44 : memref<120x128xf32, #tpu.memory_space<vmem>>) target(%dma_start3A_41 : memref<120x128xf32, #tpu.memory_space<vmem_shared>>) target_semaphore(%run_scoped3A : memref<!tpu.dma_semaphore, #tpu.memory_space<semaphore_mem>>)
      %dma_wait3A = arith.constant 0 : i32
      %dma_wait3A_45 = arith.constant 0 : i32
      %dma_wait3A_46 = tpu.memref_slice %arg10[%dma_wait3A, %dma_wait3A_45] : memref<128x128xf32, #tpu.memory_space<vmem>> -> memref<120x128xf32, #tpu.memory_space<vmem>>
      %dma_wait3A_47 = arith.constant 0 : i32
      %dma_wait3A_48 = tpu.memref_slice %arg14[%add3A_17, %dma_wait3A_47] : memref<10112x128xf32, #tpu.memory_space<vmem_shared>> -> memref<120x128xf32, #tpu.memory_space<vmem_shared>>
      %dma_wait3A_49 = arith.constant 0 : i32
      %dma_wait3A_50 = tpu.memref_slice %arg14[%add3A_17, %dma_wait3A_49] : memref<10112x128xf32, #tpu.memory_space<vmem_shared>> -> memref<120x128xf32, #tpu.memory_space<vmem_shared>>
      %dma_wait3A_51 = arith.constant 0 : i32
      %dma_wait3A_52 = arith.constant 0 : i32
      %dma_wait3A_53 = tpu.memref_slice %arg10[%dma_wait3A_51, %dma_wait3A_52] : memref<128x128xf32, #tpu.memory_space<vmem>> -> memref<120x128xf32, #tpu.memory_space<vmem>>
      tpu.wait_dma2 semaphore(%run_scoped3A : memref<!tpu.dma_semaphore, #tpu.memory_space<semaphore_mem>>) src(%dma_wait3A_53 : memref<120x128xf32, #tpu.memory_space<vmem>>) dst(%dma_wait3A_50 : memref<120x128xf32, #tpu.memory_space<vmem_shared>>)
      tpu.yield
    }) : () -> ()
    %barrier3A = arith.constant 0 : index
    tpu.barrier barrier_id(%barrier3A)
    %mul3A_18 = arith.constant 10240 : i32
    %mul3A_19 = arith.muli %add3A, %mul3A_18 : i32
    %scan3A_20 = arith.constant 0 : i32
    %scan3A_21 = arith.constant 80 : i32
    %scan3A_22 = arith.addi %scan3A_20, %scan3A_21 : i32
    %scan3A_23 = arith.constant 1 : i32
    scf.for %scan3A_36 = %scan3A_20 to %scan3A_22 step %scan3A_23  : i32 {
      %mul3A_37 = arith.constant 1 : i32
      %mul3A_38 = arith.muli %scan3A_36, %mul3A_37 : i32
      %add3A_39 = arith.constant 0 : i32
      %add3A_40 = arith.addi %add3A_39, %mul3A_38 : i32
      %mul3A_41 = arith.constant 128 : i32
      %mul3A_42 = arith.muli %add3A_40, %mul3A_41 : i32
      %add3A_43 = arith.addi %mul3A_19, %mul3A_42 : i32
      "tpu.region"() ({
        %run_scoped3A = tpu.sem_alloc : memref<!tpu.dma_semaphore, #tpu.memory_space<semaphore_mem>>
        %dma_start3A_59 = tpu.memref_slice %arg4[%add3A_43] : memref<327680xi32, #tpu.memory_space<hbm>> -> memref<128xi32, #tpu.memory_space<hbm>>
        %dma_start3A_60 = tpu.memref_slice %arg4[%add3A_43] : memref<327680xi32, #tpu.memory_space<hbm>> -> memref<128xi32, #tpu.memory_space<hbm>>
        tpu.enqueue_dma source(%dma_start3A_60 : memref<128xi32, #tpu.memory_space<hbm>>) target(%arg11 : memref<128xi32, #tpu.memory_space<vmem>>) target_semaphore(%run_scoped3A : memref<!tpu.dma_semaphore, #tpu.memory_space<semaphore_mem>>)
        %dma_wait3A_61 = tpu.memref_slice %arg4[%add3A_43] : memref<327680xi32, #tpu.memory_space<hbm>> -> memref<128xi32, #tpu.memory_space<hbm>>
        %dma_wait3A_62 = tpu.memref_slice %arg4[%add3A_43] : memref<327680xi32, #tpu.memory_space<hbm>> -> memref<128xi32, #tpu.memory_space<hbm>>
        tpu.wait_dma2 semaphore(%run_scoped3A : memref<!tpu.dma_semaphore, #tpu.memory_space<semaphore_mem>>) src(%dma_wait3A_62 : memref<128xi32, #tpu.memory_space<hbm>>) dst(%arg11 : memref<128xi32, #tpu.memory_space<vmem>>)
        tpu.yield
      }) : () -> ()
      "tpu.region"() ({
        %run_scoped3A = tpu.sem_alloc : memref<!tpu.dma_semaphore, #tpu.memory_space<semaphore_mem>>
        %dma_start3A_59 = tpu.memref_slice %arg5[%add3A_43] : memref<327680xi32, #tpu.memory_space<hbm>> -> memref<128xi32, #tpu.memory_space<hbm>>
        %dma_start3A_60 = tpu.memref_slice %arg5[%add3A_43] : memref<327680xi32, #tpu.memory_space<hbm>> -> memref<128xi32, #tpu.memory_space<hbm>>
        tpu.enqueue_dma source(%dma_start3A_60 : memref<128xi32, #tpu.memory_space<hbm>>) target(%arg12 : memref<128xi32, #tpu.memory_space<vmem>>) target_semaphore(%run_scoped3A : memref<!tpu.dma_semaphore, #tpu.memory_space<semaphore_mem>>)
        %dma_wait3A_61 = tpu.memref_slice %arg5[%add3A_43] : memref<327680xi32, #tpu.memory_space<hbm>> -> memref<128xi32, #tpu.memory_space<hbm>>
        %dma_wait3A_62 = tpu.memref_slice %arg5[%add3A_43] : memref<327680xi32, #tpu.memory_space<hbm>> -> memref<128xi32, #tpu.memory_space<hbm>>
        tpu.wait_dma2 semaphore(%run_scoped3A : memref<!tpu.dma_semaphore, #tpu.memory_space<semaphore_mem>>) src(%dma_wait3A_62 : memref<128xi32, #tpu.memory_space<hbm>>) dst(%arg12 : memref<128xi32, #tpu.memory_space<vmem>>)
        tpu.yield
      }) : () -> ()
      "tpu.region"() ({
        %run_scoped3A = tpu.sem_alloc : memref<!tpu.dma_semaphore, #tpu.memory_space<semaphore_mem>>
        %dma_start3A_59 = tpu.memref_slice %arg6[%add3A_43] : memref<327680xi32, #tpu.memory_space<hbm>> -> memref<128xi32, #tpu.memory_space<hbm>>
        %dma_start3A_60 = tpu.memref_slice %arg6[%add3A_43] : memref<327680xi32, #tpu.memory_space<hbm>> -> memref<128xi32, #tpu.memory_space<hbm>>
        tpu.enqueue_dma source(%dma_start3A_60 : memref<128xi32, #tpu.memory_space<hbm>>) target(%arg13 : memref<128xi32, #tpu.memory_space<vmem>>) target_semaphore(%run_scoped3A : memref<!tpu.dma_semaphore, #tpu.memory_space<semaphore_mem>>)
        %dma_wait3A_61 = tpu.memref_slice %arg6[%add3A_43] : memref<327680xi32, #tpu.memory_space<hbm>> -> memref<128xi32, #tpu.memory_space<hbm>>
        %dma_wait3A_62 = tpu.memref_slice %arg6[%add3A_43] : memref<327680xi32, #tpu.memory_space<hbm>> -> memref<128xi32, #tpu.memory_space<hbm>>
        tpu.wait_dma2 semaphore(%run_scoped3A : memref<!tpu.dma_semaphore, #tpu.memory_space<semaphore_mem>>) src(%dma_wait3A_62 : memref<128xi32, #tpu.memory_space<hbm>>) dst(%arg13 : memref<128xi32, #tpu.memory_space<vmem>>)
        tpu.yield
      }) : () -> ()
      %dma_start3A = arith.constant 0 : i32
      %dma_start3A_44 = arith.constant 0 : i32
      %dma_start3A_45 = tpu.memref_slice %arg3[%dma_start3A, %dma_start3A_44] : memref<16x128xf32, #tpu.memory_space<hbm>> -> memref<16x128xf32, #tpu.memory_space<hbm>>
      tpu.enqueue_indirect_dma source(%dma_start3A_45 : memref<16x128xf32, #tpu.memory_space<hbm>>) target(%arg9 : memref<128x128xf32, #tpu.memory_space<vmem>>) offsets(%arg12 : memref<128xi32, #tpu.memory_space<vmem>>) semaphore(%arg16 : memref<!tpu.dma_semaphore, #tpu.memory_space<semaphore_mem>>)
      %dma_start3A_46 = arith.constant 0 : i32
      %dma_start3A_47 = arith.constant 0 : i32
      %dma_start3A_48 = tpu.memref_slice %arg2[%dma_start3A_46, %dma_start3A_47] : memref<10000x128xf32, #tpu.memory_space<hbm>> -> memref<10000x128xf32, #tpu.memory_space<hbm>>
      tpu.enqueue_indirect_dma source(%dma_start3A_48 : memref<10000x128xf32, #tpu.memory_space<hbm>>) target(%arg8 : memref<128x128xf32, #tpu.memory_space<vmem>>) offsets(%arg11 : memref<128xi32, #tpu.memory_space<vmem>>) semaphore(%arg15 : memref<!tpu.dma_semaphore, #tpu.memory_space<semaphore_mem>>)
      %dma_wait3A = arith.constant 0 : i32
      %dma_wait3A_49 = arith.constant 0 : i32
      %dma_wait3A_50 = tpu.memref_slice %arg3[%dma_wait3A, %dma_wait3A_49] : memref<16x128xf32, #tpu.memory_space<hbm>> -> memref<16x128xf32, #tpu.memory_space<hbm>>
      tpu.wait_indirect_dma semaphore(%arg16 : memref<!tpu.dma_semaphore, #tpu.memory_space<semaphore_mem>>) src(%dma_wait3A_50 : memref<16x128xf32, #tpu.memory_space<hbm>>) dst(%arg9 : memref<128x128xf32, #tpu.memory_space<vmem>>)
      %dma_wait3A_51 = arith.constant 0 : i32
      %dma_wait3A_52 = arith.constant 0 : i32
      %dma_wait3A_53 = tpu.memref_slice %arg2[%dma_wait3A_51, %dma_wait3A_52] : memref<10000x128xf32, #tpu.memory_space<hbm>> -> memref<10000x128xf32, #tpu.memory_space<hbm>>
      tpu.wait_indirect_dma semaphore(%arg15 : memref<!tpu.dma_semaphore, #tpu.memory_space<semaphore_mem>>) src(%dma_wait3A_53 : memref<10000x128xf32, #tpu.memory_space<hbm>>) dst(%arg8 : memref<128x128xf32, #tpu.memory_space<vmem>>)
      %scan3A_54 = arith.constant 0 : i32
      %scan3A_55 = arith.constant 128 : i32
      %scan3A_56 = arith.addi %scan3A_54, %scan3A_55 : i32
      %scan3A_57 = arith.constant 1 : i32
      scf.for %scan3A_59 = %scan3A_54 to %scan3A_56 step %scan3A_57  : i32 {
        %mul3A_60 = arith.constant 1 : i32
        %mul3A_61 = arith.muli %scan3A_59, %mul3A_60 : i32
        %add3A_62 = arith.constant 0 : i32
        %add3A_63 = arith.addi %add3A_62, %mul3A_61 : i32
        %get3A = arith.index_cast %add3A_63 : i32 to index
        %get3A_64 = arith.constant 0 : index
        %get3A_65 = tpu.vector_load %arg8[%get3A, %get3A_64] {strides = array<i32>} : memref<128x128xf32, #tpu.memory_space<vmem>>, vector<1x16xf32>,
        %get3A_66 = vector.shape_cast %get3A_65 : vector<1x16xf32> to vector<16xf32>
        %get3A_67 = arith.index_cast %add3A_63 : i32 to index
        %get3A_68 = arith.constant 0 : index
        %get3A_69 = tpu.vector_load %arg9[%get3A_67, %get3A_68] {strides = array<i32>} : memref<128x128xf32, #tpu.memory_space<vmem>>, vector<1x16xf32>,
        %get3A_70 = vector.shape_cast %get3A_69 : vector<1x16xf32> to vector<16xf32>
        %add3A_71 = arith.addf %get3A_66, %get3A_70 : vector<16xf32>
        %max3A = arith.constant 0.000000e+00 : f32
        %max3A_72 = vector.broadcast %max3A : f32 to vector<16xf32>
        %max3A_73 = arith.maximumf %add3A_71, %max3A_72 : vector<16xf32>
        %swap3A = arith.index_cast %add3A_63 : i32 to index
        %swap3A_74 = arith.constant 0 : index
        %swap3A_75 = tpu.vector_load %arg8[%swap3A, %swap3A_74] {strides = array<i32>} : memref<128x128xf32, #tpu.memory_space<vmem>>, vector<1x16xf32>,
        %swap3A_76 = vector.shape_cast %swap3A_75 : vector<1x16xf32> to vector<16xf32>
        %swap3A_77 = vector.shape_cast %max3A_73 : vector<16xf32> to vector<1x16xf32>
        tpu.vector_store %arg8[%swap3A, %swap3A_74], %swap3A_77 {strides = array<i32>} : memref<128x128xf32, #tpu.memory_space<vmem>>, vector<1x16xf32>,
        %get3A_78 = arith.index_cast %add3A_63 : i32 to index
        %get3A_79 = arith.constant 16 : index
        %get3A_80 = tpu.vector_load %arg8[%get3A_78, %get3A_79] {strides = array<i32>} : memref<128x128xf32, #tpu.memory_space<vmem>>, vector<1x16xf32>,
        %get3A_81 = vector.shape_cast %get3A_80 : vector<1x16xf32> to vector<16xf32>
        %get3A_82 = arith.index_cast %add3A_63 : i32 to index
        %get3A_83 = arith.constant 16 : index
        %get3A_84 = tpu.vector_load %arg9[%get3A_82, %get3A_83] {strides = array<i32>} : memref<128x128xf32, #tpu.memory_space<vmem>>, vector<1x16xf32>,
        %get3A_85 = vector.shape_cast %get3A_84 : vector<1x16xf32> to vector<16xf32>
        %add3A_86 = arith.addf %get3A_81, %get3A_85 : vector<16xf32>
        %max3A_87 = arith.constant 0.000000e+00 : f32
        %max3A_88 = vector.broadcast %max3A_87 : f32 to vector<16xf32>
        %max3A_89 = arith.maximumf %add3A_86, %max3A_88 : vector<16xf32>
        %swap3A_90 = arith.index_cast %add3A_63 : i32 to index
        %swap3A_91 = arith.constant 16 : index
        %swap3A_92 = tpu.vector_load %arg8[%swap3A_90, %swap3A_91] {strides = array<i32>} : memref<128x128xf32, #tpu.memory_space<vmem>>, vector<1x16xf32>,
        %swap3A_93 = vector.shape_cast %swap3A_92 : vector<1x16xf32> to vector<16xf32>
        %swap3A_94 = vector.shape_cast %max3A_89 : vector<16xf32> to vector<1x16xf32>
        tpu.vector_store %arg8[%swap3A_90, %swap3A_91], %swap3A_94 {strides = array<i32>} : memref<128x128xf32, #tpu.memory_space<vmem>>, vector<1x16xf32>,
        %get3A_95 = arith.index_cast %add3A_63 : i32 to index
        %get3A_96 = arith.constant 32 : index
        %get3A_97 = tpu.vector_load %arg8[%get3A_95, %get3A_96] {strides = array<i32>} : memref<128x128xf32, #tpu.memory_space<vmem>>, vector<1x16xf32>,
        %get3A_98 = vector.shape_cast %get3A_97 : vector<1x16xf32> to vector<16xf32>
        %get3A_99 = arith.index_cast %add3A_63 : i32 to index
        %get3A_100 = arith.constant 32 : index
        %get3A_101 = tpu.vector_load %arg9[%get3A_99, %get3A_100] {strides = array<i32>} : memref<128x128xf32, #tpu.memory_space<vmem>>, vector<1x16xf32>,
        %get3A_102 = vector.shape_cast %get3A_101 : vector<1x16xf32> to vector<16xf32>
        %add3A_103 = arith.addf %get3A_98, %get3A_102 : vector<16xf32>
        %max3A_104 = arith.constant 0.000000e+00 : f32
        %max3A_105 = vector.broadcast %max3A_104 : f32 to vector<16xf32>
        %max3A_106 = arith.maximumf %add3A_103, %max3A_105 : vector<16xf32>
        %swap3A_107 = arith.index_cast %add3A_63 : i32 to index
        %swap3A_108 = arith.constant 32 : index
        %swap3A_109 = tpu.vector_load %arg8[%swap3A_107, %swap3A_108] {strides = array<i32>} : memref<128x128xf32, #tpu.memory_space<vmem>>, vector<1x16xf32>,
        %swap3A_110 = vector.shape_cast %swap3A_109 : vector<1x16xf32> to vector<16xf32>
        %swap3A_111 = vector.shape_cast %max3A_106 : vector<16xf32> to vector<1x16xf32>
        tpu.vector_store %arg8[%swap3A_107, %swap3A_108], %swap3A_111 {strides = array<i32>} : memref<128x128xf32, #tpu.memory_space<vmem>>, vector<1x16xf32>,
        %get3A_112 = arith.index_cast %add3A_63 : i32 to index
        %get3A_113 = arith.constant 48 : index
        %get3A_114 = tpu.vector_load %arg8[%get3A_112, %get3A_113] {strides = array<i32>} : memref<128x128xf32, #tpu.memory_space<vmem>>, vector<1x16xf32>,
        %get3A_115 = vector.shape_cast %get3A_114 : vector<1x16xf32> to vector<16xf32>
        %get3A_116 = arith.index_cast %add3A_63 : i32 to index
        %get3A_117 = arith.constant 48 : index
        %get3A_118 = tpu.vector_load %arg9[%get3A_116, %get3A_117] {strides = array<i32>} : memref<128x128xf32, #tpu.memory_space<vmem>>, vector<1x16xf32>,
        %get3A_119 = vector.shape_cast %get3A_118 : vector<1x16xf32> to vector<16xf32>
        %add3A_120 = arith.addf %get3A_115, %get3A_119 : vector<16xf32>
        %max3A_121 = arith.constant 0.000000e+00 : f32
        %max3A_122 = vector.broadcast %max3A_121 : f32 to vector<16xf32>
        %max3A_123 = arith.maximumf %add3A_120, %max3A_122 : vector<16xf32>
        %swap3A_124 = arith.index_cast %add3A_63 : i32 to index
        %swap3A_125 = arith.constant 48 : index
        %swap3A_126 = tpu.vector_load %arg8[%swap3A_124, %swap3A_125] {strides = array<i32>} : memref<128x128xf32, #tpu.memory_space<vmem>>, vector<1x16xf32>,
        %swap3A_127 = vector.shape_cast %swap3A_126 : vector<1x16xf32> to vector<16xf32>
        %swap3A_128 = vector.shape_cast %max3A_123 : vector<16xf32> to vector<1x16xf32>
        tpu.vector_store %arg8[%swap3A_124, %swap3A_125], %swap3A_128 {strides = array<i32>} : memref<128x128xf32, #tpu.memory_space<vmem>>, vector<1x16xf32>,
        %get3A_129 = arith.index_cast %add3A_63 : i32 to index
        %get3A_130 = arith.constant 64 : index
        %get3A_131 = tpu.vector_load %arg8[%get3A_129, %get3A_130] {strides = array<i32>} : memref<128x128xf32, #tpu.memory_space<vmem>>, vector<1x16xf32>,
        %get3A_132 = vector.shape_cast %get3A_131 : vector<1x16xf32> to vector<16xf32>
        %get3A_133 = arith.index_cast %add3A_63 : i32 to index
        %get3A_134 = arith.constant 64 : index
        %get3A_135 = tpu.vector_load %arg9[%get3A_133, %get3A_134] {strides = array<i32>} : memref<128x128xf32, #tpu.memory_space<vmem>>, vector<1x16xf32>,
        %get3A_136 = vector.shape_cast %get3A_135 : vector<1x16xf32> to vector<16xf32>
        %add3A_137 = arith.addf %get3A_132, %get3A_136 : vector<16xf32>
        %max3A_138 = arith.constant 0.000000e+00 : f32
        %max3A_139 = vector.broadcast %max3A_138 : f32 to vector<16xf32>
        %max3A_140 = arith.maximumf %add3A_137, %max3A_139 : vector<16xf32>
        %swap3A_141 = arith.index_cast %add3A_63 : i32 to index
        %swap3A_142 = arith.constant 64 : index
        %swap3A_143 = tpu.vector_load %arg8[%swap3A_141, %swap3A_142] {strides = array<i32>} : memref<128x128xf32, #tpu.memory_space<vmem>>, vector<1x16xf32>,
        %swap3A_144 = vector.shape_cast %swap3A_143 : vector<1x16xf32> to vector<16xf32>
        %swap3A_145 = vector.shape_cast %max3A_140 : vector<16xf32> to vector<1x16xf32>
        tpu.vector_store %arg8[%swap3A_141, %swap3A_142], %swap3A_145 {strides = array<i32>} : memref<128x128xf32, #tpu.memory_space<vmem>>, vector<1x16xf32>,
        %get3A_146 = arith.index_cast %add3A_63 : i32 to index
        %get3A_147 = arith.constant 80 : index
        %get3A_148 = tpu.vector_load %arg8[%get3A_146, %get3A_147] {strides = array<i32>} : memref<128x128xf32, #tpu.memory_space<vmem>>, vector<1x16xf32>,
        %get3A_149 = vector.shape_cast %get3A_148 : vector<1x16xf32> to vector<16xf32>
        %get3A_150 = arith.index_cast %add3A_63 : i32 to index
        %get3A_151 = arith.constant 80 : index
        %get3A_152 = tpu.vector_load %arg9[%get3A_150, %get3A_151] {strides = array<i32>} : memref<128x128xf32, #tpu.memory_space<vmem>>, vector<1x16xf32>,
        %get3A_153 = vector.shape_cast %get3A_152 : vector<1x16xf32> to vector<16xf32>
        %add3A_154 = arith.addf %get3A_149, %get3A_153 : vector<16xf32>
        %max3A_155 = arith.constant 0.000000e+00 : f32
        %max3A_156 = vector.broadcast %max3A_155 : f32 to vector<16xf32>
        %max3A_157 = arith.maximumf %add3A_154, %max3A_156 : vector<16xf32>
        %swap3A_158 = arith.index_cast %add3A_63 : i32 to index
        %swap3A_159 = arith.constant 80 : index
        %swap3A_160 = tpu.vector_load %arg8[%swap3A_158, %swap3A_159] {strides = array<i32>} : memref<128x128xf32, #tpu.memory_space<vmem>>, vector<1x16xf32>,
        %swap3A_161 = vector.shape_cast %swap3A_160 : vector<1x16xf32> to vector<16xf32>
        %swap3A_162 = vector.shape_cast %max3A_157 : vector<16xf32> to vector<1x16xf32>
        tpu.vector_store %arg8[%swap3A_158, %swap3A_159], %swap3A_162 {strides = array<i32>} : memref<128x128xf32, #tpu.memory_space<vmem>>, vector<1x16xf32>,
        %get3A_163 = arith.index_cast %add3A_63 : i32 to index
        %get3A_164 = arith.constant 96 : index
        %get3A_165 = tpu.vector_load %arg8[%get3A_163, %get3A_164] {strides = array<i32>} : memref<128x128xf32, #tpu.memory_space<vmem>>, vector<1x16xf32>,
        %get3A_166 = vector.shape_cast %get3A_165 : vector<1x16xf32> to vector<16xf32>
        %get3A_167 = arith.index_cast %add3A_63 : i32 to index
        %get3A_168 = arith.constant 96 : index
        %get3A_169 = tpu.vector_load %arg9[%get3A_167, %get3A_168] {strides = array<i32>} : memref<128x128xf32, #tpu.memory_space<vmem>>, vector<1x16xf32>,
        %get3A_170 = vector.shape_cast %get3A_169 : vector<1x16xf32> to vector<16xf32>
        %add3A_171 = arith.addf %get3A_166, %get3A_170 : vector<16xf32>
        %max3A_172 = arith.constant 0.000000e+00 : f32
        %max3A_173 = vector.broadcast %max3A_172 : f32 to vector<16xf32>
        %max3A_174 = arith.maximumf %add3A_171, %max3A_173 : vector<16xf32>
        %swap3A_175 = arith.index_cast %add3A_63 : i32 to index
        %swap3A_176 = arith.constant 96 : index
        %swap3A_177 = tpu.vector_load %arg8[%swap3A_175, %swap3A_176] {strides = array<i32>} : memref<128x128xf32, #tpu.memory_space<vmem>>, vector<1x16xf32>,
        %swap3A_178 = vector.shape_cast %swap3A_177 : vector<1x16xf32> to vector<16xf32>
        %swap3A_179 = vector.shape_cast %max3A_174 : vector<16xf32> to vector<1x16xf32>
        tpu.vector_store %arg8[%swap3A_175, %swap3A_176], %swap3A_179 {strides = array<i32>} : memref<128x128xf32, #tpu.memory_space<vmem>>, vector<1x16xf32>,
        %get3A_180 = arith.index_cast %add3A_63 : i32 to index
        %get3A_181 = arith.constant 112 : index
        %get3A_182 = tpu.vector_load %arg8[%get3A_180, %get3A_181] {strides = array<i32>} : memref<128x128xf32, #tpu.memory_space<vmem>>, vector<1x16xf32>,
        %get3A_183 = vector.shape_cast %get3A_182 : vector<1x16xf32> to vector<16xf32>
        %get3A_184 = arith.index_cast %add3A_63 : i32 to index
        %get3A_185 = arith.constant 112 : index
        %get3A_186 = tpu.vector_load %arg9[%get3A_184, %get3A_185] {strides = array<i32>} : memref<128x128xf32, #tpu.memory_space<vmem>>, vector<1x16xf32>,
        %get3A_187 = vector.shape_cast %get3A_186 : vector<1x16xf32> to vector<16xf32>
        %add3A_188 = arith.addf %get3A_183, %get3A_187 : vector<16xf32>
        %max3A_189 = arith.constant 0.000000e+00 : f32
        %max3A_190 = vector.broadcast %max3A_189 : f32 to vector<16xf32>
        %max3A_191 = arith.maximumf %add3A_188, %max3A_190 : vector<16xf32>
        %swap3A_192 = arith.index_cast %add3A_63 : i32 to index
        %swap3A_193 = arith.constant 112 : index
        %swap3A_194 = tpu.vector_load %arg8[%swap3A_192, %swap3A_193] {strides = array<i32>} : memref<128x128xf32, #tpu.memory_space<vmem>>, vector<1x16xf32>,
        %swap3A_195 = vector.shape_cast %swap3A_194 : vector<1x16xf32> to vector<16xf32>
        %swap3A_196 = vector.shape_cast %max3A_191 : vector<16xf32> to vector<1x16xf32>
        tpu.vector_store %arg8[%swap3A_192, %swap3A_193], %swap3A_196 {strides = array<i32>} : memref<128x128xf32, #tpu.memory_space<vmem>>, vector<1x16xf32>,
      }
      %scan3A_58 = arith.constant 128 : i32
      "tpu.region"() ({
        %run_scoped3A = tpu.sem_alloc : memref<!tpu.dma_semaphore, #tpu.memory_space<semaphore_mem>>
        %dma_start3A_59 = arith.constant 0 : i32
        %dma_start3A_60 = arith.constant 0 : i32
        %dma_start3A_61 = tpu.memref_slice %arg14[%dma_start3A_59, %dma_start3A_60] : memref<10112x128xf32, #tpu.memory_space<vmem_shared>> -> memref<10112x128xf32, #tpu.memory_space<vmem_shared>>
        tpu.enqueue_indirect_dma source(%arg8 : memref<128x128xf32, #tpu.memory_space<vmem>>) target(%dma_start3A_61 : memref<10112x128xf32, #tpu.memory_space<vmem_shared>>) offsets(%arg13 : memref<128xi32, #tpu.memory_space<vmem>>) semaphore(%run_scoped3A : memref<!tpu.dma_semaphore, #tpu.memory_space<semaphore_mem>>) {add = true}
        %dma_wait3A_62 = arith.constant 0 : i32
        %dma_wait3A_63 = arith.constant 0 : i32
        %dma_wait3A_64 = tpu.memref_slice %arg14[%dma_wait3A_62, %dma_wait3A_63] : memref<10112x128xf32, #tpu.memory_space<vmem_shared>> -> memref<10112x128xf32, #tpu.memory_space<vmem_shared>>
        tpu.wait_indirect_dma semaphore(%run_scoped3A : memref<!tpu.dma_semaphore, #tpu.memory_space<semaphore_mem>>) src(%arg8 : memref<128x128xf32, #tpu.memory_space<vmem>>) dst(%dma_wait3A_64 : memref<10112x128xf32, #tpu.memory_space<vmem_shared>>)
        tpu.yield
      }) : () -> ()
    }
    %scan3A_24 = arith.constant 80 : i32
    %barrier3A_25 = arith.constant 0 : index
    tpu.barrier barrier_id(%barrier3A_25)
    %add3A_26 = arith.constant 0 : i32
    %add3A_27 = arith.addi %mul3A_7, %add3A_26 : i32
    "tpu.region"() ({
      %run_scoped3A = tpu.sem_alloc : memref<!tpu.dma_semaphore, #tpu.memory_space<semaphore_mem>>
      %dma_start3A = arith.constant 0 : i32
      %dma_start3A_36 = tpu.memref_slice %arg14[%add3A_27, %dma_start3A] : memref<10112x128xf32, #tpu.memory_space<vmem_shared>> -> memref<128x128xf32, #tpu.memory_space<vmem_shared>>
      %dma_start3A_37 = arith.constant 0 : i32
      %dma_start3A_38 = tpu.memref_slice %arg14[%add3A_27, %dma_start3A_37] : memref<10112x128xf32, #tpu.memory_space<vmem_shared>> -> memref<128x128xf32, #tpu.memory_space<vmem_shared>>
      tpu.enqueue_dma source(%dma_start3A_38 : memref<128x128xf32, #tpu.memory_space<vmem_shared>>) target(%arg8 : memref<128x128xf32, #tpu.memory_space<vmem>>) target_semaphore(%run_scoped3A : memref<!tpu.dma_semaphore, #tpu.memory_space<semaphore_mem>>)
      %dma_wait3A = arith.constant 0 : i32
      %dma_wait3A_39 = tpu.memref_slice %arg14[%add3A_27, %dma_wait3A] : memref<10112x128xf32, #tpu.memory_space<vmem_shared>> -> memref<128x128xf32, #tpu.memory_space<vmem_shared>>
      %dma_wait3A_40 = arith.constant 0 : i32
      %dma_wait3A_41 = tpu.memref_slice %arg14[%add3A_27, %dma_wait3A_40] : memref<10112x128xf32, #tpu.memory_space<vmem_shared>> -> memref<128x128xf32, #tpu.memory_space<vmem_shared>>
      tpu.wait_dma2 semaphore(%run_scoped3A : memref<!tpu.dma_semaphore, #tpu.memory_space<semaphore_mem>>) src(%dma_wait3A_41 : memref<128x128xf32, #tpu.memory_space<vmem_shared>>) dst(%arg8 : memref<128x128xf32, #tpu.memory_space<vmem>>)
      tpu.yield
    }) : () -> ()
    "tpu.region"() ({
      %run_scoped3A = tpu.sem_alloc : memref<!tpu.dma_semaphore, #tpu.memory_space<semaphore_mem>>
      %dma_start3A = arith.constant 0 : i32
      %dma_start3A_36 = tpu.memref_slice %arg7[%arg0, %add3A_27, %dma_start3A] : memref<2x10112x128xf32, #tpu.memory_space<hbm>> -> memref<1x128x128xf32, #tpu.memory_space<hbm>>
      %dma_start3A_37 = tpu.memref_squeeze %dma_start3A_36 : memref<1x128x128xf32, #tpu.memory_space<hbm>> -> memref<128x128xf32, #tpu.memory_space<hbm>>
      %dma_start3A_38 = arith.constant 0 : i32
      %dma_start3A_39 = tpu.memref_slice %arg7[%arg0, %add3A_27, %dma_start3A_38] : memref<2x10112x128xf32, #tpu.memory_space<hbm>> -> memref<1x128x128xf32, #tpu.memory_space<hbm>>
      %dma_start3A_40 = tpu.memref_squeeze %dma_start3A_39 : memref<1x128x128xf32, #tpu.memory_space<hbm>> -> memref<128x128xf32, #tpu.memory_space<hbm>>
      tpu.enqueue_dma source(%arg8 : memref<128x128xf32, #tpu.memory_space<vmem>>) target(%dma_start3A_40 : memref<128x128xf32, #tpu.memory_space<hbm>>) target_semaphore(%run_scoped3A : memref<!tpu.dma_semaphore, #tpu.memory_space<semaphore_mem>>)
      %dma_wait3A = arith.constant 0 : i32
      %dma_wait3A_41 = tpu.memref_slice %arg7[%arg0, %add3A_27, %dma_wait3A] : memref<2x10112x128xf32, #tpu.memory_space<hbm>> -> memref<1x128x128xf32, #tpu.memory_space<hbm>>
      %dma_wait3A_42 = tpu.memref_squeeze %dma_wait3A_41 : memref<1x128x128xf32, #tpu.memory_space<hbm>> -> memref<128x128xf32, #tpu.memory_space<hbm>>
      %dma_wait3A_43 = arith.constant 0 : i32
      %dma_wait3A_44 = tpu.memref_slice %arg7[%arg0, %add3A_27, %dma_wait3A_43] : memref<2x10112x128xf32, #tpu.memory_space<hbm>> -> memref<1x128x128xf32, #tpu.memory_space<hbm>>
      %dma_wait3A_45 = tpu.memref_squeeze %dma_wait3A_44 : memref<1x128x128xf32, #tpu.memory_space<hbm>> -> memref<128x128xf32, #tpu.memory_space<hbm>>
      tpu.wait_dma2 semaphore(%run_scoped3A : memref<!tpu.dma_semaphore, #tpu.memory_space<semaphore_mem>>) src(%arg8 : memref<128x128xf32, #tpu.memory_space<vmem>>) dst(%dma_wait3A_45 : memref<128x128xf32, #tpu.memory_space<hbm>>)
      tpu.yield
    }) : () -> ()
    %add3A_28 = arith.constant 128 : i32
    %add3A_29 = arith.addi %mul3A_7, %add3A_28 : i32
    "tpu.region"() ({
      %run_scoped3A = tpu.sem_alloc : memref<!tpu.dma_semaphore, #tpu.memory_space<semaphore_mem>>
      %dma_start3A = arith.constant 0 : i32
      %dma_start3A_36 = tpu.memref_slice %arg14[%add3A_29, %dma_start3A] : memref<10112x128xf32, #tpu.memory_space<vmem_shared>> -> memref<128x128xf32, #tpu.memory_space<vmem_shared>>
      %dma_start3A_37 = arith.constant 0 : i32
      %dma_start3A_38 = tpu.memref_slice %arg14[%add3A_29, %dma_start3A_37] : memref<10112x128xf32, #tpu.memory_space<vmem_shared>> -> memref<128x128xf32, #tpu.memory_space<vmem_shared>>
      tpu.enqueue_dma source(%dma_start3A_38 : memref<128x128xf32, #tpu.memory_space<vmem_shared>>) target(%arg8 : memref<128x128xf32, #tpu.memory_space<vmem>>) target_semaphore(%run_scoped3A : memref<!tpu.dma_semaphore, #tpu.memory_space<semaphore_mem>>)
      %dma_wait3A = arith.constant 0 : i32
      %dma_wait3A_39 = tpu.memref_slice %arg14[%add3A_29, %dma_wait3A] : memref<10112x128xf32, #tpu.memory_space<vmem_shared>> -> memref<128x128xf32, #tpu.memory_space<vmem_shared>>
      %dma_wait3A_40 = arith.constant 0 : i32
      %dma_wait3A_41 = tpu.memref_slice %arg14[%add3A_29, %dma_wait3A_40] : memref<10112x128xf32, #tpu.memory_space<vmem_shared>> -> memref<128x128xf32, #tpu.memory_space<vmem_shared>>
      tpu.wait_dma2 semaphore(%run_scoped3A : memref<!tpu.dma_semaphore, #tpu.memory_space<semaphore_mem>>) src(%dma_wait3A_41 : memref<128x128xf32, #tpu.memory_space<vmem_shared>>) dst(%arg8 : memref<128x128xf32, #tpu.memory_space<vmem>>)
      tpu.yield
    }) : () -> ()
    "tpu.region"() ({
      %run_scoped3A = tpu.sem_alloc : memref<!tpu.dma_semaphore, #tpu.memory_space<semaphore_mem>>
      %dma_start3A = arith.constant 0 : i32
      %dma_start3A_36 = tpu.memref_slice %arg7[%arg0, %add3A_29, %dma_start3A] : memref<2x10112x128xf32, #tpu.memory_space<hbm>> -> memref<1x128x128xf32, #tpu.memory_space<hbm>>
      %dma_start3A_37 = tpu.memref_squeeze %dma_start3A_36 : memref<1x128x128xf32, #tpu.memory_space<hbm>> -> memref<128x128xf32, #tpu.memory_space<hbm>>
      %dma_start3A_38 = arith.constant 0 : i32
      %dma_start3A_39 = tpu.memref_slice %arg7[%arg0, %add3A_29, %dma_start3A_38] : memref<2x10112x128xf32, #tpu.memory_space<hbm>> -> memref<1x128x128xf32, #tpu.memory_space<hbm>>
      %dma_start3A_40 = tpu.memref_squeeze %dma_start3A_39 : memref<1x128x128xf32, #tpu.memory_space<hbm>> -> memref<128x128xf32, #tpu.memory_space<hbm>>
      tpu.enqueue_dma source(%arg8 : memref<128x128xf32, #tpu.memory_space<vmem>>) target(%dma_start3A_40 : memref<128x128xf32, #tpu.memory_space<hbm>>) target_semaphore(%run_scoped3A : memref<!tpu.dma_semaphore, #tpu.memory_space<semaphore_mem>>)
      %dma_wait3A = arith.constant 0 : i32
      %dma_wait3A_41 = tpu.memref_slice %arg7[%arg0, %add3A_29, %dma_wait3A] : memref<2x10112x128xf32, #tpu.memory_space<hbm>> -> memref<1x128x128xf32, #tpu.memory_space<hbm>>
      %dma_wait3A_42 = tpu.memref_squeeze %dma_wait3A_41 : memref<1x128x128xf32, #tpu.memory_space<hbm>> -> memref<128x128xf32, #tpu.memory_space<hbm>>
      %dma_wait3A_43 = arith.constant 0 : i32
      %dma_wait3A_44 = tpu.memref_slice %arg7[%arg0, %add3A_29, %dma_wait3A_43] : memref<2x10112x128xf32, #tpu.memory_space<hbm>> -> memref<1x128x128xf32, #tpu.memory_space<hbm>>
      %dma_wait3A_45 = tpu.memref_squeeze %dma_wait3A_44 : memref<1x128x128xf32, #tpu.memory_space<hbm>> -> memref<128x128xf32, #tpu.memory_space<hbm>>
      tpu.wait_dma2 semaphore(%run_scoped3A : memref<!tpu.dma_semaphore, #tpu.memory_space<semaphore_mem>>) src(%arg8 : memref<128x128xf32, #tpu.memory_space<vmem>>) dst(%dma_wait3A_45 : memref<128x128xf32, #tpu.memory_space<hbm>>)
      tpu.yield
    }) : () -> ()
    %add3A_30 = arith.constant 256 : i32
    %add3A_31 = arith.addi %mul3A_7, %add3A_30 : i32
    "tpu.region"() ({
      %run_scoped3A = tpu.sem_alloc : memref<!tpu.dma_semaphore, #tpu.memory_space<semaphore_mem>>
      %dma_start3A = arith.constant 0 : i32
      %dma_start3A_36 = tpu.memref_slice %arg14[%add3A_31, %dma_start3A] : memref<10112x128xf32, #tpu.memory_space<vmem_shared>> -> memref<128x128xf32, #tpu.memory_space<vmem_shared>>
      %dma_start3A_37 = arith.constant 0 : i32
      %dma_start3A_38 = tpu.memref_slice %arg14[%add3A_31, %dma_start3A_37] : memref<10112x128xf32, #tpu.memory_space<vmem_shared>> -> memref<128x128xf32, #tpu.memory_space<vmem_shared>>
      tpu.enqueue_dma source(%dma_start3A_38 : memref<128x128xf32, #tpu.memory_space<vmem_shared>>) target(%arg8 : memref<128x128xf32, #tpu.memory_space<vmem>>) target_semaphore(%run_scoped3A : memref<!tpu.dma_semaphore, #tpu.memory_space<semaphore_mem>>)
      %dma_wait3A = arith.constant 0 : i32
      %dma_wait3A_39 = tpu.memref_slice %arg14[%add3A_31, %dma_wait3A] : memref<10112x128xf32, #tpu.memory_space<vmem_shared>> -> memref<128x128xf32, #tpu.memory_space<vmem_shared>>
      %dma_wait3A_40 = arith.constant 0 : i32
      %dma_wait3A_41 = tpu.memref_slice %arg14[%add3A_31, %dma_wait3A_40] : memref<10112x128xf32, #tpu.memory_space<vmem_shared>> -> memref<128x128xf32, #tpu.memory_space<vmem_shared>>
      tpu.wait_dma2 semaphore(%run_scoped3A : memref<!tpu.dma_semaphore, #tpu.memory_space<semaphore_mem>>) src(%dma_wait3A_41 : memref<128x128xf32, #tpu.memory_space<vmem_shared>>) dst(%arg8 : memref<128x128xf32, #tpu.memory_space<vmem>>)
      tpu.yield
    }) : () -> ()
    "tpu.region"() ({
      %run_scoped3A = tpu.sem_alloc : memref<!tpu.dma_semaphore, #tpu.memory_space<semaphore_mem>>
      %dma_start3A = arith.constant 0 : i32
      %dma_start3A_36 = tpu.memref_slice %arg7[%arg0, %add3A_31, %dma_start3A] : memref<2x10112x128xf32, #tpu.memory_space<hbm>> -> memref<1x128x128xf32, #tpu.memory_space<hbm>>
      %dma_start3A_37 = tpu.memref_squeeze %dma_start3A_36 : memref<1x128x128xf32, #tpu.memory_space<hbm>> -> memref<128x128xf32, #tpu.memory_space<hbm>>
      %dma_start3A_38 = arith.constant 0 : i32
      %dma_start3A_39 = tpu.memref_slice %arg7[%arg0, %add3A_31, %dma_start3A_38] : memref<2x10112x128xf32, #tpu.memory_space<hbm>> -> memref<1x128x128xf32, #tpu.memory_space<hbm>>
      %dma_start3A_40 = tpu.memref_squeeze %dma_start3A_39 : memref<1x128x128xf32, #tpu.memory_space<hbm>> -> memref<128x128xf32, #tpu.memory_space<hbm>>
      tpu.enqueue_dma source(%arg8 : memref<128x128xf32, #tpu.memory_space<vmem>>) target(%dma_start3A_40 : memref<128x128xf32, #tpu.memory_space<hbm>>) target_semaphore(%run_scoped3A : memref<!tpu.dma_semaphore, #tpu.memory_space<semaphore_mem>>)
      %dma_wait3A = arith.constant 0 : i32
      %dma_wait3A_41 = tpu.memref_slice %arg7[%arg0, %add3A_31, %dma_wait3A] : memref<2x10112x128xf32, #tpu.memory_space<hbm>> -> memref<1x128x128xf32, #tpu.memory_space<hbm>>
      %dma_wait3A_42 = tpu.memref_squeeze %dma_wait3A_41 : memref<1x128x128xf32, #tpu.memory_space<hbm>> -> memref<128x128xf32, #tpu.memory_space<hbm>>
      %dma_wait3A_43 = arith.constant 0 : i32
      %dma_wait3A_44 = tpu.memref_slice %arg7[%arg0, %add3A_31, %dma_wait3A_43] : memref<2x10112x128xf32, #tpu.memory_space<hbm>> -> memref<1x128x128xf32, #tpu.memory_space<hbm>>
      %dma_wait3A_45 = tpu.memref_squeeze %dma_wait3A_44 : memref<1x128x128xf32, #tpu.memory_space<hbm>> -> memref<128x128xf32, #tpu.memory_space<hbm>>
      tpu.wait_dma2 semaphore(%run_scoped3A : memref<!tpu.dma_semaphore, #tpu.memory_space<semaphore_mem>>) src(%arg8 : memref<128x128xf32, #tpu.memory_space<vmem>>) dst(%dma_wait3A_45 : memref<128x128xf32, #tpu.memory_space<hbm>>)
      tpu.yield
    }) : () -> ()
    %add3A_32 = arith.constant 384 : i32
    %add3A_33 = arith.addi %mul3A_7, %add3A_32 : i32
    "tpu.region"() ({
      %run_scoped3A = tpu.sem_alloc : memref<!tpu.dma_semaphore, #tpu.memory_space<semaphore_mem>>
      %dma_start3A = arith.constant 0 : i32
      %dma_start3A_36 = tpu.memref_slice %arg14[%add3A_33, %dma_start3A] : memref<10112x128xf32, #tpu.memory_space<vmem_shared>> -> memref<128x128xf32, #tpu.memory_space<vmem_shared>>
      %dma_start3A_37 = arith.constant 0 : i32
      %dma_start3A_38 = tpu.memref_slice %arg14[%add3A_33, %dma_start3A_37] : memref<10112x128xf32, #tpu.memory_space<vmem_shared>> -> memref<128x128xf32, #tpu.memory_space<vmem_shared>>
      tpu.enqueue_dma source(%dma_start3A_38 : memref<128x128xf32, #tpu.memory_space<vmem_shared>>) target(%arg8 : memref<128x128xf32, #tpu.memory_space<vmem>>) target_semaphore(%run_scoped3A : memref<!tpu.dma_semaphore, #tpu.memory_space<semaphore_mem>>)
      %dma_wait3A = arith.constant 0 : i32
      %dma_wait3A_39 = tpu.memref_slice %arg14[%add3A_33, %dma_wait3A] : memref<10112x128xf32, #tpu.memory_space<vmem_shared>> -> memref<128x128xf32, #tpu.memory_space<vmem_shared>>
      %dma_wait3A_40 = arith.constant 0 : i32
      %dma_wait3A_41 = tpu.memref_slice %arg14[%add3A_33, %dma_wait3A_40] : memref<10112x128xf32, #tpu.memory_space<vmem_shared>> -> memref<128x128xf32, #tpu.memory_space<vmem_shared>>
      tpu.wait_dma2 semaphore(%run_scoped3A : memref<!tpu.dma_semaphore, #tpu.memory_space<semaphore_mem>>) src(%dma_wait3A_41 : memref<128x128xf32, #tpu.memory_space<vmem_shared>>) dst(%arg8 : memref<128x128xf32, #tpu.memory_space<vmem>>)
      tpu.yield
    }) : () -> ()
    "tpu.region"() ({
      %run_scoped3A = tpu.sem_alloc : memref<!tpu.dma_semaphore, #tpu.memory_space<semaphore_mem>>
      %dma_start3A = arith.constant 0 : i32
      %dma_start3A_36 = tpu.memref_slice %arg7[%arg0, %add3A_33, %dma_start3A] : memref<2x10112x128xf32, #tpu.memory_space<hbm>> -> memref<1x128x128xf32, #tpu.memory_space<hbm>>
      %dma_start3A_37 = tpu.memref_squeeze %dma_start3A_36 : memref<1x128x128xf32, #tpu.memory_space<hbm>> -> memref<128x128xf32, #tpu.memory_space<hbm>>
      %dma_start3A_38 = arith.constant 0 : i32
      %dma_start3A_39 = tpu.memref_slice %arg7[%arg0, %add3A_33, %dma_start3A_38] : memref<2x10112x128xf32, #tpu.memory_space<hbm>> -> memref<1x128x128xf32, #tpu.memory_space<hbm>>
      %dma_start3A_40 = tpu.memref_squeeze %dma_start3A_39 : memref<1x128x128xf32, #tpu.memory_space<hbm>> -> memref<128x128xf32, #tpu.memory_space<hbm>>
      tpu.enqueue_dma source(%arg8 : memref<128x128xf32, #tpu.memory_space<vmem>>) target(%dma_start3A_40 : memref<128x128xf32, #tpu.memory_space<hbm>>) target_semaphore(%run_scoped3A : memref<!tpu.dma_semaphore, #tpu.memory_space<semaphore_mem>>)
      %dma_wait3A = arith.constant 0 : i32
      %dma_wait3A_41 = tpu.memref_slice %arg7[%arg0, %add3A_33, %dma_wait3A] : memref<2x10112x128xf32, #tpu.memory_space<hbm>> -> memref<1x128x128xf32, #tpu.memory_space<hbm>>
      %dma_wait3A_42 = tpu.memref_squeeze %dma_wait3A_41 : memref<1x128x128xf32, #tpu.memory_space<hbm>> -> memref<128x128xf32, #tpu.memory_space<hbm>>
      %dma_wait3A_43 = arith.constant 0 : i32
      %dma_wait3A_44 = tpu.memref_slice %arg7[%arg0, %add3A_33, %dma_wait3A_43] : memref<2x10112x128xf32, #tpu.memory_space<hbm>> -> memref<1x128x128xf32, #tpu.memory_space<hbm>>
      %dma_wait3A_45 = tpu.memref_squeeze %dma_wait3A_44 : memref<1x128x128xf32, #tpu.memory_space<hbm>> -> memref<128x128xf32, #tpu.memory_space<hbm>>
      tpu.wait_dma2 semaphore(%run_scoped3A : memref<!tpu.dma_semaphore, #tpu.memory_space<semaphore_mem>>) src(%arg8 : memref<128x128xf32, #tpu.memory_space<vmem>>) dst(%dma_wait3A_45 : memref<128x128xf32, #tpu.memory_space<hbm>>)
      tpu.yield
    }) : () -> ()
    %add3A_34 = arith.constant 512 : i32
    %add3A_35 = arith.addi %mul3A_7, %add3A_34 : i32
    "tpu.region"() ({
      %run_scoped3A = tpu.sem_alloc : memref<!tpu.dma_semaphore, #tpu.memory_space<semaphore_mem>>
      %dma_start3A = arith.constant 0 : i32
      %dma_start3A_36 = arith.constant 0 : i32
      %dma_start3A_37 = tpu.memref_slice %arg8[%dma_start3A, %dma_start3A_36] : memref<128x128xf32, #tpu.memory_space<vmem>> -> memref<120x128xf32, #tpu.memory_space<vmem>>
      %dma_start3A_38 = arith.constant 0 : i32
      %dma_start3A_39 = tpu.memref_slice %arg14[%add3A_35, %dma_start3A_38] : memref<10112x128xf32, #tpu.memory_space<vmem_shared>> -> memref<120x128xf32, #tpu.memory_space<vmem_shared>>
      %dma_start3A_40 = arith.constant 0 : i32
      %dma_start3A_41 = arith.constant 0 : i32
      %dma_start3A_42 = tpu.memref_slice %arg8[%dma_start3A_40, %dma_start3A_41] : memref<128x128xf32, #tpu.memory_space<vmem>> -> memref<120x128xf32, #tpu.memory_space<vmem>>
      %dma_start3A_43 = arith.constant 0 : i32
      %dma_start3A_44 = tpu.memref_slice %arg14[%add3A_35, %dma_start3A_43] : memref<10112x128xf32, #tpu.memory_space<vmem_shared>> -> memref<120x128xf32, #tpu.memory_space<vmem_shared>>
      tpu.enqueue_dma source(%dma_start3A_44 : memref<120x128xf32, #tpu.memory_space<vmem_shared>>) target(%dma_start3A_42 : memref<120x128xf32, #tpu.memory_space<vmem>>) target_semaphore(%run_scoped3A : memref<!tpu.dma_semaphore, #tpu.memory_space<semaphore_mem>>)
      %dma_wait3A = arith.constant 0 : i32
      %dma_wait3A_45 = arith.constant 0 : i32
      %dma_wait3A_46 = tpu.memref_slice %arg8[%dma_wait3A, %dma_wait3A_45] : memref<128x128xf32, #tpu.memory_space<vmem>> -> memref<120x128xf32, #tpu.memory_space<vmem>>
      %dma_wait3A_47 = arith.constant 0 : i32
      %dma_wait3A_48 = tpu.memref_slice %arg14[%add3A_35, %dma_wait3A_47] : memref<10112x128xf32, #tpu.memory_space<vmem_shared>> -> memref<120x128xf32, #tpu.memory_space<vmem_shared>>
      %dma_wait3A_49 = arith.constant 0 : i32
      %dma_wait3A_50 = arith.constant 0 : i32
      %dma_wait3A_51 = tpu.memref_slice %arg8[%dma_wait3A_49, %dma_wait3A_50] : memref<128x128xf32, #tpu.memory_space<vmem>> -> memref<120x128xf32, #tpu.memory_space<vmem>>
      %dma_wait3A_52 = arith.constant 0 : i32
      %dma_wait3A_53 = tpu.memref_slice %arg14[%add3A_35, %dma_wait3A_52] : memref<10112x128xf32, #tpu.memory_space<vmem_shared>> -> memref<120x128xf32, #tpu.memory_space<vmem_shared>>
      tpu.wait_dma2 semaphore(%run_scoped3A : memref<!tpu.dma_semaphore, #tpu.memory_space<semaphore_mem>>) src(%dma_wait3A_53 : memref<120x128xf32, #tpu.memory_space<vmem_shared>>) dst(%dma_wait3A_51 : memref<120x128xf32, #tpu.memory_space<vmem>>)
      tpu.yield
    }) : () -> ()
    "tpu.region"() ({
      %run_scoped3A = tpu.sem_alloc : memref<!tpu.dma_semaphore, #tpu.memory_space<semaphore_mem>>
      %dma_start3A = arith.constant 0 : i32
      %dma_start3A_36 = arith.constant 0 : i32
      %dma_start3A_37 = tpu.memref_slice %arg8[%dma_start3A, %dma_start3A_36] : memref<128x128xf32, #tpu.memory_space<vmem>> -> memref<120x128xf32, #tpu.memory_space<vmem>>
      %dma_start3A_38 = arith.constant 0 : i32
      %dma_start3A_39 = tpu.memref_slice %arg7[%arg0, %add3A_35, %dma_start3A_38] : memref<2x10112x128xf32, #tpu.memory_space<hbm>> -> memref<1x120x128xf32, #tpu.memory_space<hbm>>
      %dma_start3A_40 = tpu.memref_squeeze %dma_start3A_39 : memref<1x120x128xf32, #tpu.memory_space<hbm>> -> memref<120x128xf32, #tpu.memory_space<hbm>>
      %dma_start3A_41 = arith.constant 0 : i32
      %dma_start3A_42 = tpu.memref_slice %arg7[%arg0, %add3A_35, %dma_start3A_41] : memref<2x10112x128xf32, #tpu.memory_space<hbm>> -> memref<1x120x128xf32, #tpu.memory_space<hbm>>
      %dma_start3A_43 = tpu.memref_squeeze %dma_start3A_42 : memref<1x120x128xf32, #tpu.memory_space<hbm>> -> memref<120x128xf32, #tpu.memory_space<hbm>>
      %dma_start3A_44 = arith.constant 0 : i32
      %dma_start3A_45 = arith.constant 0 : i32
      %dma_start3A_46 = tpu.memref_slice %arg8[%dma_start3A_44, %dma_start3A_45] : memref<128x128xf32, #tpu.memory_space<vmem>> -> memref<120x128xf32, #tpu.memory_space<vmem>>
      tpu.enqueue_dma source(%dma_start3A_46 : memref<120x128xf32, #tpu.memory_space<vmem>>) target(%dma_start3A_43 : memref<120x128xf32, #tpu.memory_space<hbm>>) target_semaphore(%run_scoped3A : memref<!tpu.dma_semaphore, #tpu.memory_space<semaphore_mem>>)
      %dma_wait3A = arith.constant 0 : i32
      %dma_wait3A_47 = arith.constant 0 : i32
      %dma_wait3A_48 = tpu.memref_slice %arg8[%dma_wait3A, %dma_wait3A_47] : memref<128x128xf32, #tpu.memory_space<vmem>> -> memref<120x128xf32, #tpu.memory_space<vmem>>
      %dma_wait3A_49 = arith.constant 0 : i32
      %dma_wait3A_50 = tpu.memref_slice %arg7[%arg0, %add3A_35, %dma_wait3A_49] : memref<2x10112x128xf32, #tpu.memory_space<hbm>> -> memref<1x120x128xf32, #tpu.memory_space<hbm>>
      %dma_wait3A_51 = tpu.memref_squeeze %dma_wait3A_50 : memref<1x120x128xf32, #tpu.memory_space<hbm>> -> memref<120x128xf32, #tpu.memory_space<hbm>>
      %dma_wait3A_52 = arith.constant 0 : i32
      %dma_wait3A_53 = tpu.memref_slice %arg7[%arg0, %add3A_35, %dma_wait3A_52] : memref<2x10112x128xf32, #tpu.memory_space<hbm>> -> memref<1x120x128xf32, #tpu.memory_space<hbm>>
      %dma_wait3A_54 = tpu.memref_squeeze %dma_wait3A_53 : memref<1x120x128xf32, #tpu.memory_space<hbm>> -> memref<120x128xf32, #tpu.memory_space<hbm>>
      %dma_wait3A_55 = arith.constant 0 : i32
      %dma_wait3A_56 = arith.constant 0 : i32
      %dma_wait3A_57 = tpu.memref_slice %arg8[%dma_wait3A_55, %dma_wait3A_56] : memref<128x128xf32, #tpu.memory_space<vmem>> -> memref<120x128xf32, #tpu.memory_space<vmem>>
      tpu.wait_dma2 semaphore(%run_scoped3A : memref<!tpu.dma_semaphore, #tpu.memory_space<semaphore_mem>>) src(%dma_wait3A_57 : memref<120x128xf32, #tpu.memory_space<vmem>>) dst(%dma_wait3A_54 : memref<120x128xf32, #tpu.memory_space<hbm>>)
      tpu.yield
    }) : () -> ()
    return
  }
}

#map = affine_map<(d0, d1) -> (0, 0)>
#map1 = affine_map<(d0, d1) -> (0)>
#map2 = affine_map<(d0, d1) -> (0, 0, 0)>
module attributes {stable_mosaic.version = 14 : i64} {
  func.func @_mp_body(%arg0: i32, %arg1: i32, %arg2: memref<10000x128xf32, #tpu.memory_space<hbm>>, %arg3: memref<16x128xf32, #tpu.memory_space<hbm>>, %arg4: memref<327680xi32, #tpu.memory_space<hbm>>, %arg5: memref<327680xi32, #tpu.memory_space<hbm>>, %arg6: memref<327680xi32, #tpu.memory_space<hbm>>, %arg7: memref<2x10112x128xf32, #tpu.memory_space<hbm>>, %arg8: memref<128x128xf32, #tpu.memory_space<vmem>>, %arg9: memref<128x128xf32, #tpu.memory_space<vmem>>, %arg10: memref<128x128xf32, #tpu.memory_space<vmem>>, %arg11: memref<128xi32, #tpu.memory_space<vmem>>, %arg12: memref<128xi32, #tpu.memory_space<vmem>>, %arg13: memref<128xi32, #tpu.memory_space<vmem>>, %arg14: memref<10112x128xf32, #tpu.memory_space<vmem_shared>>, %arg15: memref<!tpu.dma_semaphore, #tpu.memory_space<semaphore_mem>>, %arg16: memref<!tpu.dma_semaphore, #tpu.memory_space<semaphore_mem>>) attributes {dimension_semantics = [#tpu.dimension_semantics<core_parallel>, #tpu.dimension_semantics<subcore_parallel>], iteration_bounds = array<i64: 2, 16>, scalar_prefetch = 0 : i64, scratch_operands = 9 : i64, tpu.core_type = #tpu.core_type<sc_vector_subcore>, window_params = [{transform_indices = #map}, {transform_indices = #map}, {transform_indices = #map1}, {transform_indices = #map1}, {transform_indices = #map1}, {transform_indices = #map2}]} {
    %mul3A = arith.constant 2 : i32
    %mul3A_0 = arith.muli %arg1, %mul3A : i32
    %add3A = arith.addi %mul3A_0, %arg0 : i32
    %broadcast_in_dim3A = arith.constant 0.000000e+00 : f32
    %broadcast_in_dim3A_1 = vector.broadcast %broadcast_in_dim3A : f32 to vector<16xf32>
    %scan3A = arith.constant 0 : i32
    %scan3A_2 = arith.constant 128 : i32
    %scan3A_3 = arith.addi %scan3A, %scan3A_2 : i32
    %scan3A_4 = arith.constant 1 : i32
    scf.for %scan3A_36 = %scan3A to %scan3A_3 step %scan3A_4  : i32 {
      %mul3A_37 = arith.constant 1 : i32
      %mul3A_38 = arith.muli %scan3A_36, %mul3A_37 : i32
      %add3A_39 = arith.constant 0 : i32
      %add3A_40 = arith.addi %add3A_39, %mul3A_38 : i32
      %swap3A = arith.index_cast %add3A_40 : i32 to index
      %swap3A_41 = arith.constant 0 : index
      %swap3A_42 = tpu.vector_load %arg10[%swap3A, %swap3A_41] {strides = array<i32>} : memref<128x128xf32, #tpu.memory_space<vmem>>, vector<1x16xf32>,
      %swap3A_43 = vector.shape_cast %swap3A_42 : vector<1x16xf32> to vector<16xf32>
      %swap3A_44 = vector.shape_cast %broadcast_in_dim3A_1 : vector<16xf32> to vector<1x16xf32>
      tpu.vector_store %arg10[%swap3A, %swap3A_41], %swap3A_44 {strides = array<i32>} : memref<128x128xf32, #tpu.memory_space<vmem>>, vector<1x16xf32>,
      %swap3A_45 = arith.index_cast %add3A_40 : i32 to index
      %swap3A_46 = arith.constant 16 : index
      %swap3A_47 = tpu.vector_load %arg10[%swap3A_45, %swap3A_46] {strides = array<i32>} : memref<128x128xf32, #tpu.memory_space<vmem>>, vector<1x16xf32>,
      %swap3A_48 = vector.shape_cast %swap3A_47 : vector<1x16xf32> to vector<16xf32>
      %swap3A_49 = vector.shape_cast %broadcast_in_dim3A_1 : vector<16xf32> to vector<1x16xf32>
      tpu.vector_store %arg10[%swap3A_45, %swap3A_46], %swap3A_49 {strides = array<i32>} : memref<128x128xf32, #tpu.memory_space<vmem>>, vector<1x16xf32>,
      %swap3A_50 = arith.index_cast %add3A_40 : i32 to index
      %swap3A_51 = arith.constant 32 : index
      %swap3A_52 = tpu.vector_load %arg10[%swap3A_50, %swap3A_51] {strides = array<i32>} : memref<128x128xf32, #tpu.memory_space<vmem>>, vector<1x16xf32>,
      %swap3A_53 = vector.shape_cast %swap3A_52 : vector<1x16xf32> to vector<16xf32>
      %swap3A_54 = vector.shape_cast %broadcast_in_dim3A_1 : vector<16xf32> to vector<1x16xf32>
      tpu.vector_store %arg10[%swap3A_50, %swap3A_51], %swap3A_54 {strides = array<i32>} : memref<128x128xf32, #tpu.memory_space<vmem>>, vector<1x16xf32>,
      %swap3A_55 = arith.index_cast %add3A_40 : i32 to index
      %swap3A_56 = arith.constant 48 : index
      %swap3A_57 = tpu.vector_load %arg10[%swap3A_55, %swap3A_56] {strides = array<i32>} : memref<128x128xf32, #tpu.memory_space<vmem>>, vector<1x16xf32>,
      %swap3A_58 = vector.shape_cast %swap3A_57 : vector<1x16xf32> to vector<16xf32>
      %swap3A_59 = vector.shape_cast %broadcast_in_dim3A_1 : vector<16xf32> to vector<1x16xf32>
      tpu.vector_store %arg10[%swap3A_55, %swap3A_56], %swap3A_59 {strides = array<i32>} : memref<128x128xf32, #tpu.memory_space<vmem>>, vector<1x16xf32>,
      %swap3A_60 = arith.index_cast %add3A_40 : i32 to index
      %swap3A_61 = arith.constant 64 : index
      %swap3A_62 = tpu.vector_load %arg10[%swap3A_60, %swap3A_61] {strides = array<i32>} : memref<128x128xf32, #tpu.memory_space<vmem>>, vector<1x16xf32>,
      %swap3A_63 = vector.shape_cast %swap3A_62 : vector<1x16xf32> to vector<16xf32>
      %swap3A_64 = vector.shape_cast %broadcast_in_dim3A_1 : vector<16xf32> to vector<1x16xf32>
      tpu.vector_store %arg10[%swap3A_60, %swap3A_61], %swap3A_64 {strides = array<i32>} : memref<128x128xf32, #tpu.memory_space<vmem>>, vector<1x16xf32>,
      %swap3A_65 = arith.index_cast %add3A_40 : i32 to index
      %swap3A_66 = arith.constant 80 : index
      %swap3A_67 = tpu.vector_load %arg10[%swap3A_65, %swap3A_66] {strides = array<i32>} : memref<128x128xf32, #tpu.memory_space<vmem>>, vector<1x16xf32>,
      %swap3A_68 = vector.shape_cast %swap3A_67 : vector<1x16xf32> to vector<16xf32>
      %swap3A_69 = vector.shape_cast %broadcast_in_dim3A_1 : vector<16xf32> to vector<1x16xf32>
      tpu.vector_store %arg10[%swap3A_65, %swap3A_66], %swap3A_69 {strides = array<i32>} : memref<128x128xf32, #tpu.memory_space<vmem>>, vector<1x16xf32>,
      %swap3A_70 = arith.index_cast %add3A_40 : i32 to index
      %swap3A_71 = arith.constant 96 : index
      %swap3A_72 = tpu.vector_load %arg10[%swap3A_70, %swap3A_71] {strides = array<i32>} : memref<128x128xf32, #tpu.memory_space<vmem>>, vector<1x16xf32>,
      %swap3A_73 = vector.shape_cast %swap3A_72 : vector<1x16xf32> to vector<16xf32>
      %swap3A_74 = vector.shape_cast %broadcast_in_dim3A_1 : vector<16xf32> to vector<1x16xf32>
      tpu.vector_store %arg10[%swap3A_70, %swap3A_71], %swap3A_74 {strides = array<i32>} : memref<128x128xf32, #tpu.memory_space<vmem>>, vector<1x16xf32>,
      %swap3A_75 = arith.index_cast %add3A_40 : i32 to index
      %swap3A_76 = arith.constant 112 : index
      %swap3A_77 = tpu.vector_load %arg10[%swap3A_75, %swap3A_76] {strides = array<i32>} : memref<128x128xf32, #tpu.memory_space<vmem>>, vector<1x16xf32>,
      %swap3A_78 = vector.shape_cast %swap3A_77 : vector<1x16xf32> to vector<16xf32>
      %swap3A_79 = vector.shape_cast %broadcast_in_dim3A_1 : vector<16xf32> to vector<1x16xf32>
      tpu.vector_store %arg10[%swap3A_75, %swap3A_76], %swap3A_79 {strides = array<i32>} : memref<128x128xf32, #tpu.memory_space<vmem>>, vector<1x16xf32>,
    }
    %scan3A_5 = arith.constant 128 : i32
    %mul3A_6 = arith.constant 632 : i32
    %mul3A_7 = arith.muli %arg1, %mul3A_6 : i32
    %add3A_8 = arith.constant 0 : i32
    %add3A_9 = arith.addi %mul3A_7, %add3A_8 : i32
    "tpu.region"() ({
      %run_scoped3A = tpu.sem_alloc : memref<!tpu.dma_semaphore, #tpu.memory_space<semaphore_mem>>
      %dma_start3A = arith.constant 0 : i32
      %dma_start3A_36 = tpu.memref_slice %arg14[%add3A_9, %dma_start3A] : memref<10112x128xf32, #tpu.memory_space<vmem_shared>> -> memref<128x128xf32, #tpu.memory_space<vmem_shared>>
      %dma_start3A_37 = arith.constant 0 : i32
      %dma_start3A_38 = tpu.memref_slice %arg14[%add3A_9, %dma_start3A_37] : memref<10112x128xf32, #tpu.memory_space<vmem_shared>> -> memref<128x128xf32, #tpu.memory_space<vmem_shared>>
      tpu.enqueue_dma source(%arg10 : memref<128x128xf32, #tpu.memory_space<vmem>>) target(%dma_start3A_38 : memref<128x128xf32, #tpu.memory_space<vmem_shared>>) target_semaphore(%run_scoped3A : memref<!tpu.dma_semaphore, #tpu.memory_space<semaphore_mem>>)
      %dma_wait3A = arith.constant 0 : i32
      %dma_wait3A_39 = tpu.memref_slice %arg14[%add3A_9, %dma_wait3A] : memref<10112x128xf32, #tpu.memory_space<vmem_shared>> -> memref<128x128xf32, #tpu.memory_space<vmem_shared>>
      %dma_wait3A_40 = arith.constant 0 : i32
      %dma_wait3A_41 = tpu.memref_slice %arg14[%add3A_9, %dma_wait3A_40] : memref<10112x128xf32, #tpu.memory_space<vmem_shared>> -> memref<128x128xf32, #tpu.memory_space<vmem_shared>>
      tpu.wait_dma2 semaphore(%run_scoped3A : memref<!tpu.dma_semaphore, #tpu.memory_space<semaphore_mem>>) src(%arg10 : memref<128x128xf32, #tpu.memory_space<vmem>>) dst(%dma_wait3A_41 : memref<128x128xf32, #tpu.memory_space<vmem_shared>>)
      tpu.yield
    }) : () -> ()
    %add3A_10 = arith.constant 128 : i32
    %add3A_11 = arith.addi %mul3A_7, %add3A_10 : i32
    "tpu.region"() ({
      %run_scoped3A = tpu.sem_alloc : memref<!tpu.dma_semaphore, #tpu.memory_space<semaphore_mem>>
      %dma_start3A = arith.constant 0 : i32
      %dma_start3A_36 = tpu.memref_slice %arg14[%add3A_11, %dma_start3A] : memref<10112x128xf32, #tpu.memory_space<vmem_shared>> -> memref<128x128xf32, #tpu.memory_space<vmem_shared>>
      %dma_start3A_37 = arith.constant 0 : i32
      %dma_start3A_38 = tpu.memref_slice %arg14[%add3A_11, %dma_start3A_37] : memref<10112x128xf32, #tpu.memory_space<vmem_shared>> -> memref<128x128xf32, #tpu.memory_space<vmem_shared>>
      tpu.enqueue_dma source(%arg10 : memref<128x128xf32, #tpu.memory_space<vmem>>) target(%dma_start3A_38 : memref<128x128xf32, #tpu.memory_space<vmem_shared>>) target_semaphore(%run_scoped3A : memref<!tpu.dma_semaphore, #tpu.memory_space<semaphore_mem>>)
      %dma_wait3A = arith.constant 0 : i32
      %dma_wait3A_39 = tpu.memref_slice %arg14[%add3A_11, %dma_wait3A] : memref<10112x128xf32, #tpu.memory_space<vmem_shared>> -> memref<128x128xf32, #tpu.memory_space<vmem_shared>>
      %dma_wait3A_40 = arith.constant 0 : i32
      %dma_wait3A_41 = tpu.memref_slice %arg14[%add3A_11, %dma_wait3A_40] : memref<10112x128xf32, #tpu.memory_space<vmem_shared>> -> memref<128x128xf32, #tpu.memory_space<vmem_shared>>
      tpu.wait_dma2 semaphore(%run_scoped3A : memref<!tpu.dma_semaphore, #tpu.memory_space<semaphore_mem>>) src(%arg10 : memref<128x128xf32, #tpu.memory_space<vmem>>) dst(%dma_wait3A_41 : memref<128x128xf32, #tpu.memory_space<vmem_shared>>)
      tpu.yield
    }) : () -> ()
    %add3A_12 = arith.constant 256 : i32
    %add3A_13 = arith.addi %mul3A_7, %add3A_12 : i32
    "tpu.region"() ({
      %run_scoped3A = tpu.sem_alloc : memref<!tpu.dma_semaphore, #tpu.memory_space<semaphore_mem>>
      %dma_start3A = arith.constant 0 : i32
      %dma_start3A_36 = tpu.memref_slice %arg14[%add3A_13, %dma_start3A] : memref<10112x128xf32, #tpu.memory_space<vmem_shared>> -> memref<128x128xf32, #tpu.memory_space<vmem_shared>>
      %dma_start3A_37 = arith.constant 0 : i32
      %dma_start3A_38 = tpu.memref_slice %arg14[%add3A_13, %dma_start3A_37] : memref<10112x128xf32, #tpu.memory_space<vmem_shared>> -> memref<128x128xf32, #tpu.memory_space<vmem_shared>>
      tpu.enqueue_dma source(%arg10 : memref<128x128xf32, #tpu.memory_space<vmem>>) target(%dma_start3A_38 : memref<128x128xf32, #tpu.memory_space<vmem_shared>>) target_semaphore(%run_scoped3A : memref<!tpu.dma_semaphore, #tpu.memory_space<semaphore_mem>>)
      %dma_wait3A = arith.constant 0 : i32
      %dma_wait3A_39 = tpu.memref_slice %arg14[%add3A_13, %dma_wait3A] : memref<10112x128xf32, #tpu.memory_space<vmem_shared>> -> memref<128x128xf32, #tpu.memory_space<vmem_shared>>
      %dma_wait3A_40 = arith.constant 0 : i32
      %dma_wait3A_41 = tpu.memref_slice %arg14[%add3A_13, %dma_wait3A_40] : memref<10112x128xf32, #tpu.memory_space<vmem_shared>> -> memref<128x128xf32, #tpu.memory_space<vmem_shared>>
      tpu.wait_dma2 semaphore(%run_scoped3A : memref<!tpu.dma_semaphore, #tpu.memory_space<semaphore_mem>>) src(%arg10 : memref<128x128xf32, #tpu.memory_space<vmem>>) dst(%dma_wait3A_41 : memref<128x128xf32, #tpu.memory_space<vmem_shared>>)
      tpu.yield
    }) : () -> ()
    %add3A_14 = arith.constant 384 : i32
    %add3A_15 = arith.addi %mul3A_7, %add3A_14 : i32
    "tpu.region"() ({
      %run_scoped3A = tpu.sem_alloc : memref<!tpu.dma_semaphore, #tpu.memory_space<semaphore_mem>>
      %dma_start3A = arith.constant 0 : i32
      %dma_start3A_36 = tpu.memref_slice %arg14[%add3A_15, %dma_start3A] : memref<10112x128xf32, #tpu.memory_space<vmem_shared>> -> memref<128x128xf32, #tpu.memory_space<vmem_shared>>
      %dma_start3A_37 = arith.constant 0 : i32
      %dma_start3A_38 = tpu.memref_slice %arg14[%add3A_15, %dma_start3A_37] : memref<10112x128xf32, #tpu.memory_space<vmem_shared>> -> memref<128x128xf32, #tpu.memory_space<vmem_shared>>
      tpu.enqueue_dma source(%arg10 : memref<128x128xf32, #tpu.memory_space<vmem>>) target(%dma_start3A_38 : memref<128x128xf32, #tpu.memory_space<vmem_shared>>) target_semaphore(%run_scoped3A : memref<!tpu.dma_semaphore, #tpu.memory_space<semaphore_mem>>)
      %dma_wait3A = arith.constant 0 : i32
      %dma_wait3A_39 = tpu.memref_slice %arg14[%add3A_15, %dma_wait3A] : memref<10112x128xf32, #tpu.memory_space<vmem_shared>> -> memref<128x128xf32, #tpu.memory_space<vmem_shared>>
      %dma_wait3A_40 = arith.constant 0 : i32
      %dma_wait3A_41 = tpu.memref_slice %arg14[%add3A_15, %dma_wait3A_40] : memref<10112x128xf32, #tpu.memory_space<vmem_shared>> -> memref<128x128xf32, #tpu.memory_space<vmem_shared>>
      tpu.wait_dma2 semaphore(%run_scoped3A : memref<!tpu.dma_semaphore, #tpu.memory_space<semaphore_mem>>) src(%arg10 : memref<128x128xf32, #tpu.memory_space<vmem>>) dst(%dma_wait3A_41 : memref<128x128xf32, #tpu.memory_space<vmem_shared>>)
      tpu.yield
    }) : () -> ()
    %add3A_16 = arith.constant 512 : i32
    %add3A_17 = arith.addi %mul3A_7, %add3A_16 : i32
    "tpu.region"() ({
      %run_scoped3A = tpu.sem_alloc : memref<!tpu.dma_semaphore, #tpu.memory_space<semaphore_mem>>
      %dma_start3A = arith.constant 0 : i32
      %dma_start3A_36 = arith.constant 0 : i32
      %dma_start3A_37 = tpu.memref_slice %arg10[%dma_start3A, %dma_start3A_36] : memref<128x128xf32, #tpu.memory_space<vmem>> -> memref<120x128xf32, #tpu.memory_space<vmem>>
      %dma_start3A_38 = arith.constant 0 : i32
      %dma_start3A_39 = tpu.memref_slice %arg14[%add3A_17, %dma_start3A_38] : memref<10112x128xf32, #tpu.memory_space<vmem_shared>> -> memref<120x128xf32, #tpu.memory_space<vmem_shared>>
      %dma_start3A_40 = arith.constant 0 : i32
      %dma_start3A_41 = tpu.memref_slice %arg14[%add3A_17, %dma_start3A_40] : memref<10112x128xf32, #tpu.memory_space<vmem_shared>> -> memref<120x128xf32, #tpu.memory_space<vmem_shared>>
      %dma_start3A_42 = arith.constant 0 : i32
      %dma_start3A_43 = arith.constant 0 : i32
      %dma_start3A_44 = tpu.memref_slice %arg10[%dma_start3A_42, %dma_start3A_43] : memref<128x128xf32, #tpu.memory_space<vmem>> -> memref<120x128xf32, #tpu.memory_space<vmem>>
      tpu.enqueue_dma source(%dma_start3A_44 : memref<120x128xf32, #tpu.memory_space<vmem>>) target(%dma_start3A_41 : memref<120x128xf32, #tpu.memory_space<vmem_shared>>) target_semaphore(%run_scoped3A : memref<!tpu.dma_semaphore, #tpu.memory_space<semaphore_mem>>)
      %dma_wait3A = arith.constant 0 : i32
      %dma_wait3A_45 = arith.constant 0 : i32
      %dma_wait3A_46 = tpu.memref_slice %arg10[%dma_wait3A, %dma_wait3A_45] : memref<128x128xf32, #tpu.memory_space<vmem>> -> memref<120x128xf32, #tpu.memory_space<vmem>>
      %dma_wait3A_47 = arith.constant 0 : i32
      %dma_wait3A_48 = tpu.memref_slice %arg14[%add3A_17, %dma_wait3A_47] : memref<10112x128xf32, #tpu.memory_space<vmem_shared>> -> memref<120x128xf32, #tpu.memory_space<vmem_shared>>
      %dma_wait3A_49 = arith.constant 0 : i32
      %dma_wait3A_50 = tpu.memref_slice %arg14[%add3A_17, %dma_wait3A_49] : memref<10112x128xf32, #tpu.memory_space<vmem_shared>> -> memref<120x128xf32, #tpu.memory_space<vmem_shared>>
      %dma_wait3A_51 = arith.constant 0 : i32
      %dma_wait3A_52 = arith.constant 0 : i32
      %dma_wait3A_53 = tpu.memref_slice %arg10[%dma_wait3A_51, %dma_wait3A_52] : memref<128x128xf32, #tpu.memory_space<vmem>> -> memref<120x128xf32, #tpu.memory_space<vmem>>
      tpu.wait_dma2 semaphore(%run_scoped3A : memref<!tpu.dma_semaphore, #tpu.memory_space<semaphore_mem>>) src(%dma_wait3A_53 : memref<120x128xf32, #tpu.memory_space<vmem>>) dst(%dma_wait3A_50 : memref<120x128xf32, #tpu.memory_space<vmem_shared>>)
      tpu.yield
    }) : () -> ()
    %barrier3A = arith.constant 0 : index
    tpu.barrier barrier_id(%barrier3A)
    %mul3A_18 = arith.constant 10240 : i32
    %mul3A_19 = arith.muli %add3A, %mul3A_18 : i32
    %scan3A_20 = arith.constant 0 : i32
    %scan3A_21 = arith.constant 80 : i32
    %scan3A_22 = arith.addi %scan3A_20, %scan3A_21 : i32
    %scan3A_23 = arith.constant 1 : i32
    scf.for %scan3A_36 = %scan3A_20 to %scan3A_22 step %scan3A_23  : i32 {
      %mul3A_37 = arith.constant 1 : i32
      %mul3A_38 = arith.muli %scan3A_36, %mul3A_37 : i32
      %add3A_39 = arith.constant 0 : i32
      %add3A_40 = arith.addi %add3A_39, %mul3A_38 : i32
      %mul3A_41 = arith.constant 128 : i32
      %mul3A_42 = arith.muli %add3A_40, %mul3A_41 : i32
      %add3A_43 = arith.addi %mul3A_19, %mul3A_42 : i32
      "tpu.region"() ({
        %run_scoped3A = tpu.sem_alloc : memref<!tpu.dma_semaphore, #tpu.memory_space<semaphore_mem>>
        %dma_start3A_59 = tpu.memref_slice %arg4[%add3A_43] : memref<327680xi32, #tpu.memory_space<hbm>> -> memref<128xi32, #tpu.memory_space<hbm>>
        %dma_start3A_60 = tpu.memref_slice %arg4[%add3A_43] : memref<327680xi32, #tpu.memory_space<hbm>> -> memref<128xi32, #tpu.memory_space<hbm>>
        tpu.enqueue_dma source(%dma_start3A_60 : memref<128xi32, #tpu.memory_space<hbm>>) target(%arg11 : memref<128xi32, #tpu.memory_space<vmem>>) target_semaphore(%run_scoped3A : memref<!tpu.dma_semaphore, #tpu.memory_space<semaphore_mem>>)
        %dma_wait3A_61 = tpu.memref_slice %arg4[%add3A_43] : memref<327680xi32, #tpu.memory_space<hbm>> -> memref<128xi32, #tpu.memory_space<hbm>>
        %dma_wait3A_62 = tpu.memref_slice %arg4[%add3A_43] : memref<327680xi32, #tpu.memory_space<hbm>> -> memref<128xi32, #tpu.memory_space<hbm>>
        tpu.wait_dma2 semaphore(%run_scoped3A : memref<!tpu.dma_semaphore, #tpu.memory_space<semaphore_mem>>) src(%dma_wait3A_62 : memref<128xi32, #tpu.memory_space<hbm>>) dst(%arg11 : memref<128xi32, #tpu.memory_space<vmem>>)
        tpu.yield
      }) : () -> ()
      "tpu.region"() ({
        %run_scoped3A = tpu.sem_alloc : memref<!tpu.dma_semaphore, #tpu.memory_space<semaphore_mem>>
        %dma_start3A_59 = tpu.memref_slice %arg5[%add3A_43] : memref<327680xi32, #tpu.memory_space<hbm>> -> memref<128xi32, #tpu.memory_space<hbm>>
        %dma_start3A_60 = tpu.memref_slice %arg5[%add3A_43] : memref<327680xi32, #tpu.memory_space<hbm>> -> memref<128xi32, #tpu.memory_space<hbm>>
        tpu.enqueue_dma source(%dma_start3A_60 : memref<128xi32, #tpu.memory_space<hbm>>) target(%arg12 : memref<128xi32, #tpu.memory_space<vmem>>) target_semaphore(%run_scoped3A : memref<!tpu.dma_semaphore, #tpu.memory_space<semaphore_mem>>)
        %dma_wait3A_61 = tpu.memref_slice %arg5[%add3A_43] : memref<327680xi32, #tpu.memory_space<hbm>> -> memref<128xi32, #tpu.memory_space<hbm>>
        %dma_wait3A_62 = tpu.memref_slice %arg5[%add3A_43] : memref<327680xi32, #tpu.memory_space<hbm>> -> memref<128xi32, #tpu.memory_space<hbm>>
        tpu.wait_dma2 semaphore(%run_scoped3A : memref<!tpu.dma_semaphore, #tpu.memory_space<semaphore_mem>>) src(%dma_wait3A_62 : memref<128xi32, #tpu.memory_space<hbm>>) dst(%arg12 : memref<128xi32, #tpu.memory_space<vmem>>)
        tpu.yield
      }) : () -> ()
      "tpu.region"() ({
        %run_scoped3A = tpu.sem_alloc : memref<!tpu.dma_semaphore, #tpu.memory_space<semaphore_mem>>
        %dma_start3A_59 = tpu.memref_slice %arg6[%add3A_43] : memref<327680xi32, #tpu.memory_space<hbm>> -> memref<128xi32, #tpu.memory_space<hbm>>
        %dma_start3A_60 = tpu.memref_slice %arg6[%add3A_43] : memref<327680xi32, #tpu.memory_space<hbm>> -> memref<128xi32, #tpu.memory_space<hbm>>
        tpu.enqueue_dma source(%dma_start3A_60 : memref<128xi32, #tpu.memory_space<hbm>>) target(%arg13 : memref<128xi32, #tpu.memory_space<vmem>>) target_semaphore(%run_scoped3A : memref<!tpu.dma_semaphore, #tpu.memory_space<semaphore_mem>>)
        %dma_wait3A_61 = tpu.memref_slice %arg6[%add3A_43] : memref<327680xi32, #tpu.memory_space<hbm>> -> memref<128xi32, #tpu.memory_space<hbm>>
        %dma_wait3A_62 = tpu.memref_slice %arg6[%add3A_43] : memref<327680xi32, #tpu.memory_space<hbm>> -> memref<128xi32, #tpu.memory_space<hbm>>
        tpu.wait_dma2 semaphore(%run_scoped3A : memref<!tpu.dma_semaphore, #tpu.memory_space<semaphore_mem>>) src(%dma_wait3A_62 : memref<128xi32, #tpu.memory_space<hbm>>) dst(%arg13 : memref<128xi32, #tpu.memory_space<vmem>>)
        tpu.yield
      }) : () -> ()
      %dma_start3A = arith.constant 0 : i32
      %dma_start3A_44 = arith.constant 0 : i32
      %dma_start3A_45 = tpu.memref_slice %arg3[%dma_start3A, %dma_start3A_44] : memref<16x128xf32, #tpu.memory_space<hbm>> -> memref<16x128xf32, #tpu.memory_space<hbm>>
      tpu.enqueue_indirect_dma source(%dma_start3A_45 : memref<16x128xf32, #tpu.memory_space<hbm>>) target(%arg9 : memref<128x128xf32, #tpu.memory_space<vmem>>) offsets(%arg12 : memref<128xi32, #tpu.memory_space<vmem>>) semaphore(%arg16 : memref<!tpu.dma_semaphore, #tpu.memory_space<semaphore_mem>>)
      %dma_start3A_46 = arith.constant 0 : i32
      %dma_start3A_47 = arith.constant 0 : i32
      %dma_start3A_48 = tpu.memref_slice %arg2[%dma_start3A_46, %dma_start3A_47] : memref<10000x128xf32, #tpu.memory_space<hbm>> -> memref<10000x128xf32, #tpu.memory_space<hbm>>
      tpu.enqueue_indirect_dma source(%dma_start3A_48 : memref<10000x128xf32, #tpu.memory_space<hbm>>) target(%arg8 : memref<128x128xf32, #tpu.memory_space<vmem>>) offsets(%arg11 : memref<128xi32, #tpu.memory_space<vmem>>) semaphore(%arg15 : memref<!tpu.dma_semaphore, #tpu.memory_space<semaphore_mem>>)
      %dma_wait3A = arith.constant 0 : i32
      %dma_wait3A_49 = arith.constant 0 : i32
      %dma_wait3A_50 = tpu.memref_slice %arg3[%dma_wait3A, %dma_wait3A_49] : memref<16x128xf32, #tpu.memory_space<hbm>> -> memref<16x128xf32, #tpu.memory_space<hbm>>
      tpu.wait_indirect_dma semaphore(%arg16 : memref<!tpu.dma_semaphore, #tpu.memory_space<semaphore_mem>>) src(%dma_wait3A_50 : memref<16x128xf32, #tpu.memory_space<hbm>>) dst(%arg9 : memref<128x128xf32, #tpu.memory_space<vmem>>)
      %dma_wait3A_51 = arith.constant 0 : i32
      %dma_wait3A_52 = arith.constant 0 : i32
      %dma_wait3A_53 = tpu.memref_slice %arg2[%dma_wait3A_51, %dma_wait3A_52] : memref<10000x128xf32, #tpu.memory_space<hbm>> -> memref<10000x128xf32, #tpu.memory_space<hbm>>
      tpu.wait_indirect_dma semaphore(%arg15 : memref<!tpu.dma_semaphore, #tpu.memory_space<semaphore_mem>>) src(%dma_wait3A_53 : memref<10000x128xf32, #tpu.memory_space<hbm>>) dst(%arg8 : memref<128x128xf32, #tpu.memory_space<vmem>>)
      %scan3A_54 = arith.constant 0 : i32
      %scan3A_55 = arith.constant 128 : i32
      %scan3A_56 = arith.addi %scan3A_54, %scan3A_55 : i32
      %scan3A_57 = arith.constant 1 : i32
      scf.for %scan3A_59 = %scan3A_54 to %scan3A_56 step %scan3A_57  : i32 {
        %mul3A_60 = arith.constant 1 : i32
        %mul3A_61 = arith.muli %scan3A_59, %mul3A_60 : i32
        %add3A_62 = arith.constant 0 : i32
        %add3A_63 = arith.addi %add3A_62, %mul3A_61 : i32
        %get3A = arith.index_cast %add3A_63 : i32 to index
        %get3A_64 = arith.constant 0 : index
        %get3A_65 = tpu.vector_load %arg8[%get3A, %get3A_64] {strides = array<i32>} : memref<128x128xf32, #tpu.memory_space<vmem>>, vector<1x16xf32>,
        %get3A_66 = vector.shape_cast %get3A_65 : vector<1x16xf32> to vector<16xf32>
        %get3A_67 = arith.index_cast %add3A_63 : i32 to index
        %get3A_68 = arith.constant 0 : index
        %get3A_69 = tpu.vector_load %arg9[%get3A_67, %get3A_68] {strides = array<i32>} : memref<128x128xf32, #tpu.memory_space<vmem>>, vector<1x16xf32>,
        %get3A_70 = vector.shape_cast %get3A_69 : vector<1x16xf32> to vector<16xf32>
        %add3A_71 = arith.addf %get3A_66, %get3A_70 : vector<16xf32>
        %max3A = arith.constant 0.000000e+00 : f32
        %max3A_72 = vector.broadcast %max3A : f32 to vector<16xf32>
        %max3A_73 = arith.maximumf %add3A_71, %max3A_72 : vector<16xf32>
        %swap3A = arith.index_cast %add3A_63 : i32 to index
        %swap3A_74 = arith.constant 0 : index
        %swap3A_75 = tpu.vector_load %arg8[%swap3A, %swap3A_74] {strides = array<i32>} : memref<128x128xf32, #tpu.memory_space<vmem>>, vector<1x16xf32>,
        %swap3A_76 = vector.shape_cast %swap3A_75 : vector<1x16xf32> to vector<16xf32>
        %swap3A_77 = vector.shape_cast %max3A_73 : vector<16xf32> to vector<1x16xf32>
        tpu.vector_store %arg8[%swap3A, %swap3A_74], %swap3A_77 {strides = array<i32>} : memref<128x128xf32, #tpu.memory_space<vmem>>, vector<1x16xf32>,
        %get3A_78 = arith.index_cast %add3A_63 : i32 to index
        %get3A_79 = arith.constant 16 : index
        %get3A_80 = tpu.vector_load %arg8[%get3A_78, %get3A_79] {strides = array<i32>} : memref<128x128xf32, #tpu.memory_space<vmem>>, vector<1x16xf32>,
        %get3A_81 = vector.shape_cast %get3A_80 : vector<1x16xf32> to vector<16xf32>
        %get3A_82 = arith.index_cast %add3A_63 : i32 to index
        %get3A_83 = arith.constant 16 : index
        %get3A_84 = tpu.vector_load %arg9[%get3A_82, %get3A_83] {strides = array<i32>} : memref<128x128xf32, #tpu.memory_space<vmem>>, vector<1x16xf32>,
        %get3A_85 = vector.shape_cast %get3A_84 : vector<1x16xf32> to vector<16xf32>
        %add3A_86 = arith.addf %get3A_81, %get3A_85 : vector<16xf32>
        %max3A_87 = arith.constant 0.000000e+00 : f32
        %max3A_88 = vector.broadcast %max3A_87 : f32 to vector<16xf32>
        %max3A_89 = arith.maximumf %add3A_86, %max3A_88 : vector<16xf32>
        %swap3A_90 = arith.index_cast %add3A_63 : i32 to index
        %swap3A_91 = arith.constant 16 : index
        %swap3A_92 = tpu.vector_load %arg8[%swap3A_90, %swap3A_91] {strides = array<i32>} : memref<128x128xf32, #tpu.memory_space<vmem>>, vector<1x16xf32>,
        %swap3A_93 = vector.shape_cast %swap3A_92 : vector<1x16xf32> to vector<16xf32>
        %swap3A_94 = vector.shape_cast %max3A_89 : vector<16xf32> to vector<1x16xf32>
        tpu.vector_store %arg8[%swap3A_90, %swap3A_91], %swap3A_94 {strides = array<i32>} : memref<128x128xf32, #tpu.memory_space<vmem>>, vector<1x16xf32>,
        %get3A_95 = arith.index_cast %add3A_63 : i32 to index
        %get3A_96 = arith.constant 32 : index
        %get3A_97 = tpu.vector_load %arg8[%get3A_95, %get3A_96] {strides = array<i32>} : memref<128x128xf32, #tpu.memory_space<vmem>>, vector<1x16xf32>,
        %get3A_98 = vector.shape_cast %get3A_97 : vector<1x16xf32> to vector<16xf32>
        %get3A_99 = arith.index_cast %add3A_63 : i32 to index
        %get3A_100 = arith.constant 32 : index
        %get3A_101 = tpu.vector_load %arg9[%get3A_99, %get3A_100] {strides = array<i32>} : memref<128x128xf32, #tpu.memory_space<vmem>>, vector<1x16xf32>,
        %get3A_102 = vector.shape_cast %get3A_101 : vector<1x16xf32> to vector<16xf32>
        %add3A_103 = arith.addf %get3A_98, %get3A_102 : vector<16xf32>
        %max3A_104 = arith.constant 0.000000e+00 : f32
        %max3A_105 = vector.broadcast %max3A_104 : f32 to vector<16xf32>
        %max3A_106 = arith.maximumf %add3A_103, %max3A_105 : vector<16xf32>
        %swap3A_107 = arith.index_cast %add3A_63 : i32 to index
        %swap3A_108 = arith.constant 32 : index
        %swap3A_109 = tpu.vector_load %arg8[%swap3A_107, %swap3A_108] {strides = array<i32>} : memref<128x128xf32, #tpu.memory_space<vmem>>, vector<1x16xf32>,
        %swap3A_110 = vector.shape_cast %swap3A_109 : vector<1x16xf32> to vector<16xf32>
        %swap3A_111 = vector.shape_cast %max3A_106 : vector<16xf32> to vector<1x16xf32>
        tpu.vector_store %arg8[%swap3A_107, %swap3A_108], %swap3A_111 {strides = array<i32>} : memref<128x128xf32, #tpu.memory_space<vmem>>, vector<1x16xf32>,
        %get3A_112 = arith.index_cast %add3A_63 : i32 to index
        %get3A_113 = arith.constant 48 : index
        %get3A_114 = tpu.vector_load %arg8[%get3A_112, %get3A_113] {strides = array<i32>} : memref<128x128xf32, #tpu.memory_space<vmem>>, vector<1x16xf32>,
        %get3A_115 = vector.shape_cast %get3A_114 : vector<1x16xf32> to vector<16xf32>
        %get3A_116 = arith.index_cast %add3A_63 : i32 to index
        %get3A_117 = arith.constant 48 : index
        %get3A_118 = tpu.vector_load %arg9[%get3A_116, %get3A_117] {strides = array<i32>} : memref<128x128xf32, #tpu.memory_space<vmem>>, vector<1x16xf32>,
        %get3A_119 = vector.shape_cast %get3A_118 : vector<1x16xf32> to vector<16xf32>
        %add3A_120 = arith.addf %get3A_115, %get3A_119 : vector<16xf32>
        %max3A_121 = arith.constant 0.000000e+00 : f32
        %max3A_122 = vector.broadcast %max3A_121 : f32 to vector<16xf32>
        %max3A_123 = arith.maximumf %add3A_120, %max3A_122 : vector<16xf32>
        %swap3A_124 = arith.index_cast %add3A_63 : i32 to index
        %swap3A_125 = arith.constant 48 : index
        %swap3A_126 = tpu.vector_load %arg8[%swap3A_124, %swap3A_125] {strides = array<i32>} : memref<128x128xf32, #tpu.memory_space<vmem>>, vector<1x16xf32>,
        %swap3A_127 = vector.shape_cast %swap3A_126 : vector<1x16xf32> to vector<16xf32>
        %swap3A_128 = vector.shape_cast %max3A_123 : vector<16xf32> to vector<1x16xf32>
        tpu.vector_store %arg8[%swap3A_124, %swap3A_125], %swap3A_128 {strides = array<i32>} : memref<128x128xf32, #tpu.memory_space<vmem>>, vector<1x16xf32>,
        %get3A_129 = arith.index_cast %add3A_63 : i32 to index
        %get3A_130 = arith.constant 64 : index
        %get3A_131 = tpu.vector_load %arg8[%get3A_129, %get3A_130] {strides = array<i32>} : memref<128x128xf32, #tpu.memory_space<vmem>>, vector<1x16xf32>,
        %get3A_132 = vector.shape_cast %get3A_131 : vector<1x16xf32> to vector<16xf32>
        %get3A_133 = arith.index_cast %add3A_63 : i32 to index
        %get3A_134 = arith.constant 64 : index
        %get3A_135 = tpu.vector_load %arg9[%get3A_133, %get3A_134] {strides = array<i32>} : memref<128x128xf32, #tpu.memory_space<vmem>>, vector<1x16xf32>,
        %get3A_136 = vector.shape_cast %get3A_135 : vector<1x16xf32> to vector<16xf32>
        %add3A_137 = arith.addf %get3A_132, %get3A_136 : vector<16xf32>
        %max3A_138 = arith.constant 0.000000e+00 : f32
        %max3A_139 = vector.broadcast %max3A_138 : f32 to vector<16xf32>
        %max3A_140 = arith.maximumf %add3A_137, %max3A_139 : vector<16xf32>
        %swap3A_141 = arith.index_cast %add3A_63 : i32 to index
        %swap3A_142 = arith.constant 64 : index
        %swap3A_143 = tpu.vector_load %arg8[%swap3A_141, %swap3A_142] {strides = array<i32>} : memref<128x128xf32, #tpu.memory_space<vmem>>, vector<1x16xf32>,
        %swap3A_144 = vector.shape_cast %swap3A_143 : vector<1x16xf32> to vector<16xf32>
        %swap3A_145 = vector.shape_cast %max3A_140 : vector<16xf32> to vector<1x16xf32>
        tpu.vector_store %arg8[%swap3A_141, %swap3A_142], %swap3A_145 {strides = array<i32>} : memref<128x128xf32, #tpu.memory_space<vmem>>, vector<1x16xf32>,
        %get3A_146 = arith.index_cast %add3A_63 : i32 to index
        %get3A_147 = arith.constant 80 : index
        %get3A_148 = tpu.vector_load %arg8[%get3A_146, %get3A_147] {strides = array<i32>} : memref<128x128xf32, #tpu.memory_space<vmem>>, vector<1x16xf32>,
        %get3A_149 = vector.shape_cast %get3A_148 : vector<1x16xf32> to vector<16xf32>
        %get3A_150 = arith.index_cast %add3A_63 : i32 to index
        %get3A_151 = arith.constant 80 : index
        %get3A_152 = tpu.vector_load %arg9[%get3A_150, %get3A_151] {strides = array<i32>} : memref<128x128xf32, #tpu.memory_space<vmem>>, vector<1x16xf32>,
        %get3A_153 = vector.shape_cast %get3A_152 : vector<1x16xf32> to vector<16xf32>
        %add3A_154 = arith.addf %get3A_149, %get3A_153 : vector<16xf32>
        %max3A_155 = arith.constant 0.000000e+00 : f32
        %max3A_156 = vector.broadcast %max3A_155 : f32 to vector<16xf32>
        %max3A_157 = arith.maximumf %add3A_154, %max3A_156 : vector<16xf32>
        %swap3A_158 = arith.index_cast %add3A_63 : i32 to index
        %swap3A_159 = arith.constant 80 : index
        %swap3A_160 = tpu.vector_load %arg8[%swap3A_158, %swap3A_159] {strides = array<i32>} : memref<128x128xf32, #tpu.memory_space<vmem>>, vector<1x16xf32>,
        %swap3A_161 = vector.shape_cast %swap3A_160 : vector<1x16xf32> to vector<16xf32>
        %swap3A_162 = vector.shape_cast %max3A_157 : vector<16xf32> to vector<1x16xf32>
        tpu.vector_store %arg8[%swap3A_158, %swap3A_159], %swap3A_162 {strides = array<i32>} : memref<128x128xf32, #tpu.memory_space<vmem>>, vector<1x16xf32>,
        %get3A_163 = arith.index_cast %add3A_63 : i32 to index
        %get3A_164 = arith.constant 96 : index
        %get3A_165 = tpu.vector_load %arg8[%get3A_163, %get3A_164] {strides = array<i32>} : memref<128x128xf32, #tpu.memory_space<vmem>>, vector<1x16xf32>,
        %get3A_166 = vector.shape_cast %get3A_165 : vector<1x16xf32> to vector<16xf32>
        %get3A_167 = arith.index_cast %add3A_63 : i32 to index
        %get3A_168 = arith.constant 96 : index
        %get3A_169 = tpu.vector_load %arg9[%get3A_167, %get3A_168] {strides = array<i32>} : memref<128x128xf32, #tpu.memory_space<vmem>>, vector<1x16xf32>,
        %get3A_170 = vector.shape_cast %get3A_169 : vector<1x16xf32> to vector<16xf32>
        %add3A_171 = arith.addf %get3A_166, %get3A_170 : vector<16xf32>
        %max3A_172 = arith.constant 0.000000e+00 : f32
        %max3A_173 = vector.broadcast %max3A_172 : f32 to vector<16xf32>
        %max3A_174 = arith.maximumf %add3A_171, %max3A_173 : vector<16xf32>
        %swap3A_175 = arith.index_cast %add3A_63 : i32 to index
        %swap3A_176 = arith.constant 96 : index
        %swap3A_177 = tpu.vector_load %arg8[%swap3A_175, %swap3A_176] {strides = array<i32>} : memref<128x128xf32, #tpu.memory_space<vmem>>, vector<1x16xf32>,
        %swap3A_178 = vector.shape_cast %swap3A_177 : vector<1x16xf32> to vector<16xf32>
        %swap3A_179 = vector.shape_cast %max3A_174 : vector<16xf32> to vector<1x16xf32>
        tpu.vector_store %arg8[%swap3A_175, %swap3A_176], %swap3A_179 {strides = array<i32>} : memref<128x128xf32, #tpu.memory_space<vmem>>, vector<1x16xf32>,
        %get3A_180 = arith.index_cast %add3A_63 : i32 to index
        %get3A_181 = arith.constant 112 : index
        %get3A_182 = tpu.vector_load %arg8[%get3A_180, %get3A_181] {strides = array<i32>} : memref<128x128xf32, #tpu.memory_space<vmem>>, vector<1x16xf32>,
        %get3A_183 = vector.shape_cast %get3A_182 : vector<1x16xf32> to vector<16xf32>
        %get3A_184 = arith.index_cast %add3A_63 : i32 to index
        %get3A_185 = arith.constant 112 : index
        %get3A_186 = tpu.vector_load %arg9[%get3A_184, %get3A_185] {strides = array<i32>} : memref<128x128xf32, #tpu.memory_space<vmem>>, vector<1x16xf32>,
        %get3A_187 = vector.shape_cast %get3A_186 : vector<1x16xf32> to vector<16xf32>
        %add3A_188 = arith.addf %get3A_183, %get3A_187 : vector<16xf32>
        %max3A_189 = arith.constant 0.000000e+00 : f32
        %max3A_190 = vector.broadcast %max3A_189 : f32 to vector<16xf32>
        %max3A_191 = arith.maximumf %add3A_188, %max3A_190 : vector<16xf32>
        %swap3A_192 = arith.index_cast %add3A_63 : i32 to index
        %swap3A_193 = arith.constant 112 : index
        %swap3A_194 = tpu.vector_load %arg8[%swap3A_192, %swap3A_193] {strides = array<i32>} : memref<128x128xf32, #tpu.memory_space<vmem>>, vector<1x16xf32>,
        %swap3A_195 = vector.shape_cast %swap3A_194 : vector<1x16xf32> to vector<16xf32>
        %swap3A_196 = vector.shape_cast %max3A_191 : vector<16xf32> to vector<1x16xf32>
        tpu.vector_store %arg8[%swap3A_192, %swap3A_193], %swap3A_196 {strides = array<i32>} : memref<128x128xf32, #tpu.memory_space<vmem>>, vector<1x16xf32>,
      }
      %scan3A_58 = arith.constant 128 : i32
      "tpu.region"() ({
        %run_scoped3A = tpu.sem_alloc : memref<!tpu.dma_semaphore, #tpu.memory_space<semaphore_mem>>
        %dma_start3A_59 = arith.constant 0 : i32
        %dma_start3A_60 = arith.constant 0 : i32
        %dma_start3A_61 = tpu.memref_slice %arg14[%dma_start3A_59, %dma_start3A_60] : memref<10112x128xf32, #tpu.memory_space<vmem_shared>> -> memref<10112x128xf32, #tpu.memory_space<vmem_shared>>
        tpu.enqueue_indirect_dma source(%arg8 : memref<128x128xf32, #tpu.memory_space<vmem>>) target(%dma_start3A_61 : memref<10112x128xf32, #tpu.memory_space<vmem_shared>>) offsets(%arg13 : memref<128xi32, #tpu.memory_space<vmem>>) semaphore(%run_scoped3A : memref<!tpu.dma_semaphore, #tpu.memory_space<semaphore_mem>>) {add = true}
        %dma_wait3A_62 = arith.constant 0 : i32
        %dma_wait3A_63 = arith.constant 0 : i32
        %dma_wait3A_64 = tpu.memref_slice %arg14[%dma_wait3A_62, %dma_wait3A_63] : memref<10112x128xf32, #tpu.memory_space<vmem_shared>> -> memref<10112x128xf32, #tpu.memory_space<vmem_shared>>
        tpu.wait_indirect_dma semaphore(%run_scoped3A : memref<!tpu.dma_semaphore, #tpu.memory_space<semaphore_mem>>) src(%arg8 : memref<128x128xf32, #tpu.memory_space<vmem>>) dst(%dma_wait3A_64 : memref<10112x128xf32, #tpu.memory_space<vmem_shared>>)
        tpu.yield
      }) : () -> ()
    }
    %scan3A_24 = arith.constant 80 : i32
    %barrier3A_25 = arith.constant 0 : index
    tpu.barrier barrier_id(%barrier3A_25)
    %add3A_26 = arith.constant 0 : i32
    %add3A_27 = arith.addi %mul3A_7, %add3A_26 : i32
    "tpu.region"() ({
      %run_scoped3A = tpu.sem_alloc : memref<!tpu.dma_semaphore, #tpu.memory_space<semaphore_mem>>
      %dma_start3A = arith.constant 0 : i32
      %dma_start3A_36 = tpu.memref_slice %arg14[%add3A_27, %dma_start3A] : memref<10112x128xf32, #tpu.memory_space<vmem_shared>> -> memref<128x128xf32, #tpu.memory_space<vmem_shared>>
      %dma_start3A_37 = arith.constant 0 : i32
      %dma_start3A_38 = tpu.memref_slice %arg14[%add3A_27, %dma_start3A_37] : memref<10112x128xf32, #tpu.memory_space<vmem_shared>> -> memref<128x128xf32, #tpu.memory_space<vmem_shared>>
      tpu.enqueue_dma source(%dma_start3A_38 : memref<128x128xf32, #tpu.memory_space<vmem_shared>>) target(%arg8 : memref<128x128xf32, #tpu.memory_space<vmem>>) target_semaphore(%run_scoped3A : memref<!tpu.dma_semaphore, #tpu.memory_space<semaphore_mem>>)
      %dma_wait3A = arith.constant 0 : i32
      %dma_wait3A_39 = tpu.memref_slice %arg14[%add3A_27, %dma_wait3A] : memref<10112x128xf32, #tpu.memory_space<vmem_shared>> -> memref<128x128xf32, #tpu.memory_space<vmem_shared>>
      %dma_wait3A_40 = arith.constant 0 : i32
      %dma_wait3A_41 = tpu.memref_slice %arg14[%add3A_27, %dma_wait3A_40] : memref<10112x128xf32, #tpu.memory_space<vmem_shared>> -> memref<128x128xf32, #tpu.memory_space<vmem_shared>>
      tpu.wait_dma2 semaphore(%run_scoped3A : memref<!tpu.dma_semaphore, #tpu.memory_space<semaphore_mem>>) src(%dma_wait3A_41 : memref<128x128xf32, #tpu.memory_space<vmem_shared>>) dst(%arg8 : memref<128x128xf32, #tpu.memory_space<vmem>>)
      tpu.yield
    }) : () -> ()
    "tpu.region"() ({
      %run_scoped3A = tpu.sem_alloc : memref<!tpu.dma_semaphore, #tpu.memory_space<semaphore_mem>>
      %dma_start3A = arith.constant 0 : i32
      %dma_start3A_36 = tpu.memref_slice %arg7[%arg0, %add3A_27, %dma_start3A] : memref<2x10112x128xf32, #tpu.memory_space<hbm>> -> memref<1x128x128xf32, #tpu.memory_space<hbm>>
      %dma_start3A_37 = tpu.memref_squeeze %dma_start3A_36 : memref<1x128x128xf32, #tpu.memory_space<hbm>> -> memref<128x128xf32, #tpu.memory_space<hbm>>
      %dma_start3A_38 = arith.constant 0 : i32
      %dma_start3A_39 = tpu.memref_slice %arg7[%arg0, %add3A_27, %dma_start3A_38] : memref<2x10112x128xf32, #tpu.memory_space<hbm>> -> memref<1x128x128xf32, #tpu.memory_space<hbm>>
      %dma_start3A_40 = tpu.memref_squeeze %dma_start3A_39 : memref<1x128x128xf32, #tpu.memory_space<hbm>> -> memref<128x128xf32, #tpu.memory_space<hbm>>
      tpu.enqueue_dma source(%arg8 : memref<128x128xf32, #tpu.memory_space<vmem>>) target(%dma_start3A_40 : memref<128x128xf32, #tpu.memory_space<hbm>>) target_semaphore(%run_scoped3A : memref<!tpu.dma_semaphore, #tpu.memory_space<semaphore_mem>>)
      %dma_wait3A = arith.constant 0 : i32
      %dma_wait3A_41 = tpu.memref_slice %arg7[%arg0, %add3A_27, %dma_wait3A] : memref<2x10112x128xf32, #tpu.memory_space<hbm>> -> memref<1x128x128xf32, #tpu.memory_space<hbm>>
      %dma_wait3A_42 = tpu.memref_squeeze %dma_wait3A_41 : memref<1x128x128xf32, #tpu.memory_space<hbm>> -> memref<128x128xf32, #tpu.memory_space<hbm>>
      %dma_wait3A_43 = arith.constant 0 : i32
      %dma_wait3A_44 = tpu.memref_slice %arg7[%arg0, %add3A_27, %dma_wait3A_43] : memref<2x10112x128xf32, #tpu.memory_space<hbm>> -> memref<1x128x128xf32, #tpu.memory_space<hbm>>
      %dma_wait3A_45 = tpu.memref_squeeze %dma_wait3A_44 : memref<1x128x128xf32, #tpu.memory_space<hbm>> -> memref<128x128xf32, #tpu.memory_space<hbm>>
      tpu.wait_dma2 semaphore(%run_scoped3A : memref<!tpu.dma_semaphore, #tpu.memory_space<semaphore_mem>>) src(%arg8 : memref<128x128xf32, #tpu.memory_space<vmem>>) dst(%dma_wait3A_45 : memref<128x128xf32, #tpu.memory_space<hbm>>)
      tpu.yield
    }) : () -> ()
    %add3A_28 = arith.constant 128 : i32
    %add3A_29 = arith.addi %mul3A_7, %add3A_28 : i32
    "tpu.region"() ({
      %run_scoped3A = tpu.sem_alloc : memref<!tpu.dma_semaphore, #tpu.memory_space<semaphore_mem>>
      %dma_start3A = arith.constant 0 : i32
      %dma_start3A_36 = tpu.memref_slice %arg14[%add3A_29, %dma_start3A] : memref<10112x128xf32, #tpu.memory_space<vmem_shared>> -> memref<128x128xf32, #tpu.memory_space<vmem_shared>>
      %dma_start3A_37 = arith.constant 0 : i32
      %dma_start3A_38 = tpu.memref_slice %arg14[%add3A_29, %dma_start3A_37] : memref<10112x128xf32, #tpu.memory_space<vmem_shared>> -> memref<128x128xf32, #tpu.memory_space<vmem_shared>>
      tpu.enqueue_dma source(%dma_start3A_38 : memref<128x128xf32, #tpu.memory_space<vmem_shared>>) target(%arg8 : memref<128x128xf32, #tpu.memory_space<vmem>>) target_semaphore(%run_scoped3A : memref<!tpu.dma_semaphore, #tpu.memory_space<semaphore_mem>>)
      %dma_wait3A = arith.constant 0 : i32
      %dma_wait3A_39 = tpu.memref_slice %arg14[%add3A_29, %dma_wait3A] : memref<10112x128xf32, #tpu.memory_space<vmem_shared>> -> memref<128x128xf32, #tpu.memory_space<vmem_shared>>
      %dma_wait3A_40 = arith.constant 0 : i32
      %dma_wait3A_41 = tpu.memref_slice %arg14[%add3A_29, %dma_wait3A_40] : memref<10112x128xf32, #tpu.memory_space<vmem_shared>> -> memref<128x128xf32, #tpu.memory_space<vmem_shared>>
      tpu.wait_dma2 semaphore(%run_scoped3A : memref<!tpu.dma_semaphore, #tpu.memory_space<semaphore_mem>>) src(%dma_wait3A_41 : memref<128x128xf32, #tpu.memory_space<vmem_shared>>) dst(%arg8 : memref<128x128xf32, #tpu.memory_space<vmem>>)
      tpu.yield
    }) : () -> ()
    "tpu.region"() ({
      %run_scoped3A = tpu.sem_alloc : memref<!tpu.dma_semaphore, #tpu.memory_space<semaphore_mem>>
      %dma_start3A = arith.constant 0 : i32
      %dma_start3A_36 = tpu.memref_slice %arg7[%arg0, %add3A_29, %dma_start3A] : memref<2x10112x128xf32, #tpu.memory_space<hbm>> -> memref<1x128x128xf32, #tpu.memory_space<hbm>>
      %dma_start3A_37 = tpu.memref_squeeze %dma_start3A_36 : memref<1x128x128xf32, #tpu.memory_space<hbm>> -> memref<128x128xf32, #tpu.memory_space<hbm>>
      %dma_start3A_38 = arith.constant 0 : i32
      %dma_start3A_39 = tpu.memref_slice %arg7[%arg0, %add3A_29, %dma_start3A_38] : memref<2x10112x128xf32, #tpu.memory_space<hbm>> -> memref<1x128x128xf32, #tpu.memory_space<hbm>>
      %dma_start3A_40 = tpu.memref_squeeze %dma_start3A_39 : memref<1x128x128xf32, #tpu.memory_space<hbm>> -> memref<128x128xf32, #tpu.memory_space<hbm>>
      tpu.enqueue_dma source(%arg8 : memref<128x128xf32, #tpu.memory_space<vmem>>) target(%dma_start3A_40 : memref<128x128xf32, #tpu.memory_space<hbm>>) target_semaphore(%run_scoped3A : memref<!tpu.dma_semaphore, #tpu.memory_space<semaphore_mem>>)
      %dma_wait3A = arith.constant 0 : i32
      %dma_wait3A_41 = tpu.memref_slice %arg7[%arg0, %add3A_29, %dma_wait3A] : memref<2x10112x128xf32, #tpu.memory_space<hbm>> -> memref<1x128x128xf32, #tpu.memory_space<hbm>>
      %dma_wait3A_42 = tpu.memref_squeeze %dma_wait3A_41 : memref<1x128x128xf32, #tpu.memory_space<hbm>> -> memref<128x128xf32, #tpu.memory_space<hbm>>
      %dma_wait3A_43 = arith.constant 0 : i32
      %dma_wait3A_44 = tpu.memref_slice %arg7[%arg0, %add3A_29, %dma_wait3A_43] : memref<2x10112x128xf32, #tpu.memory_space<hbm>> -> memref<1x128x128xf32, #tpu.memory_space<hbm>>
      %dma_wait3A_45 = tpu.memref_squeeze %dma_wait3A_44 : memref<1x128x128xf32, #tpu.memory_space<hbm>> -> memref<128x128xf32, #tpu.memory_space<hbm>>
      tpu.wait_dma2 semaphore(%run_scoped3A : memref<!tpu.dma_semaphore, #tpu.memory_space<semaphore_mem>>) src(%arg8 : memref<128x128xf32, #tpu.memory_space<vmem>>) dst(%dma_wait3A_45 : memref<128x128xf32, #tpu.memory_space<hbm>>)
      tpu.yield
    }) : () -> ()
    %add3A_30 = arith.constant 256 : i32
    %add3A_31 = arith.addi %mul3A_7, %add3A_30 : i32
    "tpu.region"() ({
      %run_scoped3A = tpu.sem_alloc : memref<!tpu.dma_semaphore, #tpu.memory_space<semaphore_mem>>
      %dma_start3A = arith.constant 0 : i32
      %dma_start3A_36 = tpu.memref_slice %arg14[%add3A_31, %dma_start3A] : memref<10112x128xf32, #tpu.memory_space<vmem_shared>> -> memref<128x128xf32, #tpu.memory_space<vmem_shared>>
      %dma_start3A_37 = arith.constant 0 : i32
      %dma_start3A_38 = tpu.memref_slice %arg14[%add3A_31, %dma_start3A_37] : memref<10112x128xf32, #tpu.memory_space<vmem_shared>> -> memref<128x128xf32, #tpu.memory_space<vmem_shared>>
      tpu.enqueue_dma source(%dma_start3A_38 : memref<128x128xf32, #tpu.memory_space<vmem_shared>>) target(%arg8 : memref<128x128xf32, #tpu.memory_space<vmem>>) target_semaphore(%run_scoped3A : memref<!tpu.dma_semaphore, #tpu.memory_space<semaphore_mem>>)
      %dma_wait3A = arith.constant 0 : i32
      %dma_wait3A_39 = tpu.memref_slice %arg14[%add3A_31, %dma_wait3A] : memref<10112x128xf32, #tpu.memory_space<vmem_shared>> -> memref<128x128xf32, #tpu.memory_space<vmem_shared>>
      %dma_wait3A_40 = arith.constant 0 : i32
      %dma_wait3A_41 = tpu.memref_slice %arg14[%add3A_31, %dma_wait3A_40] : memref<10112x128xf32, #tpu.memory_space<vmem_shared>> -> memref<128x128xf32, #tpu.memory_space<vmem_shared>>
      tpu.wait_dma2 semaphore(%run_scoped3A : memref<!tpu.dma_semaphore, #tpu.memory_space<semaphore_mem>>) src(%dma_wait3A_41 : memref<128x128xf32, #tpu.memory_space<vmem_shared>>) dst(%arg8 : memref<128x128xf32, #tpu.memory_space<vmem>>)
      tpu.yield
    }) : () -> ()
    "tpu.region"() ({
      %run_scoped3A = tpu.sem_alloc : memref<!tpu.dma_semaphore, #tpu.memory_space<semaphore_mem>>
      %dma_start3A = arith.constant 0 : i32
      %dma_start3A_36 = tpu.memref_slice %arg7[%arg0, %add3A_31, %dma_start3A] : memref<2x10112x128xf32, #tpu.memory_space<hbm>> -> memref<1x128x128xf32, #tpu.memory_space<hbm>>
      %dma_start3A_37 = tpu.memref_squeeze %dma_start3A_36 : memref<1x128x128xf32, #tpu.memory_space<hbm>> -> memref<128x128xf32, #tpu.memory_space<hbm>>
      %dma_start3A_38 = arith.constant 0 : i32
      %dma_start3A_39 = tpu.memref_slice %arg7[%arg0, %add3A_31, %dma_start3A_38] : memref<2x10112x128xf32, #tpu.memory_space<hbm>> -> memref<1x128x128xf32, #tpu.memory_space<hbm>>
      %dma_start3A_40 = tpu.memref_squeeze %dma_start3A_39 : memref<1x128x128xf32, #tpu.memory_space<hbm>> -> memref<128x128xf32, #tpu.memory_space<hbm>>
      tpu.enqueue_dma source(%arg8 : memref<128x128xf32, #tpu.memory_space<vmem>>) target(%dma_start3A_40 : memref<128x128xf32, #tpu.memory_space<hbm>>) target_semaphore(%run_scoped3A : memref<!tpu.dma_semaphore, #tpu.memory_space<semaphore_mem>>)
      %dma_wait3A = arith.constant 0 : i32
      %dma_wait3A_41 = tpu.memref_slice %arg7[%arg0, %add3A_31, %dma_wait3A] : memref<2x10112x128xf32, #tpu.memory_space<hbm>> -> memref<1x128x128xf32, #tpu.memory_space<hbm>>
      %dma_wait3A_42 = tpu.memref_squeeze %dma_wait3A_41 : memref<1x128x128xf32, #tpu.memory_space<hbm>> -> memref<128x128xf32, #tpu.memory_space<hbm>>
      %dma_wait3A_43 = arith.constant 0 : i32
      %dma_wait3A_44 = tpu.memref_slice %arg7[%arg0, %add3A_31, %dma_wait3A_43] : memref<2x10112x128xf32, #tpu.memory_space<hbm>> -> memref<1x128x128xf32, #tpu.memory_space<hbm>>
      %dma_wait3A_45 = tpu.memref_squeeze %dma_wait3A_44 : memref<1x128x128xf32, #tpu.memory_space<hbm>> -> memref<128x128xf32, #tpu.memory_space<hbm>>
      tpu.wait_dma2 semaphore(%run_scoped3A : memref<!tpu.dma_semaphore, #tpu.memory_space<semaphore_mem>>) src(%arg8 : memref<128x128xf32, #tpu.memory_space<vmem>>) dst(%dma_wait3A_45 : memref<128x128xf32, #tpu.memory_space<hbm>>)
      tpu.yield
    }) : () -> ()
    %add3A_32 = arith.constant 384 : i32
    %add3A_33 = arith.addi %mul3A_7, %add3A_32 : i32
    "tpu.region"() ({
      %run_scoped3A = tpu.sem_alloc : memref<!tpu.dma_semaphore, #tpu.memory_space<semaphore_mem>>
      %dma_start3A = arith.constant 0 : i32
      %dma_start3A_36 = tpu.memref_slice %arg14[%add3A_33, %dma_start3A] : memref<10112x128xf32, #tpu.memory_space<vmem_shared>> -> memref<128x128xf32, #tpu.memory_space<vmem_shared>>
      %dma_start3A_37 = arith.constant 0 : i32
      %dma_start3A_38 = tpu.memref_slice %arg14[%add3A_33, %dma_start3A_37] : memref<10112x128xf32, #tpu.memory_space<vmem_shared>> -> memref<128x128xf32, #tpu.memory_space<vmem_shared>>
      tpu.enqueue_dma source(%dma_start3A_38 : memref<128x128xf32, #tpu.memory_space<vmem_shared>>) target(%arg8 : memref<128x128xf32, #tpu.memory_space<vmem>>) target_semaphore(%run_scoped3A : memref<!tpu.dma_semaphore, #tpu.memory_space<semaphore_mem>>)
      %dma_wait3A = arith.constant 0 : i32
      %dma_wait3A_39 = tpu.memref_slice %arg14[%add3A_33, %dma_wait3A] : memref<10112x128xf32, #tpu.memory_space<vmem_shared>> -> memref<128x128xf32, #tpu.memory_space<vmem_shared>>
      %dma_wait3A_40 = arith.constant 0 : i32
      %dma_wait3A_41 = tpu.memref_slice %arg14[%add3A_33, %dma_wait3A_40] : memref<10112x128xf32, #tpu.memory_space<vmem_shared>> -> memref<128x128xf32, #tpu.memory_space<vmem_shared>>
      tpu.wait_dma2 semaphore(%run_scoped3A : memref<!tpu.dma_semaphore, #tpu.memory_space<semaphore_mem>>) src(%dma_wait3A_41 : memref<128x128xf32, #tpu.memory_space<vmem_shared>>) dst(%arg8 : memref<128x128xf32, #tpu.memory_space<vmem>>)
      tpu.yield
    }) : () -> ()
    "tpu.region"() ({
      %run_scoped3A = tpu.sem_alloc : memref<!tpu.dma_semaphore, #tpu.memory_space<semaphore_mem>>
      %dma_start3A = arith.constant 0 : i32
      %dma_start3A_36 = tpu.memref_slice %arg7[%arg0, %add3A_33, %dma_start3A] : memref<2x10112x128xf32, #tpu.memory_space<hbm>> -> memref<1x128x128xf32, #tpu.memory_space<hbm>>
      %dma_start3A_37 = tpu.memref_squeeze %dma_start3A_36 : memref<1x128x128xf32, #tpu.memory_space<hbm>> -> memref<128x128xf32, #tpu.memory_space<hbm>>
      %dma_start3A_38 = arith.constant 0 : i32
      %dma_start3A_39 = tpu.memref_slice %arg7[%arg0, %add3A_33, %dma_start3A_38] : memref<2x10112x128xf32, #tpu.memory_space<hbm>> -> memref<1x128x128xf32, #tpu.memory_space<hbm>>
      %dma_start3A_40 = tpu.memref_squeeze %dma_start3A_39 : memref<1x128x128xf32, #tpu.memory_space<hbm>> -> memref<128x128xf32, #tpu.memory_space<hbm>>
      tpu.enqueue_dma source(%arg8 : memref<128x128xf32, #tpu.memory_space<vmem>>) target(%dma_start3A_40 : memref<128x128xf32, #tpu.memory_space<hbm>>) target_semaphore(%run_scoped3A : memref<!tpu.dma_semaphore, #tpu.memory_space<semaphore_mem>>)
      %dma_wait3A = arith.constant 0 : i32
      %dma_wait3A_41 = tpu.memref_slice %arg7[%arg0, %add3A_33, %dma_wait3A] : memref<2x10112x128xf32, #tpu.memory_space<hbm>> -> memref<1x128x128xf32, #tpu.memory_space<hbm>>
      %dma_wait3A_42 = tpu.memref_squeeze %dma_wait3A_41 : memref<1x128x128xf32, #tpu.memory_space<hbm>> -> memref<128x128xf32, #tpu.memory_space<hbm>>
      %dma_wait3A_43 = arith.constant 0 : i32
      %dma_wait3A_44 = tpu.memref_slice %arg7[%arg0, %add3A_33, %dma_wait3A_43] : memref<2x10112x128xf32, #tpu.memory_space<hbm>> -> memref<1x128x128xf32, #tpu.memory_space<hbm>>
      %dma_wait3A_45 = tpu.memref_squeeze %dma_wait3A_44 : memref<1x128x128xf32, #tpu.memory_space<hbm>> -> memref<128x128xf32, #tpu.memory_space<hbm>>
      tpu.wait_dma2 semaphore(%run_scoped3A : memref<!tpu.dma_semaphore, #tpu.memory_space<semaphore_mem>>) src(%arg8 : memref<128x128xf32, #tpu.memory_space<vmem>>) dst(%dma_wait3A_45 : memref<128x128xf32, #tpu.memory_space<hbm>>)
      tpu.yield
    }) : () -> ()
    %add3A_34 = arith.constant 512 : i32
    %add3A_35 = arith.addi %mul3A_7, %add3A_34 : i32
    "tpu.region"() ({
      %run_scoped3A = tpu.sem_alloc : memref<!tpu.dma_semaphore, #tpu.memory_space<semaphore_mem>>
      %dma_start3A = arith.constant 0 : i32
      %dma_start3A_36 = arith.constant 0 : i32
      %dma_start3A_37 = tpu.memref_slice %arg8[%dma_start3A, %dma_start3A_36] : memref<128x128xf32, #tpu.memory_space<vmem>> -> memref<120x128xf32, #tpu.memory_space<vmem>>
      %dma_start3A_38 = arith.constant 0 : i32
      %dma_start3A_39 = tpu.memref_slice %arg14[%add3A_35, %dma_start3A_38] : memref<10112x128xf32, #tpu.memory_space<vmem_shared>> -> memref<120x128xf32, #tpu.memory_space<vmem_shared>>
      %dma_start3A_40 = arith.constant 0 : i32
      %dma_start3A_41 = arith.constant 0 : i32
      %dma_start3A_42 = tpu.memref_slice %arg8[%dma_start3A_40, %dma_start3A_41] : memref<128x128xf32, #tpu.memory_space<vmem>> -> memref<120x128xf32, #tpu.memory_space<vmem>>
      %dma_start3A_43 = arith.constant 0 : i32
      %dma_start3A_44 = tpu.memref_slice %arg14[%add3A_35, %dma_start3A_43] : memref<10112x128xf32, #tpu.memory_space<vmem_shared>> -> memref<120x128xf32, #tpu.memory_space<vmem_shared>>
      tpu.enqueue_dma source(%dma_start3A_44 : memref<120x128xf32, #tpu.memory_space<vmem_shared>>) target(%dma_start3A_42 : memref<120x128xf32, #tpu.memory_space<vmem>>) target_semaphore(%run_scoped3A : memref<!tpu.dma_semaphore, #tpu.memory_space<semaphore_mem>>)
      %dma_wait3A = arith.constant 0 : i32
      %dma_wait3A_45 = arith.constant 0 : i32
      %dma_wait3A_46 = tpu.memref_slice %arg8[%dma_wait3A, %dma_wait3A_45] : memref<128x128xf32, #tpu.memory_space<vmem>> -> memref<120x128xf32, #tpu.memory_space<vmem>>
      %dma_wait3A_47 = arith.constant 0 : i32
      %dma_wait3A_48 = tpu.memref_slice %arg14[%add3A_35, %dma_wait3A_47] : memref<10112x128xf32, #tpu.memory_space<vmem_shared>> -> memref<120x128xf32, #tpu.memory_space<vmem_shared>>
      %dma_wait3A_49 = arith.constant 0 : i32
      %dma_wait3A_50 = arith.constant 0 : i32
      %dma_wait3A_51 = tpu.memref_slice %arg8[%dma_wait3A_49, %dma_wait3A_50] : memref<128x128xf32, #tpu.memory_space<vmem>> -> memref<120x128xf32, #tpu.memory_space<vmem>>
      %dma_wait3A_52 = arith.constant 0 : i32
      %dma_wait3A_53 = tpu.memref_slice %arg14[%add3A_35, %dma_wait3A_52] : memref<10112x128xf32, #tpu.memory_space<vmem_shared>> -> memref<120x128xf32, #tpu.memory_space<vmem_shared>>
      tpu.wait_dma2 semaphore(%run_scoped3A : memref<!tpu.dma_semaphore, #tpu.memory_space<semaphore_mem>>) src(%dma_wait3A_53 : memref<120x128xf32, #tpu.memory_space<vmem_shared>>) dst(%dma_wait3A_51 : memref<120x128xf32, #tpu.memory_space<vmem>>)
      tpu.yield
    }) : () -> ()
    "tpu.region"() ({
      %run_scoped3A = tpu.sem_alloc : memref<!tpu.dma_semaphore, #tpu.memory_space<semaphore_mem>>
      %dma_start3A = arith.constant 0 : i32
      %dma_start3A_36 = arith.constant 0 : i32
      %dma_start3A_37 = tpu.memref_slice %arg8[%dma_start3A, %dma_start3A_36] : memref<128x128xf32, #tpu.memory_space<vmem>> -> memref<120x128xf32, #tpu.memory_space<vmem>>
      %dma_start3A_38 = arith.constant 0 : i32
      %dma_start3A_39 = tpu.memref_slice %arg7[%arg0, %add3A_35, %dma_start3A_38] : memref<2x10112x128xf32, #tpu.memory_space<hbm>> -> memref<1x120x128xf32, #tpu.memory_space<hbm>>
      %dma_start3A_40 = tpu.memref_squeeze %dma_start3A_39 : memref<1x120x128xf32, #tpu.memory_space<hbm>> -> memref<120x128xf32, #tpu.memory_space<hbm>>
      %dma_start3A_41 = arith.constant 0 : i32
      %dma_start3A_42 = tpu.memref_slice %arg7[%arg0, %add3A_35, %dma_start3A_41] : memref<2x10112x128xf32, #tpu.memory_space<hbm>> -> memref<1x120x128xf32, #tpu.memory_space<hbm>>
      %dma_start3A_43 = tpu.memref_squeeze %dma_start3A_42 : memref<1x120x128xf32, #tpu.memory_space<hbm>> -> memref<120x128xf32, #tpu.memory_space<hbm>>
      %dma_start3A_44 = arith.constant 0 : i32
      %dma_start3A_45 = arith.constant 0 : i32
      %dma_start3A_46 = tpu.memref_slice %arg8[%dma_start3A_44, %dma_start3A_45] : memref<128x128xf32, #tpu.memory_space<vmem>> -> memref<120x128xf32, #tpu.memory_space<vmem>>
      tpu.enqueue_dma source(%dma_start3A_46 : memref<120x128xf32, #tpu.memory_space<vmem>>) target(%dma_start3A_43 : memref<120x128xf32, #tpu.memory_space<hbm>>) target_semaphore(%run_scoped3A : memref<!tpu.dma_semaphore, #tpu.memory_space<semaphore_mem>>)
      %dma_wait3A = arith.constant 0 : i32
      %dma_wait3A_47 = arith.constant 0 : i32
      %dma_wait3A_48 = tpu.memref_slice %arg8[%dma_wait3A, %dma_wait3A_47] : memref<128x128xf32, #tpu.memory_space<vmem>> -> memref<120x128xf32, #tpu.memory_space<vmem>>
      %dma_wait3A_49 = arith.constant 0 : i32
      %dma_wait3A_50 = tpu.memref_slice %arg7[%arg0, %add3A_35, %dma_wait3A_49] : memref<2x10112x128xf32, #tpu.memory_space<hbm>> -> memref<1x120x128xf32, #tpu.memory_space<hbm>>
      %dma_wait3A_51 = tpu.memref_squeeze %dma_wait3A_50 : memref<1x120x128xf32, #tpu.memory_space<hbm>> -> memref<120x128xf32, #tpu.memory_space<hbm>>
      %dma_wait3A_52 = arith.constant 0 : i32
      %dma_wait3A_53 = tpu.memref_slice %arg7[%arg0, %add3A_35, %dma_wait3A_52] : memref<2x10112x128xf32, #tpu.memory_space<hbm>> -> memref<1x120x128xf32, #tpu.memory_space<hbm>>
      %dma_wait3A_54 = tpu.memref_squeeze %dma_wait3A_53 : memref<1x120x128xf32, #tpu.memory_space<hbm>> -> memref<120x128xf32, #tpu.memory_space<hbm>>
      %dma_wait3A_55 = arith.constant 0 : i32
      %dma_wait3A_56 = arith.constant 0 : i32
      %dma_wait3A_57 = tpu.memref_slice %arg8[%dma_wait3A_55, %dma_wait3A_56] : memref<128x128xf32, #tpu.memory_space<vmem>> -> memref<120x128xf32, #tpu.memory_space<vmem>>
      tpu.wait_dma2 semaphore(%run_scoped3A : memref<!tpu.dma_semaphore, #tpu.memory_space<semaphore_mem>>) src(%dma_wait3A_57 : memref<120x128xf32, #tpu.memory_space<vmem>>) dst(%dma_wait3A_54 : memref<120x128xf32, #tpu.memory_space<hbm>>)
      tpu.yield
    }) : () -> ()
    return
  }
}

#map = affine_map<(d0, d1) -> (0, 0)>
#map1 = affine_map<(d0, d1) -> (0)>
#map2 = affine_map<(d0, d1) -> (0, 0, 0)>
module attributes {stable_mosaic.version = 14 : i64} {
  func.func @_mp_body(%arg0: i32, %arg1: i32, %arg2: memref<10000x128xf32, #tpu.memory_space<hbm>>, %arg3: memref<16x128xf32, #tpu.memory_space<hbm>>, %arg4: memref<327680xi32, #tpu.memory_space<hbm>>, %arg5: memref<327680xi32, #tpu.memory_space<hbm>>, %arg6: memref<327680xi32, #tpu.memory_space<hbm>>, %arg7: memref<2x10112x128xf32, #tpu.memory_space<hbm>>, %arg8: memref<128x128xf32, #tpu.memory_space<vmem>>, %arg9: memref<128x128xf32, #tpu.memory_space<vmem>>, %arg10: memref<128x128xf32, #tpu.memory_space<vmem>>, %arg11: memref<128xi32, #tpu.memory_space<vmem>>, %arg12: memref<128xi32, #tpu.memory_space<vmem>>, %arg13: memref<128xi32, #tpu.memory_space<vmem>>, %arg14: memref<10112x128xf32, #tpu.memory_space<vmem_shared>>, %arg15: memref<!tpu.dma_semaphore, #tpu.memory_space<semaphore_mem>>, %arg16: memref<!tpu.dma_semaphore, #tpu.memory_space<semaphore_mem>>) attributes {dimension_semantics = [#tpu.dimension_semantics<core_parallel>, #tpu.dimension_semantics<subcore_parallel>], iteration_bounds = array<i64: 2, 16>, scalar_prefetch = 0 : i64, scratch_operands = 9 : i64, tpu.core_type = #tpu.core_type<sc_vector_subcore>, window_params = [{transform_indices = #map}, {transform_indices = #map}, {transform_indices = #map1}, {transform_indices = #map1}, {transform_indices = #map1}, {transform_indices = #map2}]} {
    %mul3A = arith.constant 2 : i32
    %mul3A_0 = arith.muli %arg1, %mul3A : i32
    %add3A = arith.addi %mul3A_0, %arg0 : i32
    %broadcast_in_dim3A = arith.constant 0.000000e+00 : f32
    %broadcast_in_dim3A_1 = vector.broadcast %broadcast_in_dim3A : f32 to vector<16xf32>
    %scan3A = arith.constant 0 : i32
    %scan3A_2 = arith.constant 128 : i32
    %scan3A_3 = arith.addi %scan3A, %scan3A_2 : i32
    %scan3A_4 = arith.constant 1 : i32
    scf.for %scan3A_36 = %scan3A to %scan3A_3 step %scan3A_4  : i32 {
      %mul3A_37 = arith.constant 1 : i32
      %mul3A_38 = arith.muli %scan3A_36, %mul3A_37 : i32
      %add3A_39 = arith.constant 0 : i32
      %add3A_40 = arith.addi %add3A_39, %mul3A_38 : i32
      %swap3A = arith.index_cast %add3A_40 : i32 to index
      %swap3A_41 = arith.constant 0 : index
      %swap3A_42 = tpu.vector_load %arg10[%swap3A, %swap3A_41] {strides = array<i32>} : memref<128x128xf32, #tpu.memory_space<vmem>>, vector<1x16xf32>,
      %swap3A_43 = vector.shape_cast %swap3A_42 : vector<1x16xf32> to vector<16xf32>
      %swap3A_44 = vector.shape_cast %broadcast_in_dim3A_1 : vector<16xf32> to vector<1x16xf32>
      tpu.vector_store %arg10[%swap3A, %swap3A_41], %swap3A_44 {strides = array<i32>} : memref<128x128xf32, #tpu.memory_space<vmem>>, vector<1x16xf32>,
      %swap3A_45 = arith.index_cast %add3A_40 : i32 to index
      %swap3A_46 = arith.constant 16 : index
      %swap3A_47 = tpu.vector_load %arg10[%swap3A_45, %swap3A_46] {strides = array<i32>} : memref<128x128xf32, #tpu.memory_space<vmem>>, vector<1x16xf32>,
      %swap3A_48 = vector.shape_cast %swap3A_47 : vector<1x16xf32> to vector<16xf32>
      %swap3A_49 = vector.shape_cast %broadcast_in_dim3A_1 : vector<16xf32> to vector<1x16xf32>
      tpu.vector_store %arg10[%swap3A_45, %swap3A_46], %swap3A_49 {strides = array<i32>} : memref<128x128xf32, #tpu.memory_space<vmem>>, vector<1x16xf32>,
      %swap3A_50 = arith.index_cast %add3A_40 : i32 to index
      %swap3A_51 = arith.constant 32 : index
      %swap3A_52 = tpu.vector_load %arg10[%swap3A_50, %swap3A_51] {strides = array<i32>} : memref<128x128xf32, #tpu.memory_space<vmem>>, vector<1x16xf32>,
      %swap3A_53 = vector.shape_cast %swap3A_52 : vector<1x16xf32> to vector<16xf32>
      %swap3A_54 = vector.shape_cast %broadcast_in_dim3A_1 : vector<16xf32> to vector<1x16xf32>
      tpu.vector_store %arg10[%swap3A_50, %swap3A_51], %swap3A_54 {strides = array<i32>} : memref<128x128xf32, #tpu.memory_space<vmem>>, vector<1x16xf32>,
      %swap3A_55 = arith.index_cast %add3A_40 : i32 to index
      %swap3A_56 = arith.constant 48 : index
      %swap3A_57 = tpu.vector_load %arg10[%swap3A_55, %swap3A_56] {strides = array<i32>} : memref<128x128xf32, #tpu.memory_space<vmem>>, vector<1x16xf32>,
      %swap3A_58 = vector.shape_cast %swap3A_57 : vector<1x16xf32> to vector<16xf32>
      %swap3A_59 = vector.shape_cast %broadcast_in_dim3A_1 : vector<16xf32> to vector<1x16xf32>
      tpu.vector_store %arg10[%swap3A_55, %swap3A_56], %swap3A_59 {strides = array<i32>} : memref<128x128xf32, #tpu.memory_space<vmem>>, vector<1x16xf32>,
      %swap3A_60 = arith.index_cast %add3A_40 : i32 to index
      %swap3A_61 = arith.constant 64 : index
      %swap3A_62 = tpu.vector_load %arg10[%swap3A_60, %swap3A_61] {strides = array<i32>} : memref<128x128xf32, #tpu.memory_space<vmem>>, vector<1x16xf32>,
      %swap3A_63 = vector.shape_cast %swap3A_62 : vector<1x16xf32> to vector<16xf32>
      %swap3A_64 = vector.shape_cast %broadcast_in_dim3A_1 : vector<16xf32> to vector<1x16xf32>
      tpu.vector_store %arg10[%swap3A_60, %swap3A_61], %swap3A_64 {strides = array<i32>} : memref<128x128xf32, #tpu.memory_space<vmem>>, vector<1x16xf32>,
      %swap3A_65 = arith.index_cast %add3A_40 : i32 to index
      %swap3A_66 = arith.constant 80 : index
      %swap3A_67 = tpu.vector_load %arg10[%swap3A_65, %swap3A_66] {strides = array<i32>} : memref<128x128xf32, #tpu.memory_space<vmem>>, vector<1x16xf32>,
      %swap3A_68 = vector.shape_cast %swap3A_67 : vector<1x16xf32> to vector<16xf32>
      %swap3A_69 = vector.shape_cast %broadcast_in_dim3A_1 : vector<16xf32> to vector<1x16xf32>
      tpu.vector_store %arg10[%swap3A_65, %swap3A_66], %swap3A_69 {strides = array<i32>} : memref<128x128xf32, #tpu.memory_space<vmem>>, vector<1x16xf32>,
      %swap3A_70 = arith.index_cast %add3A_40 : i32 to index
      %swap3A_71 = arith.constant 96 : index
      %swap3A_72 = tpu.vector_load %arg10[%swap3A_70, %swap3A_71] {strides = array<i32>} : memref<128x128xf32, #tpu.memory_space<vmem>>, vector<1x16xf32>,
      %swap3A_73 = vector.shape_cast %swap3A_72 : vector<1x16xf32> to vector<16xf32>
      %swap3A_74 = vector.shape_cast %broadcast_in_dim3A_1 : vector<16xf32> to vector<1x16xf32>
      tpu.vector_store %arg10[%swap3A_70, %swap3A_71], %swap3A_74 {strides = array<i32>} : memref<128x128xf32, #tpu.memory_space<vmem>>, vector<1x16xf32>,
      %swap3A_75 = arith.index_cast %add3A_40 : i32 to index
      %swap3A_76 = arith.constant 112 : index
      %swap3A_77 = tpu.vector_load %arg10[%swap3A_75, %swap3A_76] {strides = array<i32>} : memref<128x128xf32, #tpu.memory_space<vmem>>, vector<1x16xf32>,
      %swap3A_78 = vector.shape_cast %swap3A_77 : vector<1x16xf32> to vector<16xf32>
      %swap3A_79 = vector.shape_cast %broadcast_in_dim3A_1 : vector<16xf32> to vector<1x16xf32>
      tpu.vector_store %arg10[%swap3A_75, %swap3A_76], %swap3A_79 {strides = array<i32>} : memref<128x128xf32, #tpu.memory_space<vmem>>, vector<1x16xf32>,
    }
    %scan3A_5 = arith.constant 128 : i32
    %mul3A_6 = arith.constant 632 : i32
    %mul3A_7 = arith.muli %arg1, %mul3A_6 : i32
    %add3A_8 = arith.constant 0 : i32
    %add3A_9 = arith.addi %mul3A_7, %add3A_8 : i32
    "tpu.region"() ({
      %run_scoped3A = tpu.sem_alloc : memref<!tpu.dma_semaphore, #tpu.memory_space<semaphore_mem>>
      %dma_start3A = arith.constant 0 : i32
      %dma_start3A_36 = tpu.memref_slice %arg14[%add3A_9, %dma_start3A] : memref<10112x128xf32, #tpu.memory_space<vmem_shared>> -> memref<128x128xf32, #tpu.memory_space<vmem_shared>>
      %dma_start3A_37 = arith.constant 0 : i32
      %dma_start3A_38 = tpu.memref_slice %arg14[%add3A_9, %dma_start3A_37] : memref<10112x128xf32, #tpu.memory_space<vmem_shared>> -> memref<128x128xf32, #tpu.memory_space<vmem_shared>>
      tpu.enqueue_dma source(%arg10 : memref<128x128xf32, #tpu.memory_space<vmem>>) target(%dma_start3A_38 : memref<128x128xf32, #tpu.memory_space<vmem_shared>>) target_semaphore(%run_scoped3A : memref<!tpu.dma_semaphore, #tpu.memory_space<semaphore_mem>>)
      %dma_wait3A = arith.constant 0 : i32
      %dma_wait3A_39 = tpu.memref_slice %arg14[%add3A_9, %dma_wait3A] : memref<10112x128xf32, #tpu.memory_space<vmem_shared>> -> memref<128x128xf32, #tpu.memory_space<vmem_shared>>
      %dma_wait3A_40 = arith.constant 0 : i32
      %dma_wait3A_41 = tpu.memref_slice %arg14[%add3A_9, %dma_wait3A_40] : memref<10112x128xf32, #tpu.memory_space<vmem_shared>> -> memref<128x128xf32, #tpu.memory_space<vmem_shared>>
      tpu.wait_dma2 semaphore(%run_scoped3A : memref<!tpu.dma_semaphore, #tpu.memory_space<semaphore_mem>>) src(%arg10 : memref<128x128xf32, #tpu.memory_space<vmem>>) dst(%dma_wait3A_41 : memref<128x128xf32, #tpu.memory_space<vmem_shared>>)
      tpu.yield
    }) : () -> ()
    %add3A_10 = arith.constant 128 : i32
    %add3A_11 = arith.addi %mul3A_7, %add3A_10 : i32
    "tpu.region"() ({
      %run_scoped3A = tpu.sem_alloc : memref<!tpu.dma_semaphore, #tpu.memory_space<semaphore_mem>>
      %dma_start3A = arith.constant 0 : i32
      %dma_start3A_36 = tpu.memref_slice %arg14[%add3A_11, %dma_start3A] : memref<10112x128xf32, #tpu.memory_space<vmem_shared>> -> memref<128x128xf32, #tpu.memory_space<vmem_shared>>
      %dma_start3A_37 = arith.constant 0 : i32
      %dma_start3A_38 = tpu.memref_slice %arg14[%add3A_11, %dma_start3A_37] : memref<10112x128xf32, #tpu.memory_space<vmem_shared>> -> memref<128x128xf32, #tpu.memory_space<vmem_shared>>
      tpu.enqueue_dma source(%arg10 : memref<128x128xf32, #tpu.memory_space<vmem>>) target(%dma_start3A_38 : memref<128x128xf32, #tpu.memory_space<vmem_shared>>) target_semaphore(%run_scoped3A : memref<!tpu.dma_semaphore, #tpu.memory_space<semaphore_mem>>)
      %dma_wait3A = arith.constant 0 : i32
      %dma_wait3A_39 = tpu.memref_slice %arg14[%add3A_11, %dma_wait3A] : memref<10112x128xf32, #tpu.memory_space<vmem_shared>> -> memref<128x128xf32, #tpu.memory_space<vmem_shared>>
      %dma_wait3A_40 = arith.constant 0 : i32
      %dma_wait3A_41 = tpu.memref_slice %arg14[%add3A_11, %dma_wait3A_40] : memref<10112x128xf32, #tpu.memory_space<vmem_shared>> -> memref<128x128xf32, #tpu.memory_space<vmem_shared>>
      tpu.wait_dma2 semaphore(%run_scoped3A : memref<!tpu.dma_semaphore, #tpu.memory_space<semaphore_mem>>) src(%arg10 : memref<128x128xf32, #tpu.memory_space<vmem>>) dst(%dma_wait3A_41 : memref<128x128xf32, #tpu.memory_space<vmem_shared>>)
      tpu.yield
    }) : () -> ()
    %add3A_12 = arith.constant 256 : i32
    %add3A_13 = arith.addi %mul3A_7, %add3A_12 : i32
    "tpu.region"() ({
      %run_scoped3A = tpu.sem_alloc : memref<!tpu.dma_semaphore, #tpu.memory_space<semaphore_mem>>
      %dma_start3A = arith.constant 0 : i32
      %dma_start3A_36 = tpu.memref_slice %arg14[%add3A_13, %dma_start3A] : memref<10112x128xf32, #tpu.memory_space<vmem_shared>> -> memref<128x128xf32, #tpu.memory_space<vmem_shared>>
      %dma_start3A_37 = arith.constant 0 : i32
      %dma_start3A_38 = tpu.memref_slice %arg14[%add3A_13, %dma_start3A_37] : memref<10112x128xf32, #tpu.memory_space<vmem_shared>> -> memref<128x128xf32, #tpu.memory_space<vmem_shared>>
      tpu.enqueue_dma source(%arg10 : memref<128x128xf32, #tpu.memory_space<vmem>>) target(%dma_start3A_38 : memref<128x128xf32, #tpu.memory_space<vmem_shared>>) target_semaphore(%run_scoped3A : memref<!tpu.dma_semaphore, #tpu.memory_space<semaphore_mem>>)
      %dma_wait3A = arith.constant 0 : i32
      %dma_wait3A_39 = tpu.memref_slice %arg14[%add3A_13, %dma_wait3A] : memref<10112x128xf32, #tpu.memory_space<vmem_shared>> -> memref<128x128xf32, #tpu.memory_space<vmem_shared>>
      %dma_wait3A_40 = arith.constant 0 : i32
      %dma_wait3A_41 = tpu.memref_slice %arg14[%add3A_13, %dma_wait3A_40] : memref<10112x128xf32, #tpu.memory_space<vmem_shared>> -> memref<128x128xf32, #tpu.memory_space<vmem_shared>>
      tpu.wait_dma2 semaphore(%run_scoped3A : memref<!tpu.dma_semaphore, #tpu.memory_space<semaphore_mem>>) src(%arg10 : memref<128x128xf32, #tpu.memory_space<vmem>>) dst(%dma_wait3A_41 : memref<128x128xf32, #tpu.memory_space<vmem_shared>>)
      tpu.yield
    }) : () -> ()
    %add3A_14 = arith.constant 384 : i32
    %add3A_15 = arith.addi %mul3A_7, %add3A_14 : i32
    "tpu.region"() ({
      %run_scoped3A = tpu.sem_alloc : memref<!tpu.dma_semaphore, #tpu.memory_space<semaphore_mem>>
      %dma_start3A = arith.constant 0 : i32
      %dma_start3A_36 = tpu.memref_slice %arg14[%add3A_15, %dma_start3A] : memref<10112x128xf32, #tpu.memory_space<vmem_shared>> -> memref<128x128xf32, #tpu.memory_space<vmem_shared>>
      %dma_start3A_37 = arith.constant 0 : i32
      %dma_start3A_38 = tpu.memref_slice %arg14[%add3A_15, %dma_start3A_37] : memref<10112x128xf32, #tpu.memory_space<vmem_shared>> -> memref<128x128xf32, #tpu.memory_space<vmem_shared>>
      tpu.enqueue_dma source(%arg10 : memref<128x128xf32, #tpu.memory_space<vmem>>) target(%dma_start3A_38 : memref<128x128xf32, #tpu.memory_space<vmem_shared>>) target_semaphore(%run_scoped3A : memref<!tpu.dma_semaphore, #tpu.memory_space<semaphore_mem>>)
      %dma_wait3A = arith.constant 0 : i32
      %dma_wait3A_39 = tpu.memref_slice %arg14[%add3A_15, %dma_wait3A] : memref<10112x128xf32, #tpu.memory_space<vmem_shared>> -> memref<128x128xf32, #tpu.memory_space<vmem_shared>>
      %dma_wait3A_40 = arith.constant 0 : i32
      %dma_wait3A_41 = tpu.memref_slice %arg14[%add3A_15, %dma_wait3A_40] : memref<10112x128xf32, #tpu.memory_space<vmem_shared>> -> memref<128x128xf32, #tpu.memory_space<vmem_shared>>
      tpu.wait_dma2 semaphore(%run_scoped3A : memref<!tpu.dma_semaphore, #tpu.memory_space<semaphore_mem>>) src(%arg10 : memref<128x128xf32, #tpu.memory_space<vmem>>) dst(%dma_wait3A_41 : memref<128x128xf32, #tpu.memory_space<vmem_shared>>)
      tpu.yield
    }) : () -> ()
    %add3A_16 = arith.constant 512 : i32
    %add3A_17 = arith.addi %mul3A_7, %add3A_16 : i32
    "tpu.region"() ({
      %run_scoped3A = tpu.sem_alloc : memref<!tpu.dma_semaphore, #tpu.memory_space<semaphore_mem>>
      %dma_start3A = arith.constant 0 : i32
      %dma_start3A_36 = arith.constant 0 : i32
      %dma_start3A_37 = tpu.memref_slice %arg10[%dma_start3A, %dma_start3A_36] : memref<128x128xf32, #tpu.memory_space<vmem>> -> memref<120x128xf32, #tpu.memory_space<vmem>>
      %dma_start3A_38 = arith.constant 0 : i32
      %dma_start3A_39 = tpu.memref_slice %arg14[%add3A_17, %dma_start3A_38] : memref<10112x128xf32, #tpu.memory_space<vmem_shared>> -> memref<120x128xf32, #tpu.memory_space<vmem_shared>>
      %dma_start3A_40 = arith.constant 0 : i32
      %dma_start3A_41 = tpu.memref_slice %arg14[%add3A_17, %dma_start3A_40] : memref<10112x128xf32, #tpu.memory_space<vmem_shared>> -> memref<120x128xf32, #tpu.memory_space<vmem_shared>>
      %dma_start3A_42 = arith.constant 0 : i32
      %dma_start3A_43 = arith.constant 0 : i32
      %dma_start3A_44 = tpu.memref_slice %arg10[%dma_start3A_42, %dma_start3A_43] : memref<128x128xf32, #tpu.memory_space<vmem>> -> memref<120x128xf32, #tpu.memory_space<vmem>>
      tpu.enqueue_dma source(%dma_start3A_44 : memref<120x128xf32, #tpu.memory_space<vmem>>) target(%dma_start3A_41 : memref<120x128xf32, #tpu.memory_space<vmem_shared>>) target_semaphore(%run_scoped3A : memref<!tpu.dma_semaphore, #tpu.memory_space<semaphore_mem>>)
      %dma_wait3A = arith.constant 0 : i32
      %dma_wait3A_45 = arith.constant 0 : i32
      %dma_wait3A_46 = tpu.memref_slice %arg10[%dma_wait3A, %dma_wait3A_45] : memref<128x128xf32, #tpu.memory_space<vmem>> -> memref<120x128xf32, #tpu.memory_space<vmem>>
      %dma_wait3A_47 = arith.constant 0 : i32
      %dma_wait3A_48 = tpu.memref_slice %arg14[%add3A_17, %dma_wait3A_47] : memref<10112x128xf32, #tpu.memory_space<vmem_shared>> -> memref<120x128xf32, #tpu.memory_space<vmem_shared>>
      %dma_wait3A_49 = arith.constant 0 : i32
      %dma_wait3A_50 = tpu.memref_slice %arg14[%add3A_17, %dma_wait3A_49] : memref<10112x128xf32, #tpu.memory_space<vmem_shared>> -> memref<120x128xf32, #tpu.memory_space<vmem_shared>>
      %dma_wait3A_51 = arith.constant 0 : i32
      %dma_wait3A_52 = arith.constant 0 : i32
      %dma_wait3A_53 = tpu.memref_slice %arg10[%dma_wait3A_51, %dma_wait3A_52] : memref<128x128xf32, #tpu.memory_space<vmem>> -> memref<120x128xf32, #tpu.memory_space<vmem>>
      tpu.wait_dma2 semaphore(%run_scoped3A : memref<!tpu.dma_semaphore, #tpu.memory_space<semaphore_mem>>) src(%dma_wait3A_53 : memref<120x128xf32, #tpu.memory_space<vmem>>) dst(%dma_wait3A_50 : memref<120x128xf32, #tpu.memory_space<vmem_shared>>)
      tpu.yield
    }) : () -> ()
    %barrier3A = arith.constant 0 : index
    tpu.barrier barrier_id(%barrier3A)
    %mul3A_18 = arith.constant 10240 : i32
    %mul3A_19 = arith.muli %add3A, %mul3A_18 : i32
    %scan3A_20 = arith.constant 0 : i32
    %scan3A_21 = arith.constant 80 : i32
    %scan3A_22 = arith.addi %scan3A_20, %scan3A_21 : i32
    %scan3A_23 = arith.constant 1 : i32
    scf.for %scan3A_36 = %scan3A_20 to %scan3A_22 step %scan3A_23  : i32 {
      %mul3A_37 = arith.constant 1 : i32
      %mul3A_38 = arith.muli %scan3A_36, %mul3A_37 : i32
      %add3A_39 = arith.constant 0 : i32
      %add3A_40 = arith.addi %add3A_39, %mul3A_38 : i32
      %mul3A_41 = arith.constant 128 : i32
      %mul3A_42 = arith.muli %add3A_40, %mul3A_41 : i32
      %add3A_43 = arith.addi %mul3A_19, %mul3A_42 : i32
      "tpu.region"() ({
        %run_scoped3A = tpu.sem_alloc : memref<!tpu.dma_semaphore, #tpu.memory_space<semaphore_mem>>
        %dma_start3A_59 = tpu.memref_slice %arg4[%add3A_43] : memref<327680xi32, #tpu.memory_space<hbm>> -> memref<128xi32, #tpu.memory_space<hbm>>
        %dma_start3A_60 = tpu.memref_slice %arg4[%add3A_43] : memref<327680xi32, #tpu.memory_space<hbm>> -> memref<128xi32, #tpu.memory_space<hbm>>
        tpu.enqueue_dma source(%dma_start3A_60 : memref<128xi32, #tpu.memory_space<hbm>>) target(%arg11 : memref<128xi32, #tpu.memory_space<vmem>>) target_semaphore(%run_scoped3A : memref<!tpu.dma_semaphore, #tpu.memory_space<semaphore_mem>>)
        %dma_wait3A_61 = tpu.memref_slice %arg4[%add3A_43] : memref<327680xi32, #tpu.memory_space<hbm>> -> memref<128xi32, #tpu.memory_space<hbm>>
        %dma_wait3A_62 = tpu.memref_slice %arg4[%add3A_43] : memref<327680xi32, #tpu.memory_space<hbm>> -> memref<128xi32, #tpu.memory_space<hbm>>
        tpu.wait_dma2 semaphore(%run_scoped3A : memref<!tpu.dma_semaphore, #tpu.memory_space<semaphore_mem>>) src(%dma_wait3A_62 : memref<128xi32, #tpu.memory_space<hbm>>) dst(%arg11 : memref<128xi32, #tpu.memory_space<vmem>>)
        tpu.yield
      }) : () -> ()
      "tpu.region"() ({
        %run_scoped3A = tpu.sem_alloc : memref<!tpu.dma_semaphore, #tpu.memory_space<semaphore_mem>>
        %dma_start3A_59 = tpu.memref_slice %arg5[%add3A_43] : memref<327680xi32, #tpu.memory_space<hbm>> -> memref<128xi32, #tpu.memory_space<hbm>>
        %dma_start3A_60 = tpu.memref_slice %arg5[%add3A_43] : memref<327680xi32, #tpu.memory_space<hbm>> -> memref<128xi32, #tpu.memory_space<hbm>>
        tpu.enqueue_dma source(%dma_start3A_60 : memref<128xi32, #tpu.memory_space<hbm>>) target(%arg12 : memref<128xi32, #tpu.memory_space<vmem>>) target_semaphore(%run_scoped3A : memref<!tpu.dma_semaphore, #tpu.memory_space<semaphore_mem>>)
        %dma_wait3A_61 = tpu.memref_slice %arg5[%add3A_43] : memref<327680xi32, #tpu.memory_space<hbm>> -> memref<128xi32, #tpu.memory_space<hbm>>
        %dma_wait3A_62 = tpu.memref_slice %arg5[%add3A_43] : memref<327680xi32, #tpu.memory_space<hbm>> -> memref<128xi32, #tpu.memory_space<hbm>>
        tpu.wait_dma2 semaphore(%run_scoped3A : memref<!tpu.dma_semaphore, #tpu.memory_space<semaphore_mem>>) src(%dma_wait3A_62 : memref<128xi32, #tpu.memory_space<hbm>>) dst(%arg12 : memref<128xi32, #tpu.memory_space<vmem>>)
        tpu.yield
      }) : () -> ()
      "tpu.region"() ({
        %run_scoped3A = tpu.sem_alloc : memref<!tpu.dma_semaphore, #tpu.memory_space<semaphore_mem>>
        %dma_start3A_59 = tpu.memref_slice %arg6[%add3A_43] : memref<327680xi32, #tpu.memory_space<hbm>> -> memref<128xi32, #tpu.memory_space<hbm>>
        %dma_start3A_60 = tpu.memref_slice %arg6[%add3A_43] : memref<327680xi32, #tpu.memory_space<hbm>> -> memref<128xi32, #tpu.memory_space<hbm>>
        tpu.enqueue_dma source(%dma_start3A_60 : memref<128xi32, #tpu.memory_space<hbm>>) target(%arg13 : memref<128xi32, #tpu.memory_space<vmem>>) target_semaphore(%run_scoped3A : memref<!tpu.dma_semaphore, #tpu.memory_space<semaphore_mem>>)
        %dma_wait3A_61 = tpu.memref_slice %arg6[%add3A_43] : memref<327680xi32, #tpu.memory_space<hbm>> -> memref<128xi32, #tpu.memory_space<hbm>>
        %dma_wait3A_62 = tpu.memref_slice %arg6[%add3A_43] : memref<327680xi32, #tpu.memory_space<hbm>> -> memref<128xi32, #tpu.memory_space<hbm>>
        tpu.wait_dma2 semaphore(%run_scoped3A : memref<!tpu.dma_semaphore, #tpu.memory_space<semaphore_mem>>) src(%dma_wait3A_62 : memref<128xi32, #tpu.memory_space<hbm>>) dst(%arg13 : memref<128xi32, #tpu.memory_space<vmem>>)
        tpu.yield
      }) : () -> ()
      %dma_start3A = arith.constant 0 : i32
      %dma_start3A_44 = arith.constant 0 : i32
      %dma_start3A_45 = tpu.memref_slice %arg3[%dma_start3A, %dma_start3A_44] : memref<16x128xf32, #tpu.memory_space<hbm>> -> memref<16x128xf32, #tpu.memory_space<hbm>>
      tpu.enqueue_indirect_dma source(%dma_start3A_45 : memref<16x128xf32, #tpu.memory_space<hbm>>) target(%arg9 : memref<128x128xf32, #tpu.memory_space<vmem>>) offsets(%arg12 : memref<128xi32, #tpu.memory_space<vmem>>) semaphore(%arg16 : memref<!tpu.dma_semaphore, #tpu.memory_space<semaphore_mem>>)
      %dma_start3A_46 = arith.constant 0 : i32
      %dma_start3A_47 = arith.constant 0 : i32
      %dma_start3A_48 = tpu.memref_slice %arg2[%dma_start3A_46, %dma_start3A_47] : memref<10000x128xf32, #tpu.memory_space<hbm>> -> memref<10000x128xf32, #tpu.memory_space<hbm>>
      tpu.enqueue_indirect_dma source(%dma_start3A_48 : memref<10000x128xf32, #tpu.memory_space<hbm>>) target(%arg8 : memref<128x128xf32, #tpu.memory_space<vmem>>) offsets(%arg11 : memref<128xi32, #tpu.memory_space<vmem>>) semaphore(%arg15 : memref<!tpu.dma_semaphore, #tpu.memory_space<semaphore_mem>>)
      %dma_wait3A = arith.constant 0 : i32
      %dma_wait3A_49 = arith.constant 0 : i32
      %dma_wait3A_50 = tpu.memref_slice %arg3[%dma_wait3A, %dma_wait3A_49] : memref<16x128xf32, #tpu.memory_space<hbm>> -> memref<16x128xf32, #tpu.memory_space<hbm>>
      tpu.wait_indirect_dma semaphore(%arg16 : memref<!tpu.dma_semaphore, #tpu.memory_space<semaphore_mem>>) src(%dma_wait3A_50 : memref<16x128xf32, #tpu.memory_space<hbm>>) dst(%arg9 : memref<128x128xf32, #tpu.memory_space<vmem>>)
      %dma_wait3A_51 = arith.constant 0 : i32
      %dma_wait3A_52 = arith.constant 0 : i32
      %dma_wait3A_53 = tpu.memref_slice %arg2[%dma_wait3A_51, %dma_wait3A_52] : memref<10000x128xf32, #tpu.memory_space<hbm>> -> memref<10000x128xf32, #tpu.memory_space<hbm>>
      tpu.wait_indirect_dma semaphore(%arg15 : memref<!tpu.dma_semaphore, #tpu.memory_space<semaphore_mem>>) src(%dma_wait3A_53 : memref<10000x128xf32, #tpu.memory_space<hbm>>) dst(%arg8 : memref<128x128xf32, #tpu.memory_space<vmem>>)
      %scan3A_54 = arith.constant 0 : i32
      %scan3A_55 = arith.constant 128 : i32
      %scan3A_56 = arith.addi %scan3A_54, %scan3A_55 : i32
      %scan3A_57 = arith.constant 1 : i32
      scf.for %scan3A_59 = %scan3A_54 to %scan3A_56 step %scan3A_57  : i32 {
        %mul3A_60 = arith.constant 1 : i32
        %mul3A_61 = arith.muli %scan3A_59, %mul3A_60 : i32
        %add3A_62 = arith.constant 0 : i32
        %add3A_63 = arith.addi %add3A_62, %mul3A_61 : i32
        %get3A = arith.index_cast %add3A_63 : i32 to index
        %get3A_64 = arith.constant 0 : index
        %get3A_65 = tpu.vector_load %arg8[%get3A, %get3A_64] {strides = array<i32>} : memref<128x128xf32, #tpu.memory_space<vmem>>, vector<1x16xf32>,
        %get3A_66 = vector.shape_cast %get3A_65 : vector<1x16xf32> to vector<16xf32>
        %get3A_67 = arith.index_cast %add3A_63 : i32 to index
        %get3A_68 = arith.constant 0 : index
        %get3A_69 = tpu.vector_load %arg9[%get3A_67, %get3A_68] {strides = array<i32>} : memref<128x128xf32, #tpu.memory_space<vmem>>, vector<1x16xf32>,
        %get3A_70 = vector.shape_cast %get3A_69 : vector<1x16xf32> to vector<16xf32>
        %add3A_71 = arith.addf %get3A_66, %get3A_70 : vector<16xf32>
        %max3A = arith.constant 0.000000e+00 : f32
        %max3A_72 = vector.broadcast %max3A : f32 to vector<16xf32>
        %max3A_73 = arith.maximumf %add3A_71, %max3A_72 : vector<16xf32>
        %swap3A = arith.index_cast %add3A_63 : i32 to index
        %swap3A_74 = arith.constant 0 : index
        %swap3A_75 = tpu.vector_load %arg8[%swap3A, %swap3A_74] {strides = array<i32>} : memref<128x128xf32, #tpu.memory_space<vmem>>, vector<1x16xf32>,
        %swap3A_76 = vector.shape_cast %swap3A_75 : vector<1x16xf32> to vector<16xf32>
        %swap3A_77 = vector.shape_cast %max3A_73 : vector<16xf32> to vector<1x16xf32>
        tpu.vector_store %arg8[%swap3A, %swap3A_74], %swap3A_77 {strides = array<i32>} : memref<128x128xf32, #tpu.memory_space<vmem>>, vector<1x16xf32>,
        %get3A_78 = arith.index_cast %add3A_63 : i32 to index
        %get3A_79 = arith.constant 16 : index
        %get3A_80 = tpu.vector_load %arg8[%get3A_78, %get3A_79] {strides = array<i32>} : memref<128x128xf32, #tpu.memory_space<vmem>>, vector<1x16xf32>,
        %get3A_81 = vector.shape_cast %get3A_80 : vector<1x16xf32> to vector<16xf32>
        %get3A_82 = arith.index_cast %add3A_63 : i32 to index
        %get3A_83 = arith.constant 16 : index
        %get3A_84 = tpu.vector_load %arg9[%get3A_82, %get3A_83] {strides = array<i32>} : memref<128x128xf32, #tpu.memory_space<vmem>>, vector<1x16xf32>,
        %get3A_85 = vector.shape_cast %get3A_84 : vector<1x16xf32> to vector<16xf32>
        %add3A_86 = arith.addf %get3A_81, %get3A_85 : vector<16xf32>
        %max3A_87 = arith.constant 0.000000e+00 : f32
        %max3A_88 = vector.broadcast %max3A_87 : f32 to vector<16xf32>
        %max3A_89 = arith.maximumf %add3A_86, %max3A_88 : vector<16xf32>
        %swap3A_90 = arith.index_cast %add3A_63 : i32 to index
        %swap3A_91 = arith.constant 16 : index
        %swap3A_92 = tpu.vector_load %arg8[%swap3A_90, %swap3A_91] {strides = array<i32>} : memref<128x128xf32, #tpu.memory_space<vmem>>, vector<1x16xf32>,
        %swap3A_93 = vector.shape_cast %swap3A_92 : vector<1x16xf32> to vector<16xf32>
        %swap3A_94 = vector.shape_cast %max3A_89 : vector<16xf32> to vector<1x16xf32>
        tpu.vector_store %arg8[%swap3A_90, %swap3A_91], %swap3A_94 {strides = array<i32>} : memref<128x128xf32, #tpu.memory_space<vmem>>, vector<1x16xf32>,
        %get3A_95 = arith.index_cast %add3A_63 : i32 to index
        %get3A_96 = arith.constant 32 : index
        %get3A_97 = tpu.vector_load %arg8[%get3A_95, %get3A_96] {strides = array<i32>} : memref<128x128xf32, #tpu.memory_space<vmem>>, vector<1x16xf32>,
        %get3A_98 = vector.shape_cast %get3A_97 : vector<1x16xf32> to vector<16xf32>
        %get3A_99 = arith.index_cast %add3A_63 : i32 to index
        %get3A_100 = arith.constant 32 : index
        %get3A_101 = tpu.vector_load %arg9[%get3A_99, %get3A_100] {strides = array<i32>} : memref<128x128xf32, #tpu.memory_space<vmem>>, vector<1x16xf32>,
        %get3A_102 = vector.shape_cast %get3A_101 : vector<1x16xf32> to vector<16xf32>
        %add3A_103 = arith.addf %get3A_98, %get3A_102 : vector<16xf32>
        %max3A_104 = arith.constant 0.000000e+00 : f32
        %max3A_105 = vector.broadcast %max3A_104 : f32 to vector<16xf32>
        %max3A_106 = arith.maximumf %add3A_103, %max3A_105 : vector<16xf32>
        %swap3A_107 = arith.index_cast %add3A_63 : i32 to index
        %swap3A_108 = arith.constant 32 : index
        %swap3A_109 = tpu.vector_load %arg8[%swap3A_107, %swap3A_108] {strides = array<i32>} : memref<128x128xf32, #tpu.memory_space<vmem>>, vector<1x16xf32>,
        %swap3A_110 = vector.shape_cast %swap3A_109 : vector<1x16xf32> to vector<16xf32>
        %swap3A_111 = vector.shape_cast %max3A_106 : vector<16xf32> to vector<1x16xf32>
        tpu.vector_store %arg8[%swap3A_107, %swap3A_108], %swap3A_111 {strides = array<i32>} : memref<128x128xf32, #tpu.memory_space<vmem>>, vector<1x16xf32>,
        %get3A_112 = arith.index_cast %add3A_63 : i32 to index
        %get3A_113 = arith.constant 48 : index
        %get3A_114 = tpu.vector_load %arg8[%get3A_112, %get3A_113] {strides = array<i32>} : memref<128x128xf32, #tpu.memory_space<vmem>>, vector<1x16xf32>,
        %get3A_115 = vector.shape_cast %get3A_114 : vector<1x16xf32> to vector<16xf32>
        %get3A_116 = arith.index_cast %add3A_63 : i32 to index
        %get3A_117 = arith.constant 48 : index
        %get3A_118 = tpu.vector_load %arg9[%get3A_116, %get3A_117] {strides = array<i32>} : memref<128x128xf32, #tpu.memory_space<vmem>>, vector<1x16xf32>,
        %get3A_119 = vector.shape_cast %get3A_118 : vector<1x16xf32> to vector<16xf32>
        %add3A_120 = arith.addf %get3A_115, %get3A_119 : vector<16xf32>
        %max3A_121 = arith.constant 0.000000e+00 : f32
        %max3A_122 = vector.broadcast %max3A_121 : f32 to vector<16xf32>
        %max3A_123 = arith.maximumf %add3A_120, %max3A_122 : vector<16xf32>
        %swap3A_124 = arith.index_cast %add3A_63 : i32 to index
        %swap3A_125 = arith.constant 48 : index
        %swap3A_126 = tpu.vector_load %arg8[%swap3A_124, %swap3A_125] {strides = array<i32>} : memref<128x128xf32, #tpu.memory_space<vmem>>, vector<1x16xf32>,
        %swap3A_127 = vector.shape_cast %swap3A_126 : vector<1x16xf32> to vector<16xf32>
        %swap3A_128 = vector.shape_cast %max3A_123 : vector<16xf32> to vector<1x16xf32>
        tpu.vector_store %arg8[%swap3A_124, %swap3A_125], %swap3A_128 {strides = array<i32>} : memref<128x128xf32, #tpu.memory_space<vmem>>, vector<1x16xf32>,
        %get3A_129 = arith.index_cast %add3A_63 : i32 to index
        %get3A_130 = arith.constant 64 : index
        %get3A_131 = tpu.vector_load %arg8[%get3A_129, %get3A_130] {strides = array<i32>} : memref<128x128xf32, #tpu.memory_space<vmem>>, vector<1x16xf32>,
        %get3A_132 = vector.shape_cast %get3A_131 : vector<1x16xf32> to vector<16xf32>
        %get3A_133 = arith.index_cast %add3A_63 : i32 to index
        %get3A_134 = arith.constant 64 : index
        %get3A_135 = tpu.vector_load %arg9[%get3A_133, %get3A_134] {strides = array<i32>} : memref<128x128xf32, #tpu.memory_space<vmem>>, vector<1x16xf32>,
        %get3A_136 = vector.shape_cast %get3A_135 : vector<1x16xf32> to vector<16xf32>
        %add3A_137 = arith.addf %get3A_132, %get3A_136 : vector<16xf32>
        %max3A_138 = arith.constant 0.000000e+00 : f32
        %max3A_139 = vector.broadcast %max3A_138 : f32 to vector<16xf32>
        %max3A_140 = arith.maximumf %add3A_137, %max3A_139 : vector<16xf32>
        %swap3A_141 = arith.index_cast %add3A_63 : i32 to index
        %swap3A_142 = arith.constant 64 : index
        %swap3A_143 = tpu.vector_load %arg8[%swap3A_141, %swap3A_142] {strides = array<i32>} : memref<128x128xf32, #tpu.memory_space<vmem>>, vector<1x16xf32>,
        %swap3A_144 = vector.shape_cast %swap3A_143 : vector<1x16xf32> to vector<16xf32>
        %swap3A_145 = vector.shape_cast %max3A_140 : vector<16xf32> to vector<1x16xf32>
        tpu.vector_store %arg8[%swap3A_141, %swap3A_142], %swap3A_145 {strides = array<i32>} : memref<128x128xf32, #tpu.memory_space<vmem>>, vector<1x16xf32>,
        %get3A_146 = arith.index_cast %add3A_63 : i32 to index
        %get3A_147 = arith.constant 80 : index
        %get3A_148 = tpu.vector_load %arg8[%get3A_146, %get3A_147] {strides = array<i32>} : memref<128x128xf32, #tpu.memory_space<vmem>>, vector<1x16xf32>,
        %get3A_149 = vector.shape_cast %get3A_148 : vector<1x16xf32> to vector<16xf32>
        %get3A_150 = arith.index_cast %add3A_63 : i32 to index
        %get3A_151 = arith.constant 80 : index
        %get3A_152 = tpu.vector_load %arg9[%get3A_150, %get3A_151] {strides = array<i32>} : memref<128x128xf32, #tpu.memory_space<vmem>>, vector<1x16xf32>,
        %get3A_153 = vector.shape_cast %get3A_152 : vector<1x16xf32> to vector<16xf32>
        %add3A_154 = arith.addf %get3A_149, %get3A_153 : vector<16xf32>
        %max3A_155 = arith.constant 0.000000e+00 : f32
        %max3A_156 = vector.broadcast %max3A_155 : f32 to vector<16xf32>
        %max3A_157 = arith.maximumf %add3A_154, %max3A_156 : vector<16xf32>
        %swap3A_158 = arith.index_cast %add3A_63 : i32 to index
        %swap3A_159 = arith.constant 80 : index
        %swap3A_160 = tpu.vector_load %arg8[%swap3A_158, %swap3A_159] {strides = array<i32>} : memref<128x128xf32, #tpu.memory_space<vmem>>, vector<1x16xf32>,
        %swap3A_161 = vector.shape_cast %swap3A_160 : vector<1x16xf32> to vector<16xf32>
        %swap3A_162 = vector.shape_cast %max3A_157 : vector<16xf32> to vector<1x16xf32>
        tpu.vector_store %arg8[%swap3A_158, %swap3A_159], %swap3A_162 {strides = array<i32>} : memref<128x128xf32, #tpu.memory_space<vmem>>, vector<1x16xf32>,
        %get3A_163 = arith.index_cast %add3A_63 : i32 to index
        %get3A_164 = arith.constant 96 : index
        %get3A_165 = tpu.vector_load %arg8[%get3A_163, %get3A_164] {strides = array<i32>} : memref<128x128xf32, #tpu.memory_space<vmem>>, vector<1x16xf32>,
        %get3A_166 = vector.shape_cast %get3A_165 : vector<1x16xf32> to vector<16xf32>
        %get3A_167 = arith.index_cast %add3A_63 : i32 to index
        %get3A_168 = arith.constant 96 : index
        %get3A_169 = tpu.vector_load %arg9[%get3A_167, %get3A_168] {strides = array<i32>} : memref<128x128xf32, #tpu.memory_space<vmem>>, vector<1x16xf32>,
        %get3A_170 = vector.shape_cast %get3A_169 : vector<1x16xf32> to vector<16xf32>
        %add3A_171 = arith.addf %get3A_166, %get3A_170 : vector<16xf32>
        %max3A_172 = arith.constant 0.000000e+00 : f32
        %max3A_173 = vector.broadcast %max3A_172 : f32 to vector<16xf32>
        %max3A_174 = arith.maximumf %add3A_171, %max3A_173 : vector<16xf32>
        %swap3A_175 = arith.index_cast %add3A_63 : i32 to index
        %swap3A_176 = arith.constant 96 : index
        %swap3A_177 = tpu.vector_load %arg8[%swap3A_175, %swap3A_176] {strides = array<i32>} : memref<128x128xf32, #tpu.memory_space<vmem>>, vector<1x16xf32>,
        %swap3A_178 = vector.shape_cast %swap3A_177 : vector<1x16xf32> to vector<16xf32>
        %swap3A_179 = vector.shape_cast %max3A_174 : vector<16xf32> to vector<1x16xf32>
        tpu.vector_store %arg8[%swap3A_175, %swap3A_176], %swap3A_179 {strides = array<i32>} : memref<128x128xf32, #tpu.memory_space<vmem>>, vector<1x16xf32>,
        %get3A_180 = arith.index_cast %add3A_63 : i32 to index
        %get3A_181 = arith.constant 112 : index
        %get3A_182 = tpu.vector_load %arg8[%get3A_180, %get3A_181] {strides = array<i32>} : memref<128x128xf32, #tpu.memory_space<vmem>>, vector<1x16xf32>,
        %get3A_183 = vector.shape_cast %get3A_182 : vector<1x16xf32> to vector<16xf32>
        %get3A_184 = arith.index_cast %add3A_63 : i32 to index
        %get3A_185 = arith.constant 112 : index
        %get3A_186 = tpu.vector_load %arg9[%get3A_184, %get3A_185] {strides = array<i32>} : memref<128x128xf32, #tpu.memory_space<vmem>>, vector<1x16xf32>,
        %get3A_187 = vector.shape_cast %get3A_186 : vector<1x16xf32> to vector<16xf32>
        %add3A_188 = arith.addf %get3A_183, %get3A_187 : vector<16xf32>
        %max3A_189 = arith.constant 0.000000e+00 : f32
        %max3A_190 = vector.broadcast %max3A_189 : f32 to vector<16xf32>
        %max3A_191 = arith.maximumf %add3A_188, %max3A_190 : vector<16xf32>
        %swap3A_192 = arith.index_cast %add3A_63 : i32 to index
        %swap3A_193 = arith.constant 112 : index
        %swap3A_194 = tpu.vector_load %arg8[%swap3A_192, %swap3A_193] {strides = array<i32>} : memref<128x128xf32, #tpu.memory_space<vmem>>, vector<1x16xf32>,
        %swap3A_195 = vector.shape_cast %swap3A_194 : vector<1x16xf32> to vector<16xf32>
        %swap3A_196 = vector.shape_cast %max3A_191 : vector<16xf32> to vector<1x16xf32>
        tpu.vector_store %arg8[%swap3A_192, %swap3A_193], %swap3A_196 {strides = array<i32>} : memref<128x128xf32, #tpu.memory_space<vmem>>, vector<1x16xf32>,
      }
      %scan3A_58 = arith.constant 128 : i32
      "tpu.region"() ({
        %run_scoped3A = tpu.sem_alloc : memref<!tpu.dma_semaphore, #tpu.memory_space<semaphore_mem>>
        %dma_start3A_59 = arith.constant 0 : i32
        %dma_start3A_60 = arith.constant 0 : i32
        %dma_start3A_61 = tpu.memref_slice %arg14[%dma_start3A_59, %dma_start3A_60] : memref<10112x128xf32, #tpu.memory_space<vmem_shared>> -> memref<10112x128xf32, #tpu.memory_space<vmem_shared>>
        tpu.enqueue_indirect_dma source(%arg8 : memref<128x128xf32, #tpu.memory_space<vmem>>) target(%dma_start3A_61 : memref<10112x128xf32, #tpu.memory_space<vmem_shared>>) offsets(%arg13 : memref<128xi32, #tpu.memory_space<vmem>>) semaphore(%run_scoped3A : memref<!tpu.dma_semaphore, #tpu.memory_space<semaphore_mem>>) {add = true}
        %dma_wait3A_62 = arith.constant 0 : i32
        %dma_wait3A_63 = arith.constant 0 : i32
        %dma_wait3A_64 = tpu.memref_slice %arg14[%dma_wait3A_62, %dma_wait3A_63] : memref<10112x128xf32, #tpu.memory_space<vmem_shared>> -> memref<10112x128xf32, #tpu.memory_space<vmem_shared>>
        tpu.wait_indirect_dma semaphore(%run_scoped3A : memref<!tpu.dma_semaphore, #tpu.memory_space<semaphore_mem>>) src(%arg8 : memref<128x128xf32, #tpu.memory_space<vmem>>) dst(%dma_wait3A_64 : memref<10112x128xf32, #tpu.memory_space<vmem_shared>>)
        tpu.yield
      }) : () -> ()
    }
    %scan3A_24 = arith.constant 80 : i32
    %barrier3A_25 = arith.constant 0 : index
    tpu.barrier barrier_id(%barrier3A_25)
    %add3A_26 = arith.constant 0 : i32
    %add3A_27 = arith.addi %mul3A_7, %add3A_26 : i32
    "tpu.region"() ({
      %run_scoped3A = tpu.sem_alloc : memref<!tpu.dma_semaphore, #tpu.memory_space<semaphore_mem>>
      %dma_start3A = arith.constant 0 : i32
      %dma_start3A_36 = tpu.memref_slice %arg14[%add3A_27, %dma_start3A] : memref<10112x128xf32, #tpu.memory_space<vmem_shared>> -> memref<128x128xf32, #tpu.memory_space<vmem_shared>>
      %dma_start3A_37 = arith.constant 0 : i32
      %dma_start3A_38 = tpu.memref_slice %arg14[%add3A_27, %dma_start3A_37] : memref<10112x128xf32, #tpu.memory_space<vmem_shared>> -> memref<128x128xf32, #tpu.memory_space<vmem_shared>>
      tpu.enqueue_dma source(%dma_start3A_38 : memref<128x128xf32, #tpu.memory_space<vmem_shared>>) target(%arg8 : memref<128x128xf32, #tpu.memory_space<vmem>>) target_semaphore(%run_scoped3A : memref<!tpu.dma_semaphore, #tpu.memory_space<semaphore_mem>>)
      %dma_wait3A = arith.constant 0 : i32
      %dma_wait3A_39 = tpu.memref_slice %arg14[%add3A_27, %dma_wait3A] : memref<10112x128xf32, #tpu.memory_space<vmem_shared>> -> memref<128x128xf32, #tpu.memory_space<vmem_shared>>
      %dma_wait3A_40 = arith.constant 0 : i32
      %dma_wait3A_41 = tpu.memref_slice %arg14[%add3A_27, %dma_wait3A_40] : memref<10112x128xf32, #tpu.memory_space<vmem_shared>> -> memref<128x128xf32, #tpu.memory_space<vmem_shared>>
      tpu.wait_dma2 semaphore(%run_scoped3A : memref<!tpu.dma_semaphore, #tpu.memory_space<semaphore_mem>>) src(%dma_wait3A_41 : memref<128x128xf32, #tpu.memory_space<vmem_shared>>) dst(%arg8 : memref<128x128xf32, #tpu.memory_space<vmem>>)
      tpu.yield
    }) : () -> ()
    "tpu.region"() ({
      %run_scoped3A = tpu.sem_alloc : memref<!tpu.dma_semaphore, #tpu.memory_space<semaphore_mem>>
      %dma_start3A = arith.constant 0 : i32
      %dma_start3A_36 = tpu.memref_slice %arg7[%arg0, %add3A_27, %dma_start3A] : memref<2x10112x128xf32, #tpu.memory_space<hbm>> -> memref<1x128x128xf32, #tpu.memory_space<hbm>>
      %dma_start3A_37 = tpu.memref_squeeze %dma_start3A_36 : memref<1x128x128xf32, #tpu.memory_space<hbm>> -> memref<128x128xf32, #tpu.memory_space<hbm>>
      %dma_start3A_38 = arith.constant 0 : i32
      %dma_start3A_39 = tpu.memref_slice %arg7[%arg0, %add3A_27, %dma_start3A_38] : memref<2x10112x128xf32, #tpu.memory_space<hbm>> -> memref<1x128x128xf32, #tpu.memory_space<hbm>>
      %dma_start3A_40 = tpu.memref_squeeze %dma_start3A_39 : memref<1x128x128xf32, #tpu.memory_space<hbm>> -> memref<128x128xf32, #tpu.memory_space<hbm>>
      tpu.enqueue_dma source(%arg8 : memref<128x128xf32, #tpu.memory_space<vmem>>) target(%dma_start3A_40 : memref<128x128xf32, #tpu.memory_space<hbm>>) target_semaphore(%run_scoped3A : memref<!tpu.dma_semaphore, #tpu.memory_space<semaphore_mem>>)
      %dma_wait3A = arith.constant 0 : i32
      %dma_wait3A_41 = tpu.memref_slice %arg7[%arg0, %add3A_27, %dma_wait3A] : memref<2x10112x128xf32, #tpu.memory_space<hbm>> -> memref<1x128x128xf32, #tpu.memory_space<hbm>>
      %dma_wait3A_42 = tpu.memref_squeeze %dma_wait3A_41 : memref<1x128x128xf32, #tpu.memory_space<hbm>> -> memref<128x128xf32, #tpu.memory_space<hbm>>
      %dma_wait3A_43 = arith.constant 0 : i32
      %dma_wait3A_44 = tpu.memref_slice %arg7[%arg0, %add3A_27, %dma_wait3A_43] : memref<2x10112x128xf32, #tpu.memory_space<hbm>> -> memref<1x128x128xf32, #tpu.memory_space<hbm>>
      %dma_wait3A_45 = tpu.memref_squeeze %dma_wait3A_44 : memref<1x128x128xf32, #tpu.memory_space<hbm>> -> memref<128x128xf32, #tpu.memory_space<hbm>>
      tpu.wait_dma2 semaphore(%run_scoped3A : memref<!tpu.dma_semaphore, #tpu.memory_space<semaphore_mem>>) src(%arg8 : memref<128x128xf32, #tpu.memory_space<vmem>>) dst(%dma_wait3A_45 : memref<128x128xf32, #tpu.memory_space<hbm>>)
      tpu.yield
    }) : () -> ()
    %add3A_28 = arith.constant 128 : i32
    %add3A_29 = arith.addi %mul3A_7, %add3A_28 : i32
    "tpu.region"() ({
      %run_scoped3A = tpu.sem_alloc : memref<!tpu.dma_semaphore, #tpu.memory_space<semaphore_mem>>
      %dma_start3A = arith.constant 0 : i32
      %dma_start3A_36 = tpu.memref_slice %arg14[%add3A_29, %dma_start3A] : memref<10112x128xf32, #tpu.memory_space<vmem_shared>> -> memref<128x128xf32, #tpu.memory_space<vmem_shared>>
      %dma_start3A_37 = arith.constant 0 : i32
      %dma_start3A_38 = tpu.memref_slice %arg14[%add3A_29, %dma_start3A_37] : memref<10112x128xf32, #tpu.memory_space<vmem_shared>> -> memref<128x128xf32, #tpu.memory_space<vmem_shared>>
      tpu.enqueue_dma source(%dma_start3A_38 : memref<128x128xf32, #tpu.memory_space<vmem_shared>>) target(%arg8 : memref<128x128xf32, #tpu.memory_space<vmem>>) target_semaphore(%run_scoped3A : memref<!tpu.dma_semaphore, #tpu.memory_space<semaphore_mem>>)
      %dma_wait3A = arith.constant 0 : i32
      %dma_wait3A_39 = tpu.memref_slice %arg14[%add3A_29, %dma_wait3A] : memref<10112x128xf32, #tpu.memory_space<vmem_shared>> -> memref<128x128xf32, #tpu.memory_space<vmem_shared>>
      %dma_wait3A_40 = arith.constant 0 : i32
      %dma_wait3A_41 = tpu.memref_slice %arg14[%add3A_29, %dma_wait3A_40] : memref<10112x128xf32, #tpu.memory_space<vmem_shared>> -> memref<128x128xf32, #tpu.memory_space<vmem_shared>>
      tpu.wait_dma2 semaphore(%run_scoped3A : memref<!tpu.dma_semaphore, #tpu.memory_space<semaphore_mem>>) src(%dma_wait3A_41 : memref<128x128xf32, #tpu.memory_space<vmem_shared>>) dst(%arg8 : memref<128x128xf32, #tpu.memory_space<vmem>>)
      tpu.yield
    }) : () -> ()
    "tpu.region"() ({
      %run_scoped3A = tpu.sem_alloc : memref<!tpu.dma_semaphore, #tpu.memory_space<semaphore_mem>>
      %dma_start3A = arith.constant 0 : i32
      %dma_start3A_36 = tpu.memref_slice %arg7[%arg0, %add3A_29, %dma_start3A] : memref<2x10112x128xf32, #tpu.memory_space<hbm>> -> memref<1x128x128xf32, #tpu.memory_space<hbm>>
      %dma_start3A_37 = tpu.memref_squeeze %dma_start3A_36 : memref<1x128x128xf32, #tpu.memory_space<hbm>> -> memref<128x128xf32, #tpu.memory_space<hbm>>
      %dma_start3A_38 = arith.constant 0 : i32
      %dma_start3A_39 = tpu.memref_slice %arg7[%arg0, %add3A_29, %dma_start3A_38] : memref<2x10112x128xf32, #tpu.memory_space<hbm>> -> memref<1x128x128xf32, #tpu.memory_space<hbm>>
      %dma_start3A_40 = tpu.memref_squeeze %dma_start3A_39 : memref<1x128x128xf32, #tpu.memory_space<hbm>> -> memref<128x128xf32, #tpu.memory_space<hbm>>
      tpu.enqueue_dma source(%arg8 : memref<128x128xf32, #tpu.memory_space<vmem>>) target(%dma_start3A_40 : memref<128x128xf32, #tpu.memory_space<hbm>>) target_semaphore(%run_scoped3A : memref<!tpu.dma_semaphore, #tpu.memory_space<semaphore_mem>>)
      %dma_wait3A = arith.constant 0 : i32
      %dma_wait3A_41 = tpu.memref_slice %arg7[%arg0, %add3A_29, %dma_wait3A] : memref<2x10112x128xf32, #tpu.memory_space<hbm>> -> memref<1x128x128xf32, #tpu.memory_space<hbm>>
      %dma_wait3A_42 = tpu.memref_squeeze %dma_wait3A_41 : memref<1x128x128xf32, #tpu.memory_space<hbm>> -> memref<128x128xf32, #tpu.memory_space<hbm>>
      %dma_wait3A_43 = arith.constant 0 : i32
      %dma_wait3A_44 = tpu.memref_slice %arg7[%arg0, %add3A_29, %dma_wait3A_43] : memref<2x10112x128xf32, #tpu.memory_space<hbm>> -> memref<1x128x128xf32, #tpu.memory_space<hbm>>
      %dma_wait3A_45 = tpu.memref_squeeze %dma_wait3A_44 : memref<1x128x128xf32, #tpu.memory_space<hbm>> -> memref<128x128xf32, #tpu.memory_space<hbm>>
      tpu.wait_dma2 semaphore(%run_scoped3A : memref<!tpu.dma_semaphore, #tpu.memory_space<semaphore_mem>>) src(%arg8 : memref<128x128xf32, #tpu.memory_space<vmem>>) dst(%dma_wait3A_45 : memref<128x128xf32, #tpu.memory_space<hbm>>)
      tpu.yield
    }) : () -> ()
    %add3A_30 = arith.constant 256 : i32
    %add3A_31 = arith.addi %mul3A_7, %add3A_30 : i32
    "tpu.region"() ({
      %run_scoped3A = tpu.sem_alloc : memref<!tpu.dma_semaphore, #tpu.memory_space<semaphore_mem>>
      %dma_start3A = arith.constant 0 : i32
      %dma_start3A_36 = tpu.memref_slice %arg14[%add3A_31, %dma_start3A] : memref<10112x128xf32, #tpu.memory_space<vmem_shared>> -> memref<128x128xf32, #tpu.memory_space<vmem_shared>>
      %dma_start3A_37 = arith.constant 0 : i32
      %dma_start3A_38 = tpu.memref_slice %arg14[%add3A_31, %dma_start3A_37] : memref<10112x128xf32, #tpu.memory_space<vmem_shared>> -> memref<128x128xf32, #tpu.memory_space<vmem_shared>>
      tpu.enqueue_dma source(%dma_start3A_38 : memref<128x128xf32, #tpu.memory_space<vmem_shared>>) target(%arg8 : memref<128x128xf32, #tpu.memory_space<vmem>>) target_semaphore(%run_scoped3A : memref<!tpu.dma_semaphore, #tpu.memory_space<semaphore_mem>>)
      %dma_wait3A = arith.constant 0 : i32
      %dma_wait3A_39 = tpu.memref_slice %arg14[%add3A_31, %dma_wait3A] : memref<10112x128xf32, #tpu.memory_space<vmem_shared>> -> memref<128x128xf32, #tpu.memory_space<vmem_shared>>
      %dma_wait3A_40 = arith.constant 0 : i32
      %dma_wait3A_41 = tpu.memref_slice %arg14[%add3A_31, %dma_wait3A_40] : memref<10112x128xf32, #tpu.memory_space<vmem_shared>> -> memref<128x128xf32, #tpu.memory_space<vmem_shared>>
      tpu.wait_dma2 semaphore(%run_scoped3A : memref<!tpu.dma_semaphore, #tpu.memory_space<semaphore_mem>>) src(%dma_wait3A_41 : memref<128x128xf32, #tpu.memory_space<vmem_shared>>) dst(%arg8 : memref<128x128xf32, #tpu.memory_space<vmem>>)
      tpu.yield
    }) : () -> ()
    "tpu.region"() ({
      %run_scoped3A = tpu.sem_alloc : memref<!tpu.dma_semaphore, #tpu.memory_space<semaphore_mem>>
      %dma_start3A = arith.constant 0 : i32
      %dma_start3A_36 = tpu.memref_slice %arg7[%arg0, %add3A_31, %dma_start3A] : memref<2x10112x128xf32, #tpu.memory_space<hbm>> -> memref<1x128x128xf32, #tpu.memory_space<hbm>>
      %dma_start3A_37 = tpu.memref_squeeze %dma_start3A_36 : memref<1x128x128xf32, #tpu.memory_space<hbm>> -> memref<128x128xf32, #tpu.memory_space<hbm>>
      %dma_start3A_38 = arith.constant 0 : i32
      %dma_start3A_39 = tpu.memref_slice %arg7[%arg0, %add3A_31, %dma_start3A_38] : memref<2x10112x128xf32, #tpu.memory_space<hbm>> -> memref<1x128x128xf32, #tpu.memory_space<hbm>>
      %dma_start3A_40 = tpu.memref_squeeze %dma_start3A_39 : memref<1x128x128xf32, #tpu.memory_space<hbm>> -> memref<128x128xf32, #tpu.memory_space<hbm>>
      tpu.enqueue_dma source(%arg8 : memref<128x128xf32, #tpu.memory_space<vmem>>) target(%dma_start3A_40 : memref<128x128xf32, #tpu.memory_space<hbm>>) target_semaphore(%run_scoped3A : memref<!tpu.dma_semaphore, #tpu.memory_space<semaphore_mem>>)
      %dma_wait3A = arith.constant 0 : i32
      %dma_wait3A_41 = tpu.memref_slice %arg7[%arg0, %add3A_31, %dma_wait3A] : memref<2x10112x128xf32, #tpu.memory_space<hbm>> -> memref<1x128x128xf32, #tpu.memory_space<hbm>>
      %dma_wait3A_42 = tpu.memref_squeeze %dma_wait3A_41 : memref<1x128x128xf32, #tpu.memory_space<hbm>> -> memref<128x128xf32, #tpu.memory_space<hbm>>
      %dma_wait3A_43 = arith.constant 0 : i32
      %dma_wait3A_44 = tpu.memref_slice %arg7[%arg0, %add3A_31, %dma_wait3A_43] : memref<2x10112x128xf32, #tpu.memory_space<hbm>> -> memref<1x128x128xf32, #tpu.memory_space<hbm>>
      %dma_wait3A_45 = tpu.memref_squeeze %dma_wait3A_44 : memref<1x128x128xf32, #tpu.memory_space<hbm>> -> memref<128x128xf32, #tpu.memory_space<hbm>>
      tpu.wait_dma2 semaphore(%run_scoped3A : memref<!tpu.dma_semaphore, #tpu.memory_space<semaphore_mem>>) src(%arg8 : memref<128x128xf32, #tpu.memory_space<vmem>>) dst(%dma_wait3A_45 : memref<128x128xf32, #tpu.memory_space<hbm>>)
      tpu.yield
    }) : () -> ()
    %add3A_32 = arith.constant 384 : i32
    %add3A_33 = arith.addi %mul3A_7, %add3A_32 : i32
    "tpu.region"() ({
      %run_scoped3A = tpu.sem_alloc : memref<!tpu.dma_semaphore, #tpu.memory_space<semaphore_mem>>
      %dma_start3A = arith.constant 0 : i32
      %dma_start3A_36 = tpu.memref_slice %arg14[%add3A_33, %dma_start3A] : memref<10112x128xf32, #tpu.memory_space<vmem_shared>> -> memref<128x128xf32, #tpu.memory_space<vmem_shared>>
      %dma_start3A_37 = arith.constant 0 : i32
      %dma_start3A_38 = tpu.memref_slice %arg14[%add3A_33, %dma_start3A_37] : memref<10112x128xf32, #tpu.memory_space<vmem_shared>> -> memref<128x128xf32, #tpu.memory_space<vmem_shared>>
      tpu.enqueue_dma source(%dma_start3A_38 : memref<128x128xf32, #tpu.memory_space<vmem_shared>>) target(%arg8 : memref<128x128xf32, #tpu.memory_space<vmem>>) target_semaphore(%run_scoped3A : memref<!tpu.dma_semaphore, #tpu.memory_space<semaphore_mem>>)
      %dma_wait3A = arith.constant 0 : i32
      %dma_wait3A_39 = tpu.memref_slice %arg14[%add3A_33, %dma_wait3A] : memref<10112x128xf32, #tpu.memory_space<vmem_shared>> -> memref<128x128xf32, #tpu.memory_space<vmem_shared>>
      %dma_wait3A_40 = arith.constant 0 : i32
      %dma_wait3A_41 = tpu.memref_slice %arg14[%add3A_33, %dma_wait3A_40] : memref<10112x128xf32, #tpu.memory_space<vmem_shared>> -> memref<128x128xf32, #tpu.memory_space<vmem_shared>>
      tpu.wait_dma2 semaphore(%run_scoped3A : memref<!tpu.dma_semaphore, #tpu.memory_space<semaphore_mem>>) src(%dma_wait3A_41 : memref<128x128xf32, #tpu.memory_space<vmem_shared>>) dst(%arg8 : memref<128x128xf32, #tpu.memory_space<vmem>>)
      tpu.yield
    }) : () -> ()
    "tpu.region"() ({
      %run_scoped3A = tpu.sem_alloc : memref<!tpu.dma_semaphore, #tpu.memory_space<semaphore_mem>>
      %dma_start3A = arith.constant 0 : i32
      %dma_start3A_36 = tpu.memref_slice %arg7[%arg0, %add3A_33, %dma_start3A] : memref<2x10112x128xf32, #tpu.memory_space<hbm>> -> memref<1x128x128xf32, #tpu.memory_space<hbm>>
      %dma_start3A_37 = tpu.memref_squeeze %dma_start3A_36 : memref<1x128x128xf32, #tpu.memory_space<hbm>> -> memref<128x128xf32, #tpu.memory_space<hbm>>
      %dma_start3A_38 = arith.constant 0 : i32
      %dma_start3A_39 = tpu.memref_slice %arg7[%arg0, %add3A_33, %dma_start3A_38] : memref<2x10112x128xf32, #tpu.memory_space<hbm>> -> memref<1x128x128xf32, #tpu.memory_space<hbm>>
      %dma_start3A_40 = tpu.memref_squeeze %dma_start3A_39 : memref<1x128x128xf32, #tpu.memory_space<hbm>> -> memref<128x128xf32, #tpu.memory_space<hbm>>
      tpu.enqueue_dma source(%arg8 : memref<128x128xf32, #tpu.memory_space<vmem>>) target(%dma_start3A_40 : memref<128x128xf32, #tpu.memory_space<hbm>>) target_semaphore(%run_scoped3A : memref<!tpu.dma_semaphore, #tpu.memory_space<semaphore_mem>>)
      %dma_wait3A = arith.constant 0 : i32
      %dma_wait3A_41 = tpu.memref_slice %arg7[%arg0, %add3A_33, %dma_wait3A] : memref<2x10112x128xf32, #tpu.memory_space<hbm>> -> memref<1x128x128xf32, #tpu.memory_space<hbm>>
      %dma_wait3A_42 = tpu.memref_squeeze %dma_wait3A_41 : memref<1x128x128xf32, #tpu.memory_space<hbm>> -> memref<128x128xf32, #tpu.memory_space<hbm>>
      %dma_wait3A_43 = arith.constant 0 : i32
      %dma_wait3A_44 = tpu.memref_slice %arg7[%arg0, %add3A_33, %dma_wait3A_43] : memref<2x10112x128xf32, #tpu.memory_space<hbm>> -> memref<1x128x128xf32, #tpu.memory_space<hbm>>
      %dma_wait3A_45 = tpu.memref_squeeze %dma_wait3A_44 : memref<1x128x128xf32, #tpu.memory_space<hbm>> -> memref<128x128xf32, #tpu.memory_space<hbm>>
      tpu.wait_dma2 semaphore(%run_scoped3A : memref<!tpu.dma_semaphore, #tpu.memory_space<semaphore_mem>>) src(%arg8 : memref<128x128xf32, #tpu.memory_space<vmem>>) dst(%dma_wait3A_45 : memref<128x128xf32, #tpu.memory_space<hbm>>)
      tpu.yield
    }) : () -> ()
    %add3A_34 = arith.constant 512 : i32
    %add3A_35 = arith.addi %mul3A_7, %add3A_34 : i32
    "tpu.region"() ({
      %run_scoped3A = tpu.sem_alloc : memref<!tpu.dma_semaphore, #tpu.memory_space<semaphore_mem>>
      %dma_start3A = arith.constant 0 : i32
      %dma_start3A_36 = arith.constant 0 : i32
      %dma_start3A_37 = tpu.memref_slice %arg8[%dma_start3A, %dma_start3A_36] : memref<128x128xf32, #tpu.memory_space<vmem>> -> memref<120x128xf32, #tpu.memory_space<vmem>>
      %dma_start3A_38 = arith.constant 0 : i32
      %dma_start3A_39 = tpu.memref_slice %arg14[%add3A_35, %dma_start3A_38] : memref<10112x128xf32, #tpu.memory_space<vmem_shared>> -> memref<120x128xf32, #tpu.memory_space<vmem_shared>>
      %dma_start3A_40 = arith.constant 0 : i32
      %dma_start3A_41 = arith.constant 0 : i32
      %dma_start3A_42 = tpu.memref_slice %arg8[%dma_start3A_40, %dma_start3A_41] : memref<128x128xf32, #tpu.memory_space<vmem>> -> memref<120x128xf32, #tpu.memory_space<vmem>>
      %dma_start3A_43 = arith.constant 0 : i32
      %dma_start3A_44 = tpu.memref_slice %arg14[%add3A_35, %dma_start3A_43] : memref<10112x128xf32, #tpu.memory_space<vmem_shared>> -> memref<120x128xf32, #tpu.memory_space<vmem_shared>>
      tpu.enqueue_dma source(%dma_start3A_44 : memref<120x128xf32, #tpu.memory_space<vmem_shared>>) target(%dma_start3A_42 : memref<120x128xf32, #tpu.memory_space<vmem>>) target_semaphore(%run_scoped3A : memref<!tpu.dma_semaphore, #tpu.memory_space<semaphore_mem>>)
      %dma_wait3A = arith.constant 0 : i32
      %dma_wait3A_45 = arith.constant 0 : i32
      %dma_wait3A_46 = tpu.memref_slice %arg8[%dma_wait3A, %dma_wait3A_45] : memref<128x128xf32, #tpu.memory_space<vmem>> -> memref<120x128xf32, #tpu.memory_space<vmem>>
      %dma_wait3A_47 = arith.constant 0 : i32
      %dma_wait3A_48 = tpu.memref_slice %arg14[%add3A_35, %dma_wait3A_47] : memref<10112x128xf32, #tpu.memory_space<vmem_shared>> -> memref<120x128xf32, #tpu.memory_space<vmem_shared>>
      %dma_wait3A_49 = arith.constant 0 : i32
      %dma_wait3A_50 = arith.constant 0 : i32
      %dma_wait3A_51 = tpu.memref_slice %arg8[%dma_wait3A_49, %dma_wait3A_50] : memref<128x128xf32, #tpu.memory_space<vmem>> -> memref<120x128xf32, #tpu.memory_space<vmem>>
      %dma_wait3A_52 = arith.constant 0 : i32
      %dma_wait3A_53 = tpu.memref_slice %arg14[%add3A_35, %dma_wait3A_52] : memref<10112x128xf32, #tpu.memory_space<vmem_shared>> -> memref<120x128xf32, #tpu.memory_space<vmem_shared>>
      tpu.wait_dma2 semaphore(%run_scoped3A : memref<!tpu.dma_semaphore, #tpu.memory_space<semaphore_mem>>) src(%dma_wait3A_53 : memref<120x128xf32, #tpu.memory_space<vmem_shared>>) dst(%dma_wait3A_51 : memref<120x128xf32, #tpu.memory_space<vmem>>)
      tpu.yield
    }) : () -> ()
    "tpu.region"() ({
      %run_scoped3A = tpu.sem_alloc : memref<!tpu.dma_semaphore, #tpu.memory_space<semaphore_mem>>
      %dma_start3A = arith.constant 0 : i32
      %dma_start3A_36 = arith.constant 0 : i32
      %dma_start3A_37 = tpu.memref_slice %arg8[%dma_start3A, %dma_start3A_36] : memref<128x128xf32, #tpu.memory_space<vmem>> -> memref<120x128xf32, #tpu.memory_space<vmem>>
      %dma_start3A_38 = arith.constant 0 : i32
      %dma_start3A_39 = tpu.memref_slice %arg7[%arg0, %add3A_35, %dma_start3A_38] : memref<2x10112x128xf32, #tpu.memory_space<hbm>> -> memref<1x120x128xf32, #tpu.memory_space<hbm>>
      %dma_start3A_40 = tpu.memref_squeeze %dma_start3A_39 : memref<1x120x128xf32, #tpu.memory_space<hbm>> -> memref<120x128xf32, #tpu.memory_space<hbm>>
      %dma_start3A_41 = arith.constant 0 : i32
      %dma_start3A_42 = tpu.memref_slice %arg7[%arg0, %add3A_35, %dma_start3A_41] : memref<2x10112x128xf32, #tpu.memory_space<hbm>> -> memref<1x120x128xf32, #tpu.memory_space<hbm>>
      %dma_start3A_43 = tpu.memref_squeeze %dma_start3A_42 : memref<1x120x128xf32, #tpu.memory_space<hbm>> -> memref<120x128xf32, #tpu.memory_space<hbm>>
      %dma_start3A_44 = arith.constant 0 : i32
      %dma_start3A_45 = arith.constant 0 : i32
      %dma_start3A_46 = tpu.memref_slice %arg8[%dma_start3A_44, %dma_start3A_45] : memref<128x128xf32, #tpu.memory_space<vmem>> -> memref<120x128xf32, #tpu.memory_space<vmem>>
      tpu.enqueue_dma source(%dma_start3A_46 : memref<120x128xf32, #tpu.memory_space<vmem>>) target(%dma_start3A_43 : memref<120x128xf32, #tpu.memory_space<hbm>>) target_semaphore(%run_scoped3A : memref<!tpu.dma_semaphore, #tpu.memory_space<semaphore_mem>>)
      %dma_wait3A = arith.constant 0 : i32
      %dma_wait3A_47 = arith.constant 0 : i32
      %dma_wait3A_48 = tpu.memref_slice %arg8[%dma_wait3A, %dma_wait3A_47] : memref<128x128xf32, #tpu.memory_space<vmem>> -> memref<120x128xf32, #tpu.memory_space<vmem>>
      %dma_wait3A_49 = arith.constant 0 : i32
      %dma_wait3A_50 = tpu.memref_slice %arg7[%arg0, %add3A_35, %dma_wait3A_49] : memref<2x10112x128xf32, #tpu.memory_space<hbm>> -> memref<1x120x128xf32, #tpu.memory_space<hbm>>
      %dma_wait3A_51 = tpu.memref_squeeze %dma_wait3A_50 : memref<1x120x128xf32, #tpu.memory_space<hbm>> -> memref<120x128xf32, #tpu.memory_space<hbm>>
      %dma_wait3A_52 = arith.constant 0 : i32
      %dma_wait3A_53 = tpu.memref_slice %arg7[%arg0, %add3A_35, %dma_wait3A_52] : memref<2x10112x128xf32, #tpu.memory_space<hbm>> -> memref<1x120x128xf32, #tpu.memory_space<hbm>>
      %dma_wait3A_54 = tpu.memref_squeeze %dma_wait3A_53 : memref<1x120x128xf32, #tpu.memory_space<hbm>> -> memref<120x128xf32, #tpu.memory_space<hbm>>
      %dma_wait3A_55 = arith.constant 0 : i32
      %dma_wait3A_56 = arith.constant 0 : i32
      %dma_wait3A_57 = tpu.memref_slice %arg8[%dma_wait3A_55, %dma_wait3A_56] : memref<128x128xf32, #tpu.memory_space<vmem>> -> memref<120x128xf32, #tpu.memory_space<vmem>>
      tpu.wait_dma2 semaphore(%run_scoped3A : memref<!tpu.dma_semaphore, #tpu.memory_space<semaphore_mem>>) src(%dma_wait3A_57 : memref<120x128xf32, #tpu.memory_space<vmem>>) dst(%dma_wait3A_54 : memref<120x128xf32, #tpu.memory_space<hbm>>)
      tpu.yield
    }) : () -> ()
    return
  }
}

module attributes {stable_mosaic.version = 14 : i64} {
  func.func @_embed_body(%arg0: i32, %arg1: memref<1000x128xf32, #tpu.memory_space<vmem>>, %arg2: memref<128x128xf32, #tpu.memory_space<vmem>>, %arg3: memref<1x128xf32, #tpu.memory_space<vmem>>, %arg4: memref<128x128xf32, #tpu.memory_space<vmem>>, %arg5: memref<1x128xf32, #tpu.memory_space<vmem>>, %arg6: memref<1000x128xf32, #tpu.memory_space<vmem>>) attributes {dimension_semantics = [#tpu.dimension_semantics<arbitrary>], iteration_bounds = array<i64: 10>, scalar_prefetch = 0 : i64, scratch_operands = 0 : i64, tpu.core_type = #tpu.core_type<tc>, window_params = [{transform_indices = @transform_0, window_bounds = array<i64: 1000, 128>}, {pipeline_mode = #tpu.pipeline_mode<synchronous>, transform_indices = @transform_1, window_bounds = array<i64: 128, 128>}, {pipeline_mode = #tpu.pipeline_mode<synchronous>, transform_indices = @transform_2, window_bounds = array<i64: 1, 128>}, {pipeline_mode = #tpu.pipeline_mode<synchronous>, transform_indices = @transform_3, window_bounds = array<i64: 128, 128>}, {pipeline_mode = #tpu.pipeline_mode<synchronous>, transform_indices = @transform_4, window_bounds = array<i64: 1, 128>}, {transform_indices = @transform_5, window_bounds = array<i64: 1000, 128>}]} {
    %get3A = arith.constant 0 : index
    %get3A_0 = arith.constant 0 : index
    %get3A_1 = vector.load %arg1[%get3A, %get3A_0] : memref<1000x128xf32, #tpu.memory_space<vmem>>, vector<1000x128xf32>
    %get3A_2 = arith.constant 0 : index
    %get3A_3 = arith.constant 0 : index
    %get3A_4 = vector.load %arg2[%get3A_2, %get3A_3] : memref<128x128xf32, #tpu.memory_space<vmem>>, vector<128x128xf32>
    %dot_general3A = arith.constant dense<0.000000e+00> : vector<1000x128xf32>
    %dot_general3A_5 = tpu.matmul %get3A_1, %get3A_4, %dot_general3A {dimension_numbers = #tpu.dot_dimension_numbers<[1], [0], [0], [1], [0, 0, 1, 1], [], []>, transpose_lhs_hint = false} : vector<1000x128xf32>, vector<128x128xf32>, vector<1000x128xf32> -> vector<1000x128xf32>
    %get3A_6 = arith.constant 0 : index
    %get3A_7 = arith.constant 0 : index
    %get3A_8 = vector.load %arg3[%get3A_6, %get3A_7] : memref<1x128xf32, #tpu.memory_space<vmem>>, vector<1x128xf32>
    %add3A = vector.broadcast %get3A_8 : vector<1x128xf32> to vector<1000x128xf32>
    %add3A_9 = arith.addf %dot_general3A_5, %add3A : vector<1000x128xf32>
    %max3A = arith.constant 0.000000e+00 : f32
    %max3A_10 = vector.broadcast %max3A : f32 to vector<1000x128xf32>
    %max3A_11 = arith.maximumf %add3A_9, %max3A_10 : vector<1000x128xf32>
    %get3A_12 = arith.constant 0 : index
    %get3A_13 = arith.constant 0 : index
    %get3A_14 = vector.load %arg4[%get3A_12, %get3A_13] : memref<128x128xf32, #tpu.memory_space<vmem>>, vector<128x128xf32>
    %dot_general3A_15 = arith.constant dense<0.000000e+00> : vector<1000x128xf32>
    %dot_general3A_16 = tpu.matmul %max3A_11, %get3A_14, %dot_general3A_15 {dimension_numbers = #tpu.dot_dimension_numbers<[1], [0], [0], [1], [0, 0, 1, 1], [], []>, transpose_lhs_hint = false} : vector<1000x128xf32>, vector<128x128xf32>, vector<1000x128xf32> -> vector<1000x128xf32>
    %get3A_17 = arith.constant 0 : index
    %get3A_18 = arith.constant 0 : index
    %get3A_19 = vector.load %arg5[%get3A_17, %get3A_18] : memref<1x128xf32, #tpu.memory_space<vmem>>, vector<1x128xf32>
    %add3A_20 = vector.broadcast %get3A_19 : vector<1x128xf32> to vector<1000x128xf32>
    %add3A_21 = arith.addf %dot_general3A_16, %add3A_20 : vector<1000x128xf32>
    %swap3A = arith.constant 0 : index
    %swap3A_22 = arith.constant 0 : index
    %swap3A_23 = vector.load %arg6[%swap3A, %swap3A_22] : memref<1000x128xf32, #tpu.memory_space<vmem>>, vector<1000x128xf32>
    tpu.vector_store %arg6[%swap3A, %swap3A_22], %add3A_21 {strides = array<i32>} : memref<1000x128xf32, #tpu.memory_space<vmem>>, vector<1000x128xf32>,
    return
  }
  func.func @transform_0(%arg0: i32) -> (i32, i32) {
    %c0_i32 = arith.constant 0 : i32
    %c0_i32_0 = arith.constant 0 : i32
    return %arg0, %c0_i32 : i32, i32
  }
  func.func @transform_1(%arg0: i32) -> (i32, i32) {
    %c0_i32 = arith.constant 0 : i32
    %c0_i32_0 = arith.constant 0 : i32
    %c0_i32_1 = arith.constant 0 : i32
    return %c0_i32, %c0_i32_0 : i32, i32
  }
  func.func @transform_2(%arg0: i32) -> (i32, i32) {
    %c0_i32 = arith.constant 0 : i32
    %c0_i32_0 = arith.constant 0 : i32
    %c0_i32_1 = arith.constant 0 : i32
    return %c0_i32, %c0_i32_0 : i32, i32
  }
  func.func @transform_3(%arg0: i32) -> (i32, i32) {
    %c0_i32 = arith.constant 0 : i32
    %c0_i32_0 = arith.constant 0 : i32
    %c0_i32_1 = arith.constant 0 : i32
    return %c0_i32, %c0_i32_0 : i32, i32
  }
  func.func @transform_4(%arg0: i32) -> (i32, i32) {
    %c0_i32 = arith.constant 0 : i32
    %c0_i32_0 = arith.constant 0 : i32
    %c0_i32_1 = arith.constant 0 : i32
    return %c0_i32, %c0_i32_0 : i32, i32
  }
  func.func @transform_5(%arg0: i32) -> (i32, i32) {
    %c0_i32 = arith.constant 0 : i32
    %c0_i32_0 = arith.constant 0 : i32
    return %arg0, %c0_i32 : i32, i32
  }
}

module attributes {stable_mosaic.version = 14 : i64} {
  func.func @_layer_body(%arg0: i32, %arg1: memref<1000x128xf32, #tpu.memory_space<vmem>>, %arg2: memref<2x1000x128xf32, #tpu.memory_space<vmem>>, %arg3: memref<128x128xf32, #tpu.memory_space<vmem>>, %arg4: memref<1x128xf32, #tpu.memory_space<vmem>>, %arg5: memref<128x128xf32, #tpu.memory_space<vmem>>, %arg6: memref<1x128xf32, #tpu.memory_space<vmem>>, %arg7: memref<1x1xf32, #tpu.memory_space<smem>>, %arg8: memref<1000x128xf32, #tpu.memory_space<vmem>>) attributes {dimension_semantics = [#tpu.dimension_semantics<arbitrary>], iteration_bounds = array<i64: 10>, scalar_prefetch = 0 : i64, scratch_operands = 0 : i64, tpu.core_type = #tpu.core_type<tc>, window_params = [{transform_indices = @transform_0, window_bounds = array<i64: 1000, 128>}, {transform_indices = @transform_1, window_bounds = array<i64: 2, 1000, 128>}, {pipeline_mode = #tpu.pipeline_mode<synchronous>, transform_indices = @transform_2, window_bounds = array<i64: 128, 128>}, {pipeline_mode = #tpu.pipeline_mode<synchronous>, transform_indices = @transform_3, window_bounds = array<i64: 1, 128>}, {pipeline_mode = #tpu.pipeline_mode<synchronous>, transform_indices = @transform_4, window_bounds = array<i64: 128, 128>}, {pipeline_mode = #tpu.pipeline_mode<synchronous>, transform_indices = @transform_5, window_bounds = array<i64: 1, 128>}, {transform_indices = @transform_6, window_bounds = array<i64: 1, 1>}, {transform_indices = @transform_7, window_bounds = array<i64: 1000, 128>}]} {
    %get3A = arith.constant 0 : index
    %get3A_0 = arith.constant 0 : index
    %get3A_1 = memref.load %arg7[%get3A, %get3A_0] : memref<1x1xf32, #tpu.memory_space<smem>>
    %get3A_2 = arith.constant 0 : index
    %get3A_3 = arith.constant 0 : index
    %get3A_4 = vector.load %arg1[%get3A_2, %get3A_3] : memref<1000x128xf32, #tpu.memory_space<vmem>>, vector<1000x128xf32>
    %add3A = arith.constant 1.000000e+00 : f32
    %add3A_5 = arith.addf %add3A, %get3A_1 : f32
    %mul3A = vector.broadcast %add3A_5 : f32 to vector<1000x128xf32>
    %mul3A_6 = arith.mulf %mul3A, %get3A_4 : vector<1000x128xf32>
    %get3A_7 = arith.constant 0 : index
    %get3A_8 = arith.constant 0 : index
    %get3A_9 = arith.constant 0 : index
    %get3A_10 = vector.load %arg2[%get3A_7, %get3A_8, %get3A_9] : memref<2x1000x128xf32, #tpu.memory_space<vmem>>, vector<1x1000x128xf32>
    %get3A_11 = vector.shape_cast %get3A_10 : vector<1x1000x128xf32> to vector<1000x128xf32>
    %add3A_12 = arith.addf %mul3A_6, %get3A_11 : vector<1000x128xf32>
    %get3A_13 = arith.constant 1 : index
    %get3A_14 = arith.constant 0 : index
    %get3A_15 = arith.constant 0 : index
    %get3A_16 = vector.load %arg2[%get3A_13, %get3A_14, %get3A_15] : memref<2x1000x128xf32, #tpu.memory_space<vmem>>, vector<1x1000x128xf32>
    %get3A_17 = vector.shape_cast %get3A_16 : vector<1x1000x128xf32> to vector<1000x128xf32>
    %add3A_18 = arith.addf %add3A_12, %get3A_17 : vector<1000x128xf32>
    %get3A_19 = arith.constant 0 : index
    %get3A_20 = arith.constant 0 : index
    %get3A_21 = vector.load %arg3[%get3A_19, %get3A_20] : memref<128x128xf32, #tpu.memory_space<vmem>>, vector<128x128xf32>
    %dot_general3A = arith.constant dense<0.000000e+00> : vector<1000x128xf32>
    %dot_general3A_22 = tpu.matmul %add3A_18, %get3A_21, %dot_general3A {dimension_numbers = #tpu.dot_dimension_numbers<[1], [0], [0], [1], [0, 0, 1, 1], [], []>, transpose_lhs_hint = false} : vector<1000x128xf32>, vector<128x128xf32>, vector<1000x128xf32> -> vector<1000x128xf32>
    %get3A_23 = arith.constant 0 : index
    %get3A_24 = arith.constant 0 : index
    %get3A_25 = vector.load %arg4[%get3A_23, %get3A_24] : memref<1x128xf32, #tpu.memory_space<vmem>>, vector<1x128xf32>
    %add3A_26 = vector.broadcast %get3A_25 : vector<1x128xf32> to vector<1000x128xf32>
    %add3A_27 = arith.addf %dot_general3A_22, %add3A_26 : vector<1000x128xf32>
    %max3A = arith.constant 0.000000e+00 : f32
    %max3A_28 = vector.broadcast %max3A : f32 to vector<1000x128xf32>
    %max3A_29 = arith.maximumf %add3A_27, %max3A_28 : vector<1000x128xf32>
    %get3A_30 = arith.constant 0 : index
    %get3A_31 = arith.constant 0 : index
    %get3A_32 = vector.load %arg5[%get3A_30, %get3A_31] : memref<128x128xf32, #tpu.memory_space<vmem>>, vector<128x128xf32>
    %dot_general3A_33 = arith.constant dense<0.000000e+00> : vector<1000x128xf32>
    %dot_general3A_34 = tpu.matmul %max3A_29, %get3A_32, %dot_general3A_33 {dimension_numbers = #tpu.dot_dimension_numbers<[1], [0], [0], [1], [0, 0, 1, 1], [], []>, transpose_lhs_hint = false} : vector<1000x128xf32>, vector<128x128xf32>, vector<1000x128xf32> -> vector<1000x128xf32>
    %get3A_35 = arith.constant 0 : index
    %get3A_36 = arith.constant 0 : index
    %get3A_37 = vector.load %arg6[%get3A_35, %get3A_36] : memref<1x128xf32, #tpu.memory_space<vmem>>, vector<1x128xf32>
    %add3A_38 = vector.broadcast %get3A_37 : vector<1x128xf32> to vector<1000x128xf32>
    %add3A_39 = arith.addf %dot_general3A_34, %add3A_38 : vector<1000x128xf32>
    %max3A_40 = arith.constant 0.000000e+00 : f32
    %max3A_41 = vector.broadcast %max3A_40 : f32 to vector<1000x128xf32>
    %max3A_42 = arith.maximumf %add3A_39, %max3A_41 : vector<1000x128xf32>
    %add3A_43 = arith.addf %max3A_42, %get3A_4 : vector<1000x128xf32>
    %swap3A = arith.constant 0 : index
    %swap3A_44 = arith.constant 0 : index
    %swap3A_45 = vector.load %arg8[%swap3A, %swap3A_44] : memref<1000x128xf32, #tpu.memory_space<vmem>>, vector<1000x128xf32>
    tpu.vector_store %arg8[%swap3A, %swap3A_44], %add3A_43 {strides = array<i32>} : memref<1000x128xf32, #tpu.memory_space<vmem>>, vector<1000x128xf32>,
    return
  }
  func.func @transform_0(%arg0: i32) -> (i32, i32) {
    %c0_i32 = arith.constant 0 : i32
    %c0_i32_0 = arith.constant 0 : i32
    return %arg0, %c0_i32 : i32, i32
  }
  func.func @transform_1(%arg0: i32) -> (i32, i32, i32) {
    %c0_i32 = arith.constant 0 : i32
    %c0_i32_0 = arith.constant 0 : i32
    %c0_i32_1 = arith.constant 0 : i32
    return %c0_i32, %arg0, %c0_i32_0 : i32, i32, i32
  }
  func.func @transform_2(%arg0: i32) -> (i32, i32) {
    %c0_i32 = arith.constant 0 : i32
    %c0_i32_0 = arith.constant 0 : i32
    %c0_i32_1 = arith.constant 0 : i32
    return %c0_i32, %c0_i32_0 : i32, i32
  }
  func.func @transform_3(%arg0: i32) -> (i32, i32) {
    %c0_i32 = arith.constant 0 : i32
    %c0_i32_0 = arith.constant 0 : i32
    %c0_i32_1 = arith.constant 0 : i32
    return %c0_i32, %c0_i32_0 : i32, i32
  }
  func.func @transform_4(%arg0: i32) -> (i32, i32) {
    %c0_i32 = arith.constant 0 : i32
    %c0_i32_0 = arith.constant 0 : i32
    %c0_i32_1 = arith.constant 0 : i32
    return %c0_i32, %c0_i32_0 : i32, i32
  }
  func.func @transform_5(%arg0: i32) -> (i32, i32) {
    %c0_i32 = arith.constant 0 : i32
    %c0_i32_0 = arith.constant 0 : i32
    %c0_i32_1 = arith.constant 0 : i32
    return %c0_i32, %c0_i32_0 : i32, i32
  }
  func.func @transform_6(%arg0: i32) -> (i32, i32) {
    %c0_i32 = arith.constant 0 : i32
    %c0_i32_0 = arith.constant 0 : i32
    %c0_i32_1 = arith.constant 0 : i32
    return %c0_i32, %c0_i32_0 : i32, i32
  }
  func.func @transform_7(%arg0: i32) -> (i32, i32) {
    %c0_i32 = arith.constant 0 : i32
    %c0_i32_0 = arith.constant 0 : i32
    return %arg0, %c0_i32 : i32, i32
  }
}

module attributes {stable_mosaic.version = 14 : i64} {
  func.func @_final_body(%arg0: i32, %arg1: i32, %arg2: memref<1000x128xf32, #tpu.memory_space<vmem>>, %arg3: memref<1000x128xf32, #tpu.memory_space<vmem>>, %arg4: memref<1000x128xf32, #tpu.memory_space<vmem>>, %arg5: memref<1000x128xf32, #tpu.memory_space<vmem>>, %arg6: memref<1000x128xf32, #tpu.memory_space<vmem>>, %arg7: memref<1000x128xf32, #tpu.memory_space<vmem>>, %arg8: memref<1000x1536xf32, #tpu.memory_space<vmem>>, %arg9: memref<8x768xf32, #tpu.memory_space<vmem>>) attributes {dimension_semantics = [#tpu.dimension_semantics<arbitrary>, #tpu.dimension_semantics<arbitrary>], iteration_bounds = array<i64: 2, 10>, scalar_prefetch = 0 : i64, scratch_operands = 1 : i64, tpu.core_type = #tpu.core_type<tc>, window_params = [{transform_indices = @transform_0, window_bounds = array<i64: 1000, 128>}, {transform_indices = @transform_1, window_bounds = array<i64: 1000, 128>}, {transform_indices = @transform_2, window_bounds = array<i64: 1000, 128>}, {transform_indices = @transform_3, window_bounds = array<i64: 1000, 128>}, {transform_indices = @transform_4, window_bounds = array<i64: 1000, 128>}, {transform_indices = @transform_5, window_bounds = array<i64: 1000, 128>}, {transform_indices = @transform_6, window_bounds = array<i64: 1000, 1536>}]} {
    %get3A = arith.constant 0 : index
    %get3A_0 = arith.constant 0 : index
    %get3A_1 = vector.load %arg2[%get3A, %get3A_0] : memref<1000x128xf32, #tpu.memory_space<vmem>>, vector<1000x128xf32>
    %get3A_2 = arith.constant 0 : index
    %get3A_3 = arith.constant 0 : index
    %get3A_4 = vector.load %arg3[%get3A_2, %get3A_3] : memref<1000x128xf32, #tpu.memory_space<vmem>>, vector<1000x128xf32>
    %get3A_5 = arith.constant 0 : index
    %get3A_6 = arith.constant 0 : index
    %get3A_7 = vector.load %arg4[%get3A_5, %get3A_6] : memref<1000x128xf32, #tpu.memory_space<vmem>>, vector<1000x128xf32>
    %get3A_8 = arith.constant 0 : index
    %get3A_9 = arith.constant 0 : index
    %get3A_10 = vector.load %arg5[%get3A_8, %get3A_9] : memref<1000x128xf32, #tpu.memory_space<vmem>>, vector<1000x128xf32>
    %get3A_11 = arith.constant 0 : index
    %get3A_12 = arith.constant 0 : index
    %get3A_13 = vector.load %arg6[%get3A_11, %get3A_12] : memref<1000x128xf32, #tpu.memory_space<vmem>>, vector<1000x128xf32>
    %get3A_14 = arith.constant 0 : index
    %get3A_15 = arith.constant 0 : index
    %get3A_16 = vector.load %arg7[%get3A_14, %get3A_15] : memref<1000x128xf32, #tpu.memory_space<vmem>>, vector<1000x128xf32>
    %concatenate3A = tpu.concatenate %get3A_1, %get3A_4, %get3A_7, %get3A_10, %get3A_13, %get3A_16 in 1 : vector<1000x128xf32>, vector<1000x128xf32>, vector<1000x128xf32>, vector<1000x128xf32>, vector<1000x128xf32>, vector<1000x128xf32> -> vector<1000x768xf32>
    %eq3A = arith.constant 0 : i32
    %eq3A_17 = arith.cmpi eq, %arg0, %eq3A : i32
    %convert_element_type3A = arith.extui %eq3A_17 : i1 to i32
    %cond3A = arith.constant 0 : i32
    %cond3A_18 = arith.cmpi ne, %convert_element_type3A, %cond3A : i32
    scf.if %cond3A_18 {
      %reduce_max3A = arith.constant dense<0xFF800000> : vector<768xf32>
      %reduce_max3A_24 = vector.multi_reduction <maximumf>, %concatenate3A, %reduce_max3A [0] : vector<1000x768xf32> to vector<768xf32>
      %broadcast_in_dim3A = vector.shape_cast %reduce_max3A_24 : vector<768xf32> to vector<1x768xf32>
      %broadcast_in_dim3A_25 = vector.shape_cast %broadcast_in_dim3A : vector<1x768xf32> to vector<1x768xf32>
      %broadcast_in_dim3A_26 = vector.broadcast %broadcast_in_dim3A_25 : vector<1x768xf32> to vector<8x768xf32>
      %eq3A_27 = arith.constant 0 : i32
      %eq3A_28 = arith.cmpi eq, %arg1, %eq3A_27 : i32
      %convert_element_type3A_29 = arith.extui %eq3A_28 : i1 to i32
      %cond3A_30 = arith.constant 0 : i32
      %cond3A_31 = arith.cmpi ne, %convert_element_type3A_29, %cond3A_30 : i32
      scf.if %cond3A_31 {
        %swap3A = arith.constant 0 : index
        %swap3A_36 = arith.constant 0 : index
        %swap3A_37 = vector.load %arg9[%swap3A, %swap3A_36] : memref<8x768xf32, #tpu.memory_space<vmem>>, vector<8x768xf32>
        tpu.vector_store %arg9[%swap3A, %swap3A_36], %broadcast_in_dim3A_26 {strides = array<i32>} : memref<8x768xf32, #tpu.memory_space<vmem>>, vector<8x768xf32>,
      } else {
      }
      %gt3A = arith.constant 0 : i32
      %gt3A_32 = arith.cmpi sgt, %arg1, %gt3A : i32
      %convert_element_type3A_33 = arith.extui %gt3A_32 : i1 to i32
      %cond3A_34 = arith.constant 0 : i32
      %cond3A_35 = arith.cmpi ne, %convert_element_type3A_33, %cond3A_34 : i32
      scf.if %cond3A_35 {
        %get3A_36 = arith.constant 0 : index
        %get3A_37 = arith.constant 0 : index
        %get3A_38 = vector.load %arg9[%get3A_36, %get3A_37] : memref<8x768xf32, #tpu.memory_space<vmem>>, vector<8x768xf32>
        %max3A = arith.maximumf %get3A_38, %broadcast_in_dim3A_26 : vector<8x768xf32>
        %swap3A = arith.constant 0 : index
        %swap3A_39 = arith.constant 0 : index
        %swap3A_40 = vector.load %arg9[%swap3A, %swap3A_39] : memref<8x768xf32, #tpu.memory_space<vmem>>, vector<8x768xf32>
        tpu.vector_store %arg9[%swap3A, %swap3A_39], %max3A {strides = array<i32>} : memref<8x768xf32, #tpu.memory_space<vmem>>, vector<8x768xf32>,
      } else {
      }
    } else {
    }
    %eq3A_19 = arith.constant 1 : i32
    %eq3A_20 = arith.cmpi eq, %arg0, %eq3A_19 : i32
    %convert_element_type3A_21 = arith.extui %eq3A_20 : i1 to i32
    %cond3A_22 = arith.constant 0 : i32
    %cond3A_23 = arith.cmpi ne, %convert_element_type3A_21, %cond3A_22 : i32
    scf.if %cond3A_23 {
      %swap3A = arith.constant 0 : index
      %swap3A_24 = arith.constant 0 : index
      %swap3A_25 = vector.load %arg8[%swap3A, %swap3A_24] : memref<1000x1536xf32, #tpu.memory_space<vmem>>, vector<1000x768xf32>
      tpu.vector_store %arg8[%swap3A, %swap3A_24], %concatenate3A {strides = array<i32>} : memref<1000x1536xf32, #tpu.memory_space<vmem>>, vector<1000x768xf32>,
      %get3A_26 = arith.constant 0 : index
      %get3A_27 = arith.constant 0 : index
      %get3A_28 = vector.load %arg9[%get3A_26, %get3A_27] : memref<8x768xf32, #tpu.memory_space<vmem>>, vector<1x768xf32>
      %broadcast_in_dim3A = vector.shape_cast %get3A_28 : vector<1x768xf32> to vector<1x768xf32>
      %broadcast_in_dim3A_29 = vector.broadcast %broadcast_in_dim3A : vector<1x768xf32> to vector<1000x768xf32>
      %swap3A_30 = arith.constant 0 : index
      %swap3A_31 = arith.constant 768 : index
      %swap3A_32 = vector.load %arg8[%swap3A_30, %swap3A_31] : memref<1000x1536xf32, #tpu.memory_space<vmem>>, vector<1000x768xf32>
      tpu.vector_store %arg8[%swap3A_30, %swap3A_31], %broadcast_in_dim3A_29 {strides = array<i32>} : memref<1000x1536xf32, #tpu.memory_space<vmem>>, vector<1000x768xf32>,
    } else {
    }
    return
  }
  func.func @transform_0(%arg0: i32, %arg1: i32) -> (i32, i32) {
    %c0_i32 = arith.constant 0 : i32
    %c0_i32_0 = arith.constant 0 : i32
    return %arg1, %c0_i32 : i32, i32
  }
  func.func @transform_1(%arg0: i32, %arg1: i32) -> (i32, i32) {
    %c0_i32 = arith.constant 0 : i32
    %c0_i32_0 = arith.constant 0 : i32
    return %arg1, %c0_i32 : i32, i32
  }
  func.func @transform_2(%arg0: i32, %arg1: i32) -> (i32, i32) {
    %c0_i32 = arith.constant 0 : i32
    %c0_i32_0 = arith.constant 0 : i32
    return %arg1, %c0_i32 : i32, i32
  }
  func.func @transform_3(%arg0: i32, %arg1: i32) -> (i32, i32) {
    %c0_i32 = arith.constant 0 : i32
    %c0_i32_0 = arith.constant 0 : i32
    return %arg1, %c0_i32 : i32, i32
  }
  func.func @transform_4(%arg0: i32, %arg1: i32) -> (i32, i32) {
    %c0_i32 = arith.constant 0 : i32
    %c0_i32_0 = arith.constant 0 : i32
    return %arg1, %c0_i32 : i32, i32
  }
  func.func @transform_5(%arg0: i32, %arg1: i32) -> (i32, i32) {
    %c0_i32 = arith.constant 0 : i32
    %c0_i32_0 = arith.constant 0 : i32
    return %arg1, %c0_i32 : i32, i32
  }
  func.func @transform_6(%arg0: i32, %arg1: i32) -> (i32, i32) {
    %c0_i32 = arith.constant 0 : i32
    %c0_i32_0 = arith.constant 0 : i32
    return %arg1, %c0_i32 : i32, i32
  }
}

</mosaic_0001>

<sc_bundles>
// kernel: kernel.12.cloned.1.call-start
scs
__scs_entry_jumppad:
0x0: {  	(pc) =	sbr.rel $0x88, $3  }
0x1: {  	(tag) =	ssettag $0x0;
	lr =	simm.s32 $0x1  }
0x2: {  	[smem:$0x3F94] =	sst lr;
	_ =	strace $0xD0000000  }
0x3: {  	_ = 	snop  }
0x4: {  	_ = 	snop  }
0x5: {  	_ = 	snop  }
0x6: {  	_ = 	snop  }
0x7: {  	_ = 	snop  }
__scs_overlays_trampoline_lowered:
0x8: {  	[smem:$0x3FA3] =	sst s0  }
0x9: {  	[smem:$0x3FA4] =	sst s1  }
0xa: {  	[smem:$0x3FA5] =	sst s2  }
0xb: {  	[smem:$0x3FA6] =	sst s3  }
0xc: {  	[smem:$0x3FA7] =	sst s4  }
0xd: {  	[smem:$0x3FA8] =	sst s5  }
0xe: {  	[smem:$0x3FA9] =	sst s6  }
0xf: {  	[smem:$0x3FAA] =	sst s7  }
0x10: {  	[smem:$0x3FAB] =	sst s8  }
0x11: {  	[smem:$0x3FAC] =	sst s9;
	s0 =	simm.s32 @!p0 $0x0  }
0x12: {  	s1 =	sld [smem:$0x3F92];
	s0 =	simm.s32 @p0 $0x1  }
0x13: {  	[smem:$0x3FAD] =	sst s0;
	s0 =	simm.s32 @!p1 $0x0  }
0x14: {  	s2 =	sld [smem:$0x3F91];
	s0 =	simm.s32 @p1 $0x1  }
0x15: {  	[smem:$0x3FAE] =	sst s0;
	s0 =	simm.s32 @!p2 $0x0  }
0x16: {  	s3 =	sld [smem:$0x3FDB];
	s0 =	simm.s32 @p2 $0x1  }
0x17: {  	s4 =	simm.s32 $0x1BF5;
	[smem:$0x3FB0] =	sst s0  }
0x18: {  	s0 =	sld [smem:$0x3F93];
	_ =	swait.ge [sflag:s4], $0x0  }
0x19: {  	s7 =	sld [smem:$0x3F94]  }
0x1a: {  	s8 =	sadd.s32 $0xFFFFE003, lr  }
0x1b: {  	s9 =	sadd.s32 $0xFFFFFEF7, lr;
	s5 =	simm.s32 $0xFFFFFFFF;
	p2 =	slt.u32 s8, $0xFFFFF086  }
0x1c: {  	p1 =	slt.u32 s9, $0xF7A;
	s5 =	simm.s32 @!p2 $0x0  }
0x1d: {  	s5 =	simm.s32 @p1 $0x1;
	p0 =	seq.s32 s7, s2  }
0x1e: {  	s7 =	smul.u32 @!p0 $0xF7A, s2;
	p2 =	seq.s32 @!p0 s5, $0x0  }
0x1f: {  	s9 =	smul.u32 $0xF7A, s1;
	s8 =	simm.s32 @!p0 $0x1BF5;
	p2 =	por !p2, p0  }
0x20: {  	[sflag:s8] =	ssyncset.s32 @!p0 $0xFFFFF086;
	s6 =	sadd.s32 @!p0 s3, s7;
	s7 =	simm.s32 @!p0 $0x108  }
0x21: {  	s3 =	sadd.s32 s3, s9;
	s6 =	sadd.s32 @!p0 $0x88, s6;
	s7 =	simm.s32 @p2 $0x1082  }
0x22: {  	[simem:s7], [sflag:s8] =	dma.local @!p0 [hbm:s6], $0xF7A  }
0x23: {  	s9 =	sor.u32 $0xD0000000, s2;
	s6 =	simm.s32 $0x108;
	_ =	swait.ge @!p0 [sflag:s8], $0x0  }
0x24: {  	s3 =	sadd.s32 $0x88, s3;
	s6 =	simm.s32 @!p1 $0x1082;
	[sflag:s4] =	ssyncset.s32 $0xFFFFF086  }
0x25: {  	[simem:s6], [sflag:s4] =	dma.local [hbm:s3], $0xF7A  }
0x26: {  	[smem:$0x3F94] =	sst s1;
	(tag) =	ssettag s2;
	_ =	strace s9  }
0x27: {  	s1 =	sld [smem:$0x3FA4]  }
0x28: {  	s2 =	sld [smem:$0x3FA5]  }
0x29: {  	s4 =	sld [smem:$0x3FA7]  }
0x2a: {  	p0 =	seq.s32 s5, $0x0;
	s5 =	sld [smem:$0x3FA8]  }
0x2b: {  	s6 =	sld [smem:$0x3FA9]  }
0x2c: {  	s7 =	sld [smem:$0x3FAA]  }
0x2d: {  	s3 =	simm.s32 $0x108;
	s8 =	sld [smem:$0x3FAB]  }
0x2e: {  	s3 =	simm.s32 @!p0 $0x1082;
	s9 =	sld [smem:$0x3FAC]  }
0x2f: {  	lr =	sadd.s32 s0, s3;
	s0 =	sld [smem:$0x3FA3]  }
0x30: {  	s3 =	sld [smem:$0x3FA6]  }
0x31: {  	[smem:$0x3FAF] =	sst s10  }
0x32: {  	s10 =	sld [smem:$0x3FAD];
	_ =	sdelay $0x3  }
0x33: {  	p0 =	seq.s32 s10, $0x1;
	s10 =	sld [smem:$0x3FAF];
	_ =	sdelay $0x3  }
0x34: {  	[smem:$0x3FAF] =	sst s10  }
0x35: {  	s10 =	sld [smem:$0x3FAE];
	_ =	sdelay $0x3  }
0x36: {  	p1 =	seq.s32 s10, $0x1;
	s10 =	sld [smem:$0x3FAF];
	_ =	sdelay $0x3  }
0x37: {  	[smem:$0x3FAF] =	sst s10  }
0x38: {  	s10 =	sld [smem:$0x3FB0]  }
0x39: {  	_ = 	snop;
	(pc) =	sbr.ind lr, $3  }
0x3a: {  	_ = 	snop  }
0x3b: {  	_ = 	snop  }
0x3c: {  	p2 =	seq.s32 s10, $0x1;
	s10 =	sld [smem:$0x3FAF]  }
0x3d: {  	_ =	shalt  }
0x3e: {  	_ =	shalt  }
0x3f: {  	_ =	shalt  }
0x40: {  	_ =	shalt  }
0x41: {  	_ =	shalt  }
0x42: {  	_ =	shalt  }
0x43: {  	_ =	shalt  }
0x44: {  	_ =	shalt  }
0x45: {  	_ =	shalt  }
0x46: {  	_ =	shalt  }
0x47: {  	_ =	shalt  }
0x48: {  	_ =	shalt  }
0x49: {  	_ =	shalt  }
0x4a: {  	_ =	shalt  }
0x4b: {  	_ =	shalt  }
0x4c: {  	_ =	shalt  }
0x4d: {  	_ =	shalt  }
0x4e: {  	_ =	shalt  }
0x4f: {  	_ =	shalt  }
0x50: {  	_ =	shalt  }
0x51: {  	_ =	shalt  }
0x52: {  	_ =	shalt  }
0x53: {  	_ =	shalt  }
0x54: {  	_ =	shalt  }
0x55: {  	_ =	shalt  }
0x56: {  	_ =	shalt  }
0x57: {  	_ =	shalt  }
0x58: {  	_ =	shalt  }
0x59: {  	_ =	shalt  }
0x5a: {  	_ =	shalt  }
0x5b: {  	_ =	shalt  }
0x5c: {  	_ =	shalt  }
0x5d: {  	_ =	shalt  }
0x5e: {  	_ =	shalt  }
0x5f: {  	_ =	shalt  }
0x60: {  	_ =	shalt  }
0x61: {  	_ =	shalt  }
0x62: {  	_ =	shalt  }
0x63: {  	_ =	shalt  }
0x64: {  	_ =	shalt  }
0x65: {  	_ =	shalt  }
0x66: {  	_ =	shalt  }
0x67: {  	_ =	shalt  }
0x68: {  	_ =	shalt  }
0x69: {  	_ =	shalt  }
0x6a: {  	_ =	shalt  }
0x6b: {  	_ =	shalt  }
0x6c: {  	_ =	shalt  }
0x6d: {  	_ =	shalt  }
0x6e: {  	_ =	shalt  }
0x6f: {  	_ =	shalt  }
0x70: {  	_ =	shalt  }
0x71: {  	_ =	shalt  }
0x72: {  	_ =	shalt  }
0x73: {  	_ =	shalt  }
0x74: {  	_ =	shalt  }
0x75: {  	_ =	shalt  }
0x76: {  	_ =	shalt  }
0x77: {  	_ =	shalt  }
0x78: {  	_ =	shalt  }
0x79: {  	_ =	shalt  }
0x7a: {  	_ =	shalt  }
0x7b: {  	_ =	shalt  }
0x7c: {  	_ =	shalt  }
0x7d: {  	_ =	shalt  }
0x7e: {  	_ =	shalt  }
0x7f: {  	_ =	shalt  }
0x80: {  	_ =	shalt  }
0x81: {  	_ =	shalt  }
0x82: {  	_ =	shalt  }
0x83: {  	_ =	shalt  }
0x84: {  	_ =	shalt  }
0x85: {  	_ =	shalt  }
0x86: {  	_ =	shalt  }
0x87: {  	_ =	shalt  }
.Lfunc_end0:
.L_simem_size_0:
called_computation_lowered:
.L_overlay_start_0:
0x88: {  	s2 =	sld [smem:$0x3FD9]  }
0x89: {  	s3 =	sld [smem:$0x3FFE];
	_ =	sdelay $0x1  }
0x8a: {  	s1 =	srdreg.scid  }
0x8b: {  	s0 =	sand.u32 $0x1, s1  }
0x8c: {  	s17 =	sshll.u32 s0, $0xA;
	s2 =	sadd.s32 s3, s2  }
0x8d: {  	s2 =	sadd.s32 s2, s17  }
0x8e: {  	[smem:$0x3FBB] =	sst s2  }
0x8f: {  	_ = 	snop  }
0x90: {  	s2 =	sld [smem:$0x3FC2]  }
0x91: {  	s18 =	sld [smem:$0x3FD0];
	(tm) =	ssettm $0x1  }
0x92: {  	s4 =	sld [smem:$0x3FFB];
	_ =	sdelay $0x3  }
0x93: {  	_ =	strace s4  }
0x94: {  	s4 =	sld [smem:$0x3FFC];
	_ =	sdelay $0x3  }
0x95: {  	_ =	strace s4  }
0x96: {  	s4 =	sld [smem:$0x3FFD];
	_ =	sdelay $0x3  }
0x97: {  	_ =	strace s4  }
0x98: {  	_ =	strace $0x8FFFFFFF  }
0x99: {  	s19 =	sld [smem:$0x3FDB];
	_ =	sdelay $0x1  }
0x9a: {  	s5 =	simm.s32 $_scs_section_size  }
0x9b: {  	s6 =	simm.s32 $_size__tile_overlayer_lowered;
	s7 =	simm.s32 $_tile_overlayer_lowered  }
0x9c: {  	s22 =	simm.s32 $0x1BFF;
	s21 =	sshll.u32 s7, $0x1;
	s4 =	sadd.s32 s5, s19  }
0x9d: {  	s8 =	simm.s32 $0x0;
	s20 =	sshll.u32 s6, $0x1;
	s6 =	sadd.s32 s21, s4  }
0x9e: {  	[timem:s8], [sflag:s22] =	dma.local [hbm:s6], s20  }
0x9f: {  	_ =	swait.ge [sflag:s22], s20  }
0xa0: {  	s5 =	ssub.s32 $0x0, s20;
	[sflag:s22] =	ssyncset.done $0x0  }
0xa1: {  	[sflag:s22] =	ssyncadd.s32 s5;
	_ =	sdelay $0x1  }
0xa2: {  	s23 =	simm.s32 $0x1B8B  }
0xa3: {  	_ =	swait.ge [sflag:s23], $0x1  }
0xa4: {  	[sflag:s23] =	ssyncset.done $0x0  }
0xa5: {  	s25 =	simm.s32 $0x1B8E;
	s24 =	sld [smem:$0x3FFE];
	[sflag:s23] =	ssyncadd.s32 $0xFFFFFFFF  }
0xa6: {  	s26 =	simm.s32 $execute0_lowered;
	[smem:$0x3FD2] =	sst s25  }
0xa7: {  	s6 =	sshll.u32 s26, $0x1;
	_ =	strace $0x80000046;
	[dreg:$0x1] =	wrdreg $0xFFFFFFFF  }
0xa8: {  	s28 =	simm.s32 $_size_execute0_lowered;
	s4 =	sadd.s32 s4, s6;
	[dreg:$0x0] =	wrdreg $0x0  }
0xa9: {  	s6 =	sshll.u32 s28, $0x1;
	[dreg:$0x2] =	wrdreg s4  }
0xaa: {  	[dreg:$0x3] =	wrdreg s6  }
0xab: {  	[dreg:$0x4] =	wrdreg $0xC0  }
0xac: {  	_ =	task [dreg:s8], $0x5FFFF  }
0xad: {  	[dreg:$0x1] =	wrdreg $0xFFFFFFFF  }
0xae: {  	[dreg:$0x0] =	wrdreg $0x60  }
0xaf: {  	[dreg:$0x2] =	wrdreg s24  }
0xb0: {  	[dreg:$0x3] =	wrdreg s2  }
0xb1: {  	[dreg:$0x4] =	wrdreg s18  }
0xb2: {  	[dreg:$0x5] =	wrdreg $0xC1800  }
0xb3: {  	[dreg:$0x6] =	wrdreg $0x9  }
0xb4: {  	_ =	task.clear_ibuf [dreg:s8], $0x7FFFF;
	_ =	strace $0x90000046  }
0xb5: {  	s29 =	simm.s32 $0x9;
	_ =	strace $0x80000048  }
0xb6: {  	_ =	swait.ge [sflag:s29], $0x1  }
0xb7: {  	[sflag:s29] =	ssyncadd.s32 $0xFFFFFFFF  }
0xb8: {  	_ =	strace $0x90000048  }
0xb9: {  	_ =	sfence  }
0xba: {  	s30 =	sld [smem:$0x0];
	_ =	sdelay $0x2  }
0xbb: {  	s31 =	sshll.u32 s1, $0xD;
	s1 =	sshrl.u32 s1, $0x2  }
0xbc: {  	s3 =	sand.u32 $0x4000, s31;
	s1 =	sadd.s32 s1, s30  }
0xbd: {  	s0 =	sor.u32 s3, s0;
	s1 =	sshll.u32 s1, $0x11  }
0xbe: {  	s0 =	sor.u32 s1, s0  }
0xbf: {  	s0 =	sadd.s32 $0x8F2B, s0  }
0xc0: {  	[sflag:s0] =	ssyncadd.remote.s32 $0x1  }
0xc1: {  	_ =	sfence.sel $0xFFFF  }
0xc2: {  	[dreg:$0x0] =	wrdreg $0xFFFFFFFF;
	(pc) =	sbr.abs _section_cstart, $3  }
0xc3: {  	[dreg:$0x1] =	wrdreg $0xFFFFFFFF  }
0xc4: {  	_ =	task.clear_ibuf [dreg:s8], $0x2FFFF;
	_ =	strace $0x9FFFFFFF  }
0xc5: {  	(tm) =	ssettm $0x7FFFFFFF  }
tec
execute0_lowered:
.L_overlay_start_1:
0x0: {  	(tag) =	ssettag $0x1  }
0x1: {  	s0 =	rddreg [dreg:$0x0]  }
0x2: {  	s1 =	rddreg [dreg:$0x1]  }
0x3: {  	s4 =	rddreg [dreg:$0x2]  }
0x4: {  	s2 =	rddreg [dreg:$0x3];
	s3 =	simm.s32 $0x0  }
0x5: {  	s6 =	srdreg.scid;
	s13 =	stileid.u32;
	s21 =	simm.s32 $0x8000  }
0x6: {  	s22 =	simm.s32 $0x3;
	s28 =	simm.s32 $0x4000;
	s29 =	simm.s32 $0x2  }
0x7: {  	s30 =	simm.s32 $0x1;
	s31 =	simm.s32 $0x0;
	[smem:$0x7FF] =	sst s3  }
0x8: {  	s5 =	sadd.s32 $0x22600, s0;
	s10 =	sand.u32 $0x1, s6;
	s6 =	sadd.s32 $0xE600, s0  }
0x9: {  	s11 =	smul.u32 $0x4F000, s13;
	s7 =	sadd.s32 $0x4600, s0;
	s8 =	sadd.s32 $0x18600, s0  }
0xa: {  	s12 =	sshll.u32 s13, $0x1;
	s13 =	smul.u32 $0x13C00, s13;
	_ =	strace $0x80000047  }
0xb: {  	s9 =	ssub.s32 $0x2, s10;
	s14 =	sor.u32 s10, s12;
	s17 =	smul.u32 $0x13C000, s10  }
0xc: {  	s23 =	sshrl.u32 s9, $0x1;
	s11 =	sshrl.u32 s11, $0x2;
	s15 =	sadd.s32 $0x4000, s13  }
0xd: {  	s16 =	sadd.s32 $0x8000, s13;
	s18 =	sadd.s32 $0xC000, s13;
	s19 =	sadd.s32 $0x10000, s13  }
0xe: {  	s14 =	smul.u32 $0x50, s14;
	s0 =	ssub.s32 s9, s23;
	s9 =	sadd.s32 s11, s2  }
0xf: {  	s10 =	sadd.s32 s15, s2;
	s11 =	sadd.s32 s16, s2;
	s12 =	sadd.s32 s18, s2  }
0x10: {  	s20 =	sadd.s32 s13, s17;
	s13 =	sadd.s32 s19, s2;
	s15 =	sadd.s32 s17, s15  }
0x11: {  	s24 =	sadd.s32 s17, s16;
	s25 =	sadd.s32 s17, s18;
	s19 =	sadd.s32 s17, s19  }
0x12: {  	s23 =	simm.s32 $0xC000;
	s20 =	sshrl.u32 s20, $0x3;
	s15 =	sshrl.u32 s15, $0x3  }
0x13: {  	s16 =	sshrl.u32 s25, $0x3;
	s26 =	sshrl.u32 s19, $0x3;
	s25 =	simm.s32 $0xC100  }
0x14: {  	s20 =	sadd.s32 s4, s20;
	s15 =	sadd.s32 s4, s15;
	s18 =	sadd.s32 s4, s16  }
0x15: {  	s19 =	sadd.s32 s4, s26;
	[dreg:$0x6] =	wrdreg s15;
	s15 =	sshrl.u32 s24, $0x3  }
0x16: {  	s26 =	simm.s32 $0x80;
	[dreg:$0x5] =	wrdreg s20;
	s15 =	sadd.s32 s4, s15  }
0x17: {  	v0 =	vimm.f32 $0.0e+00;
	s20 =	smax.u32 s0, $0x1;
	s24 =	simm.s32 $0xC080;
	[dreg:$0x7] =	wrdreg s15  }
.LBB2_1:
0x18: {  	s0 =	simm.s32 $0x0;
	s4 =	simm.s32 $0x200  }
.LBB2_2:
0x19: {  	p0 =	sne.s32 s4, $0xFE00;
	[tilespmem:s0+$0x8070] =	vst v0  }
0x1a: {  	[tilespmem:s0+$0x8000] =	vst v0  }
0x1b: {  	[tilespmem:s0+$0x8010] =	vst v0  }
.Ltmp0:
0x1c: {  	[tilespmem:s0+$0x8020] =	vst v0;
	(pc) =	sbr.rel @p0 .LBB2_2-.Ltmp0, $4  }
0x1d: {  	[tilespmem:s0+$0x8030] =	vst v0  }
0x1e: {  	[tilespmem:s0+$0x8040] =	vst v0  }
0x1f: {  	[tilespmem:s0+$0x8050] =	vst v0  }
0x20: {  	[tilespmem:s0+$0x8060] =	vst v0;
	s0 =	sshra.s32 s4, $0x2;
	s4 =	sadd.s32 $0x200, s4  }
0x21: {  	[tilespmem:s0+$0x8070] =	vst v0  }
0x22: {  	[tilespmem:s0+$0x8000] =	vst v0  }
0x23: {  	[tilespmem:s0+$0x8010] =	vst v0  }
0x24: {  	[tilespmem:s0+$0x8020] =	vst v0  }
0x25: {  	[tilespmem:s0+$0x8030] =	vst v0  }
0x26: {  	[tilespmem:s0+$0x8040] =	vst v0  }
0x27: {  	[tilespmem:s0+$0x8050] =	vst v0  }
0x28: {  	[tilespmem:s0+$0x8060] =	vst v0  }
0x29: {  	[spmem:s9] =	stream.linear.scatter [tilespmem:s21], [sflag:$0x3], $0x4000, $0x38;
	[tilespmem:$0x1FD80] =	vst v63  }
0x2a: {  	_ =	swait.ge [sflag:s22], $0x4000  }
0x2b: {  	[sflag:s22] =	ssyncset.done $0x0  }
0x2c: {  	[sflag:s22] =	ssyncadd.s32 $0xFFFFC000  }
0x2d: {  	[spmem:s10] =	stream.linear.scatter [tilespmem:s21], [sflag:$0x3], $0x4000, $0x38;
	[tilespmem:$0x1FD80] =	vst v63  }
0x2e: {  	_ =	swait.ge [sflag:s22], $0x4000  }
0x2f: {  	[sflag:s22] =	ssyncset.done $0x0  }
0x30: {  	[sflag:s22] =	ssyncadd.s32 $0xFFFFC000  }
0x31: {  	[spmem:s11] =	stream.linear.scatter [tilespmem:s21], [sflag:$0x3], $0x4000, $0x38;
	[tilespmem:$0x1FD80] =	vst v63  }
0x32: {  	_ =	swait.ge [sflag:s22], $0x4000  }
0x33: {  	[sflag:s22] =	ssyncset.done $0x0  }
0x34: {  	[sflag:s22] =	ssyncadd.s32 $0xFFFFC000  }
0x35: {  	[spmem:s12] =	stream.linear.scatter [tilespmem:s21], [sflag:$0x3], $0x4000, $0x38;
	[tilespmem:$0x1FD80] =	vst v63  }
0x36: {  	_ =	swait.ge [sflag:s22], $0x4000  }
0x37: {  	[sflag:s22] =	ssyncset.done $0x0  }
0x38: {  	[sflag:s22] =	ssyncadd.s32 $0xFFFFC000  }
0x39: {  	[spmem:s13] =	stream.linear.scatter [tilespmem:s21], [sflag:$0x3], $0x3C00, $0x38;
	[tilespmem:$0x1FD80] =	vst v63  }
0x3a: {  	_ =	swait.ge [sflag:s22], $0x3C00  }
0x3b: {  	[sflag:s22] =	ssyncset.done $0x0  }
0x3c: {  	[sflag:s22] =	ssyncadd.s32 $0xFFFFC400  }
0x3d: {  	s0 =	simm.s32 $0x0;
	s4 =	simm.s32 $0x0;
	[bflag:$0x0] =	sbarrier.arrive $0xFFFF  }
.LBB2_4:
0x3e: {  	s15 =	sadd.s32 s14, s4  }
0x3f: {  	s15 =	sshll.u32 s15, $0x4  }
0x40: {  	s16 =	sadd.s32 s6, s15  }
0x41: {  	[tilespmem:s23], [sflag:$0x3] =	stream.linear.gather [hbm4b:s16+s0], $0x80, $0x38;
	[tilespmem:$0x1FD80] =	vst v63  }
0x42: {  	_ =	swait.ge [sflag:s22], $0x80  }
0x43: {  	[sflag:s22] =	ssyncset.done $0x0  }
0x44: {  	s17 =	sadd.s32 s7, s15;
	[sflag:s22] =	ssyncadd.s32 $0xFFFFFF80  }
0x45: {  	[tilespmem:s24], [sflag:$0x3] =	stream.linear.gather [hbm4b:s17+s0], $0x80, $0x38;
	[tilespmem:$0x1FD80] =	vst v63  }
0x46: {  	_ =	swait.ge [sflag:s22], $0x80  }
0x47: {  	[sflag:s22] =	ssyncset.done $0x0  }
0x48: {  	s15 =	sadd.s32 s8, s15;
	[sflag:s22] =	ssyncadd.s32 $0xFFFFFF80  }
0x49: {  	[tilespmem:s25], [sflag:$0x3] =	stream.linear.gather [hbm4b:s15+s0], $0x80, $0x38;
	[tilespmem:$0x1FD80] =	vst v63  }
0x4a: {  	_ =	swait.ge [sflag:s22], $0x80  }
0x4b: {  	[sflag:s22] =	ssyncset.done $0x0  }
0x4c: {  	[sflag:s22] =	ssyncadd.s32 $0xFFFFFF80  }
0x4d: {  	[tilespmem:s28], [sflag:$0x2] =	stream.indirect.gather [hbm4b:s1+s26], $0x80, s24, s26, $0xb8;
	[tilespmem:$0x1FD80] =	vst v63  }
0x4e: {  	_ = 	snop  }
0x4f: {  	[tilespmem:s0], [sflag:$0x1] =	stream.indirect.gather [hbm4b:s5+s26], $0x80, s23, s26, $0xb8;
	[tilespmem:$0x1FD80] =	vst v63  }
0x50: {  	_ =	swait.ge [sflag:s29], $0x4000  }
0x51: {  	[sflag:s29] =	ssyncset.done $0x0  }
0x52: {  	[sflag:s29] =	ssyncadd.s32 $0xFFFFC000  }
0x53: {  	_ =	swait.ge [sflag:s30], $0x4000  }
0x54: {  	[sflag:s30] =	ssyncset.done $0x0  }
0x55: {  	s15 =	simm.s32 $0x0;
	[sflag:s30] =	ssyncadd.s32 $0xFFFFC000  }
0x56: {  	v7 =	vld [tilespmem:s15+$0x4000]  }
0x57: {  	v12 =	vld [tilespmem:s15+$0x4010]  }
0x58: {  	v6 =	vld [tilespmem:s15+$0x4020]  }
0x59: {  	v5 =	vld [tilespmem:s15+$0x4030]  }
0x5a: {  	v4 =	vld [tilespmem:s15+$0x4040]  }
0x5b: {  	v3 =	vld [tilespmem:s15+$0x4050]  }
0x5c: {  	v2 =	vld [tilespmem:s15+$0x4060]  }
0x5d: {  	v1 =	vld [tilespmem:s15+$0x4070]  }
0x5e: {  	v13 =	vld [tilespmem:s15+$0x0]  }
0x5f: {  	v14 =	vld [tilespmem:s15+$0x10]  }
0x60: {  	v11 =	vld [tilespmem:s15+$0x20]  }
0x61: {  	v10 =	vld [tilespmem:s15+$0x30]  }
0x62: {  	v9 =	vld [tilespmem:s15+$0x40]  }
0x63: {  	v8 =	vld [tilespmem:s15+$0x50];
	v13 =	vadd.f32 v7, v13  }
0x64: {  	s16 =	simm.s32 $0x200;
	v12 =	vadd.f32 v12, v14;
	v7 =	vld [tilespmem:s15+$0x60]  }
.LBB2_5:
0x65: {  	s17 =	sshra.s32 s16, $0x2;
	p0 =	sne.s32 s16, $0xFE00;
	v13 =	vmax.f32 v13, $0.0e+00;
	v6 =	vadd.f32 v6, v11;
	v11 =	vld [tilespmem:s15+$0x70]  }
0x66: {  	v14 =	vld [tilespmem:s17+$0x4000];
	[tilespmem:s15+$0x0] =	vst v13;
	v12 =	vmax.f32 v12, $0.0e+00;
	v5 =	vadd.f32 v5, v10  }
0x67: {  	v15 =	vld [tilespmem:s17+$0x4010];
	[tilespmem:s15+$0x10] =	vst v12;
	v10 =	vmax.f32 v6, $0.0e+00;
	v4 =	vadd.f32 v4, v9  }
0x68: {  	v6 =	vld [tilespmem:s17+$0x4020];
	[tilespmem:s15+$0x20] =	vst v10;
	v9 =	vmax.f32 v5, $0.0e+00;
	v3 =	vadd.f32 v3, v8  }
0x69: {  	v5 =	vld [tilespmem:s17+$0x4030];
	[tilespmem:s15+$0x30] =	vst v9;
	v8 =	vmax.f32 v4, $0.0e+00;
	v2 =	vadd.f32 v2, v7  }
0x6a: {  	v4 =	vld [tilespmem:s17+$0x4040];
	[tilespmem:s15+$0x40] =	vst v8;
	v7 =	vmax.f32 v3, $0.0e+00;
	v1 =	vadd.f32 v1, v11  }
0x6b: {  	v3 =	vld [tilespmem:s17+$0x4050];
	[tilespmem:s15+$0x50] =	vst v7;
	v7 =	vmax.f32 v2, $0.0e+00  }
0x6c: {  	v2 =	vld [tilespmem:s17+$0x4060];
	[tilespmem:s15+$0x60] =	vst v7;
	v7 =	vmax.f32 v1, $0.0e+00  }
0x6d: {  	v1 =	vld [tilespmem:s17+$0x4070];
	[tilespmem:s15+$0x70] =	vst v7;
	s15 =	smov.u32 s17  }
0x6e: {  	v7 =	vld [tilespmem:s15+$0x0]  }
0x6f: {  	v12 =	vld [tilespmem:s15+$0x10]  }
.Ltmp1:
0x70: {  	v11 =	vld [tilespmem:s15+$0x20];
	(pc) =	sbr.rel @p0 .LBB2_5-.Ltmp1, $4  }
0x71: {  	v10 =	vld [tilespmem:s15+$0x30]  }
0x72: {  	v9 =	vld [tilespmem:s15+$0x40]  }
0x73: {  	v13 =	vadd.f32 v14, v7;
	v8 =	vld [tilespmem:s15+$0x50]  }
0x74: {  	s16 =	sadd.s32 $0x200, s16;
	v12 =	vadd.f32 v15, v12;
	v7 =	vld [tilespmem:s15+$0x60]  }
0x75: {  	v13 =	vmax.f32 v13, $0.0e+00;
	v6 =	vadd.f32 v6, v11;
	v63 =	vld [tilespmem:s15+$0x70]  }
0x76: {  	[tilespmem:s15+$0x0] =	vst v13;
	v12 =	vmax.f32 v12, $0.0e+00;
	v5 =	vadd.f32 v5, v10  }
0x77: {  	[tilespmem:s15+$0x10] =	vst v12;
	v6 =	vmax.f32 v6, $0.0e+00;
	v4 =	vadd.f32 v4, v9  }
0x78: {  	[tilespmem:s15+$0x20] =	vst v6;
	v5 =	vmax.f32 v5, $0.0e+00;
	v3 =	vadd.f32 v3, v8  }
0x79: {  	[tilespmem:s15+$0x30] =	vst v5;
	v4 =	vmax.f32 v4, $0.0e+00;
	v2 =	vadd.f32 v2, v7  }
0x7a: {  	[tilespmem:s15+$0x40] =	vst v4;
	v3 =	vmax.f32 v3, $0.0e+00;
	v1 =	vadd.f32 v1, v63  }
0x7b: {  	s4 =	sadd.s32 $0x1, s4;
	[tilespmem:s15+$0x50] =	vst v3;
	v2 =	vmax.f32 v2, $0.0e+00  }
0x7c: {  	p0 =	sne.s32 s4, $0x50;
	[tilespmem:s15+$0x60] =	vst v2;
	v1 =	vmax.f32 v1, $0.0e+00  }
.Ltmp2:
0x7d: {  	[tilespmem:s15+$0x70] =	vst v1;
	(pc) =	sbr.rel @p0 .LBB2_4-.Ltmp2, $4  }
0x7e: {  	[spmem:s2] =	stream.indirect.scatter.add.f32 [tilespmem:s3], [sflag:$0x3], $0x80, s25, s26, $0xb8;
	[tilespmem:$0x1FD80] =	vst v63  }
0x7f: {  	_ =	swait.ge [sflag:s22], $0x4000  }
0x80: {  	[sflag:s22] =	ssyncset.done $0x0  }
0x81: {  	[sflag:s22] =	ssyncadd.s32 $0xFFFFC000  }
0x82: {  	[bflag:$0x0] =	sbarrier.arrive $0xFFFF  }
0x83: {  	[tilespmem:s3], [sflag:$0x3] =	stream.linear.gather [spmem:s9], $0x4000, $0x38;
	[tilespmem:$0x1FD80] =	vst v63  }
0x84: {  	_ =	swait.ge [sflag:s22], $0x4000  }
0x85: {  	[sflag:s22] =	ssyncset.done $0x0  }
0x86: {  	s0 =	rddreg [dreg:$0x5];
	[sflag:s22] =	ssyncadd.s32 $0xFFFFC000  }
0x87: {  	[hbm4b:s0+s3] =	stream.linear.scatter [tilespmem:s3], [sflag:$0x3], $0x4000, $0x38;
	[tilespmem:$0x1FD80] =	vst v63  }
0x88: {  	_ =	swait.ge [sflag:s22], $0x4000  }
0x89: {  	[sflag:s22] =	ssyncset.done $0x0  }
0x8a: {  	[sflag:s22] =	ssyncadd.s32 $0xFFFFC000  }
0x8b: {  	[tilespmem:s3], [sflag:$0x3] =	stream.linear.gather [spmem:s10], $0x4000, $0x38;
	[tilespmem:$0x1FD80] =	vst v63  }
0x8c: {  	_ =	swait.ge [sflag:s22], $0x4000  }
0x8d: {  	[sflag:s22] =	ssyncset.done $0x0  }
0x8e: {  	s16 =	rddreg [dreg:$0x6];
	[sflag:s22] =	ssyncadd.s32 $0xFFFFC000  }
0x8f: {  	[hbm4b:s16+s3] =	stream.linear.scatter [tilespmem:s3], [sflag:$0x3], $0x4000, $0x38;
	[tilespmem:$0x1FD80] =	vst v63  }
0x90: {  	_ =	swait.ge [sflag:s22], $0x4000  }
0x91: {  	[sflag:s22] =	ssyncset.done $0x0  }
0x92: {  	[sflag:s22] =	ssyncadd.s32 $0xFFFFC000  }
0x93: {  	[tilespmem:s3], [sflag:$0x3] =	stream.linear.gather [spmem:s11], $0x4000, $0x38;
	[tilespmem:$0x1FD80] =	vst v63  }
0x94: {  	_ =	swait.ge [sflag:s22], $0x4000  }
0x95: {  	[sflag:s22] =	ssyncset.done $0x0  }
0x96: {  	s17 =	rddreg [dreg:$0x7];
	[sflag:s22] =	ssyncadd.s32 $0xFFFFC000  }
0x97: {  	[hbm4b:s17+s3] =	stream.linear.scatter [tilespmem:s3], [sflag:$0x3], $0x4000, $0x38;
	[tilespmem:$0x1FD80] =	vst v63  }
0x98: {  	_ =	swait.ge [sflag:s22], $0x4000  }
0x99: {  	[sflag:s22] =	ssyncset.done $0x0  }
0x9a: {  	[sflag:s22] =	ssyncadd.s32 $0xFFFFC000  }
0x9b: {  	[tilespmem:s3], [sflag:$0x3] =	stream.linear.gather [spmem:s12], $0x4000, $0x38;
	[tilespmem:$0x1FD80] =	vst v63  }
0x9c: {  	_ =	swait.ge [sflag:s22], $0x4000  }
0x9d: {  	[sflag:s22] =	ssyncset.done $0x0  }
0x9e: {  	[sflag:s22] =	ssyncadd.s32 $0xFFFFC000  }
0x9f: {  	[hbm4b:s18+s3] =	stream.linear.scatter [tilespmem:s3], [sflag:$0x3], $0x4000, $0x38;
	[tilespmem:$0x1FD80] =	vst v63  }
0xa0: {  	_ =	swait.ge [sflag:s22], $0x4000  }
0xa1: {  	[sflag:s22] =	ssyncset.done $0x0  }
0xa2: {  	[sflag:s22] =	ssyncadd.s32 $0xFFFFC000  }
0xa3: {  	[tilespmem:s3], [sflag:$0x3] =	stream.linear.gather [spmem:s13], $0x3C00, $0x38;
	[tilespmem:$0x1FD80] =	vst v63  }
0xa4: {  	s31 =	sadd.s32 $0x1, s31;
	_ =	swait.ge [sflag:s22], $0x3C00  }
0xa5: {  	p0 =	sne.s32 s31, s20;
	[sflag:s22] =	ssyncset.done $0x0  }
.Ltmp3:
0xa6: {  	[sflag:s22] =	ssyncadd.s32 $0xFFFFC400;
	(pc) =	sbr.rel @p0 .LBB2_1-.Ltmp3, $4  }
0xa7: {  	[hbm4b:s19+s3] =	stream.linear.scatter [tilespmem:s3], [sflag:$0x3], $0x3C00, $0x38;
	[tilespmem:$0x1FD80] =	vst v63  }
0xa8: {  	_ =	swait.ge [sflag:s22], $0x3C00  }
0xa9: {  	[sflag:s22] =	ssyncset.done $0x0  }
0xaa: {  	[sflag:s22] =	ssyncadd.s32 $0xFFFFC400  }
0xab: {  	_ =	sfence.sel $0x180000  }
0xac: {  	[bflag:$0x0] =	sbarrier.arrive $0xFFFF  }
0xad: {  	_ =	strace $0x90000047  }
0xae: {  	s0 =	stileid.u32;
	[bflag:$0x2] =	sbarrier.arrive $0xFFFF  }
0xaf: {  	p0 =	sne.s32 s0, $0x0;
	s0 =	rddreg [dreg:$0x4]  }
0xb0: {  	s0 =	sadd.s32 @!p0 $0x100000, s0  }
0xb1: {  	[sflag:s0] =	ssyncadd.tile.s32 @!p0 $0x1;
	_ =	shalt  }
.Lfunc_end2:
_tile_overlayer_lowered:
.L_overlay_start_2:
0xb2: {  	(tag) =	ssettag $0x2  }
0xb3: {  	s0 =	rddreg [dreg:$0x0];
	s2 =	stileid.u32  }
0xb4: {  	s1 =	rddreg [dreg:$0x1];
	p0 =	sne.s32 s2, $0x0  }
0xb5: {  	s3 =	rddreg [dreg:$0x2];
	[bflag:$0x3] =	sbarrier.arrive $0xFFFF;
	s2 =	simm.s32 @!p0 $0x1C03  }
0xb6: {  	[timem:s3], [sflag:s2] =	dma.local @!p0 [hbm:s0], s1  }
0xb7: {  	s0 =	simm.s32 @!p0 $0x3  }
0xb8: {  	_ =	swait.ge @!p0 [sflag:s0], s1  }
0xb9: {  	s1 =	ssub.s32 @!p0 $0x0, s1;
	[sflag:s0] =	ssyncset.done @!p0 $0x0  }
0xba: {  	[sflag:s0] =	ssyncadd.s32 @!p0 s1  }
0xbb: {  	[bflag:$0x3] =	sbarrier.arrive $0xFFFF  }
0xbc: {  	_ =	shalt  }

// kernel: kernel.15.cloned.1.call-start
scs
__scs_entry_jumppad:
0x0: {  	(pc) =	sbr.rel $0x88, $3  }
0x1: {  	(tag) =	ssettag $0x0;
	lr =	simm.s32 $0x1  }
0x2: {  	[smem:$0x3F94] =	sst lr;
	_ =	strace $0xD0000000  }
0x3: {  	_ = 	snop  }
0x4: {  	_ = 	snop  }
0x5: {  	_ = 	snop  }
0x6: {  	_ = 	snop  }
0x7: {  	_ = 	snop  }
__scs_overlays_trampoline_lowered:
0x8: {  	[smem:$0x3FA3] =	sst s0  }
0x9: {  	[smem:$0x3FA4] =	sst s1  }
0xa: {  	[smem:$0x3FA5] =	sst s2  }
0xb: {  	[smem:$0x3FA6] =	sst s3  }
0xc: {  	[smem:$0x3FA7] =	sst s4  }
0xd: {  	[smem:$0x3FA8] =	sst s5  }
0xe: {  	[smem:$0x3FA9] =	sst s6  }
0xf: {  	[smem:$0x3FAA] =	sst s7  }
0x10: {  	[smem:$0x3FAB] =	sst s8  }
0x11: {  	[smem:$0x3FAC] =	sst s9;
	s0 =	simm.s32 @!p0 $0x0  }
0x12: {  	s1 =	sld [smem:$0x3F92];
	s0 =	simm.s32 @p0 $0x1  }
0x13: {  	[smem:$0x3FAD] =	sst s0;
	s0 =	simm.s32 @!p1 $0x0  }
0x14: {  	s2 =	sld [smem:$0x3F91];
	s0 =	simm.s32 @p1 $0x1  }
0x15: {  	[smem:$0x3FAE] =	sst s0;
	s0 =	simm.s32 @!p2 $0x0  }
0x16: {  	s3 =	sld [smem:$0x3FDB];
	s0 =	simm.s32 @p2 $0x1  }
0x17: {  	s4 =	simm.s32 $0x1BF5;
	[smem:$0x3FB0] =	sst s0  }
0x18: {  	s0 =	sld [smem:$0x3F93];
	_ =	swait.ge [sflag:s4], $0x0  }
0x19: {  	s7 =	sld [smem:$0x3F94]  }
0x1a: {  	s8 =	sadd.s32 $0xFFFFE003, lr  }
0x1b: {  	s9 =	sadd.s32 $0xFFFFFEF7, lr;
	s5 =	simm.s32 $0xFFFFFFFF;
	p2 =	slt.u32 s8, $0xFFFFF086  }
0x1c: {  	p1 =	slt.u32 s9, $0xF7A;
	s5 =	simm.s32 @!p2 $0x0  }
0x1d: {  	s5 =	simm.s32 @p1 $0x1;
	p0 =	seq.s32 s7, s2  }
0x1e: {  	s7 =	smul.u32 @!p0 $0xF7A, s2;
	p2 =	seq.s32 @!p0 s5, $0x0  }
0x1f: {  	s9 =	smul.u32 $0xF7A, s1;
	s8 =	simm.s32 @!p0 $0x1BF5;
	p2 =	por !p2, p0  }
0x20: {  	[sflag:s8] =	ssyncset.s32 @!p0 $0xFFFFF086;
	s6 =	sadd.s32 @!p0 s3, s7;
	s7 =	simm.s32 @!p0 $0x108  }
0x21: {  	s3 =	sadd.s32 s3, s9;
	s6 =	sadd.s32 @!p0 $0x88, s6;
	s7 =	simm.s32 @p2 $0x1082  }
0x22: {  	[simem:s7], [sflag:s8] =	dma.local @!p0 [hbm:s6], $0xF7A  }
0x23: {  	s9 =	sor.u32 $0xD0000000, s2;
	s6 =	simm.s32 $0x108;
	_ =	swait.ge @!p0 [sflag:s8], $0x0  }
0x24: {  	s3 =	sadd.s32 $0x88, s3;
	s6 =	simm.s32 @!p1 $0x1082;
	[sflag:s4] =	ssyncset.s32 $0xFFFFF086  }
0x25: {  	[simem:s6], [sflag:s4] =	dma.local [hbm:s3], $0xF7A  }
0x26: {  	[smem:$0x3F94] =	sst s1;
	(tag) =	ssettag s2;
	_ =	strace s9  }
0x27: {  	s1 =	sld [smem:$0x3FA4]  }
0x28: {  	s2 =	sld [smem:$0x3FA5]  }
0x29: {  	s4 =	sld [smem:$0x3FA7]  }
0x2a: {  	p0 =	seq.s32 s5, $0x0;
	s5 =	sld [smem:$0x3FA8]  }
0x2b: {  	s6 =	sld [smem:$0x3FA9]  }
0x2c: {  	s7 =	sld [smem:$0x3FAA]  }
0x2d: {  	s3 =	simm.s32 $0x108;
	s8 =	sld [smem:$0x3FAB]  }
0x2e: {  	s3 =	simm.s32 @!p0 $0x1082;
	s9 =	sld [smem:$0x3FAC]  }
0x2f: {  	lr =	sadd.s32 s0, s3;
	s0 =	sld [smem:$0x3FA3]  }
0x30: {  	s3 =	sld [smem:$0x3FA6]  }
0x31: {  	[smem:$0x3FAF] =	sst s10  }
0x32: {  	s10 =	sld [smem:$0x3FAD];
	_ =	sdelay $0x3  }
0x33: {  	p0 =	seq.s32 s10, $0x1;
	s10 =	sld [smem:$0x3FAF];
	_ =	sdelay $0x3  }
0x34: {  	[smem:$0x3FAF] =	sst s10  }
0x35: {  	s10 =	sld [smem:$0x3FAE];
	_ =	sdelay $0x3  }
0x36: {  	p1 =	seq.s32 s10, $0x1;
	s10 =	sld [smem:$0x3FAF];
	_ =	sdelay $0x3  }
0x37: {  	[smem:$0x3FAF] =	sst s10  }
0x38: {  	s10 =	sld [smem:$0x3FB0]  }
0x39: {  	_ = 	snop;
	(pc) =	sbr.ind lr, $3  }
0x3a: {  	_ = 	snop  }
0x3b: {  	_ = 	snop  }
0x3c: {  	p2 =	seq.s32 s10, $0x1;
	s10 =	sld [smem:$0x3FAF]  }
0x3d: {  	_ =	shalt  }
0x3e: {  	_ =	shalt  }
0x3f: {  	_ =	shalt  }
0x40: {  	_ =	shalt  }
0x41: {  	_ =	shalt  }
0x42: {  	_ =	shalt  }
0x43: {  	_ =	shalt  }
0x44: {  	_ =	shalt  }
0x45: {  	_ =	shalt  }
0x46: {  	_ =	shalt  }
0x47: {  	_ =	shalt  }
0x48: {  	_ =	shalt  }
0x49: {  	_ =	shalt  }
0x4a: {  	_ =	shalt  }
0x4b: {  	_ =	shalt  }
0x4c: {  	_ =	shalt  }
0x4d: {  	_ =	shalt  }
0x4e: {  	_ =	shalt  }
0x4f: {  	_ =	shalt  }
0x50: {  	_ =	shalt  }
0x51: {  	_ =	shalt  }
0x52: {  	_ =	shalt  }
0x53: {  	_ =	shalt  }
0x54: {  	_ =	shalt  }
0x55: {  	_ =	shalt  }
0x56: {  	_ =	shalt  }
0x57: {  	_ =	shalt  }
0x58: {  	_ =	shalt  }
0x59: {  	_ =	shalt  }
0x5a: {  	_ =	shalt  }
0x5b: {  	_ =	shalt  }
0x5c: {  	_ =	shalt  }
0x5d: {  	_ =	shalt  }
0x5e: {  	_ =	shalt  }
0x5f: {  	_ =	shalt  }
0x60: {  	_ =	shalt  }
0x61: {  	_ =	shalt  }
0x62: {  	_ =	shalt  }
0x63: {  	_ =	shalt  }
0x64: {  	_ =	shalt  }
0x65: {  	_ =	shalt  }
0x66: {  	_ =	shalt  }
0x67: {  	_ =	shalt  }
0x68: {  	_ =	shalt  }
0x69: {  	_ =	shalt  }
0x6a: {  	_ =	shalt  }
0x6b: {  	_ =	shalt  }
0x6c: {  	_ =	shalt  }
0x6d: {  	_ =	shalt  }
0x6e: {  	_ =	shalt  }
0x6f: {  	_ =	shalt  }
0x70: {  	_ =	shalt  }
0x71: {  	_ =	shalt  }
0x72: {  	_ =	shalt  }
0x73: {  	_ =	shalt  }
0x74: {  	_ =	shalt  }
0x75: {  	_ =	shalt  }
0x76: {  	_ =	shalt  }
0x77: {  	_ =	shalt  }
0x78: {  	_ =	shalt  }
0x79: {  	_ =	shalt  }
0x7a: {  	_ =	shalt  }
0x7b: {  	_ =	shalt  }
0x7c: {  	_ =	shalt  }
0x7d: {  	_ =	shalt  }
0x7e: {  	_ =	shalt  }
0x7f: {  	_ =	shalt  }
0x80: {  	_ =	shalt  }
0x81: {  	_ =	shalt  }
0x82: {  	_ =	shalt  }
0x83: {  	_ =	shalt  }
0x84: {  	_ =	shalt  }
0x85: {  	_ =	shalt  }
0x86: {  	_ =	shalt  }
0x87: {  	_ =	shalt  }
.Lfunc_end0:
.L_simem_size_0:
called_computation.1_lowered:
.L_overlay_start_0:
0x88: {  	s2 =	sld [smem:$0x3FD9]  }
0x89: {  	s3 =	sld [smem:$0x3FFE];
	_ =	sdelay $0x1  }
0x8a: {  	s1 =	srdreg.scid  }
0x8b: {  	s0 =	sand.u32 $0x1, s1  }
0x8c: {  	s17 =	sshll.u32 s0, $0xA;
	s2 =	sadd.s32 s3, s2  }
0x8d: {  	s2 =	sadd.s32 s2, s17  }
0x8e: {  	[smem:$0x3FBB] =	sst s2  }
0x8f: {  	_ = 	snop  }
0x90: {  	s2 =	sld [smem:$0x3FC2]  }
0x91: {  	s18 =	sld [smem:$0x3FD0];
	(tm) =	ssettm $0x1  }
0x92: {  	s4 =	sld [smem:$0x3FFB];
	_ =	sdelay $0x3  }
0x93: {  	_ =	strace s4  }
0x94: {  	s4 =	sld [smem:$0x3FFC];
	_ =	sdelay $0x3  }
0x95: {  	_ =	strace s4  }
0x96: {  	s4 =	sld [smem:$0x3FFD];
	_ =	sdelay $0x3  }
0x97: {  	_ =	strace s4  }
0x98: {  	_ =	strace $0x8FFFFFFF  }
0x99: {  	s19 =	sld [smem:$0x3FDB];
	_ =	sdelay $0x1  }
0x9a: {  	s5 =	simm.s32 $_scs_section_size  }
0x9b: {  	s6 =	simm.s32 $_size__tile_overlayer_lowered;
	s7 =	simm.s32 $_tile_overlayer_lowered  }
0x9c: {  	s22 =	simm.s32 $0x1BFF;
	s21 =	sshll.u32 s7, $0x1;
	s4 =	sadd.s32 s5, s19  }
0x9d: {  	s8 =	simm.s32 $0x0;
	s20 =	sshll.u32 s6, $0x1;
	s6 =	sadd.s32 s21, s4  }
0x9e: {  	[timem:s8], [sflag:s22] =	dma.local [hbm:s6], s20  }
0x9f: {  	_ =	swait.ge [sflag:s22], s20  }
0xa0: {  	s5 =	ssub.s32 $0x0, s20;
	[sflag:s22] =	ssyncset.done $0x0  }
0xa1: {  	[sflag:s22] =	ssyncadd.s32 s5;
	_ =	sdelay $0x1  }
0xa2: {  	s23 =	simm.s32 $0x1B8B  }
0xa3: {  	_ =	swait.ge [sflag:s23], $0x1  }
0xa4: {  	[sflag:s23] =	ssyncset.done $0x0  }
0xa5: {  	s25 =	simm.s32 $0x1B8E;
	s24 =	sld [smem:$0x3FFE];
	[sflag:s23] =	ssyncadd.s32 $0xFFFFFFFF  }
0xa6: {  	s26 =	simm.s32 $execute0_lowered;
	[smem:$0x3FD2] =	sst s25  }
0xa7: {  	s6 =	sshll.u32 s26, $0x1;
	_ =	strace $0x80000049;
	[dreg:$0x1] =	wrdreg $0xFFFFFFFF  }
0xa8: {  	s28 =	simm.s32 $_size_execute0_lowered;
	s4 =	sadd.s32 s4, s6;
	[dreg:$0x0] =	wrdreg $0x0  }
0xa9: {  	s6 =	sshll.u32 s28, $0x1;
	[dreg:$0x2] =	wrdreg s4  }
0xaa: {  	[dreg:$0x3] =	wrdreg s6  }
0xab: {  	[dreg:$0x4] =	wrdreg $0xC0  }
0xac: {  	_ =	task [dreg:s8], $0x5FFFF  }
0xad: {  	[dreg:$0x1] =	wrdreg $0xFFFFFFFF  }
0xae: {  	[dreg:$0x0] =	wrdreg $0x60  }
0xaf: {  	[dreg:$0x2] =	wrdreg s24  }
0xb0: {  	[dreg:$0x3] =	wrdreg s2  }
0xb1: {  	[dreg:$0x4] =	wrdreg s18  }
0xb2: {  	[dreg:$0x5] =	wrdreg $0xC1800  }
0xb3: {  	[dreg:$0x6] =	wrdreg $0x9  }
0xb4: {  	_ =	task.clear_ibuf [dreg:s8], $0x7FFFF;
	_ =	strace $0x90000049  }
0xb5: {  	s29 =	simm.s32 $0x9;
	_ =	strace $0x8000004B  }
0xb6: {  	_ =	swait.ge [sflag:s29], $0x1  }
0xb7: {  	[sflag:s29] =	ssyncadd.s32 $0xFFFFFFFF  }
0xb8: {  	_ =	strace $0x9000004B  }
0xb9: {  	_ =	sfence  }
0xba: {  	s30 =	sld [smem:$0x0];
	_ =	sdelay $0x2  }
0xbb: {  	s31 =	sshll.u32 s1, $0xD;
	s1 =	sshrl.u32 s1, $0x2  }
0xbc: {  	s3 =	sand.u32 $0x4000, s31;
	s1 =	sadd.s32 s1, s30  }
0xbd: {  	s0 =	sor.u32 s3, s0;
	s1 =	sshll.u32 s1, $0x11  }
0xbe: {  	s0 =	sor.u32 s1, s0  }
0xbf: {  	s0 =	sadd.s32 $0x8F2B, s0  }
0xc0: {  	[sflag:s0] =	ssyncadd.remote.s32 $0x1  }
0xc1: {  	_ =	sfence.sel $0xFFFF  }
0xc2: {  	[dreg:$0x0] =	wrdreg $0xFFFFFFFF;
	(pc) =	sbr.abs _section_cstart, $3  }
0xc3: {  	[dreg:$0x1] =	wrdreg $0xFFFFFFFF  }
0xc4: {  	_ =	task.clear_ibuf [dreg:s8], $0x2FFFF;
	_ =	strace $0x9FFFFFFF  }
0xc5: {  	(tm) =	ssettm $0x7FFFFFFF  }
tec
execute0_lowered:
.L_overlay_start_1:
0x0: {  	(tag) =	ssettag $0x1  }
0x1: {  	s0 =	rddreg [dreg:$0x0]  }
0x2: {  	s1 =	rddreg [dreg:$0x1]  }
0x3: {  	s4 =	rddreg [dreg:$0x2]  }
0x4: {  	s2 =	rddreg [dreg:$0x3];
	s3 =	simm.s32 $0x0  }
0x5: {  	s6 =	srdreg.scid;
	s13 =	stileid.u32;
	s21 =	simm.s32 $0x8000  }
0x6: {  	s22 =	simm.s32 $0x3;
	s28 =	simm.s32 $0x4000;
	s29 =	simm.s32 $0x2  }
0x7: {  	s30 =	simm.s32 $0x1;
	s31 =	simm.s32 $0x0;
	[smem:$0x7FF] =	sst s3  }
0x8: {  	s5 =	sadd.s32 $0x22600, s0;
	s10 =	sand.u32 $0x1, s6;
	s6 =	sadd.s32 $0xE600, s0  }
0x9: {  	s11 =	smul.u32 $0x4F000, s13;
	s7 =	sadd.s32 $0x4600, s0;
	s8 =	sadd.s32 $0x18600, s0  }
0xa: {  	s12 =	sshll.u32 s13, $0x1;
	s13 =	smul.u32 $0x13C00, s13;
	_ =	strace $0x8000004A  }
0xb: {  	s9 =	ssub.s32 $0x2, s10;
	s14 =	sor.u32 s10, s12;
	s17 =	smul.u32 $0x13C000, s10  }
0xc: {  	s23 =	sshrl.u32 s9, $0x1;
	s11 =	sshrl.u32 s11, $0x2;
	s15 =	sadd.s32 $0x4000, s13  }
0xd: {  	s16 =	sadd.s32 $0x8000, s13;
	s18 =	sadd.s32 $0xC000, s13;
	s19 =	sadd.s32 $0x10000, s13  }
0xe: {  	s14 =	smul.u32 $0x50, s14;
	s0 =	ssub.s32 s9, s23;
	s9 =	sadd.s32 s11, s2  }
0xf: {  	s10 =	sadd.s32 s15, s2;
	s11 =	sadd.s32 s16, s2;
	s12 =	sadd.s32 s18, s2  }
0x10: {  	s20 =	sadd.s32 s13, s17;
	s13 =	sadd.s32 s19, s2;
	s15 =	sadd.s32 s17, s15  }
0x11: {  	s24 =	sadd.s32 s17, s16;
	s25 =	sadd.s32 s17, s18;
	s19 =	sadd.s32 s17, s19  }
0x12: {  	s23 =	simm.s32 $0xC000;
	s20 =	sshrl.u32 s20, $0x3;
	s15 =	sshrl.u32 s15, $0x3  }
0x13: {  	s16 =	sshrl.u32 s25, $0x3;
	s26 =	sshrl.u32 s19, $0x3;
	s25 =	simm.s32 $0xC100  }
0x14: {  	s20 =	sadd.s32 s4, s20;
	s15 =	sadd.s32 s4, s15;
	s18 =	sadd.s32 s4, s16  }
0x15: {  	s19 =	sadd.s32 s4, s26;
	[dreg:$0x6] =	wrdreg s15;
	s15 =	sshrl.u32 s24, $0x3  }
0x16: {  	s26 =	simm.s32 $0x80;
	[dreg:$0x5] =	wrdreg s20;
	s15 =	sadd.s32 s4, s15  }
0x17: {  	v0 =	vimm.f32 $0.0e+00;
	s20 =	smax.u32 s0, $0x1;
	s24 =	simm.s32 $0xC080;
	[dreg:$0x7] =	wrdreg s15  }
.LBB2_1:
0x18: {  	s0 =	simm.s32 $0x0;
	s4 =	simm.s32 $0x200  }
.LBB2_2:
0x19: {  	p0 =	sne.s32 s4, $0xFE00;
	[tilespmem:s0+$0x8070] =	vst v0  }
0x1a: {  	[tilespmem:s0+$0x8000] =	vst v0  }
0x1b: {  	[tilespmem:s0+$0x8010] =	vst v0  }
.Ltmp0:
0x1c: {  	[tilespmem:s0+$0x8020] =	vst v0;
	(pc) =	sbr.rel @p0 .LBB2_2-.Ltmp0, $4  }
0x1d: {  	[tilespmem:s0+$0x8030] =	vst v0  }
0x1e: {  	[tilespmem:s0+$0x8040] =	vst v0  }
0x1f: {  	[tilespmem:s0+$0x8050] =	vst v0  }
0x20: {  	[tilespmem:s0+$0x8060] =	vst v0;
	s0 =	sshra.s32 s4, $0x2;
	s4 =	sadd.s32 $0x200, s4  }
0x21: {  	[tilespmem:s0+$0x8070] =	vst v0  }
0x22: {  	[tilespmem:s0+$0x8000] =	vst v0  }
0x23: {  	[tilespmem:s0+$0x8010] =	vst v0  }
0x24: {  	[tilespmem:s0+$0x8020] =	vst v0  }
0x25: {  	[tilespmem:s0+$0x8030] =	vst v0  }
0x26: {  	[tilespmem:s0+$0x8040] =	vst v0  }
0x27: {  	[tilespmem:s0+$0x8050] =	vst v0  }
0x28: {  	[tilespmem:s0+$0x8060] =	vst v0  }
0x29: {  	[spmem:s9] =	stream.linear.scatter [tilespmem:s21], [sflag:$0x3], $0x4000, $0x38;
	[tilespmem:$0x1FD80] =	vst v63  }
0x2a: {  	_ =	swait.ge [sflag:s22], $0x4000  }
0x2b: {  	[sflag:s22] =	ssyncset.done $0x0  }
0x2c: {  	[sflag:s22] =	ssyncadd.s32 $0xFFFFC000  }
0x2d: {  	[spmem:s10] =	stream.linear.scatter [tilespmem:s21], [sflag:$0x3], $0x4000, $0x38;
	[tilespmem:$0x1FD80] =	vst v63  }
0x2e: {  	_ =	swait.ge [sflag:s22], $0x4000  }
0x2f: {  	[sflag:s22] =	ssyncset.done $0x0  }
0x30: {  	[sflag:s22] =	ssyncadd.s32 $0xFFFFC000  }
0x31: {  	[spmem:s11] =	stream.linear.scatter [tilespmem:s21], [sflag:$0x3], $0x4000, $0x38;
	[tilespmem:$0x1FD80] =	vst v63  }
0x32: {  	_ =	swait.ge [sflag:s22], $0x4000  }
0x33: {  	[sflag:s22] =	ssyncset.done $0x0  }
0x34: {  	[sflag:s22] =	ssyncadd.s32 $0xFFFFC000  }
0x35: {  	[spmem:s12] =	stream.linear.scatter [tilespmem:s21], [sflag:$0x3], $0x4000, $0x38;
	[tilespmem:$0x1FD80] =	vst v63  }
0x36: {  	_ =	swait.ge [sflag:s22], $0x4000  }
0x37: {  	[sflag:s22] =	ssyncset.done $0x0  }
0x38: {  	[sflag:s22] =	ssyncadd.s32 $0xFFFFC000  }
0x39: {  	[spmem:s13] =	stream.linear.scatter [tilespmem:s21], [sflag:$0x3], $0x3C00, $0x38;
	[tilespmem:$0x1FD80] =	vst v63  }
0x3a: {  	_ =	swait.ge [sflag:s22], $0x3C00  }
0x3b: {  	[sflag:s22] =	ssyncset.done $0x0  }
0x3c: {  	[sflag:s22] =	ssyncadd.s32 $0xFFFFC400  }
0x3d: {  	s0 =	simm.s32 $0x0;
	s4 =	simm.s32 $0x0;
	[bflag:$0x0] =	sbarrier.arrive $0xFFFF  }
.LBB2_4:
0x3e: {  	s15 =	sadd.s32 s14, s4  }
0x3f: {  	s15 =	sshll.u32 s15, $0x4  }
0x40: {  	s16 =	sadd.s32 s6, s15  }
0x41: {  	[tilespmem:s23], [sflag:$0x3] =	stream.linear.gather [hbm4b:s16+s0], $0x80, $0x38;
	[tilespmem:$0x1FD80] =	vst v63  }
0x42: {  	_ =	swait.ge [sflag:s22], $0x80  }
0x43: {  	[sflag:s22] =	ssyncset.done $0x0  }
0x44: {  	s17 =	sadd.s32 s7, s15;
	[sflag:s22] =	ssyncadd.s32 $0xFFFFFF80  }
0x45: {  	[tilespmem:s24], [sflag:$0x3] =	stream.linear.gather [hbm4b:s17+s0], $0x80, $0x38;
	[tilespmem:$0x1FD80] =	vst v63  }
0x46: {  	_ =	swait.ge [sflag:s22], $0x80  }
0x47: {  	[sflag:s22] =	ssyncset.done $0x0  }
0x48: {  	s15 =	sadd.s32 s8, s15;
	[sflag:s22] =	ssyncadd.s32 $0xFFFFFF80  }
0x49: {  	[tilespmem:s25], [sflag:$0x3] =	stream.linear.gather [hbm4b:s15+s0], $0x80, $0x38;
	[tilespmem:$0x1FD80] =	vst v63  }
0x4a: {  	_ =	swait.ge [sflag:s22], $0x80  }
0x4b: {  	[sflag:s22] =	ssyncset.done $0x0  }
0x4c: {  	[sflag:s22] =	ssyncadd.s32 $0xFFFFFF80  }
0x4d: {  	[tilespmem:s28], [sflag:$0x2] =	stream.indirect.gather [hbm4b:s1+s26], $0x80, s24, s26, $0xb8;
	[tilespmem:$0x1FD80] =	vst v63  }
0x4e: {  	_ = 	snop  }
0x4f: {  	[tilespmem:s0], [sflag:$0x1] =	stream.indirect.gather [hbm4b:s5+s26], $0x80, s23, s26, $0xb8;
	[tilespmem:$0x1FD80] =	vst v63  }
0x50: {  	_ =	swait.ge [sflag:s29], $0x4000  }
0x51: {  	[sflag:s29] =	ssyncset.done $0x0  }
0x52: {  	[sflag:s29] =	ssyncadd.s32 $0xFFFFC000  }
0x53: {  	_ =	swait.ge [sflag:s30], $0x4000  }
0x54: {  	[sflag:s30] =	ssyncset.done $0x0  }
0x55: {  	s15 =	simm.s32 $0x0;
	[sflag:s30] =	ssyncadd.s32 $0xFFFFC000  }
0x56: {  	v7 =	vld [tilespmem:s15+$0x4000]  }
0x57: {  	v12 =	vld [tilespmem:s15+$0x4010]  }
0x58: {  	v6 =	vld [tilespmem:s15+$0x4020]  }
0x59: {  	v5 =	vld [tilespmem:s15+$0x4030]  }
0x5a: {  	v4 =	vld [tilespmem:s15+$0x4040]  }
0x5b: {  	v3 =	vld [tilespmem:s15+$0x4050]  }
0x5c: {  	v2 =	vld [tilespmem:s15+$0x4060]  }
0x5d: {  	v1 =	vld [tilespmem:s15+$0x4070]  }
0x5e: {  	v13 =	vld [tilespmem:s15+$0x0]  }
0x5f: {  	v14 =	vld [tilespmem:s15+$0x10]  }
0x60: {  	v11 =	vld [tilespmem:s15+$0x20]  }
0x61: {  	v10 =	vld [tilespmem:s15+$0x30]  }
0x62: {  	v9 =	vld [tilespmem:s15+$0x40]  }
0x63: {  	v8 =	vld [tilespmem:s15+$0x50];
	v13 =	vadd.f32 v7, v13  }
0x64: {  	s16 =	simm.s32 $0x200;
	v12 =	vadd.f32 v12, v14;
	v7 =	vld [tilespmem:s15+$0x60]  }
.LBB2_5:
0x65: {  	s17 =	sshra.s32 s16, $0x2;
	p0 =	sne.s32 s16, $0xFE00;
	v13 =	vmax.f32 v13, $0.0e+00;
	v6 =	vadd.f32 v6, v11;
	v11 =	vld [tilespmem:s15+$0x70]  }
0x66: {  	v14 =	vld [tilespmem:s17+$0x4000];
	[tilespmem:s15+$0x0] =	vst v13;
	v12 =	vmax.f32 v12, $0.0e+00;
	v5 =	vadd.f32 v5, v10  }
0x67: {  	v15 =	vld [tilespmem:s17+$0x4010];
	[tilespmem:s15+$0x10] =	vst v12;
	v10 =	vmax.f32 v6, $0.0e+00;
	v4 =	vadd.f32 v4, v9  }
0x68: {  	v6 =	vld [tilespmem:s17+$0x4020];
	[tilespmem:s15+$0x20] =	vst v10;
	v9 =	vmax.f32 v5, $0.0e+00;
	v3 =	vadd.f32 v3, v8  }
0x69: {  	v5 =	vld [tilespmem:s17+$0x4030];
	[tilespmem:s15+$0x30] =	vst v9;
	v8 =	vmax.f32 v4, $0.0e+00;
	v2 =	vadd.f32 v2, v7  }
0x6a: {  	v4 =	vld [tilespmem:s17+$0x4040];
	[tilespmem:s15+$0x40] =	vst v8;
	v7 =	vmax.f32 v3, $0.0e+00;
	v1 =	vadd.f32 v1, v11  }
0x6b: {  	v3 =	vld [tilespmem:s17+$0x4050];
	[tilespmem:s15+$0x50] =	vst v7;
	v7 =	vmax.f32 v2, $0.0e+00  }
0x6c: {  	v2 =	vld [tilespmem:s17+$0x4060];
	[tilespmem:s15+$0x60] =	vst v7;
	v7 =	vmax.f32 v1, $0.0e+00  }
0x6d: {  	v1 =	vld [tilespmem:s17+$0x4070];
	[tilespmem:s15+$0x70] =	vst v7;
	s15 =	smov.u32 s17  }
0x6e: {  	v7 =	vld [tilespmem:s15+$0x0]  }
0x6f: {  	v12 =	vld [tilespmem:s15+$0x10]  }
.Ltmp1:
0x70: {  	v11 =	vld [tilespmem:s15+$0x20];
	(pc) =	sbr.rel @p0 .LBB2_5-.Ltmp1, $4  }
0x71: {  	v10 =	vld [tilespmem:s15+$0x30]  }
0x72: {  	v9 =	vld [tilespmem:s15+$0x40]  }
0x73: {  	v13 =	vadd.f32 v14, v7;
	v8 =	vld [tilespmem:s15+$0x50]  }
0x74: {  	s16 =	sadd.s32 $0x200, s16;
	v12 =	vadd.f32 v15, v12;
	v7 =	vld [tilespmem:s15+$0x60]  }
0x75: {  	v13 =	vmax.f32 v13, $0.0e+00;
	v6 =	vadd.f32 v6, v11;
	v63 =	vld [tilespmem:s15+$0x70]  }
0x76: {  	[tilespmem:s15+$0x0] =	vst v13;
	v12 =	vmax.f32 v12, $0.0e+00;
	v5 =	vadd.f32 v5, v10  }
0x77: {  	[tilespmem:s15+$0x10] =	vst v12;
	v6 =	vmax.f32 v6, $0.0e+00;
	v4 =	vadd.f32 v4, v9  }
0x78: {  	[tilespmem:s15+$0x20] =	vst v6;
	v5 =	vmax.f32 v5, $0.0e+00;
	v3 =	vadd.f32 v3, v8  }
0x79: {  	[tilespmem:s15+$0x30] =	vst v5;
	v4 =	vmax.f32 v4, $0.0e+00;
	v2 =	vadd.f32 v2, v7  }
0x7a: {  	[tilespmem:s15+$0x40] =	vst v4;
	v3 =	vmax.f32 v3, $0.0e+00;
	v1 =	vadd.f32 v1, v63  }
0x7b: {  	s4 =	sadd.s32 $0x1, s4;
	[tilespmem:s15+$0x50] =	vst v3;
	v2 =	vmax.f32 v2, $0.0e+00  }
0x7c: {  	p0 =	sne.s32 s4, $0x50;
	[tilespmem:s15+$0x60] =	vst v2;
	v1 =	vmax.f32 v1, $0.0e+00  }
.Ltmp2:
0x7d: {  	[tilespmem:s15+$0x70] =	vst v1;
	(pc) =	sbr.rel @p0 .LBB2_4-.Ltmp2, $4  }
0x7e: {  	[spmem:s2] =	stream.indirect.scatter.add.f32 [tilespmem:s3], [sflag:$0x3], $0x80, s25, s26, $0xb8;
	[tilespmem:$0x1FD80] =	vst v63  }
0x7f: {  	_ =	swait.ge [sflag:s22], $0x4000  }
0x80: {  	[sflag:s22] =	ssyncset.done $0x0  }
0x81: {  	[sflag:s22] =	ssyncadd.s32 $0xFFFFC000  }
0x82: {  	[bflag:$0x0] =	sbarrier.arrive $0xFFFF  }
0x83: {  	[tilespmem:s3], [sflag:$0x3] =	stream.linear.gather [spmem:s9], $0x4000, $0x38;
	[tilespmem:$0x1FD80] =	vst v63  }
0x84: {  	_ =	swait.ge [sflag:s22], $0x4000  }
0x85: {  	[sflag:s22] =	ssyncset.done $0x0  }
0x86: {  	s0 =	rddreg [dreg:$0x5];
	[sflag:s22] =	ssyncadd.s32 $0xFFFFC000  }
0x87: {  	[hbm4b:s0+s3] =	stream.linear.scatter [tilespmem:s3], [sflag:$0x3], $0x4000, $0x38;
	[tilespmem:$0x1FD80] =	vst v63  }
0x88: {  	_ =	swait.ge [sflag:s22], $0x4000  }
0x89: {  	[sflag:s22] =	ssyncset.done $0x0  }
0x8a: {  	[sflag:s22] =	ssyncadd.s32 $0xFFFFC000  }
0x8b: {  	[tilespmem:s3], [sflag:$0x3] =	stream.linear.gather [spmem:s10], $0x4000, $0x38;
	[tilespmem:$0x1FD80] =	vst v63  }
0x8c: {  	_ =	swait.ge [sflag:s22], $0x4000  }
0x8d: {  	[sflag:s22] =	ssyncset.done $0x0  }
0x8e: {  	s16 =	rddreg [dreg:$0x6];
	[sflag:s22] =	ssyncadd.s32 $0xFFFFC000  }
0x8f: {  	[hbm4b:s16+s3] =	stream.linear.scatter [tilespmem:s3], [sflag:$0x3], $0x4000, $0x38;
	[tilespmem:$0x1FD80] =	vst v63  }
0x90: {  	_ =	swait.ge [sflag:s22], $0x4000  }
0x91: {  	[sflag:s22] =	ssyncset.done $0x0  }
0x92: {  	[sflag:s22] =	ssyncadd.s32 $0xFFFFC000  }
0x93: {  	[tilespmem:s3], [sflag:$0x3] =	stream.linear.gather [spmem:s11], $0x4000, $0x38;
	[tilespmem:$0x1FD80] =	vst v63  }
0x94: {  	_ =	swait.ge [sflag:s22], $0x4000  }
0x95: {  	[sflag:s22] =	ssyncset.done $0x0  }
0x96: {  	s17 =	rddreg [dreg:$0x7];
	[sflag:s22] =	ssyncadd.s32 $0xFFFFC000  }
0x97: {  	[hbm4b:s17+s3] =	stream.linear.scatter [tilespmem:s3], [sflag:$0x3], $0x4000, $0x38;
	[tilespmem:$0x1FD80] =	vst v63  }
0x98: {  	_ =	swait.ge [sflag:s22], $0x4000  }
0x99: {  	[sflag:s22] =	ssyncset.done $0x0  }
0x9a: {  	[sflag:s22] =	ssyncadd.s32 $0xFFFFC000  }
0x9b: {  	[tilespmem:s3], [sflag:$0x3] =	stream.linear.gather [spmem:s12], $0x4000, $0x38;
	[tilespmem:$0x1FD80] =	vst v63  }
0x9c: {  	_ =	swait.ge [sflag:s22], $0x4000  }
0x9d: {  	[sflag:s22] =	ssyncset.done $0x0  }
0x9e: {  	[sflag:s22] =	ssyncadd.s32 $0xFFFFC000  }
0x9f: {  	[hbm4b:s18+s3] =	stream.linear.scatter [tilespmem:s3], [sflag:$0x3], $0x4000, $0x38;
	[tilespmem:$0x1FD80] =	vst v63  }
0xa0: {  	_ =	swait.ge [sflag:s22], $0x4000  }
0xa1: {  	[sflag:s22] =	ssyncset.done $0x0  }
0xa2: {  	[sflag:s22] =	ssyncadd.s32 $0xFFFFC000  }
0xa3: {  	[tilespmem:s3], [sflag:$0x3] =	stream.linear.gather [spmem:s13], $0x3C00, $0x38;
	[tilespmem:$0x1FD80] =	vst v63  }
0xa4: {  	s31 =	sadd.s32 $0x1, s31;
	_ =	swait.ge [sflag:s22], $0x3C00  }
0xa5: {  	p0 =	sne.s32 s31, s20;
	[sflag:s22] =	ssyncset.done $0x0  }
.Ltmp3:
0xa6: {  	[sflag:s22] =	ssyncadd.s32 $0xFFFFC400;
	(pc) =	sbr.rel @p0 .LBB2_1-.Ltmp3, $4  }
0xa7: {  	[hbm4b:s19+s3] =	stream.linear.scatter [tilespmem:s3], [sflag:$0x3], $0x3C00, $0x38;
	[tilespmem:$0x1FD80] =	vst v63  }
0xa8: {  	_ =	swait.ge [sflag:s22], $0x3C00  }
0xa9: {  	[sflag:s22] =	ssyncset.done $0x0  }
0xaa: {  	[sflag:s22] =	ssyncadd.s32 $0xFFFFC400  }
0xab: {  	_ =	sfence.sel $0x180000  }
0xac: {  	[bflag:$0x0] =	sbarrier.arrive $0xFFFF  }
0xad: {  	_ =	strace $0x9000004A  }
0xae: {  	s0 =	stileid.u32;
	[bflag:$0x2] =	sbarrier.arrive $0xFFFF  }
0xaf: {  	p0 =	sne.s32 s0, $0x0;
	s0 =	rddreg [dreg:$0x4]  }
0xb0: {  	s0 =	sadd.s32 @!p0 $0x100000, s0  }
0xb1: {  	[sflag:s0] =	ssyncadd.tile.s32 @!p0 $0x1;
	_ =	shalt  }
.Lfunc_end2:
_tile_overlayer_lowered:
.L_overlay_start_2:
0xb2: {  	(tag) =	ssettag $0x2  }
0xb3: {  	s0 =	rddreg [dreg:$0x0];
	s2 =	stileid.u32  }
0xb4: {  	s1 =	rddreg [dreg:$0x1];
	p0 =	sne.s32 s2, $0x0  }
0xb5: {  	s3 =	rddreg [dreg:$0x2];
	[bflag:$0x3] =	sbarrier.arrive $0xFFFF;
	s2 =	simm.s32 @!p0 $0x1C03  }
0xb6: {  	[timem:s3], [sflag:s2] =	dma.local @!p0 [hbm:s0], s1  }
0xb7: {  	s0 =	simm.s32 @!p0 $0x3  }
0xb8: {  	_ =	swait.ge @!p0 [sflag:s0], s1  }
0xb9: {  	s1 =	ssub.s32 @!p0 $0x0, s1;
	[sflag:s0] =	ssyncset.done @!p0 $0x0  }
0xba: {  	[sflag:s0] =	ssyncadd.s32 @!p0 s1  }
0xbb: {  	[bflag:$0x3] =	sbarrier.arrive $0xFFFF  }
0xbc: {  	_ =	shalt  }

// kernel: kernel.18.cloned.1.call-start
scs
__scs_entry_jumppad:
0x0: {  	(pc) =	sbr.rel $0x88, $3  }
0x1: {  	(tag) =	ssettag $0x0;
	lr =	simm.s32 $0x1  }
0x2: {  	[smem:$0x3F94] =	sst lr;
	_ =	strace $0xD0000000  }
0x3: {  	_ = 	snop  }
0x4: {  	_ = 	snop  }
0x5: {  	_ = 	snop  }
0x6: {  	_ = 	snop  }
0x7: {  	_ = 	snop  }
__scs_overlays_trampoline_lowered:
0x8: {  	[smem:$0x3FA3] =	sst s0  }
0x9: {  	[smem:$0x3FA4] =	sst s1  }
0xa: {  	[smem:$0x3FA5] =	sst s2  }
0xb: {  	[smem:$0x3FA6] =	sst s3  }
0xc: {  	[smem:$0x3FA7] =	sst s4  }
0xd: {  	[smem:$0x3FA8] =	sst s5  }
0xe: {  	[smem:$0x3FA9] =	sst s6  }
0xf: {  	[smem:$0x3FAA] =	sst s7  }
0x10: {  	[smem:$0x3FAB] =	sst s8  }
0x11: {  	[smem:$0x3FAC] =	sst s9;
	s0 =	simm.s32 @!p0 $0x0  }
0x12: {  	s1 =	sld [smem:$0x3F92];
	s0 =	simm.s32 @p0 $0x1  }
0x13: {  	[smem:$0x3FAD] =	sst s0;
	s0 =	simm.s32 @!p1 $0x0  }
0x14: {  	s2 =	sld [smem:$0x3F91];
	s0 =	simm.s32 @p1 $0x1  }
0x15: {  	[smem:$0x3FAE] =	sst s0;
	s0 =	simm.s32 @!p2 $0x0  }
0x16: {  	s3 =	sld [smem:$0x3FDB];
	s0 =	simm.s32 @p2 $0x1  }
0x17: {  	s4 =	simm.s32 $0x1BF5;
	[smem:$0x3FB0] =	sst s0  }
0x18: {  	s0 =	sld [smem:$0x3F93];
	_ =	swait.ge [sflag:s4], $0x0  }
0x19: {  	s7 =	sld [smem:$0x3F94]  }
0x1a: {  	s8 =	sadd.s32 $0xFFFFE003, lr  }
0x1b: {  	s9 =	sadd.s32 $0xFFFFFEF7, lr;
	s5 =	simm.s32 $0xFFFFFFFF;
	p2 =	slt.u32 s8, $0xFFFFF086  }
0x1c: {  	p1 =	slt.u32 s9, $0xF7A;
	s5 =	simm.s32 @!p2 $0x0  }
0x1d: {  	s5 =	simm.s32 @p1 $0x1;
	p0 =	seq.s32 s7, s2  }
0x1e: {  	s7 =	smul.u32 @!p0 $0xF7A, s2;
	p2 =	seq.s32 @!p0 s5, $0x0  }
0x1f: {  	s9 =	smul.u32 $0xF7A, s1;
	s8 =	simm.s32 @!p0 $0x1BF5;
	p2 =	por !p2, p0  }
0x20: {  	[sflag:s8] =	ssyncset.s32 @!p0 $0xFFFFF086;
	s6 =	sadd.s32 @!p0 s3, s7;
	s7 =	simm.s32 @!p0 $0x108  }
0x21: {  	s3 =	sadd.s32 s3, s9;
	s6 =	sadd.s32 @!p0 $0x88, s6;
	s7 =	simm.s32 @p2 $0x1082  }
0x22: {  	[simem:s7], [sflag:s8] =	dma.local @!p0 [hbm:s6], $0xF7A  }
0x23: {  	s9 =	sor.u32 $0xD0000000, s2;
	s6 =	simm.s32 $0x108;
	_ =	swait.ge @!p0 [sflag:s8], $0x0  }
0x24: {  	s3 =	sadd.s32 $0x88, s3;
	s6 =	simm.s32 @!p1 $0x1082;
	[sflag:s4] =	ssyncset.s32 $0xFFFFF086  }
0x25: {  	[simem:s6], [sflag:s4] =	dma.local [hbm:s3], $0xF7A  }
0x26: {  	[smem:$0x3F94] =	sst s1;
	(tag) =	ssettag s2;
	_ =	strace s9  }
0x27: {  	s1 =	sld [smem:$0x3FA4]  }
0x28: {  	s2 =	sld [smem:$0x3FA5]  }
0x29: {  	s4 =	sld [smem:$0x3FA7]  }
0x2a: {  	p0 =	seq.s32 s5, $0x0;
	s5 =	sld [smem:$0x3FA8]  }
0x2b: {  	s6 =	sld [smem:$0x3FA9]  }
0x2c: {  	s7 =	sld [smem:$0x3FAA]  }
0x2d: {  	s3 =	simm.s32 $0x108;
	s8 =	sld [smem:$0x3FAB]  }
0x2e: {  	s3 =	simm.s32 @!p0 $0x1082;
	s9 =	sld [smem:$0x3FAC]  }
0x2f: {  	lr =	sadd.s32 s0, s3;
	s0 =	sld [smem:$0x3FA3]  }
0x30: {  	s3 =	sld [smem:$0x3FA6]  }
0x31: {  	[smem:$0x3FAF] =	sst s10  }
0x32: {  	s10 =	sld [smem:$0x3FAD];
	_ =	sdelay $0x3  }
0x33: {  	p0 =	seq.s32 s10, $0x1;
	s10 =	sld [smem:$0x3FAF];
	_ =	sdelay $0x3  }
0x34: {  	[smem:$0x3FAF] =	sst s10  }
0x35: {  	s10 =	sld [smem:$0x3FAE];
	_ =	sdelay $0x3  }
0x36: {  	p1 =	seq.s32 s10, $0x1;
	s10 =	sld [smem:$0x3FAF];
	_ =	sdelay $0x3  }
0x37: {  	[smem:$0x3FAF] =	sst s10  }
0x38: {  	s10 =	sld [smem:$0x3FB0]  }
0x39: {  	_ = 	snop;
	(pc) =	sbr.ind lr, $3  }
0x3a: {  	_ = 	snop  }
0x3b: {  	_ = 	snop  }
0x3c: {  	p2 =	seq.s32 s10, $0x1;
	s10 =	sld [smem:$0x3FAF]  }
0x3d: {  	_ =	shalt  }
0x3e: {  	_ =	shalt  }
0x3f: {  	_ =	shalt  }
0x40: {  	_ =	shalt  }
0x41: {  	_ =	shalt  }
0x42: {  	_ =	shalt  }
0x43: {  	_ =	shalt  }
0x44: {  	_ =	shalt  }
0x45: {  	_ =	shalt  }
0x46: {  	_ =	shalt  }
0x47: {  	_ =	shalt  }
0x48: {  	_ =	shalt  }
0x49: {  	_ =	shalt  }
0x4a: {  	_ =	shalt  }
0x4b: {  	_ =	shalt  }
0x4c: {  	_ =	shalt  }
0x4d: {  	_ =	shalt  }
0x4e: {  	_ =	shalt  }
0x4f: {  	_ =	shalt  }
0x50: {  	_ =	shalt  }
0x51: {  	_ =	shalt  }
0x52: {  	_ =	shalt  }
0x53: {  	_ =	shalt  }
0x54: {  	_ =	shalt  }
0x55: {  	_ =	shalt  }
0x56: {  	_ =	shalt  }
0x57: {  	_ =	shalt  }
0x58: {  	_ =	shalt  }
0x59: {  	_ =	shalt  }
0x5a: {  	_ =	shalt  }
0x5b: {  	_ =	shalt  }
0x5c: {  	_ =	shalt  }
0x5d: {  	_ =	shalt  }
0x5e: {  	_ =	shalt  }
0x5f: {  	_ =	shalt  }
0x60: {  	_ =	shalt  }
0x61: {  	_ =	shalt  }
0x62: {  	_ =	shalt  }
0x63: {  	_ =	shalt  }
0x64: {  	_ =	shalt  }
0x65: {  	_ =	shalt  }
0x66: {  	_ =	shalt  }
0x67: {  	_ =	shalt  }
0x68: {  	_ =	shalt  }
0x69: {  	_ =	shalt  }
0x6a: {  	_ =	shalt  }
0x6b: {  	_ =	shalt  }
0x6c: {  	_ =	shalt  }
0x6d: {  	_ =	shalt  }
0x6e: {  	_ =	shalt  }
0x6f: {  	_ =	shalt  }
0x70: {  	_ =	shalt  }
0x71: {  	_ =	shalt  }
0x72: {  	_ =	shalt  }
0x73: {  	_ =	shalt  }
0x74: {  	_ =	shalt  }
0x75: {  	_ =	shalt  }
0x76: {  	_ =	shalt  }
0x77: {  	_ =	shalt  }
0x78: {  	_ =	shalt  }
0x79: {  	_ =	shalt  }
0x7a: {  	_ =	shalt  }
0x7b: {  	_ =	shalt  }
0x7c: {  	_ =	shalt  }
0x7d: {  	_ =	shalt  }
0x7e: {  	_ =	shalt  }
0x7f: {  	_ =	shalt  }
0x80: {  	_ =	shalt  }
0x81: {  	_ =	shalt  }
0x82: {  	_ =	shalt  }
0x83: {  	_ =	shalt  }
0x84: {  	_ =	shalt  }
0x85: {  	_ =	shalt  }
0x86: {  	_ =	shalt  }
0x87: {  	_ =	shalt  }
.Lfunc_end0:
.L_simem_size_0:
called_computation.2_lowered:
.L_overlay_start_0:
0x88: {  	s2 =	sld [smem:$0x3FD9]  }
0x89: {  	s3 =	sld [smem:$0x3FFE];
	_ =	sdelay $0x1  }
0x8a: {  	s1 =	srdreg.scid  }
0x8b: {  	s0 =	sand.u32 $0x1, s1  }
0x8c: {  	s17 =	sshll.u32 s0, $0xA;
	s2 =	sadd.s32 s3, s2  }
0x8d: {  	s2 =	sadd.s32 s2, s17  }
0x8e: {  	[smem:$0x3FBB] =	sst s2  }
0x8f: {  	_ = 	snop  }
0x90: {  	s2 =	sld [smem:$0x3FC2]  }
0x91: {  	s18 =	sld [smem:$0x3FD0];
	(tm) =	ssettm $0x1  }
0x92: {  	s4 =	sld [smem:$0x3FFB];
	_ =	sdelay $0x3  }
0x93: {  	_ =	strace s4  }
0x94: {  	s4 =	sld [smem:$0x3FFC];
	_ =	sdelay $0x3  }
0x95: {  	_ =	strace s4  }
0x96: {  	s4 =	sld [smem:$0x3FFD];
	_ =	sdelay $0x3  }
0x97: {  	_ =	strace s4  }
0x98: {  	_ =	strace $0x8FFFFFFF  }
0x99: {  	s19 =	sld [smem:$0x3FDB];
	_ =	sdelay $0x1  }
0x9a: {  	s5 =	simm.s32 $_scs_section_size  }
0x9b: {  	s6 =	simm.s32 $_size__tile_overlayer_lowered;
	s7 =	simm.s32 $_tile_overlayer_lowered  }
0x9c: {  	s22 =	simm.s32 $0x1BFF;
	s21 =	sshll.u32 s7, $0x1;
	s4 =	sadd.s32 s5, s19  }
0x9d: {  	s8 =	simm.s32 $0x0;
	s20 =	sshll.u32 s6, $0x1;
	s6 =	sadd.s32 s21, s4  }
0x9e: {  	[timem:s8], [sflag:s22] =	dma.local [hbm:s6], s20  }
0x9f: {  	_ =	swait.ge [sflag:s22], s20  }
0xa0: {  	s5 =	ssub.s32 $0x0, s20;
	[sflag:s22] =	ssyncset.done $0x0  }
0xa1: {  	[sflag:s22] =	ssyncadd.s32 s5;
	_ =	sdelay $0x1  }
0xa2: {  	s23 =	simm.s32 $0x1B8B  }
0xa3: {  	_ =	swait.ge [sflag:s23], $0x1  }
0xa4: {  	[sflag:s23] =	ssyncset.done $0x0  }
0xa5: {  	s25 =	simm.s32 $0x1B8E;
	s24 =	sld [smem:$0x3FFE];
	[sflag:s23] =	ssyncadd.s32 $0xFFFFFFFF  }
0xa6: {  	s26 =	simm.s32 $execute0_lowered;
	[smem:$0x3FD2] =	sst s25  }
0xa7: {  	s6 =	sshll.u32 s26, $0x1;
	_ =	strace $0x8000004C;
	[dreg:$0x1] =	wrdreg $0xFFFFFFFF  }
0xa8: {  	s28 =	simm.s32 $_size_execute0_lowered;
	s4 =	sadd.s32 s4, s6;
	[dreg:$0x0] =	wrdreg $0x0  }
0xa9: {  	s6 =	sshll.u32 s28, $0x1;
	[dreg:$0x2] =	wrdreg s4  }
0xaa: {  	[dreg:$0x3] =	wrdreg s6  }
0xab: {  	[dreg:$0x4] =	wrdreg $0xC0  }
0xac: {  	_ =	task [dreg:s8], $0x5FFFF  }
0xad: {  	[dreg:$0x1] =	wrdreg $0xFFFFFFFF  }
0xae: {  	[dreg:$0x0] =	wrdreg $0x60  }
0xaf: {  	[dreg:$0x2] =	wrdreg s24  }
0xb0: {  	[dreg:$0x3] =	wrdreg s2  }
0xb1: {  	[dreg:$0x4] =	wrdreg s18  }
0xb2: {  	[dreg:$0x5] =	wrdreg $0xC1800  }
0xb3: {  	[dreg:$0x6] =	wrdreg $0x9  }
0xb4: {  	_ =	task.clear_ibuf [dreg:s8], $0x7FFFF;
	_ =	strace $0x9000004C  }
0xb5: {  	s29 =	simm.s32 $0x9;
	_ =	strace $0x8000004E  }
0xb6: {  	_ =	swait.ge [sflag:s29], $0x1  }
0xb7: {  	[sflag:s29] =	ssyncadd.s32 $0xFFFFFFFF  }
0xb8: {  	_ =	strace $0x9000004E  }
0xb9: {  	_ =	sfence  }
0xba: {  	s30 =	sld [smem:$0x0];
	_ =	sdelay $0x2  }
0xbb: {  	s31 =	sshll.u32 s1, $0xD;
	s1 =	sshrl.u32 s1, $0x2  }
0xbc: {  	s3 =	sand.u32 $0x4000, s31;
	s1 =	sadd.s32 s1, s30  }
0xbd: {  	s0 =	sor.u32 s3, s0;
	s1 =	sshll.u32 s1, $0x11  }
0xbe: {  	s0 =	sor.u32 s1, s0  }
0xbf: {  	s0 =	sadd.s32 $0x8F2B, s0  }
0xc0: {  	[sflag:s0] =	ssyncadd.remote.s32 $0x1  }
0xc1: {  	_ =	sfence.sel $0xFFFF  }
0xc2: {  	[dreg:$0x0] =	wrdreg $0xFFFFFFFF;
	(pc) =	sbr.abs _section_cstart, $3  }
0xc3: {  	[dreg:$0x1] =	wrdreg $0xFFFFFFFF  }
0xc4: {  	_ =	task.clear_ibuf [dreg:s8], $0x2FFFF;
	_ =	strace $0x9FFFFFFF  }
0xc5: {  	(tm) =	ssettm $0x7FFFFFFF  }
tec
execute0_lowered:
.L_overlay_start_1:
0x0: {  	(tag) =	ssettag $0x1  }
0x1: {  	s0 =	rddreg [dreg:$0x0]  }
0x2: {  	s1 =	rddreg [dreg:$0x1]  }
0x3: {  	s4 =	rddreg [dreg:$0x2]  }
0x4: {  	s2 =	rddreg [dreg:$0x3];
	s3 =	simm.s32 $0x0  }
0x5: {  	s6 =	srdreg.scid;
	s13 =	stileid.u32;
	s21 =	simm.s32 $0x8000  }
0x6: {  	s22 =	simm.s32 $0x3;
	s28 =	simm.s32 $0x4000;
	s29 =	simm.s32 $0x2  }
0x7: {  	s30 =	simm.s32 $0x1;
	s31 =	simm.s32 $0x0;
	[smem:$0x7FF] =	sst s3  }
0x8: {  	s5 =	sadd.s32 $0x22600, s0;
	s10 =	sand.u32 $0x1, s6;
	s6 =	sadd.s32 $0xE600, s0  }
0x9: {  	s11 =	smul.u32 $0x4F000, s13;
	s7 =	sadd.s32 $0x4600, s0;
	s8 =	sadd.s32 $0x18600, s0  }
0xa: {  	s12 =	sshll.u32 s13, $0x1;
	s13 =	smul.u32 $0x13C00, s13;
	_ =	strace $0x8000004D  }
0xb: {  	s9 =	ssub.s32 $0x2, s10;
	s14 =	sor.u32 s10, s12;
	s17 =	smul.u32 $0x13C000, s10  }
0xc: {  	s23 =	sshrl.u32 s9, $0x1;
	s11 =	sshrl.u32 s11, $0x2;
	s15 =	sadd.s32 $0x4000, s13  }
0xd: {  	s16 =	sadd.s32 $0x8000, s13;
	s18 =	sadd.s32 $0xC000, s13;
	s19 =	sadd.s32 $0x10000, s13  }
0xe: {  	s14 =	smul.u32 $0x50, s14;
	s0 =	ssub.s32 s9, s23;
	s9 =	sadd.s32 s11, s2  }
0xf: {  	s10 =	sadd.s32 s15, s2;
	s11 =	sadd.s32 s16, s2;
	s12 =	sadd.s32 s18, s2  }
0x10: {  	s20 =	sadd.s32 s13, s17;
	s13 =	sadd.s32 s19, s2;
	s15 =	sadd.s32 s17, s15  }
0x11: {  	s24 =	sadd.s32 s17, s16;
	s25 =	sadd.s32 s17, s18;
	s19 =	sadd.s32 s17, s19  }
0x12: {  	s23 =	simm.s32 $0xC000;
	s20 =	sshrl.u32 s20, $0x3;
	s15 =	sshrl.u32 s15, $0x3  }
0x13: {  	s16 =	sshrl.u32 s25, $0x3;
	s26 =	sshrl.u32 s19, $0x3;
	s25 =	simm.s32 $0xC100  }
0x14: {  	s20 =	sadd.s32 s4, s20;
	s15 =	sadd.s32 s4, s15;
	s18 =	sadd.s32 s4, s16  }
0x15: {  	s19 =	sadd.s32 s4, s26;
	[dreg:$0x6] =	wrdreg s15;
	s15 =	sshrl.u32 s24, $0x3  }
0x16: {  	s26 =	simm.s32 $0x80;
	[dreg:$0x5] =	wrdreg s20;
	s15 =	sadd.s32 s4, s15  }
0x17: {  	v0 =	vimm.f32 $0.0e+00;
	s20 =	smax.u32 s0, $0x1;
	s24 =	simm.s32 $0xC080;
	[dreg:$0x7] =	wrdreg s15  }
.LBB2_1:
0x18: {  	s0 =	simm.s32 $0x0;
	s4 =	simm.s32 $0x200  }
.LBB2_2:
0x19: {  	p0 =	sne.s32 s4, $0xFE00;
	[tilespmem:s0+$0x8070] =	vst v0  }
0x1a: {  	[tilespmem:s0+$0x8000] =	vst v0  }
0x1b: {  	[tilespmem:s0+$0x8010] =	vst v0  }
.Ltmp0:
0x1c: {  	[tilespmem:s0+$0x8020] =	vst v0;
	(pc) =	sbr.rel @p0 .LBB2_2-.Ltmp0, $4  }
0x1d: {  	[tilespmem:s0+$0x8030] =	vst v0  }
0x1e: {  	[tilespmem:s0+$0x8040] =	vst v0  }
0x1f: {  	[tilespmem:s0+$0x8050] =	vst v0  }
0x20: {  	[tilespmem:s0+$0x8060] =	vst v0;
	s0 =	sshra.s32 s4, $0x2;
	s4 =	sadd.s32 $0x200, s4  }
0x21: {  	[tilespmem:s0+$0x8070] =	vst v0  }
0x22: {  	[tilespmem:s0+$0x8000] =	vst v0  }
0x23: {  	[tilespmem:s0+$0x8010] =	vst v0  }
0x24: {  	[tilespmem:s0+$0x8020] =	vst v0  }
0x25: {  	[tilespmem:s0+$0x8030] =	vst v0  }
0x26: {  	[tilespmem:s0+$0x8040] =	vst v0  }
0x27: {  	[tilespmem:s0+$0x8050] =	vst v0  }
0x28: {  	[tilespmem:s0+$0x8060] =	vst v0  }
0x29: {  	[spmem:s9] =	stream.linear.scatter [tilespmem:s21], [sflag:$0x3], $0x4000, $0x38;
	[tilespmem:$0x1FD80] =	vst v63  }
0x2a: {  	_ =	swait.ge [sflag:s22], $0x4000  }
0x2b: {  	[sflag:s22] =	ssyncset.done $0x0  }
0x2c: {  	[sflag:s22] =	ssyncadd.s32 $0xFFFFC000  }
0x2d: {  	[spmem:s10] =	stream.linear.scatter [tilespmem:s21], [sflag:$0x3], $0x4000, $0x38;
	[tilespmem:$0x1FD80] =	vst v63  }
0x2e: {  	_ =	swait.ge [sflag:s22], $0x4000  }
0x2f: {  	[sflag:s22] =	ssyncset.done $0x0  }
0x30: {  	[sflag:s22] =	ssyncadd.s32 $0xFFFFC000  }
0x31: {  	[spmem:s11] =	stream.linear.scatter [tilespmem:s21], [sflag:$0x3], $0x4000, $0x38;
	[tilespmem:$0x1FD80] =	vst v63  }
0x32: {  	_ =	swait.ge [sflag:s22], $0x4000  }
0x33: {  	[sflag:s22] =	ssyncset.done $0x0  }
0x34: {  	[sflag:s22] =	ssyncadd.s32 $0xFFFFC000  }
0x35: {  	[spmem:s12] =	stream.linear.scatter [tilespmem:s21], [sflag:$0x3], $0x4000, $0x38;
	[tilespmem:$0x1FD80] =	vst v63  }
0x36: {  	_ =	swait.ge [sflag:s22], $0x4000  }
0x37: {  	[sflag:s22] =	ssyncset.done $0x0  }
0x38: {  	[sflag:s22] =	ssyncadd.s32 $0xFFFFC000  }
0x39: {  	[spmem:s13] =	stream.linear.scatter [tilespmem:s21], [sflag:$0x3], $0x3C00, $0x38;
	[tilespmem:$0x1FD80] =	vst v63  }
0x3a: {  	_ =	swait.ge [sflag:s22], $0x3C00  }
0x3b: {  	[sflag:s22] =	ssyncset.done $0x0  }
0x3c: {  	[sflag:s22] =	ssyncadd.s32 $0xFFFFC400  }
0x3d: {  	s0 =	simm.s32 $0x0;
	s4 =	simm.s32 $0x0;
	[bflag:$0x0] =	sbarrier.arrive $0xFFFF  }
.LBB2_4:
0x3e: {  	s15 =	sadd.s32 s14, s4  }
0x3f: {  	s15 =	sshll.u32 s15, $0x4  }
0x40: {  	s16 =	sadd.s32 s6, s15  }
0x41: {  	[tilespmem:s23], [sflag:$0x3] =	stream.linear.gather [hbm4b:s16+s0], $0x80, $0x38;
	[tilespmem:$0x1FD80] =	vst v63  }
0x42: {  	_ =	swait.ge [sflag:s22], $0x80  }
0x43: {  	[sflag:s22] =	ssyncset.done $0x0  }
0x44: {  	s17 =	sadd.s32 s7, s15;
	[sflag:s22] =	ssyncadd.s32 $0xFFFFFF80  }
0x45: {  	[tilespmem:s24], [sflag:$0x3] =	stream.linear.gather [hbm4b:s17+s0], $0x80, $0x38;
	[tilespmem:$0x1FD80] =	vst v63  }
0x46: {  	_ =	swait.ge [sflag:s22], $0x80  }
0x47: {  	[sflag:s22] =	ssyncset.done $0x0  }
0x48: {  	s15 =	sadd.s32 s8, s15;
	[sflag:s22] =	ssyncadd.s32 $0xFFFFFF80  }
0x49: {  	[tilespmem:s25], [sflag:$0x3] =	stream.linear.gather [hbm4b:s15+s0], $0x80, $0x38;
	[tilespmem:$0x1FD80] =	vst v63  }
0x4a: {  	_ =	swait.ge [sflag:s22], $0x80  }
0x4b: {  	[sflag:s22] =	ssyncset.done $0x0  }
0x4c: {  	[sflag:s22] =	ssyncadd.s32 $0xFFFFFF80  }
0x4d: {  	[tilespmem:s28], [sflag:$0x2] =	stream.indirect.gather [hbm4b:s1+s26], $0x80, s24, s26, $0xb8;
	[tilespmem:$0x1FD80] =	vst v63  }
0x4e: {  	_ = 	snop  }
0x4f: {  	[tilespmem:s0], [sflag:$0x1] =	stream.indirect.gather [hbm4b:s5+s26], $0x80, s23, s26, $0xb8;
	[tilespmem:$0x1FD80] =	vst v63  }
0x50: {  	_ =	swait.ge [sflag:s29], $0x4000  }
0x51: {  	[sflag:s29] =	ssyncset.done $0x0  }
0x52: {  	[sflag:s29] =	ssyncadd.s32 $0xFFFFC000  }
0x53: {  	_ =	swait.ge [sflag:s30], $0x4000  }
0x54: {  	[sflag:s30] =	ssyncset.done $0x0  }
0x55: {  	s15 =	simm.s32 $0x0;
	[sflag:s30] =	ssyncadd.s32 $0xFFFFC000  }
0x56: {  	v7 =	vld [tilespmem:s15+$0x4000]  }
0x57: {  	v12 =	vld [tilespmem:s15+$0x4010]  }
0x58: {  	v6 =	vld [tilespmem:s15+$0x4020]  }
0x59: {  	v5 =	vld [tilespmem:s15+$0x4030]  }
0x5a: {  	v4 =	vld [tilespmem:s15+$0x4040]  }
0x5b: {  	v3 =	vld [tilespmem:s15+$0x4050]  }
0x5c: {  	v2 =	vld [tilespmem:s15+$0x4060]  }
0x5d: {  	v1 =	vld [tilespmem:s15+$0x4070]  }
0x5e: {  	v13 =	vld [tilespmem:s15+$0x0]  }
0x5f: {  	v14 =	vld [tilespmem:s15+$0x10]  }
0x60: {  	v11 =	vld [tilespmem:s15+$0x20]  }
0x61: {  	v10 =	vld [tilespmem:s15+$0x30]  }
0x62: {  	v9 =	vld [tilespmem:s15+$0x40]  }
0x63: {  	v8 =	vld [tilespmem:s15+$0x50];
	v13 =	vadd.f32 v7, v13  }
0x64: {  	s16 =	simm.s32 $0x200;
	v12 =	vadd.f32 v12, v14;
	v7 =	vld [tilespmem:s15+$0x60]  }
.LBB2_5:
0x65: {  	s17 =	sshra.s32 s16, $0x2;
	p0 =	sne.s32 s16, $0xFE00;
	v13 =	vmax.f32 v13, $0.0e+00;
	v6 =	vadd.f32 v6, v11;
	v11 =	vld [tilespmem:s15+$0x70]  }
0x66: {  	v14 =	vld [tilespmem:s17+$0x4000];
	[tilespmem:s15+$0x0] =	vst v13;
	v12 =	vmax.f32 v12, $0.0e+00;
	v5 =	vadd.f32 v5, v10  }
0x67: {  	v15 =	vld [tilespmem:s17+$0x4010];
	[tilespmem:s15+$0x10] =	vst v12;
	v10 =	vmax.f32 v6, $0.0e+00;
	v4 =	vadd.f32 v4, v9  }
0x68: {  	v6 =	vld [tilespmem:s17+$0x4020];
	[tilespmem:s15+$0x20] =	vst v10;
	v9 =	vmax.f32 v5, $0.0e+00;
	v3 =	vadd.f32 v3, v8  }
0x69: {  	v5 =	vld [tilespmem:s17+$0x4030];
	[tilespmem:s15+$0x30] =	vst v9;
	v8 =	vmax.f32 v4, $0.0e+00;
	v2 =	vadd.f32 v2, v7  }
0x6a: {  	v4 =	vld [tilespmem:s17+$0x4040];
	[tilespmem:s15+$0x40] =	vst v8;
	v7 =	vmax.f32 v3, $0.0e+00;
	v1 =	vadd.f32 v1, v11  }
0x6b: {  	v3 =	vld [tilespmem:s17+$0x4050];
	[tilespmem:s15+$0x50] =	vst v7;
	v7 =	vmax.f32 v2, $0.0e+00  }
0x6c: {  	v2 =	vld [tilespmem:s17+$0x4060];
	[tilespmem:s15+$0x60] =	vst v7;
	v7 =	vmax.f32 v1, $0.0e+00  }
0x6d: {  	v1 =	vld [tilespmem:s17+$0x4070];
	[tilespmem:s15+$0x70] =	vst v7;
	s15 =	smov.u32 s17  }
0x6e: {  	v7 =	vld [tilespmem:s15+$0x0]  }
0x6f: {  	v12 =	vld [tilespmem:s15+$0x10]  }
.Ltmp1:
0x70: {  	v11 =	vld [tilespmem:s15+$0x20];
	(pc) =	sbr.rel @p0 .LBB2_5-.Ltmp1, $4  }
0x71: {  	v10 =	vld [tilespmem:s15+$0x30]  }
0x72: {  	v9 =	vld [tilespmem:s15+$0x40]  }
0x73: {  	v13 =	vadd.f32 v14, v7;
	v8 =	vld [tilespmem:s15+$0x50]  }
0x74: {  	s16 =	sadd.s32 $0x200, s16;
	v12 =	vadd.f32 v15, v12;
	v7 =	vld [tilespmem:s15+$0x60]  }
0x75: {  	v13 =	vmax.f32 v13, $0.0e+00;
	v6 =	vadd.f32 v6, v11;
	v63 =	vld [tilespmem:s15+$0x70]  }
0x76: {  	[tilespmem:s15+$0x0] =	vst v13;
	v12 =	vmax.f32 v12, $0.0e+00;
	v5 =	vadd.f32 v5, v10  }
0x77: {  	[tilespmem:s15+$0x10] =	vst v12;
	v6 =	vmax.f32 v6, $0.0e+00;
	v4 =	vadd.f32 v4, v9  }
0x78: {  	[tilespmem:s15+$0x20] =	vst v6;
	v5 =	vmax.f32 v5, $0.0e+00;
	v3 =	vadd.f32 v3, v8  }
0x79: {  	[tilespmem:s15+$0x30] =	vst v5;
	v4 =	vmax.f32 v4, $0.0e+00;
	v2 =	vadd.f32 v2, v7  }
0x7a: {  	[tilespmem:s15+$0x40] =	vst v4;
	v3 =	vmax.f32 v3, $0.0e+00;
	v1 =	vadd.f32 v1, v63  }
0x7b: {  	s4 =	sadd.s32 $0x1, s4;
	[tilespmem:s15+$0x50] =	vst v3;
	v2 =	vmax.f32 v2, $0.0e+00  }
0x7c: {  	p0 =	sne.s32 s4, $0x50;
	[tilespmem:s15+$0x60] =	vst v2;
	v1 =	vmax.f32 v1, $0.0e+00  }
.Ltmp2:
0x7d: {  	[tilespmem:s15+$0x70] =	vst v1;
	(pc) =	sbr.rel @p0 .LBB2_4-.Ltmp2, $4  }
0x7e: {  	[spmem:s2] =	stream.indirect.scatter.add.f32 [tilespmem:s3], [sflag:$0x3], $0x80, s25, s26, $0xb8;
	[tilespmem:$0x1FD80] =	vst v63  }
0x7f: {  	_ =	swait.ge [sflag:s22], $0x4000  }
0x80: {  	[sflag:s22] =	ssyncset.done $0x0  }
0x81: {  	[sflag:s22] =	ssyncadd.s32 $0xFFFFC000  }
0x82: {  	[bflag:$0x0] =	sbarrier.arrive $0xFFFF  }
0x83: {  	[tilespmem:s3], [sflag:$0x3] =	stream.linear.gather [spmem:s9], $0x4000, $0x38;
	[tilespmem:$0x1FD80] =	vst v63  }
0x84: {  	_ =	swait.ge [sflag:s22], $0x4000  }
0x85: {  	[sflag:s22] =	ssyncset.done $0x0  }
0x86: {  	s0 =	rddreg [dreg:$0x5];
	[sflag:s22] =	ssyncadd.s32 $0xFFFFC000  }
0x87: {  	[hbm4b:s0+s3] =	stream.linear.scatter [tilespmem:s3], [sflag:$0x3], $0x4000, $0x38;
	[tilespmem:$0x1FD80] =	vst v63  }
0x88: {  	_ =	swait.ge [sflag:s22], $0x4000  }
0x89: {  	[sflag:s22] =	ssyncset.done $0x0  }
0x8a: {  	[sflag:s22] =	ssyncadd.s32 $0xFFFFC000  }
0x8b: {  	[tilespmem:s3], [sflag:$0x3] =	stream.linear.gather [spmem:s10], $0x4000, $0x38;
	[tilespmem:$0x1FD80] =	vst v63  }
0x8c: {  	_ =	swait.ge [sflag:s22], $0x4000  }
0x8d: {  	[sflag:s22] =	ssyncset.done $0x0  }
0x8e: {  	s16 =	rddreg [dreg:$0x6];
	[sflag:s22] =	ssyncadd.s32 $0xFFFFC000  }
0x8f: {  	[hbm4b:s16+s3] =	stream.linear.scatter [tilespmem:s3], [sflag:$0x3], $0x4000, $0x38;
	[tilespmem:$0x1FD80] =	vst v63  }
0x90: {  	_ =	swait.ge [sflag:s22], $0x4000  }
0x91: {  	[sflag:s22] =	ssyncset.done $0x0  }
0x92: {  	[sflag:s22] =	ssyncadd.s32 $0xFFFFC000  }
0x93: {  	[tilespmem:s3], [sflag:$0x3] =	stream.linear.gather [spmem:s11], $0x4000, $0x38;
	[tilespmem:$0x1FD80] =	vst v63  }
0x94: {  	_ =	swait.ge [sflag:s22], $0x4000  }
0x95: {  	[sflag:s22] =	ssyncset.done $0x0  }
0x96: {  	s17 =	rddreg [dreg:$0x7];
	[sflag:s22] =	ssyncadd.s32 $0xFFFFC000  }
0x97: {  	[hbm4b:s17+s3] =	stream.linear.scatter [tilespmem:s3], [sflag:$0x3], $0x4000, $0x38;
	[tilespmem:$0x1FD80] =	vst v63  }
0x98: {  	_ =	swait.ge [sflag:s22], $0x4000  }
0x99: {  	[sflag:s22] =	ssyncset.done $0x0  }
0x9a: {  	[sflag:s22] =	ssyncadd.s32 $0xFFFFC000  }
0x9b: {  	[tilespmem:s3], [sflag:$0x3] =	stream.linear.gather [spmem:s12], $0x4000, $0x38;
	[tilespmem:$0x1FD80] =	vst v63  }
0x9c: {  	_ =	swait.ge [sflag:s22], $0x4000  }
0x9d: {  	[sflag:s22] =	ssyncset.done $0x0  }
0x9e: {  	[sflag:s22] =	ssyncadd.s32 $0xFFFFC000  }
0x9f: {  	[hbm4b:s18+s3] =	stream.linear.scatter [tilespmem:s3], [sflag:$0x3], $0x4000, $0x38;
	[tilespmem:$0x1FD80] =	vst v63  }
0xa0: {  	_ =	swait.ge [sflag:s22], $0x4000  }
0xa1: {  	[sflag:s22] =	ssyncset.done $0x0  }
0xa2: {  	[sflag:s22] =	ssyncadd.s32 $0xFFFFC000  }
0xa3: {  	[tilespmem:s3], [sflag:$0x3] =	stream.linear.gather [spmem:s13], $0x3C00, $0x38;
	[tilespmem:$0x1FD80] =	vst v63  }
0xa4: {  	s31 =	sadd.s32 $0x1, s31;
	_ =	swait.ge [sflag:s22], $0x3C00  }
0xa5: {  	p0 =	sne.s32 s31, s20;
	[sflag:s22] =	ssyncset.done $0x0  }
.Ltmp3:
0xa6: {  	[sflag:s22] =	ssyncadd.s32 $0xFFFFC400;
	(pc) =	sbr.rel @p0 .LBB2_1-.Ltmp3, $4  }
0xa7: {  	[hbm4b:s19+s3] =	stream.linear.scatter [tilespmem:s3], [sflag:$0x3], $0x3C00, $0x38;
	[tilespmem:$0x1FD80] =	vst v63  }
0xa8: {  	_ =	swait.ge [sflag:s22], $0x3C00  }
0xa9: {  	[sflag:s22] =	ssyncset.done $0x0  }
0xaa: {  	[sflag:s22] =	ssyncadd.s32 $0xFFFFC400  }
0xab: {  	_ =	sfence.sel $0x180000  }
0xac: {  	[bflag:$0x0] =	sbarrier.arrive $0xFFFF  }
0xad: {  	_ =	strace $0x9000004D  }
0xae: {  	s0 =	stileid.u32;
	[bflag:$0x2] =	sbarrier.arrive $0xFFFF  }
0xaf: {  	p0 =	sne.s32 s0, $0x0;
	s0 =	rddreg [dreg:$0x4]  }
0xb0: {  	s0 =	sadd.s32 @!p0 $0x100000, s0  }
0xb1: {  	[sflag:s0] =	ssyncadd.tile.s32 @!p0 $0x1;
	_ =	shalt  }
.Lfunc_end2:
_tile_overlayer_lowered:
.L_overlay_start_2:
0xb2: {  	(tag) =	ssettag $0x2  }
0xb3: {  	s0 =	rddreg [dreg:$0x0];
	s2 =	stileid.u32  }
0xb4: {  	s1 =	rddreg [dreg:$0x1];
	p0 =	sne.s32 s2, $0x0  }
0xb5: {  	s3 =	rddreg [dreg:$0x2];
	[bflag:$0x3] =	sbarrier.arrive $0xFFFF;
	s2 =	simm.s32 @!p0 $0x1C03  }
0xb6: {  	[timem:s3], [sflag:s2] =	dma.local @!p0 [hbm:s0], s1  }
0xb7: {  	s0 =	simm.s32 @!p0 $0x3  }
0xb8: {  	_ =	swait.ge @!p0 [sflag:s0], s1  }
0xb9: {  	s1 =	ssub.s32 @!p0 $0x0, s1;
	[sflag:s0] =	ssyncset.done @!p0 $0x0  }
0xba: {  	[sflag:s0] =	ssyncadd.s32 @!p0 s1  }
0xbb: {  	[bflag:$0x3] =	sbarrier.arrive $0xFFFF  }
0xbc: {  	_ =	shalt  }

// kernel: kernel.21.cloned.1.call-start
scs
__scs_entry_jumppad:
0x0: {  	(pc) =	sbr.rel $0x88, $3  }
0x1: {  	(tag) =	ssettag $0x0;
	lr =	simm.s32 $0x1  }
0x2: {  	[smem:$0x3F94] =	sst lr;
	_ =	strace $0xD0000000  }
0x3: {  	_ = 	snop  }
0x4: {  	_ = 	snop  }
0x5: {  	_ = 	snop  }
0x6: {  	_ = 	snop  }
0x7: {  	_ = 	snop  }
__scs_overlays_trampoline_lowered:
0x8: {  	[smem:$0x3FA3] =	sst s0  }
0x9: {  	[smem:$0x3FA4] =	sst s1  }
0xa: {  	[smem:$0x3FA5] =	sst s2  }
0xb: {  	[smem:$0x3FA6] =	sst s3  }
0xc: {  	[smem:$0x3FA7] =	sst s4  }
0xd: {  	[smem:$0x3FA8] =	sst s5  }
0xe: {  	[smem:$0x3FA9] =	sst s6  }
0xf: {  	[smem:$0x3FAA] =	sst s7  }
0x10: {  	[smem:$0x3FAB] =	sst s8  }
0x11: {  	[smem:$0x3FAC] =	sst s9;
	s0 =	simm.s32 @!p0 $0x0  }
0x12: {  	s1 =	sld [smem:$0x3F92];
	s0 =	simm.s32 @p0 $0x1  }
0x13: {  	[smem:$0x3FAD] =	sst s0;
	s0 =	simm.s32 @!p1 $0x0  }
0x14: {  	s2 =	sld [smem:$0x3F91];
	s0 =	simm.s32 @p1 $0x1  }
0x15: {  	[smem:$0x3FAE] =	sst s0;
	s0 =	simm.s32 @!p2 $0x0  }
0x16: {  	s3 =	sld [smem:$0x3FDB];
	s0 =	simm.s32 @p2 $0x1  }
0x17: {  	s4 =	simm.s32 $0x1BF5;
	[smem:$0x3FB0] =	sst s0  }
0x18: {  	s0 =	sld [smem:$0x3F93];
	_ =	swait.ge [sflag:s4], $0x0  }
0x19: {  	s7 =	sld [smem:$0x3F94]  }
0x1a: {  	s8 =	sadd.s32 $0xFFFFE003, lr  }
0x1b: {  	s9 =	sadd.s32 $0xFFFFFEF7, lr;
	s5 =	simm.s32 $0xFFFFFFFF;
	p2 =	slt.u32 s8, $0xFFFFF086  }
0x1c: {  	p1 =	slt.u32 s9, $0xF7A;
	s5 =	simm.s32 @!p2 $0x0  }
0x1d: {  	s5 =	simm.s32 @p1 $0x1;
	p0 =	seq.s32 s7, s2  }
0x1e: {  	s7 =	smul.u32 @!p0 $0xF7A, s2;
	p2 =	seq.s32 @!p0 s5, $0x0  }
0x1f: {  	s9 =	smul.u32 $0xF7A, s1;
	s8 =	simm.s32 @!p0 $0x1BF5;
	p2 =	por !p2, p0  }
0x20: {  	[sflag:s8] =	ssyncset.s32 @!p0 $0xFFFFF086;
	s6 =	sadd.s32 @!p0 s3, s7;
	s7 =	simm.s32 @!p0 $0x108  }
0x21: {  	s3 =	sadd.s32 s3, s9;
	s6 =	sadd.s32 @!p0 $0x88, s6;
	s7 =	simm.s32 @p2 $0x1082  }
0x22: {  	[simem:s7], [sflag:s8] =	dma.local @!p0 [hbm:s6], $0xF7A  }
0x23: {  	s9 =	sor.u32 $0xD0000000, s2;
	s6 =	simm.s32 $0x108;
	_ =	swait.ge @!p0 [sflag:s8], $0x0  }
0x24: {  	s3 =	sadd.s32 $0x88, s3;
	s6 =	simm.s32 @!p1 $0x1082;
	[sflag:s4] =	ssyncset.s32 $0xFFFFF086  }
0x25: {  	[simem:s6], [sflag:s4] =	dma.local [hbm:s3], $0xF7A  }
0x26: {  	[smem:$0x3F94] =	sst s1;
	(tag) =	ssettag s2;
	_ =	strace s9  }
0x27: {  	s1 =	sld [smem:$0x3FA4]  }
0x28: {  	s2 =	sld [smem:$0x3FA5]  }
0x29: {  	s4 =	sld [smem:$0x3FA7]  }
0x2a: {  	p0 =	seq.s32 s5, $0x0;
	s5 =	sld [smem:$0x3FA8]  }
0x2b: {  	s6 =	sld [smem:$0x3FA9]  }
0x2c: {  	s7 =	sld [smem:$0x3FAA]  }
0x2d: {  	s3 =	simm.s32 $0x108;
	s8 =	sld [smem:$0x3FAB]  }
0x2e: {  	s3 =	simm.s32 @!p0 $0x1082;
	s9 =	sld [smem:$0x3FAC]  }
0x2f: {  	lr =	sadd.s32 s0, s3;
	s0 =	sld [smem:$0x3FA3]  }
0x30: {  	s3 =	sld [smem:$0x3FA6]  }
0x31: {  	[smem:$0x3FAF] =	sst s10  }
0x32: {  	s10 =	sld [smem:$0x3FAD];
	_ =	sdelay $0x3  }
0x33: {  	p0 =	seq.s32 s10, $0x1;
	s10 =	sld [smem:$0x3FAF];
	_ =	sdelay $0x3  }
0x34: {  	[smem:$0x3FAF] =	sst s10  }
0x35: {  	s10 =	sld [smem:$0x3FAE];
	_ =	sdelay $0x3  }
0x36: {  	p1 =	seq.s32 s10, $0x1;
	s10 =	sld [smem:$0x3FAF];
	_ =	sdelay $0x3  }
0x37: {  	[smem:$0x3FAF] =	sst s10  }
0x38: {  	s10 =	sld [smem:$0x3FB0]  }
0x39: {  	_ = 	snop;
	(pc) =	sbr.ind lr, $3  }
0x3a: {  	_ = 	snop  }
0x3b: {  	_ = 	snop  }
0x3c: {  	p2 =	seq.s32 s10, $0x1;
	s10 =	sld [smem:$0x3FAF]  }
0x3d: {  	_ =	shalt  }
0x3e: {  	_ =	shalt  }
0x3f: {  	_ =	shalt  }
0x40: {  	_ =	shalt  }
0x41: {  	_ =	shalt  }
0x42: {  	_ =	shalt  }
0x43: {  	_ =	shalt  }
0x44: {  	_ =	shalt  }
0x45: {  	_ =	shalt  }
0x46: {  	_ =	shalt  }
0x47: {  	_ =	shalt  }
0x48: {  	_ =	shalt  }
0x49: {  	_ =	shalt  }
0x4a: {  	_ =	shalt  }
0x4b: {  	_ =	shalt  }
0x4c: {  	_ =	shalt  }
0x4d: {  	_ =	shalt  }
0x4e: {  	_ =	shalt  }
0x4f: {  	_ =	shalt  }
0x50: {  	_ =	shalt  }
0x51: {  	_ =	shalt  }
0x52: {  	_ =	shalt  }
0x53: {  	_ =	shalt  }
0x54: {  	_ =	shalt  }
0x55: {  	_ =	shalt  }
0x56: {  	_ =	shalt  }
0x57: {  	_ =	shalt  }
0x58: {  	_ =	shalt  }
0x59: {  	_ =	shalt  }
0x5a: {  	_ =	shalt  }
0x5b: {  	_ =	shalt  }
0x5c: {  	_ =	shalt  }
0x5d: {  	_ =	shalt  }
0x5e: {  	_ =	shalt  }
0x5f: {  	_ =	shalt  }
0x60: {  	_ =	shalt  }
0x61: {  	_ =	shalt  }
0x62: {  	_ =	shalt  }
0x63: {  	_ =	shalt  }
0x64: {  	_ =	shalt  }
0x65: {  	_ =	shalt  }
0x66: {  	_ =	shalt  }
0x67: {  	_ =	shalt  }
0x68: {  	_ =	shalt  }
0x69: {  	_ =	shalt  }
0x6a: {  	_ =	shalt  }
0x6b: {  	_ =	shalt  }
0x6c: {  	_ =	shalt  }
0x6d: {  	_ =	shalt  }
0x6e: {  	_ =	shalt  }
0x6f: {  	_ =	shalt  }
0x70: {  	_ =	shalt  }
0x71: {  	_ =	shalt  }
0x72: {  	_ =	shalt  }
0x73: {  	_ =	shalt  }
0x74: {  	_ =	shalt  }
0x75: {  	_ =	shalt  }
0x76: {  	_ =	shalt  }
0x77: {  	_ =	shalt  }
0x78: {  	_ =	shalt  }
0x79: {  	_ =	shalt  }
0x7a: {  	_ =	shalt  }
0x7b: {  	_ =	shalt  }
0x7c: {  	_ =	shalt  }
0x7d: {  	_ =	shalt  }
0x7e: {  	_ =	shalt  }
0x7f: {  	_ =	shalt  }
0x80: {  	_ =	shalt  }
0x81: {  	_ =	shalt  }
0x82: {  	_ =	shalt  }
0x83: {  	_ =	shalt  }
0x84: {  	_ =	shalt  }
0x85: {  	_ =	shalt  }
0x86: {  	_ =	shalt  }
0x87: {  	_ =	shalt  }
.Lfunc_end0:
.L_simem_size_0:
called_computation.3_lowered:
.L_overlay_start_0:
0x88: {  	s2 =	sld [smem:$0x3FD9]  }
0x89: {  	s3 =	sld [smem:$0x3FFE];
	_ =	sdelay $0x1  }
0x8a: {  	s1 =	srdreg.scid  }
0x8b: {  	s0 =	sand.u32 $0x1, s1  }
0x8c: {  	s17 =	sshll.u32 s0, $0xA;
	s2 =	sadd.s32 s3, s2  }
0x8d: {  	s2 =	sadd.s32 s2, s17  }
0x8e: {  	[smem:$0x3FBB] =	sst s2  }
0x8f: {  	_ = 	snop  }
0x90: {  	s2 =	sld [smem:$0x3FC2]  }
0x91: {  	s18 =	sld [smem:$0x3FD0];
	(tm) =	ssettm $0x1  }
0x92: {  	s4 =	sld [smem:$0x3FFB];
	_ =	sdelay $0x3  }
0x93: {  	_ =	strace s4  }
0x94: {  	s4 =	sld [smem:$0x3FFC];
	_ =	sdelay $0x3  }
0x95: {  	_ =	strace s4  }
0x96: {  	s4 =	sld [smem:$0x3FFD];
	_ =	sdelay $0x3  }
0x97: {  	_ =	strace s4  }
0x98: {  	_ =	strace $0x8FFFFFFF  }
0x99: {  	s19 =	sld [smem:$0x3FDB];
	_ =	sdelay $0x1  }
0x9a: {  	s5 =	simm.s32 $_scs_section_size  }
0x9b: {  	s6 =	simm.s32 $_size__tile_overlayer_lowered;
	s7 =	simm.s32 $_tile_overlayer_lowered  }
0x9c: {  	s22 =	simm.s32 $0x1BFF;
	s21 =	sshll.u32 s7, $0x1;
	s4 =	sadd.s32 s5, s19  }
0x9d: {  	s8 =	simm.s32 $0x0;
	s20 =	sshll.u32 s6, $0x1;
	s6 =	sadd.s32 s21, s4  }
0x9e: {  	[timem:s8], [sflag:s22] =	dma.local [hbm:s6], s20  }
0x9f: {  	_ =	swait.ge [sflag:s22], s20  }
0xa0: {  	s5 =	ssub.s32 $0x0, s20;
	[sflag:s22] =	ssyncset.done $0x0  }
0xa1: {  	[sflag:s22] =	ssyncadd.s32 s5;
	_ =	sdelay $0x1  }
0xa2: {  	s23 =	simm.s32 $0x1B8B  }
0xa3: {  	_ =	swait.ge [sflag:s23], $0x1  }
0xa4: {  	[sflag:s23] =	ssyncset.done $0x0  }
0xa5: {  	s25 =	simm.s32 $0x1B8E;
	s24 =	sld [smem:$0x3FFE];
	[sflag:s23] =	ssyncadd.s32 $0xFFFFFFFF  }
0xa6: {  	s26 =	simm.s32 $execute0_lowered;
	[smem:$0x3FD2] =	sst s25  }
0xa7: {  	s6 =	sshll.u32 s26, $0x1;
	_ =	strace $0x8000004F;
	[dreg:$0x1] =	wrdreg $0xFFFFFFFF  }
0xa8: {  	s28 =	simm.s32 $_size_execute0_lowered;
	s4 =	sadd.s32 s4, s6;
	[dreg:$0x0] =	wrdreg $0x0  }
0xa9: {  	s6 =	sshll.u32 s28, $0x1;
	[dreg:$0x2] =	wrdreg s4  }
0xaa: {  	[dreg:$0x3] =	wrdreg s6  }
0xab: {  	[dreg:$0x4] =	wrdreg $0xC0  }
0xac: {  	_ =	task [dreg:s8], $0x5FFFF  }
0xad: {  	[dreg:$0x1] =	wrdreg $0xFFFFFFFF  }
0xae: {  	[dreg:$0x0] =	wrdreg $0x60  }
0xaf: {  	[dreg:$0x2] =	wrdreg s24  }
0xb0: {  	[dreg:$0x3] =	wrdreg s2  }
0xb1: {  	[dreg:$0x4] =	wrdreg s18  }
0xb2: {  	[dreg:$0x5] =	wrdreg $0xC1800  }
0xb3: {  	[dreg:$0x6] =	wrdreg $0x9  }
0xb4: {  	_ =	task.clear_ibuf [dreg:s8], $0x7FFFF;
	_ =	strace $0x9000004F  }
0xb5: {  	s29 =	simm.s32 $0x9;
	_ =	strace $0x80000051  }
0xb6: {  	_ =	swait.ge [sflag:s29], $0x1  }
0xb7: {  	[sflag:s29] =	ssyncadd.s32 $0xFFFFFFFF  }
0xb8: {  	_ =	strace $0x90000051  }
0xb9: {  	_ =	sfence  }
0xba: {  	s30 =	sld [smem:$0x0];
	_ =	sdelay $0x2  }
0xbb: {  	s31 =	sshll.u32 s1, $0xD;
	s1 =	sshrl.u32 s1, $0x2  }
0xbc: {  	s3 =	sand.u32 $0x4000, s31;
	s1 =	sadd.s32 s1, s30  }
0xbd: {  	s0 =	sor.u32 s3, s0;
	s1 =	sshll.u32 s1, $0x11  }
0xbe: {  	s0 =	sor.u32 s1, s0  }
0xbf: {  	s0 =	sadd.s32 $0x8F2B, s0  }
0xc0: {  	[sflag:s0] =	ssyncadd.remote.s32 $0x1  }
0xc1: {  	_ =	sfence.sel $0xFFFF  }
0xc2: {  	[dreg:$0x0] =	wrdreg $0xFFFFFFFF;
	(pc) =	sbr.abs _section_cstart, $3  }
0xc3: {  	[dreg:$0x1] =	wrdreg $0xFFFFFFFF  }
0xc4: {  	_ =	task.clear_ibuf [dreg:s8], $0x2FFFF;
	_ =	strace $0x9FFFFFFF  }
0xc5: {  	(tm) =	ssettm $0x7FFFFFFF  }
tec
execute0_lowered:
.L_overlay_start_1:
0x0: {  	(tag) =	ssettag $0x1  }
0x1: {  	s0 =	rddreg [dreg:$0x0]  }
0x2: {  	s1 =	rddreg [dreg:$0x1]  }
0x3: {  	s4 =	rddreg [dreg:$0x2]  }
0x4: {  	s2 =	rddreg [dreg:$0x3];
	s3 =	simm.s32 $0x0  }
0x5: {  	s6 =	srdreg.scid;
	s13 =	stileid.u32;
	s21 =	simm.s32 $0x8000  }
0x6: {  	s22 =	simm.s32 $0x3;
	s28 =	simm.s32 $0x4000;
	s29 =	simm.s32 $0x2  }
0x7: {  	s30 =	simm.s32 $0x1;
	s31 =	simm.s32 $0x0;
	[smem:$0x7FF] =	sst s3  }
0x8: {  	s5 =	sadd.s32 $0x4A000, s0;
	s10 =	sand.u32 $0x1, s6;
	s6 =	sadd.s32 $0xE600, s0  }
0x9: {  	s11 =	smul.u32 $0x4F000, s13;
	s7 =	sadd.s32 $0x4600, s0;
	s8 =	sadd.s32 $0x18600, s0  }
0xa: {  	s12 =	sshll.u32 s13, $0x1;
	s13 =	smul.u32 $0x13C00, s13;
	_ =	strace $0x80000050  }
0xb: {  	s9 =	ssub.s32 $0x2, s10;
	s14 =	sor.u32 s10, s12;
	s17 =	smul.u32 $0x13C000, s10  }
0xc: {  	s23 =	sshrl.u32 s9, $0x1;
	s11 =	sshrl.u32 s11, $0x2;
	s15 =	sadd.s32 $0x4000, s13  }
0xd: {  	s16 =	sadd.s32 $0x8000, s13;
	s18 =	sadd.s32 $0xC000, s13;
	s19 =	sadd.s32 $0x10000, s13  }
0xe: {  	s14 =	smul.u32 $0x50, s14;
	s0 =	ssub.s32 s9, s23;
	s9 =	sadd.s32 s11, s2  }
0xf: {  	s10 =	sadd.s32 s15, s2;
	s11 =	sadd.s32 s16, s2;
	s12 =	sadd.s32 s18, s2  }
0x10: {  	s20 =	sadd.s32 s13, s17;
	s13 =	sadd.s32 s19, s2;
	s15 =	sadd.s32 s17, s15  }
0x11: {  	s24 =	sadd.s32 s17, s16;
	s25 =	sadd.s32 s17, s18;
	s19 =	sadd.s32 s17, s19  }
0x12: {  	s23 =	simm.s32 $0xC000;
	s20 =	sshrl.u32 s20, $0x3;
	s15 =	sshrl.u32 s15, $0x3  }
0x13: {  	s16 =	sshrl.u32 s25, $0x3;
	s26 =	sshrl.u32 s19, $0x3;
	s25 =	simm.s32 $0xC100  }
0x14: {  	s20 =	sadd.s32 s4, s20;
	s15 =	sadd.s32 s4, s15;
	s18 =	sadd.s32 s4, s16  }
0x15: {  	s19 =	sadd.s32 s4, s26;
	[dreg:$0x6] =	wrdreg s15;
	s15 =	sshrl.u32 s24, $0x3  }
0x16: {  	s26 =	simm.s32 $0x80;
	[dreg:$0x5] =	wrdreg s20;
	s15 =	sadd.s32 s4, s15  }
0x17: {  	v0 =	vimm.f32 $0.0e+00;
	s20 =	smax.u32 s0, $0x1;
	s24 =	simm.s32 $0xC080;
	[dreg:$0x7] =	wrdreg s15  }
.LBB2_1:
0x18: {  	s0 =	simm.s32 $0x0;
	s4 =	simm.s32 $0x200  }
.LBB2_2:
0x19: {  	p0 =	sne.s32 s4, $0xFE00;
	[tilespmem:s0+$0x8070] =	vst v0  }
0x1a: {  	[tilespmem:s0+$0x8000] =	vst v0  }
0x1b: {  	[tilespmem:s0+$0x8010] =	vst v0  }
.Ltmp0:
0x1c: {  	[tilespmem:s0+$0x8020] =	vst v0;
	(pc) =	sbr.rel @p0 .LBB2_2-.Ltmp0, $4  }
0x1d: {  	[tilespmem:s0+$0x8030] =	vst v0  }
0x1e: {  	[tilespmem:s0+$0x8040] =	vst v0  }
0x1f: {  	[tilespmem:s0+$0x8050] =	vst v0  }
0x20: {  	[tilespmem:s0+$0x8060] =	vst v0;
	s0 =	sshra.s32 s4, $0x2;
	s4 =	sadd.s32 $0x200, s4  }
0x21: {  	[tilespmem:s0+$0x8070] =	vst v0  }
0x22: {  	[tilespmem:s0+$0x8000] =	vst v0  }
0x23: {  	[tilespmem:s0+$0x8010] =	vst v0  }
0x24: {  	[tilespmem:s0+$0x8020] =	vst v0  }
0x25: {  	[tilespmem:s0+$0x8030] =	vst v0  }
0x26: {  	[tilespmem:s0+$0x8040] =	vst v0  }
0x27: {  	[tilespmem:s0+$0x8050] =	vst v0  }
0x28: {  	[tilespmem:s0+$0x8060] =	vst v0  }
0x29: {  	[spmem:s9] =	stream.linear.scatter [tilespmem:s21], [sflag:$0x3], $0x4000, $0x38;
	[tilespmem:$0x1FD80] =	vst v63  }
0x2a: {  	_ =	swait.ge [sflag:s22], $0x4000  }
0x2b: {  	[sflag:s22] =	ssyncset.done $0x0  }
0x2c: {  	[sflag:s22] =	ssyncadd.s32 $0xFFFFC000  }
0x2d: {  	[spmem:s10] =	stream.linear.scatter [tilespmem:s21], [sflag:$0x3], $0x4000, $0x38;
	[tilespmem:$0x1FD80] =	vst v63  }
0x2e: {  	_ =	swait.ge [sflag:s22], $0x4000  }
0x2f: {  	[sflag:s22] =	ssyncset.done $0x0  }
0x30: {  	[sflag:s22] =	ssyncadd.s32 $0xFFFFC000  }
0x31: {  	[spmem:s11] =	stream.linear.scatter [tilespmem:s21], [sflag:$0x3], $0x4000, $0x38;
	[tilespmem:$0x1FD80] =	vst v63  }
0x32: {  	_ =	swait.ge [sflag:s22], $0x4000  }
0x33: {  	[sflag:s22] =	ssyncset.done $0x0  }
0x34: {  	[sflag:s22] =	ssyncadd.s32 $0xFFFFC000  }
0x35: {  	[spmem:s12] =	stream.linear.scatter [tilespmem:s21], [sflag:$0x3], $0x4000, $0x38;
	[tilespmem:$0x1FD80] =	vst v63  }
0x36: {  	_ =	swait.ge [sflag:s22], $0x4000  }
0x37: {  	[sflag:s22] =	ssyncset.done $0x0  }
0x38: {  	[sflag:s22] =	ssyncadd.s32 $0xFFFFC000  }
0x39: {  	[spmem:s13] =	stream.linear.scatter [tilespmem:s21], [sflag:$0x3], $0x3C00, $0x38;
	[tilespmem:$0x1FD80] =	vst v63  }
0x3a: {  	_ =	swait.ge [sflag:s22], $0x3C00  }
0x3b: {  	[sflag:s22] =	ssyncset.done $0x0  }
0x3c: {  	[sflag:s22] =	ssyncadd.s32 $0xFFFFC400  }
0x3d: {  	s0 =	simm.s32 $0x0;
	s4 =	simm.s32 $0x0;
	[bflag:$0x0] =	sbarrier.arrive $0xFFFF  }
.LBB2_4:
0x3e: {  	s15 =	sadd.s32 s14, s4  }
0x3f: {  	s15 =	sshll.u32 s15, $0x4  }
0x40: {  	s16 =	sadd.s32 s6, s15  }
0x41: {  	[tilespmem:s23], [sflag:$0x3] =	stream.linear.gather [hbm4b:s16+s0], $0x80, $0x38;
	[tilespmem:$0x1FD80] =	vst v63  }
0x42: {  	_ =	swait.ge [sflag:s22], $0x80  }
0x43: {  	[sflag:s22] =	ssyncset.done $0x0  }
0x44: {  	s17 =	sadd.s32 s7, s15;
	[sflag:s22] =	ssyncadd.s32 $0xFFFFFF80  }
0x45: {  	[tilespmem:s24], [sflag:$0x3] =	stream.linear.gather [hbm4b:s17+s0], $0x80, $0x38;
	[tilespmem:$0x1FD80] =	vst v63  }
0x46: {  	_ =	swait.ge [sflag:s22], $0x80  }
0x47: {  	[sflag:s22] =	ssyncset.done $0x0  }
0x48: {  	s15 =	sadd.s32 s8, s15;
	[sflag:s22] =	ssyncadd.s32 $0xFFFFFF80  }
0x49: {  	[tilespmem:s25], [sflag:$0x3] =	stream.linear.gather [hbm4b:s15+s0], $0x80, $0x38;
	[tilespmem:$0x1FD80] =	vst v63  }
0x4a: {  	_ =	swait.ge [sflag:s22], $0x80  }
0x4b: {  	[sflag:s22] =	ssyncset.done $0x0  }
0x4c: {  	[sflag:s22] =	ssyncadd.s32 $0xFFFFFF80  }
0x4d: {  	[tilespmem:s28], [sflag:$0x2] =	stream.indirect.gather [hbm4b:s1+s26], $0x80, s24, s26, $0xb8;
	[tilespmem:$0x1FD80] =	vst v63  }
0x4e: {  	_ = 	snop  }
0x4f: {  	[tilespmem:s0], [sflag:$0x1] =	stream.indirect.gather [hbm4b:s5+s26], $0x80, s23, s26, $0xb8;
	[tilespmem:$0x1FD80] =	vst v63  }
0x50: {  	_ =	swait.ge [sflag:s29], $0x4000  }
0x51: {  	[sflag:s29] =	ssyncset.done $0x0  }
0x52: {  	[sflag:s29] =	ssyncadd.s32 $0xFFFFC000  }
0x53: {  	_ =	swait.ge [sflag:s30], $0x4000  }
0x54: {  	[sflag:s30] =	ssyncset.done $0x0  }
0x55: {  	s15 =	simm.s32 $0x0;
	[sflag:s30] =	ssyncadd.s32 $0xFFFFC000  }
0x56: {  	v7 =	vld [tilespmem:s15+$0x4000]  }
0x57: {  	v12 =	vld [tilespmem:s15+$0x4010]  }
0x58: {  	v6 =	vld [tilespmem:s15+$0x4020]  }
0x59: {  	v5 =	vld [tilespmem:s15+$0x4030]  }
0x5a: {  	v4 =	vld [tilespmem:s15+$0x4040]  }
0x5b: {  	v3 =	vld [tilespmem:s15+$0x4050]  }
0x5c: {  	v2 =	vld [tilespmem:s15+$0x4060]  }
0x5d: {  	v1 =	vld [tilespmem:s15+$0x4070]  }
0x5e: {  	v13 =	vld [tilespmem:s15+$0x0]  }
0x5f: {  	v14 =	vld [tilespmem:s15+$0x10]  }
0x60: {  	v11 =	vld [tilespmem:s15+$0x20]  }
0x61: {  	v10 =	vld [tilespmem:s15+$0x30]  }
0x62: {  	v9 =	vld [tilespmem:s15+$0x40]  }
0x63: {  	v8 =	vld [tilespmem:s15+$0x50];
	v13 =	vadd.f32 v7, v13  }
0x64: {  	s16 =	simm.s32 $0x200;
	v12 =	vadd.f32 v12, v14;
	v7 =	vld [tilespmem:s15+$0x60]  }
.LBB2_5:
0x65: {  	s17 =	sshra.s32 s16, $0x2;
	p0 =	sne.s32 s16, $0xFE00;
	v13 =	vmax.f32 v13, $0.0e+00;
	v6 =	vadd.f32 v6, v11;
	v11 =	vld [tilespmem:s15+$0x70]  }
0x66: {  	v14 =	vld [tilespmem:s17+$0x4000];
	[tilespmem:s15+$0x0] =	vst v13;
	v12 =	vmax.f32 v12, $0.0e+00;
	v5 =	vadd.f32 v5, v10  }
0x67: {  	v15 =	vld [tilespmem:s17+$0x4010];
	[tilespmem:s15+$0x10] =	vst v12;
	v10 =	vmax.f32 v6, $0.0e+00;
	v4 =	vadd.f32 v4, v9  }
0x68: {  	v6 =	vld [tilespmem:s17+$0x4020];
	[tilespmem:s15+$0x20] =	vst v10;
	v9 =	vmax.f32 v5, $0.0e+00;
	v3 =	vadd.f32 v3, v8  }
0x69: {  	v5 =	vld [tilespmem:s17+$0x4030];
	[tilespmem:s15+$0x30] =	vst v9;
	v8 =	vmax.f32 v4, $0.0e+00;
	v2 =	vadd.f32 v2, v7  }
0x6a: {  	v4 =	vld [tilespmem:s17+$0x4040];
	[tilespmem:s15+$0x40] =	vst v8;
	v7 =	vmax.f32 v3, $0.0e+00;
	v1 =	vadd.f32 v1, v11  }
0x6b: {  	v3 =	vld [tilespmem:s17+$0x4050];
	[tilespmem:s15+$0x50] =	vst v7;
	v7 =	vmax.f32 v2, $0.0e+00  }
0x6c: {  	v2 =	vld [tilespmem:s17+$0x4060];
	[tilespmem:s15+$0x60] =	vst v7;
	v7 =	vmax.f32 v1, $0.0e+00  }
0x6d: {  	v1 =	vld [tilespmem:s17+$0x4070];
	[tilespmem:s15+$0x70] =	vst v7;
	s15 =	smov.u32 s17  }
0x6e: {  	v7 =	vld [tilespmem:s15+$0x0]  }
0x6f: {  	v12 =	vld [tilespmem:s15+$0x10]  }
.Ltmp1:
0x70: {  	v11 =	vld [tilespmem:s15+$0x20];
	(pc) =	sbr.rel @p0 .LBB2_5-.Ltmp1, $4  }
0x71: {  	v10 =	vld [tilespmem:s15+$0x30]  }
0x72: {  	v9 =	vld [tilespmem:s15+$0x40]  }
0x73: {  	v13 =	vadd.f32 v14, v7;
	v8 =	vld [tilespmem:s15+$0x50]  }
0x74: {  	s16 =	sadd.s32 $0x200, s16;
	v12 =	vadd.f32 v15, v12;
	v7 =	vld [tilespmem:s15+$0x60]  }
0x75: {  	v13 =	vmax.f32 v13, $0.0e+00;
	v6 =	vadd.f32 v6, v11;
	v63 =	vld [tilespmem:s15+$0x70]  }
0x76: {  	[tilespmem:s15+$0x0] =	vst v13;
	v12 =	vmax.f32 v12, $0.0e+00;
	v5 =	vadd.f32 v5, v10  }
0x77: {  	[tilespmem:s15+$0x10] =	vst v12;
	v6 =	vmax.f32 v6, $0.0e+00;
	v4 =	vadd.f32 v4, v9  }
0x78: {  	[tilespmem:s15+$0x20] =	vst v6;
	v5 =	vmax.f32 v5, $0.0e+00;
	v3 =	vadd.f32 v3, v8  }
0x79: {  	[tilespmem:s15+$0x30] =	vst v5;
	v4 =	vmax.f32 v4, $0.0e+00;
	v2 =	vadd.f32 v2, v7  }
0x7a: {  	[tilespmem:s15+$0x40] =	vst v4;
	v3 =	vmax.f32 v3, $0.0e+00;
	v1 =	vadd.f32 v1, v63  }
0x7b: {  	s4 =	sadd.s32 $0x1, s4;
	[tilespmem:s15+$0x50] =	vst v3;
	v2 =	vmax.f32 v2, $0.0e+00  }
0x7c: {  	p0 =	sne.s32 s4, $0x50;
	[tilespmem:s15+$0x60] =	vst v2;
	v1 =	vmax.f32 v1, $0.0e+00  }
.Ltmp2:
0x7d: {  	[tilespmem:s15+$0x70] =	vst v1;
	(pc) =	sbr.rel @p0 .LBB2_4-.Ltmp2, $4  }
0x7e: {  	[spmem:s2] =	stream.indirect.scatter.add.f32 [tilespmem:s3], [sflag:$0x3], $0x80, s25, s26, $0xb8;
	[tilespmem:$0x1FD80] =	vst v63  }
0x7f: {  	_ =	swait.ge [sflag:s22], $0x4000  }
0x80: {  	[sflag:s22] =	ssyncset.done $0x0  }
0x81: {  	[sflag:s22] =	ssyncadd.s32 $0xFFFFC000  }
0x82: {  	[bflag:$0x0] =	sbarrier.arrive $0xFFFF  }
0x83: {  	[tilespmem:s3], [sflag:$0x3] =	stream.linear.gather [spmem:s9], $0x4000, $0x38;
	[tilespmem:$0x1FD80] =	vst v63  }
0x84: {  	_ =	swait.ge [sflag:s22], $0x4000  }
0x85: {  	[sflag:s22] =	ssyncset.done $0x0  }
0x86: {  	s0 =	rddreg [dreg:$0x5];
	[sflag:s22] =	ssyncadd.s32 $0xFFFFC000  }
0x87: {  	[hbm4b:s0+s3] =	stream.linear.scatter [tilespmem:s3], [sflag:$0x3], $0x4000, $0x38;
	[tilespmem:$0x1FD80] =	vst v63  }
0x88: {  	_ =	swait.ge [sflag:s22], $0x4000  }
0x89: {  	[sflag:s22] =	ssyncset.done $0x0  }
0x8a: {  	[sflag:s22] =	ssyncadd.s32 $0xFFFFC000  }
0x8b: {  	[tilespmem:s3], [sflag:$0x3] =	stream.linear.gather [spmem:s10], $0x4000, $0x38;
	[tilespmem:$0x1FD80] =	vst v63  }
0x8c: {  	_ =	swait.ge [sflag:s22], $0x4000  }
0x8d: {  	[sflag:s22] =	ssyncset.done $0x0  }
0x8e: {  	s16 =	rddreg [dreg:$0x6];
	[sflag:s22] =	ssyncadd.s32 $0xFFFFC000  }
0x8f: {  	[hbm4b:s16+s3] =	stream.linear.scatter [tilespmem:s3], [sflag:$0x3], $0x4000, $0x38;
	[tilespmem:$0x1FD80] =	vst v63  }
0x90: {  	_ =	swait.ge [sflag:s22], $0x4000  }
0x91: {  	[sflag:s22] =	ssyncset.done $0x0  }
0x92: {  	[sflag:s22] =	ssyncadd.s32 $0xFFFFC000  }
0x93: {  	[tilespmem:s3], [sflag:$0x3] =	stream.linear.gather [spmem:s11], $0x4000, $0x38;
	[tilespmem:$0x1FD80] =	vst v63  }
0x94: {  	_ =	swait.ge [sflag:s22], $0x4000  }
0x95: {  	[sflag:s22] =	ssyncset.done $0x0  }
0x96: {  	s17 =	rddreg [dreg:$0x7];
	[sflag:s22] =	ssyncadd.s32 $0xFFFFC000  }
0x97: {  	[hbm4b:s17+s3] =	stream.linear.scatter [tilespmem:s3], [sflag:$0x3], $0x4000, $0x38;
	[tilespmem:$0x1FD80] =	vst v63  }
0x98: {  	_ =	swait.ge [sflag:s22], $0x4000  }
0x99: {  	[sflag:s22] =	ssyncset.done $0x0  }
0x9a: {  	[sflag:s22] =	ssyncadd.s32 $0xFFFFC000  }
0x9b: {  	[tilespmem:s3], [sflag:$0x3] =	stream.linear.gather [spmem:s12], $0x4000, $0x38;
	[tilespmem:$0x1FD80] =	vst v63  }
0x9c: {  	_ =	swait.ge [sflag:s22], $0x4000  }
0x9d: {  	[sflag:s22] =	ssyncset.done $0x0  }
0x9e: {  	[sflag:s22] =	ssyncadd.s32 $0xFFFFC000  }
0x9f: {  	[hbm4b:s18+s3] =	stream.linear.scatter [tilespmem:s3], [sflag:$0x3], $0x4000, $0x38;
	[tilespmem:$0x1FD80] =	vst v63  }
0xa0: {  	_ =	swait.ge [sflag:s22], $0x4000  }
0xa1: {  	[sflag:s22] =	ssyncset.done $0x0  }
0xa2: {  	[sflag:s22] =	ssyncadd.s32 $0xFFFFC000  }
0xa3: {  	[tilespmem:s3], [sflag:$0x3] =	stream.linear.gather [spmem:s13], $0x3C00, $0x38;
	[tilespmem:$0x1FD80] =	vst v63  }
0xa4: {  	s31 =	sadd.s32 $0x1, s31;
	_ =	swait.ge [sflag:s22], $0x3C00  }
0xa5: {  	p0 =	sne.s32 s31, s20;
	[sflag:s22] =	ssyncset.done $0x0  }
.Ltmp3:
0xa6: {  	[sflag:s22] =	ssyncadd.s32 $0xFFFFC400;
	(pc) =	sbr.rel @p0 .LBB2_1-.Ltmp3, $4  }
0xa7: {  	[hbm4b:s19+s3] =	stream.linear.scatter [tilespmem:s3], [sflag:$0x3], $0x3C00, $0x38;
	[tilespmem:$0x1FD80] =	vst v63  }
0xa8: {  	_ =	swait.ge [sflag:s22], $0x3C00  }
0xa9: {  	[sflag:s22] =	ssyncset.done $0x0  }
0xaa: {  	[sflag:s22] =	ssyncadd.s32 $0xFFFFC400  }
0xab: {  	_ =	sfence.sel $0x180000  }
0xac: {  	[bflag:$0x0] =	sbarrier.arrive $0xFFFF  }
0xad: {  	_ =	strace $0x90000050  }
0xae: {  	s0 =	stileid.u32;
	[bflag:$0x2] =	sbarrier.arrive $0xFFFF  }
0xaf: {  	p0 =	sne.s32 s0, $0x0;
	s0 =	rddreg [dreg:$0x4]  }
0xb0: {  	s0 =	sadd.s32 @!p0 $0x100000, s0  }
0xb1: {  	[sflag:s0] =	ssyncadd.tile.s32 @!p0 $0x1;
	_ =	shalt  }
.Lfunc_end2:
_tile_overlayer_lowered:
.L_overlay_start_2:
0xb2: {  	(tag) =	ssettag $0x2  }
0xb3: {  	s0 =	rddreg [dreg:$0x0];
	s2 =	stileid.u32  }
0xb4: {  	s1 =	rddreg [dreg:$0x1];
	p0 =	sne.s32 s2, $0x0  }
0xb5: {  	s3 =	rddreg [dreg:$0x2];
	[bflag:$0x3] =	sbarrier.arrive $0xFFFF;
	s2 =	simm.s32 @!p0 $0x1C03  }
0xb6: {  	[timem:s3], [sflag:s2] =	dma.local @!p0 [hbm:s0], s1  }
0xb7: {  	s0 =	simm.s32 @!p0 $0x3  }
0xb8: {  	_ =	swait.ge @!p0 [sflag:s0], s1  }
0xb9: {  	s1 =	ssub.s32 @!p0 $0x0, s1;
	[sflag:s0] =	ssyncset.done @!p0 $0x0  }
0xba: {  	[sflag:s0] =	ssyncadd.s32 @!p0 s1  }
0xbb: {  	[bflag:$0x3] =	sbarrier.arrive $0xFFFF  }
0xbc: {  	_ =	shalt  }

</sc_bundles>
